<compile_context>
chip_gen: v7x
topology: tpu7x:2x2x1
jax: 0.10.2.dev20260603
libtpu: 0.0.44.dev20260713+nightly
codegen_flags: <defaults>
</compile_context>

<pallas_src>
import functools

import jax
import jax.numpy as jnp
from jax import lax
from jax.experimental import pallas as pl
from jax.experimental.pallas import tpu as pltpu
from jax.experimental.pallas import tpu_sc as plsc

N = 10000
E = 320000
R = 3
H = 128
HH = H // 2

NC = 2
NS = 16
NR = N * R

CA = 64
GCA = 5008
EPAD = GCA * CA
KA = GCA // NS
CD = 128
GCD = E // CD
KD = -(-GCD // (NC * NS))
NRP = 30336
NP = NRP // R
ROWS_T = NRP // NS

_mesh = plsc.VectorSubcoreMesh(core_axis_name="c", subcore_axis_name="s")
_sc_params = pltpu.CompilerParams(use_tc_tiling_on_sc=False)


def _deg_body(seg2_hbm, ones_hbm, z_hbm, out_hbm,
              accum, didx0, didx1, ones_v, si0, si1):
    c = lax.axis_index("c")
    s = lax.axis_index("s")
    w = c * NS + s
    didx = (didx0, didx1)
    si = (si0, si1)
    pltpu.sync_copy(z_hbm, accum.at[pl.ds(s * ROWS_T, ROWS_T)])
    pltpu.sync_copy(ones_hbm, ones_v)

    def g_of(k):
        return k * (NC * NS) + w

    def issue_idx(k, b):
        @pl.when(g_of(k) < GCD)
        def _():
            pltpu.async_copy(seg2_hbm.at[pl.ds(g_of(k) * CD, CD)],
                             didx[b], si[b])

    issue_idx(0, 0)
    issue_idx(1, 1)
    plsc.subcore_barrier()

    @pl.loop(0, KD)
    def _(k):
        @pl.when(g_of(k) < GCD)
        def _():
            def scat(bb):
                pltpu.make_async_copy(
                    seg2_hbm.at[pl.ds(g_of(k) * CD, CD)], didx[bb],
                    si[bb]).wait()
                pltpu.sync_copy(ones_v, accum.at[didx[bb]], add=True)

            @pl.when(lax.rem(k, 2) == 0)
            def _():
                scat(0)
                issue_idx(k + 2, 0)

            @pl.when(lax.rem(k, 2) == 1)
            def _():
                scat(1)
                issue_idx(k + 2, 1)

    plsc.subcore_barrier()
    sl = pl.ds(s * ROWS_T, ROWS_T)
    pltpu.sync_copy(accum.at[sl], out_hbm.at[c].at[sl])


def _deg_pass(seg2, ones_hbm, z_hbm):
    k = pl.kernel(
        _deg_body,
        out_type=jax.ShapeDtypeStruct((NC, NRP, 16), jnp.float32),
        mesh=_mesh,
        compiler_params=_sc_params,
        scratch_types=[
            pltpu.VMEM_SHARED((NRP, 16), jnp.float32),
            pltpu.VMEM((CD,), jnp.int32),
            pltpu.VMEM((CD,), jnp.int32),
            pltpu.VMEM((CD, 16), jnp.float32),
            pltpu.SemaphoreType.DMA,
            pltpu.SemaphoreType.DMA,
        ],
    )
    return k(seg2, ones_hbm, z_hbm)


def _agg_body(hs2_hbm, comb_hbm, z_hbm, out_hbm, accum,
              rows0, rows1, idx0, idx1, idx2,
              sg0, sg1, ss0, ss1, si0, si1, si2):
    c = lax.axis_index("c")
    s = lax.axis_index("s")
    rows = (rows0, rows1)
    idx = (idx0, idx1, idx2)
    sg = (sg0, sg1)
    ss = (ss0, ss1)
    si = (si0, si1, si2)
    tab = hs2_hbm.at[pl.ds(c, 2 * N - 1)]

    def src_of(k):
        return comb_hbm.at[k * NS + s]

    def issue_idx(k, i):
        pltpu.async_copy(src_of(k), idx[i], si[i])

    def wait_idx(k, i):
        pltpu.make_async_copy(src_of(k), idx[i], si[i]).wait()

    def issue_gather(k, i, b):
        pltpu.async_copy(tab.at[idx[i].at[0]], rows[b], sg[b])

    def wait_gather(k, i, b):
        pltpu.make_async_copy(tab.at[idx[i].at[0]], rows[b], sg[b]).wait()

    def issue_scatter(k, i, b):
        pltpu.async_copy(rows[b], accum.at[idx[i].at[1]], ss[b], add=True)

    def wait_scatter(k, i, b):
        pltpu.make_async_copy(rows[b], accum.at[idx[i].at[1]], ss[b]).wait()

    zcopy = pltpu.make_async_copy(z_hbm, accum.at[pl.ds(s * ROWS_T, ROWS_T)],
                                  si[2])
    zcopy.start()
    issue_idx(0, 0)
    issue_idx(1, 1)
    wait_idx(0, 0)
    issue_gather(0, 0, 0)
    zcopy.wait()
    plsc.subcore_barrier()

    @pl.loop(0, KA)
    def _(k):
        def step(i, b):
            ii = (i + 1) % 3
            io = (i + 2) % 3
            q = 1 - b
            wait_gather(k, i, b)
            issue_scatter(k, i, b)

            @pl.when(k + 1 < KA)
            def _():
                wait_idx(k + 1, ii)

            @pl.when(k >= 1)
            def _():
                wait_scatter(k - 1, io, q)

            @pl.when(k + 1 < KA)
            def _():
                issue_gather(k + 1, ii, q)

            @pl.when(k + 2 < KA)
            def _():
                issue_idx(k + 2, io)

        for i in range(3):
            @pl.when(lax.rem(k, 3) == i)
            def _(i=i):
                for b in range(2):
                    @pl.when(lax.rem(k, 2) == b)
                    def _(i=i, b=b):
                        step(i, b)

    wait_scatter(KA - 1, (KA - 1) % 3, (KA - 1) % 2)
    plsc.subcore_barrier()
    sl = pl.ds(s * ROWS_T, ROWS_T)
    pltpu.sync_copy(accum.at[sl], out_hbm.at[c].at[sl])


def _agg_pass(hs2, comb, z_hbm):
    k = pl.kernel(
        _agg_body,
        out_type=jax.ShapeDtypeStruct((NC, NRP, HH), jnp.float32),
        mesh=_mesh,
        compiler_params=_sc_params,
        scratch_types=[
            pltpu.VMEM_SHARED((NRP, HH), jnp.float32),
            pltpu.VMEM((CA, HH), jnp.float32),
            pltpu.VMEM((CA, HH), jnp.float32),
            pltpu.VMEM((2, CA), jnp.int32),
            pltpu.VMEM((2, CA), jnp.int32),
            pltpu.VMEM((2, CA), jnp.int32),
            pltpu.SemaphoreType.DMA,
            pltpu.SemaphoreType.DMA,
            pltpu.SemaphoreType.DMA,
            pltpu.SemaphoreType.DMA,
            pltpu.SemaphoreType.DMA,
            pltpu.SemaphoreType.DMA,
            pltpu.SemaphoreType.DMA,
        ],
    )
    return k(hs2, comb, z_hbm)


BN = 2000


def _inv_from_deg(degT_ref, K_ref):
    d = degT_ref[0] + degT_ref[1]
    cols = jnp.concatenate([d[0][:, 0:1], d[1][:, 0:1], d[2][:, 0:1]], axis=1)
    inv3 = 1.0 / jnp.maximum(cols, 1.0)
    return jnp.dot(inv3, K_ref[...], preferred_element_type=jnp.float32)


def _mm(a_ref, iv, V_ref, b_ref, relu):
    acc = jnp.dot(a_ref[0] * iv, V_ref[0], preferred_element_type=jnp.float32)
    acc = acc + jnp.dot(a_ref[1] * iv, V_ref[1],
                        preferred_element_type=jnp.float32)
    acc = acc + b_ref[...]
    if relu:
        acc = jnp.maximum(acc, 0.0)
    return acc


def _layer0_body(degT_ref, a_ref, K_ref, V_ref, b_ref, h_ref, inv_ref):
    iv = _inv_from_deg(degT_ref, K_ref)
    inv_ref[...] = iv
    h_ref[...] = _mm(a_ref, iv, V_ref, b_ref, True)


def _layer0_pass(degT, aggT, K, V, b):
    return pl.pallas_call(
        _layer0_body,
        grid=(N // BN,),
        in_specs=[
            pl.BlockSpec((NC, R, BN, 16), lambda i: (0, 0, i, 0)),
            pl.BlockSpec((NC, BN, R * HH), lambda i: (0, i, 0)),
            pl.BlockSpec((R, R * HH), lambda i: (0, 0)),
            pl.BlockSpec((NC, R * HH, H), lambda i: (0, 0, 0)),
            pl.BlockSpec((1, H), lambda i: (0, 0)),
        ],
        out_specs=[
            pl.BlockSpec((BN, H), lambda i: (i, 0)),
            pl.BlockSpec((BN, R * HH), lambda i: (i, 0)),
        ],
        out_shape=[
            jax.ShapeDtypeStruct((N, H), jnp.float32),
            jax.ShapeDtypeStruct((N, R * HH), jnp.float32),
        ],
    )(degT, aggT, K, V, b)


def _layer_body(relu, a_ref, iv_ref, V_ref, b_ref, h_ref):
    h_ref[...] = _mm(a_ref, iv_ref[...], V_ref, b_ref, relu)


def _layer_pass(aggT, inv_exp, V, b, relu):
    return pl.pallas_call(
        functools.partial(_layer_body, relu),
        grid=(N // BN,),
        in_specs=[
            pl.BlockSpec((NC, BN, R * HH), lambda i: (0, i, 0)),
            pl.BlockSpec((BN, R * HH), lambda i: (i, 0)),
            pl.BlockSpec((NC, R * HH, H), lambda i: (0, 0, 0)),
            pl.BlockSpec((1, H), lambda i: (0, 0)),
        ],
        out_specs=pl.BlockSpec((BN, H), lambda i: (i, 0)),
        out_shape=jax.ShapeDtypeStruct((N, H), jnp.float32),
    )(aggT, inv_exp, V, b)


def kernel(x, edge_index, edge_type, W1, W2, b0, b1, b2):
    src = edge_index[0]
    dst = edge_index[1]
    et = edge_type
    seg = dst * R + et
    seg2 = et * NP + dst
    pad = EPAD - E
    srcp = jnp.concatenate([2 * src, jnp.zeros((pad,), jnp.int32)])
    segp = jnp.concatenate([seg, jnp.full((pad,), NR, jnp.int32)])
    comb = jnp.stack([srcp.reshape(GCA, CA),
                      segp.reshape(GCA, CA)], axis=1)

    ones16 = jnp.ones((CD, 16), jnp.float32)
    z16 = jnp.zeros((ROWS_T, 16), jnp.float32)
    z64 = jnp.zeros((ROWS_T, HH), jnp.float32)
    K = jnp.repeat(jnp.eye(R, dtype=jnp.float32), HH, axis=1)

    S0 = jnp.tile(jnp.concatenate(
        [jnp.eye(HH, dtype=jnp.float32),
         jnp.zeros((HH, HH), jnp.float32)], axis=1), (R, 1))
    S1 = jnp.tile(jnp.concatenate(
        [jnp.zeros((HH, HH), jnp.float32),
         jnp.eye(HH, dtype=jnp.float32)], axis=1), (R, 1))
    V0 = jnp.stack([S0, S1])
    V1 = jnp.stack([W1[:, :HH, :].reshape(R * HH, H),
                    W1[:, HH:, :].reshape(R * HH, H)])
    V2 = jnp.stack([W2[:, :HH, :].reshape(R * HH, H),
                    W2[:, HH:, :].reshape(R * HH, H)])

    degT = _deg_pass(seg2, ones16, z16)
    agg0 = _agg_pass(x.reshape(NC * N, HH), comb, z64)
    h1, inv_exp = _layer0_pass(degT.reshape(NC, R, NP, 16),
                               agg0.reshape(NC, NP, R * HH),
                               K, V0, b0.reshape(1, H))
    agg1 = _agg_pass(h1.reshape(NC * N, HH), comb, z64)
    h2 = _layer_pass(agg1.reshape(NC, NP, R * HH), inv_exp,
                     V1, b1.reshape(1, H), True)
    agg2 = _agg_pass(h2.reshape(NC * N, HH), comb, z64)
    return _layer_pass(agg2.reshape(NC, NP, R * HH), inv_exp,
                       V2, b2.reshape(1, H), False)

# --- scband reference (transcript-rebuilt; emitter-appended) ---
"""Pipeline reference for scband-rgcn-12927851561211 (READ-ONLY COPY).

The authoritative reference and input builder live on the scoring server;
editing this copy changes nothing except your own understanding.
"""

import jax, jax.numpy as jnp
import numpy as np

N = 10000   # nodes
E = 320000  # edges
R = 3       # relation types
H = 128     # h_dim
OUT = 128   # out_dim


def setup_inputs(seed: int = 0) -> dict:
    key = jax.random.key(seed)
    ks = jax.random.split(key, 8)
    x = jax.random.normal(ks[0], (N, H), dtype=jnp.float32)
    edge_index = jax.random.randint(ks[1], (2, E), 0, N, dtype=jnp.int32)
    edge_type = jnp.sort(jax.random.randint(ks[2], (E,), 0, R, dtype=jnp.int32))
    # layer 0 has weight=False (no per-relation weight); layers 1 and 2 have
    # per-relation weights (num_bases == len(rel_names) -> no basis decomposition)
    W1 = jax.random.normal(ks[3], (R, H, H), dtype=jnp.float32) * 0.05
    W2 = jax.random.normal(ks[4], (R, H, OUT), dtype=jnp.float32) * 0.05
    b0 = jnp.zeros((H,), dtype=jnp.float32)
    b1 = jnp.zeros((H,), dtype=jnp.float32)
    b2 = jnp.zeros((OUT,), dtype=jnp.float32)
    return {"x": x, "edge_index": edge_index, "edge_type": edge_type,
            "W1": W1, "W2": W2, "b0": b0, "b1": b1, "b2": b2}


def _prop(h, src, dst, etype):
    # GraphConv(norm='right') per relation: mean of incoming messages per dst,
    # computed for all relations at once via combined segment id dst*R + etype.
    seg = dst * R + etype
    agg = jax.ops.segment_sum(h[src], seg, num_segments=N * R)
    deg = jax.ops.segment_sum(jnp.ones((src.shape[0],), dtype=h.dtype), seg,
                              num_segments=N * R)
    agg = agg / jnp.clip(deg, 1.0, None)[:, None]
    return agg.reshape(N, R, h.shape[-1])


def reference(x, edge_index, edge_type, W1, W2, b0, b1, b2):
    src = edge_index[0]
    dst = edge_index[1]
    # layer 0: weight=False -> sum over relations of per-relation mean, +bias, relu
    h = jax.nn.relu(_prop(x, src, dst, edge_type).sum(axis=1) + b0)
    # layer 1: per-relation weight, HeteroGraphConv aggregate='sum', +bias, relu
    h = jax.nn.relu(jnp.einsum('nrh,rho->no', _prop(h, src, dst, edge_type), W1) + b1)
    # layer 2: per-relation weight, +bias, no activation
    h = jnp.einsum('nrh,rho->no', _prop(h, src, dst, edge_type), W2) + b2
    return h

if __name__ == "__main__":
    import jax
    _d = setup_inputs()
    print(jax.jit(kernel)(*tuple(_d.values())))

</pallas_src>

<mosaic_0001>
#map = affine_map<(d0, d1) -> (0, 0)>
#map1 = affine_map<(d0, d1) -> (0, 0, 0)>
module attributes {stable_mosaic.version = 14 : i64} {
  func.func @_agg_body(%arg0: i32, %arg1: i32, %arg2: memref<20000x64xf32, #tpu.memory_space<hbm>>, %arg3: memref<5008x2x64xi32, #tpu.memory_space<hbm>>, %arg4: memref<1896x64xf32, #tpu.memory_space<hbm>>, %arg5: memref<2x30336x64xf32, #tpu.memory_space<hbm>>, %arg6: memref<30336x64xf32, #tpu.memory_space<vmem_shared>>, %arg7: memref<64x64xf32, #tpu.memory_space<vmem>>, %arg8: memref<64x64xf32, #tpu.memory_space<vmem>>, %arg9: memref<2x64xi32, #tpu.memory_space<vmem>>, %arg10: memref<2x64xi32, #tpu.memory_space<vmem>>, %arg11: memref<2x64xi32, #tpu.memory_space<vmem>>, %arg12: memref<!tpu.dma_semaphore, #tpu.memory_space<semaphore_mem>>, %arg13: memref<!tpu.dma_semaphore, #tpu.memory_space<semaphore_mem>>, %arg14: memref<!tpu.dma_semaphore, #tpu.memory_space<semaphore_mem>>, %arg15: memref<!tpu.dma_semaphore, #tpu.memory_space<semaphore_mem>>, %arg16: memref<!tpu.dma_semaphore, #tpu.memory_space<semaphore_mem>>, %arg17: memref<!tpu.dma_semaphore, #tpu.memory_space<semaphore_mem>>, %arg18: memref<!tpu.dma_semaphore, #tpu.memory_space<semaphore_mem>>) attributes {dimension_semantics = [#tpu.dimension_semantics<core_parallel>, #tpu.dimension_semantics<subcore_parallel>], iteration_bounds = array<i64: 2, 16>, scalar_prefetch = 0 : i64, scratch_operands = 13 : i64, tpu.core_type = #tpu.core_type<sc_vector_subcore>, window_params = [{transform_indices = #map}, {transform_indices = #map1}, {transform_indices = #map}, {transform_indices = #map1}]} {
    %mul3A = arith.constant 1896 : i32
    %mul3A_0 = arith.muli %arg1, %mul3A : i32
    %dma_start3A = arith.constant 0 : i32
    %dma_start3A_1 = tpu.memref_slice %arg6[%mul3A_0, %dma_start3A] : memref<30336x64xf32, #tpu.memory_space<vmem_shared>> -> memref<1896x64xf32, #tpu.memory_space<vmem_shared>>
    tpu.enqueue_dma source(%arg4 : memref<1896x64xf32, #tpu.memory_space<hbm>>) target(%dma_start3A_1 : memref<1896x64xf32, #tpu.memory_space<vmem_shared>>) target_semaphore(%arg18 : memref<!tpu.dma_semaphore, #tpu.memory_space<semaphore_mem>>)
    %add3A = arith.constant 0 : i32
    %add3A_2 = arith.addi %add3A, %arg1 : i32
    %dma_start3A_3 = arith.constant 0 : i32
    %dma_start3A_4 = arith.constant 0 : i32
    %dma_start3A_5 = tpu.memref_slice %arg3[%add3A_2, %dma_start3A_3, %dma_start3A_4] : memref<5008x2x64xi32, #tpu.memory_space<hbm>> -> memref<1x2x64xi32, #tpu.memory_space<hbm>>
    %dma_start3A_6 = tpu.memref_squeeze %dma_start3A_5 : memref<1x2x64xi32, #tpu.memory_space<hbm>> -> memref<2x64xi32, #tpu.memory_space<hbm>>
    %dma_start3A_7 = arith.constant 0 : i32
    %dma_start3A_8 = arith.constant 0 : i32
    %dma_start3A_9 = tpu.memref_slice %arg3[%add3A_2, %dma_start3A_7, %dma_start3A_8] : memref<5008x2x64xi32, #tpu.memory_space<hbm>> -> memref<1x2x64xi32, #tpu.memory_space<hbm>>
    %dma_start3A_10 = tpu.memref_squeeze %dma_start3A_9 : memref<1x2x64xi32, #tpu.memory_space<hbm>> -> memref<2x64xi32, #tpu.memory_space<hbm>>
    tpu.enqueue_dma source(%dma_start3A_10 : memref<2x64xi32, #tpu.memory_space<hbm>>) target(%arg9 : memref<2x64xi32, #tpu.memory_space<vmem>>) target_semaphore(%arg16 : memref<!tpu.dma_semaphore, #tpu.memory_space<semaphore_mem>>)
    %add3A_11 = arith.constant 16 : i32
    %add3A_12 = arith.addi %add3A_11, %arg1 : i32
    %dma_start3A_13 = arith.constant 0 : i32
    %dma_start3A_14 = arith.constant 0 : i32
    %dma_start3A_15 = tpu.memref_slice %arg3[%add3A_12, %dma_start3A_13, %dma_start3A_14] : memref<5008x2x64xi32, #tpu.memory_space<hbm>> -> memref<1x2x64xi32, #tpu.memory_space<hbm>>
    %dma_start3A_16 = tpu.memref_squeeze %dma_start3A_15 : memref<1x2x64xi32, #tpu.memory_space<hbm>> -> memref<2x64xi32, #tpu.memory_space<hbm>>
    %dma_start3A_17 = arith.constant 0 : i32
    %dma_start3A_18 = arith.constant 0 : i32
    %dma_start3A_19 = tpu.memref_slice %arg3[%add3A_12, %dma_start3A_17, %dma_start3A_18] : memref<5008x2x64xi32, #tpu.memory_space<hbm>> -> memref<1x2x64xi32, #tpu.memory_space<hbm>>
    %dma_start3A_20 = tpu.memref_squeeze %dma_start3A_19 : memref<1x2x64xi32, #tpu.memory_space<hbm>> -> memref<2x64xi32, #tpu.memory_space<hbm>>
    tpu.enqueue_dma source(%dma_start3A_20 : memref<2x64xi32, #tpu.memory_space<hbm>>) target(%arg10 : memref<2x64xi32, #tpu.memory_space<vmem>>) target_semaphore(%arg17 : memref<!tpu.dma_semaphore, #tpu.memory_space<semaphore_mem>>)
    %add3A_21 = arith.constant 0 : i32
    %add3A_22 = arith.addi %add3A_21, %arg1 : i32
    %dma_wait3A = arith.constant 0 : i32
    %dma_wait3A_23 = arith.constant 0 : i32
    %dma_wait3A_24 = tpu.memref_slice %arg3[%add3A_22, %dma_wait3A, %dma_wait3A_23] : memref<5008x2x64xi32, #tpu.memory_space<hbm>> -> memref<1x2x64xi32, #tpu.memory_space<hbm>>
    %dma_wait3A_25 = tpu.memref_squeeze %dma_wait3A_24 : memref<1x2x64xi32, #tpu.memory_space<hbm>> -> memref<2x64xi32, #tpu.memory_space<hbm>>
    %dma_wait3A_26 = arith.constant 0 : i32
    %dma_wait3A_27 = arith.constant 0 : i32
    %dma_wait3A_28 = tpu.memref_slice %arg3[%add3A_22, %dma_wait3A_26, %dma_wait3A_27] : memref<5008x2x64xi32, #tpu.memory_space<hbm>> -> memref<1x2x64xi32, #tpu.memory_space<hbm>>
    %dma_wait3A_29 = tpu.memref_squeeze %dma_wait3A_28 : memref<1x2x64xi32, #tpu.memory_space<hbm>> -> memref<2x64xi32, #tpu.memory_space<hbm>>
    tpu.wait_dma2 semaphore(%arg16 : memref<!tpu.dma_semaphore, #tpu.memory_space<semaphore_mem>>) src(%dma_wait3A_29 : memref<2x64xi32, #tpu.memory_space<hbm>>) dst(%arg9 : memref<2x64xi32, #tpu.memory_space<vmem>>)
    %dma_start3A_30 = arith.constant 0 : i32
    %dma_start3A_31 = arith.constant 0 : i32
    %dma_start3A_32 = tpu.memref_slice %arg9[%dma_start3A_30, %dma_start3A_31] : memref<2x64xi32, #tpu.memory_space<vmem>> -> memref<1x64xi32, #tpu.memory_space<vmem>>
    %dma_start3A_33 = tpu.memref_squeeze %dma_start3A_32 : memref<1x64xi32, #tpu.memory_space<vmem>> -> memref<64xi32, #tpu.memory_space<vmem>>
    %dma_start3A_34 = arith.constant 0 : i32
    %dma_start3A_35 = tpu.memref_slice %arg2[%arg0, %dma_start3A_34] : memref<20000x64xf32, #tpu.memory_space<hbm>> -> memref<19999x64xf32, #tpu.memory_space<hbm>>
    %dma_start3A_36 = arith.constant 0 : i32
    %dma_start3A_37 = arith.constant 0 : i32
    %dma_start3A_38 = tpu.memref_slice %dma_start3A_35[%dma_start3A_36, %dma_start3A_37] : memref<19999x64xf32, #tpu.memory_space<hbm>> -> memref<19999x64xf32, #tpu.memory_space<hbm>>
    tpu.enqueue_indirect_dma source(%dma_start3A_38 : memref<19999x64xf32, #tpu.memory_space<hbm>>) target(%arg7 : memref<64x64xf32, #tpu.memory_space<vmem>>) offsets(%dma_start3A_33 : memref<64xi32, #tpu.memory_space<vmem>>) semaphore(%arg12 : memref<!tpu.dma_semaphore, #tpu.memory_space<semaphore_mem>>)
    %dma_wait3A_39 = arith.constant 0 : i32
    %dma_wait3A_40 = tpu.memref_slice %arg6[%mul3A_0, %dma_wait3A_39] : memref<30336x64xf32, #tpu.memory_space<vmem_shared>> -> memref<1896x64xf32, #tpu.memory_space<vmem_shared>>
    tpu.wait_dma2 semaphore(%arg18 : memref<!tpu.dma_semaphore, #tpu.memory_space<semaphore_mem>>) src(%arg4 : memref<1896x64xf32, #tpu.memory_space<hbm>>) dst(%dma_wait3A_40 : memref<1896x64xf32, #tpu.memory_space<vmem_shared>>)
    %barrier3A = arith.constant 0 : index
    tpu.barrier barrier_id(%barrier3A)
    %scan3A = arith.constant 0 : i32
    %scan3A_41 = arith.constant 313 : i32
    %scan3A_42 = arith.addi %scan3A, %scan3A_41 : i32
    %scan3A_43 = arith.constant 1 : i32
    scf.for %scan3A_55 = %scan3A to %scan3A_42 step %scan3A_43  : i32 {
      %mul3A_56 = arith.constant 1 : i32
      %mul3A_57 = arith.muli %scan3A_55, %mul3A_56 : i32
      %add3A_58 = arith.constant 0 : i32
      %add3A_59 = arith.addi %add3A_58, %mul3A_57 : i32
      %rem3A = arith.constant 3 : i32
      %rem3A_60 = arith.remsi %add3A_59, %rem3A : i32
      %eq3A = arith.constant 0 : i32
      %eq3A_61 = arith.cmpi eq, %rem3A_60, %eq3A : i32
      %convert_element_type3A = arith.extui %eq3A_61 : i1 to i32
      %cond3A = arith.constant 0 : i32
      %cond3A_62 = arith.cmpi ne, %convert_element_type3A, %cond3A : i32
      scf.if %cond3A_62 {
        %rem3A_77 = arith.constant 2 : i32
        %rem3A_78 = arith.remsi %add3A_59, %rem3A_77 : i32
        %eq3A_79 = arith.constant 0 : i32
        %eq3A_80 = arith.cmpi eq, %rem3A_78, %eq3A_79 : i32
        %convert_element_type3A_81 = arith.extui %eq3A_80 : i1 to i32
        %cond3A_82 = arith.constant 0 : i32
        %cond3A_83 = arith.cmpi ne, %convert_element_type3A_81, %cond3A_82 : i32
        scf.if %cond3A_83 {
          %dma_wait3A_91 = arith.constant 0 : i32
          %dma_wait3A_92 = arith.constant 0 : i32
          %dma_wait3A_93 = tpu.memref_slice %arg9[%dma_wait3A_91, %dma_wait3A_92] : memref<2x64xi32, #tpu.memory_space<vmem>> -> memref<1x64xi32, #tpu.memory_space<vmem>>
          %dma_wait3A_94 = tpu.memref_squeeze %dma_wait3A_93 : memref<1x64xi32, #tpu.memory_space<vmem>> -> memref<64xi32, #tpu.memory_space<vmem>>
          %dma_wait3A_95 = arith.constant 0 : i32
          %dma_wait3A_96 = tpu.memref_slice %arg2[%arg0, %dma_wait3A_95] : memref<20000x64xf32, #tpu.memory_space<hbm>> -> memref<19999x64xf32, #tpu.memory_space<hbm>>
          %dma_wait3A_97 = arith.constant 0 : i32
          %dma_wait3A_98 = arith.constant 0 : i32
          %dma_wait3A_99 = tpu.memref_slice %dma_wait3A_96[%dma_wait3A_97, %dma_wait3A_98] : memref<19999x64xf32, #tpu.memory_space<hbm>> -> memref<19999x64xf32, #tpu.memory_space<hbm>>
          tpu.wait_indirect_dma semaphore(%arg12 : memref<!tpu.dma_semaphore, #tpu.memory_space<semaphore_mem>>) src(%dma_wait3A_99 : memref<19999x64xf32, #tpu.memory_space<hbm>>) dst(%arg7 : memref<64x64xf32, #tpu.memory_space<vmem>>)
          %dma_start3A_100 = arith.constant 1 : i32
          %dma_start3A_101 = arith.constant 0 : i32
          %dma_start3A_102 = tpu.memref_slice %arg9[%dma_start3A_100, %dma_start3A_101] : memref<2x64xi32, #tpu.memory_space<vmem>> -> memref<1x64xi32, #tpu.memory_space<vmem>>
          %dma_start3A_103 = tpu.memref_squeeze %dma_start3A_102 : memref<1x64xi32, #tpu.memory_space<vmem>> -> memref<64xi32, #tpu.memory_space<vmem>>
          %dma_start3A_104 = arith.constant 0 : i32
          %dma_start3A_105 = arith.constant 0 : i32
          %dma_start3A_106 = tpu.memref_slice %arg6[%dma_start3A_104, %dma_start3A_105] : memref<30336x64xf32, #tpu.memory_space<vmem_shared>> -> memref<30336x64xf32, #tpu.memory_space<vmem_shared>>
          tpu.enqueue_indirect_dma source(%arg7 : memref<64x64xf32, #tpu.memory_space<vmem>>) target(%dma_start3A_106 : memref<30336x64xf32, #tpu.memory_space<vmem_shared>>) offsets(%dma_start3A_103 : memref<64xi32, #tpu.memory_space<vmem>>) semaphore(%arg14 : memref<!tpu.dma_semaphore, #tpu.memory_space<semaphore_mem>>) {add = true}
          %add3A_107 = arith.constant 1 : i32
          %add3A_108 = arith.addi %add3A_59, %add3A_107 : i32
          %lt3A = arith.constant 313 : i32
          %lt3A_109 = arith.cmpi slt, %add3A_108, %lt3A : i32
          %convert_element_type3A_110 = arith.extui %lt3A_109 : i1 to i32
          %cond3A_111 = arith.constant 0 : i32
          %cond3A_112 = arith.cmpi ne, %convert_element_type3A_110, %cond3A_111 : i32
          scf.if %cond3A_112 {
            %add3A_131 = arith.constant 1 : i32
            %add3A_132 = arith.addi %add3A_59, %add3A_131 : i32
            %mul3A_133 = arith.constant 16 : i32
            %mul3A_134 = arith.muli %add3A_132, %mul3A_133 : i32
            %add3A_135 = arith.addi %mul3A_134, %arg1 : i32
            %dma_wait3A_136 = arith.constant 0 : i32
            %dma_wait3A_137 = arith.constant 0 : i32
            %dma_wait3A_138 = tpu.memref_slice %arg3[%add3A_135, %dma_wait3A_136, %dma_wait3A_137] : memref<5008x2x64xi32, #tpu.memory_space<hbm>> -> memref<1x2x64xi32, #tpu.memory_space<hbm>>
            %dma_wait3A_139 = tpu.memref_squeeze %dma_wait3A_138 : memref<1x2x64xi32, #tpu.memory_space<hbm>> -> memref<2x64xi32, #tpu.memory_space<hbm>>
            %dma_wait3A_140 = arith.constant 0 : i32
            %dma_wait3A_141 = arith.constant 0 : i32
            %dma_wait3A_142 = tpu.memref_slice %arg3[%add3A_135, %dma_wait3A_140, %dma_wait3A_141] : memref<5008x2x64xi32, #tpu.memory_space<hbm>> -> memref<1x2x64xi32, #tpu.memory_space<hbm>>
            %dma_wait3A_143 = tpu.memref_squeeze %dma_wait3A_142 : memref<1x2x64xi32, #tpu.memory_space<hbm>> -> memref<2x64xi32, #tpu.memory_space<hbm>>
            tpu.wait_dma2 semaphore(%arg17 : memref<!tpu.dma_semaphore, #tpu.memory_space<semaphore_mem>>) src(%dma_wait3A_143 : memref<2x64xi32, #tpu.memory_space<hbm>>) dst(%arg10 : memref<2x64xi32, #tpu.memory_space<vmem>>)
          } else {
          }
          %ge3A = arith.constant 1 : i32
          %ge3A_113 = arith.cmpi sge, %add3A_59, %ge3A : i32
          %convert_element_type3A_114 = arith.extui %ge3A_113 : i1 to i32
          %cond3A_115 = arith.constant 0 : i32
          %cond3A_116 = arith.cmpi ne, %convert_element_type3A_114, %cond3A_115 : i32
          scf.if %cond3A_116 {
            %sub3A = arith.constant 1 : i32
            %sub3A_131 = arith.subi %add3A_59, %sub3A : i32
            %dma_wait3A_132 = arith.constant 1 : i32
            %dma_wait3A_133 = arith.constant 0 : i32
            %dma_wait3A_134 = tpu.memref_slice %arg11[%dma_wait3A_132, %dma_wait3A_133] : memref<2x64xi32, #tpu.memory_space<vmem>> -> memref<1x64xi32, #tpu.memory_space<vmem>>
            %dma_wait3A_135 = tpu.memref_squeeze %dma_wait3A_134 : memref<1x64xi32, #tpu.memory_space<vmem>> -> memref<64xi32, #tpu.memory_space<vmem>>
            %dma_wait3A_136 = arith.constant 0 : i32
            %dma_wait3A_137 = arith.constant 0 : i32
            %dma_wait3A_138 = tpu.memref_slice %arg6[%dma_wait3A_136, %dma_wait3A_137] : memref<30336x64xf32, #tpu.memory_space<vmem_shared>> -> memref<30336x64xf32, #tpu.memory_space<vmem_shared>>
            tpu.wait_indirect_dma semaphore(%arg15 : memref<!tpu.dma_semaphore, #tpu.memory_space<semaphore_mem>>) src(%arg8 : memref<64x64xf32, #tpu.memory_space<vmem>>) dst(%dma_wait3A_138 : memref<30336x64xf32, #tpu.memory_space<vmem_shared>>)
          } else {
          }
          %add3A_117 = arith.constant 1 : i32
          %add3A_118 = arith.addi %add3A_59, %add3A_117 : i32
          %lt3A_119 = arith.constant 313 : i32
          %lt3A_120 = arith.cmpi slt, %add3A_118, %lt3A_119 : i32
          %convert_element_type3A_121 = arith.extui %lt3A_120 : i1 to i32
          %cond3A_122 = arith.constant 0 : i32
          %cond3A_123 = arith.cmpi ne, %convert_element_type3A_121, %cond3A_122 : i32
          scf.if %cond3A_123 {
            %add3A_131 = arith.constant 1 : i32
            %add3A_132 = arith.addi %add3A_59, %add3A_131 : i32
            %dma_start3A_133 = arith.constant 0 : i32
            %dma_start3A_134 = arith.constant 0 : i32
            %dma_start3A_135 = tpu.memref_slice %arg10[%dma_start3A_133, %dma_start3A_134] : memref<2x64xi32, #tpu.memory_space<vmem>> -> memref<1x64xi32, #tpu.memory_space<vmem>>
            %dma_start3A_136 = tpu.memref_squeeze %dma_start3A_135 : memref<1x64xi32, #tpu.memory_space<vmem>> -> memref<64xi32, #tpu.memory_space<vmem>>
            %dma_start3A_137 = arith.constant 0 : i32
            %dma_start3A_138 = tpu.memref_slice %arg2[%arg0, %dma_start3A_137] : memref<20000x64xf32, #tpu.memory_space<hbm>> -> memref<19999x64xf32, #tpu.memory_space<hbm>>
            %dma_start3A_139 = arith.constant 0 : i32
            %dma_start3A_140 = arith.constant 0 : i32
            %dma_start3A_141 = tpu.memref_slice %dma_start3A_138[%dma_start3A_139, %dma_start3A_140] : memref<19999x64xf32, #tpu.memory_space<hbm>> -> memref<19999x64xf32, #tpu.memory_space<hbm>>
            tpu.enqueue_indirect_dma source(%dma_start3A_141 : memref<19999x64xf32, #tpu.memory_space<hbm>>) target(%arg8 : memref<64x64xf32, #tpu.memory_space<vmem>>) offsets(%dma_start3A_136 : memref<64xi32, #tpu.memory_space<vmem>>) semaphore(%arg13 : memref<!tpu.dma_semaphore, #tpu.memory_space<semaphore_mem>>)
          } else {
          }
          %add3A_124 = arith.constant 2 : i32
          %add3A_125 = arith.addi %add3A_59, %add3A_124 : i32
          %lt3A_126 = arith.constant 313 : i32
          %lt3A_127 = arith.cmpi slt, %add3A_125, %lt3A_126 : i32
          %convert_element_type3A_128 = arith.extui %lt3A_127 : i1 to i32
          %cond3A_129 = arith.constant 0 : i32
          %cond3A_130 = arith.cmpi ne, %convert_element_type3A_128, %cond3A_129 : i32
          scf.if %cond3A_130 {
            %add3A_131 = arith.constant 2 : i32
            %add3A_132 = arith.addi %add3A_59, %add3A_131 : i32
            %mul3A_133 = arith.constant 16 : i32
            %mul3A_134 = arith.muli %add3A_132, %mul3A_133 : i32
            %add3A_135 = arith.addi %mul3A_134, %arg1 : i32
            %dma_start3A_136 = arith.constant 0 : i32
            %dma_start3A_137 = arith.constant 0 : i32
            %dma_start3A_138 = tpu.memref_slice %arg3[%add3A_135, %dma_start3A_136, %dma_start3A_137] : memref<5008x2x64xi32, #tpu.memory_space<hbm>> -> memref<1x2x64xi32, #tpu.memory_space<hbm>>
            %dma_start3A_139 = tpu.memref_squeeze %dma_start3A_138 : memref<1x2x64xi32, #tpu.memory_space<hbm>> -> memref<2x64xi32, #tpu.memory_space<hbm>>
            %dma_start3A_140 = arith.constant 0 : i32
            %dma_start3A_141 = arith.constant 0 : i32
            %dma_start3A_142 = tpu.memref_slice %arg3[%add3A_135, %dma_start3A_140, %dma_start3A_141] : memref<5008x2x64xi32, #tpu.memory_space<hbm>> -> memref<1x2x64xi32, #tpu.memory_space<hbm>>
            %dma_start3A_143 = tpu.memref_squeeze %dma_start3A_142 : memref<1x2x64xi32, #tpu.memory_space<hbm>> -> memref<2x64xi32, #tpu.memory_space<hbm>>
            tpu.enqueue_dma source(%dma_start3A_143 : memref<2x64xi32, #tpu.memory_space<hbm>>) target(%arg11 : memref<2x64xi32, #tpu.memory_space<vmem>>) target_semaphore(%arg18 : memref<!tpu.dma_semaphore, #tpu.memory_space<semaphore_mem>>)
          } else {
          }
        } else {
        }
        %rem3A_84 = arith.constant 2 : i32
        %rem3A_85 = arith.remsi %add3A_59, %rem3A_84 : i32
        %eq3A_86 = arith.constant 1 : i32
        %eq3A_87 = arith.cmpi eq, %rem3A_85, %eq3A_86 : i32
        %convert_element_type3A_88 = arith.extui %eq3A_87 : i1 to i32
        %cond3A_89 = arith.constant 0 : i32
        %cond3A_90 = arith.cmpi ne, %convert_element_type3A_88, %cond3A_89 : i32
        scf.if %cond3A_90 {
          %dma_wait3A_91 = arith.constant 0 : i32
          %dma_wait3A_92 = arith.constant 0 : i32
          %dma_wait3A_93 = tpu.memref_slice %arg9[%dma_wait3A_91, %dma_wait3A_92] : memref<2x64xi32, #tpu.memory_space<vmem>> -> memref<1x64xi32, #tpu.memory_space<vmem>>
          %dma_wait3A_94 = tpu.memref_squeeze %dma_wait3A_93 : memref<1x64xi32, #tpu.memory_space<vmem>> -> memref<64xi32, #tpu.memory_space<vmem>>
          %dma_wait3A_95 = arith.constant 0 : i32
          %dma_wait3A_96 = tpu.memref_slice %arg2[%arg0, %dma_wait3A_95] : memref<20000x64xf32, #tpu.memory_space<hbm>> -> memref<19999x64xf32, #tpu.memory_space<hbm>>
          %dma_wait3A_97 = arith.constant 0 : i32
          %dma_wait3A_98 = arith.constant 0 : i32
          %dma_wait3A_99 = tpu.memref_slice %dma_wait3A_96[%dma_wait3A_97, %dma_wait3A_98] : memref<19999x64xf32, #tpu.memory_space<hbm>> -> memref<19999x64xf32, #tpu.memory_space<hbm>>
          tpu.wait_indirect_dma semaphore(%arg13 : memref<!tpu.dma_semaphore, #tpu.memory_space<semaphore_mem>>) src(%dma_wait3A_99 : memref<19999x64xf32, #tpu.memory_space<hbm>>) dst(%arg8 : memref<64x64xf32, #tpu.memory_space<vmem>>)
          %dma_start3A_100 = arith.constant 1 : i32
          %dma_start3A_101 = arith.constant 0 : i32
          %dma_start3A_102 = tpu.memref_slice %arg9[%dma_start3A_100, %dma_start3A_101] : memref<2x64xi32, #tpu.memory_space<vmem>> -> memref<1x64xi32, #tpu.memory_space<vmem>>
          %dma_start3A_103 = tpu.memref_squeeze %dma_start3A_102 : memref<1x64xi32, #tpu.memory_space<vmem>> -> memref<64xi32, #tpu.memory_space<vmem>>
          %dma_start3A_104 = arith.constant 0 : i32
          %dma_start3A_105 = arith.constant 0 : i32
          %dma_start3A_106 = tpu.memref_slice %arg6[%dma_start3A_104, %dma_start3A_105] : memref<30336x64xf32, #tpu.memory_space<vmem_shared>> -> memref<30336x64xf32, #tpu.memory_space<vmem_shared>>
          tpu.enqueue_indirect_dma source(%arg8 : memref<64x64xf32, #tpu.memory_space<vmem>>) target(%dma_start3A_106 : memref<30336x64xf32, #tpu.memory_space<vmem_shared>>) offsets(%dma_start3A_103 : memref<64xi32, #tpu.memory_space<vmem>>) semaphore(%arg15 : memref<!tpu.dma_semaphore, #tpu.memory_space<semaphore_mem>>) {add = true}
          %add3A_107 = arith.constant 1 : i32
          %add3A_108 = arith.addi %add3A_59, %add3A_107 : i32
          %lt3A = arith.constant 313 : i32
          %lt3A_109 = arith.cmpi slt, %add3A_108, %lt3A : i32
          %convert_element_type3A_110 = arith.extui %lt3A_109 : i1 to i32
          %cond3A_111 = arith.constant 0 : i32
          %cond3A_112 = arith.cmpi ne, %convert_element_type3A_110, %cond3A_111 : i32
          scf.if %cond3A_112 {
            %add3A_131 = arith.constant 1 : i32
            %add3A_132 = arith.addi %add3A_59, %add3A_131 : i32
            %mul3A_133 = arith.constant 16 : i32
            %mul3A_134 = arith.muli %add3A_132, %mul3A_133 : i32
            %add3A_135 = arith.addi %mul3A_134, %arg1 : i32
            %dma_wait3A_136 = arith.constant 0 : i32
            %dma_wait3A_137 = arith.constant 0 : i32
            %dma_wait3A_138 = tpu.memref_slice %arg3[%add3A_135, %dma_wait3A_136, %dma_wait3A_137] : memref<5008x2x64xi32, #tpu.memory_space<hbm>> -> memref<1x2x64xi32, #tpu.memory_space<hbm>>
            %dma_wait3A_139 = tpu.memref_squeeze %dma_wait3A_138 : memref<1x2x64xi32, #tpu.memory_space<hbm>> -> memref<2x64xi32, #tpu.memory_space<hbm>>
            %dma_wait3A_140 = arith.constant 0 : i32
            %dma_wait3A_141 = arith.constant 0 : i32
            %dma_wait3A_142 = tpu.memref_slice %arg3[%add3A_135, %dma_wait3A_140, %dma_wait3A_141] : memref<5008x2x64xi32, #tpu.memory_space<hbm>> -> memref<1x2x64xi32, #tpu.memory_space<hbm>>
            %dma_wait3A_143 = tpu.memref_squeeze %dma_wait3A_142 : memref<1x2x64xi32, #tpu.memory_space<hbm>> -> memref<2x64xi32, #tpu.memory_space<hbm>>
            tpu.wait_dma2 semaphore(%arg17 : memref<!tpu.dma_semaphore, #tpu.memory_space<semaphore_mem>>) src(%dma_wait3A_143 : memref<2x64xi32, #tpu.memory_space<hbm>>) dst(%arg10 : memref<2x64xi32, #tpu.memory_space<vmem>>)
          } else {
          }
          %ge3A = arith.constant 1 : i32
          %ge3A_113 = arith.cmpi sge, %add3A_59, %ge3A : i32
          %convert_element_type3A_114 = arith.extui %ge3A_113 : i1 to i32
          %cond3A_115 = arith.constant 0 : i32
          %cond3A_116 = arith.cmpi ne, %convert_element_type3A_114, %cond3A_115 : i32
          scf.if %cond3A_116 {
            %sub3A = arith.constant 1 : i32
            %sub3A_131 = arith.subi %add3A_59, %sub3A : i32
            %dma_wait3A_132 = arith.constant 1 : i32
            %dma_wait3A_133 = arith.constant 0 : i32
            %dma_wait3A_134 = tpu.memref_slice %arg11[%dma_wait3A_132, %dma_wait3A_133] : memref<2x64xi32, #tpu.memory_space<vmem>> -> memref<1x64xi32, #tpu.memory_space<vmem>>
            %dma_wait3A_135 = tpu.memref_squeeze %dma_wait3A_134 : memref<1x64xi32, #tpu.memory_space<vmem>> -> memref<64xi32, #tpu.memory_space<vmem>>
            %dma_wait3A_136 = arith.constant 0 : i32
            %dma_wait3A_137 = arith.constant 0 : i32
            %dma_wait3A_138 = tpu.memref_slice %arg6[%dma_wait3A_136, %dma_wait3A_137] : memref<30336x64xf32, #tpu.memory_space<vmem_shared>> -> memref<30336x64xf32, #tpu.memory_space<vmem_shared>>
            tpu.wait_indirect_dma semaphore(%arg14 : memref<!tpu.dma_semaphore, #tpu.memory_space<semaphore_mem>>) src(%arg7 : memref<64x64xf32, #tpu.memory_space<vmem>>) dst(%dma_wait3A_138 : memref<30336x64xf32, #tpu.memory_space<vmem_shared>>)
          } else {
          }
          %add3A_117 = arith.constant 1 : i32
          %add3A_118 = arith.addi %add3A_59, %add3A_117 : i32
          %lt3A_119 = arith.constant 313 : i32
          %lt3A_120 = arith.cmpi slt, %add3A_118, %lt3A_119 : i32
          %convert_element_type3A_121 = arith.extui %lt3A_120 : i1 to i32
          %cond3A_122 = arith.constant 0 : i32
          %cond3A_123 = arith.cmpi ne, %convert_element_type3A_121, %cond3A_122 : i32
          scf.if %cond3A_123 {
            %add3A_131 = arith.constant 1 : i32
            %add3A_132 = arith.addi %add3A_59, %add3A_131 : i32
            %dma_start3A_133 = arith.constant 0 : i32
            %dma_start3A_134 = arith.constant 0 : i32
            %dma_start3A_135 = tpu.memref_slice %arg10[%dma_start3A_133, %dma_start3A_134] : memref<2x64xi32, #tpu.memory_space<vmem>> -> memref<1x64xi32, #tpu.memory_space<vmem>>
            %dma_start3A_136 = tpu.memref_squeeze %dma_start3A_135 : memref<1x64xi32, #tpu.memory_space<vmem>> -> memref<64xi32, #tpu.memory_space<vmem>>
            %dma_start3A_137 = arith.constant 0 : i32
            %dma_start3A_138 = tpu.memref_slice %arg2[%arg0, %dma_start3A_137] : memref<20000x64xf32, #tpu.memory_space<hbm>> -> memref<19999x64xf32, #tpu.memory_space<hbm>>
            %dma_start3A_139 = arith.constant 0 : i32
            %dma_start3A_140 = arith.constant 0 : i32
            %dma_start3A_141 = tpu.memref_slice %dma_start3A_138[%dma_start3A_139, %dma_start3A_140] : memref<19999x64xf32, #tpu.memory_space<hbm>> -> memref<19999x64xf32, #tpu.memory_space<hbm>>
            tpu.enqueue_indirect_dma source(%dma_start3A_141 : memref<19999x64xf32, #tpu.memory_space<hbm>>) target(%arg7 : memref<64x64xf32, #tpu.memory_space<vmem>>) offsets(%dma_start3A_136 : memref<64xi32, #tpu.memory_space<vmem>>) semaphore(%arg12 : memref<!tpu.dma_semaphore, #tpu.memory_space<semaphore_mem>>)
          } else {
          }
          %add3A_124 = arith.constant 2 : i32
          %add3A_125 = arith.addi %add3A_59, %add3A_124 : i32
          %lt3A_126 = arith.constant 313 : i32
          %lt3A_127 = arith.cmpi slt, %add3A_125, %lt3A_126 : i32
          %convert_element_type3A_128 = arith.extui %lt3A_127 : i1 to i32
          %cond3A_129 = arith.constant 0 : i32
          %cond3A_130 = arith.cmpi ne, %convert_element_type3A_128, %cond3A_129 : i32
          scf.if %cond3A_130 {
            %add3A_131 = arith.constant 2 : i32
            %add3A_132 = arith.addi %add3A_59, %add3A_131 : i32
            %mul3A_133 = arith.constant 16 : i32
            %mul3A_134 = arith.muli %add3A_132, %mul3A_133 : i32
            %add3A_135 = arith.addi %mul3A_134, %arg1 : i32
            %dma_start3A_136 = arith.constant 0 : i32
            %dma_start3A_137 = arith.constant 0 : i32
            %dma_start3A_138 = tpu.memref_slice %arg3[%add3A_135, %dma_start3A_136, %dma_start3A_137] : memref<5008x2x64xi32, #tpu.memory_space<hbm>> -> memref<1x2x64xi32, #tpu.memory_space<hbm>>
            %dma_start3A_139 = tpu.memref_squeeze %dma_start3A_138 : memref<1x2x64xi32, #tpu.memory_space<hbm>> -> memref<2x64xi32, #tpu.memory_space<hbm>>
            %dma_start3A_140 = arith.constant 0 : i32
            %dma_start3A_141 = arith.constant 0 : i32
            %dma_start3A_142 = tpu.memref_slice %arg3[%add3A_135, %dma_start3A_140, %dma_start3A_141] : memref<5008x2x64xi32, #tpu.memory_space<hbm>> -> memref<1x2x64xi32, #tpu.memory_space<hbm>>
            %dma_start3A_143 = tpu.memref_squeeze %dma_start3A_142 : memref<1x2x64xi32, #tpu.memory_space<hbm>> -> memref<2x64xi32, #tpu.memory_space<hbm>>
            tpu.enqueue_dma source(%dma_start3A_143 : memref<2x64xi32, #tpu.memory_space<hbm>>) target(%arg11 : memref<2x64xi32, #tpu.memory_space<vmem>>) target_semaphore(%arg18 : memref<!tpu.dma_semaphore, #tpu.memory_space<semaphore_mem>>)
          } else {
          }
        } else {
        }
      } else {
      }
      %rem3A_63 = arith.constant 3 : i32
      %rem3A_64 = arith.remsi %add3A_59, %rem3A_63 : i32
      %eq3A_65 = arith.constant 1 : i32
      %eq3A_66 = arith.cmpi eq, %rem3A_64, %eq3A_65 : i32
      %convert_element_type3A_67 = arith.extui %eq3A_66 : i1 to i32
      %cond3A_68 = arith.constant 0 : i32
      %cond3A_69 = arith.cmpi ne, %convert_element_type3A_67, %cond3A_68 : i32
      scf.if %cond3A_69 {
        %rem3A_77 = arith.constant 2 : i32
        %rem3A_78 = arith.remsi %add3A_59, %rem3A_77 : i32
        %eq3A_79 = arith.constant 0 : i32
        %eq3A_80 = arith.cmpi eq, %rem3A_78, %eq3A_79 : i32
        %convert_element_type3A_81 = arith.extui %eq3A_80 : i1 to i32
        %cond3A_82 = arith.constant 0 : i32
        %cond3A_83 = arith.cmpi ne, %convert_element_type3A_81, %cond3A_82 : i32
        scf.if %cond3A_83 {
          %dma_wait3A_91 = arith.constant 0 : i32
          %dma_wait3A_92 = arith.constant 0 : i32
          %dma_wait3A_93 = tpu.memref_slice %arg10[%dma_wait3A_91, %dma_wait3A_92] : memref<2x64xi32, #tpu.memory_space<vmem>> -> memref<1x64xi32, #tpu.memory_space<vmem>>
          %dma_wait3A_94 = tpu.memref_squeeze %dma_wait3A_93 : memref<1x64xi32, #tpu.memory_space<vmem>> -> memref<64xi32, #tpu.memory_space<vmem>>
          %dma_wait3A_95 = arith.constant 0 : i32
          %dma_wait3A_96 = tpu.memref_slice %arg2[%arg0, %dma_wait3A_95] : memref<20000x64xf32, #tpu.memory_space<hbm>> -> memref<19999x64xf32, #tpu.memory_space<hbm>>
          %dma_wait3A_97 = arith.constant 0 : i32
          %dma_wait3A_98 = arith.constant 0 : i32
          %dma_wait3A_99 = tpu.memref_slice %dma_wait3A_96[%dma_wait3A_97, %dma_wait3A_98] : memref<19999x64xf32, #tpu.memory_space<hbm>> -> memref<19999x64xf32, #tpu.memory_space<hbm>>
          tpu.wait_indirect_dma semaphore(%arg12 : memref<!tpu.dma_semaphore, #tpu.memory_space<semaphore_mem>>) src(%dma_wait3A_99 : memref<19999x64xf32, #tpu.memory_space<hbm>>) dst(%arg7 : memref<64x64xf32, #tpu.memory_space<vmem>>)
          %dma_start3A_100 = arith.constant 1 : i32
          %dma_start3A_101 = arith.constant 0 : i32
          %dma_start3A_102 = tpu.memref_slice %arg10[%dma_start3A_100, %dma_start3A_101] : memref<2x64xi32, #tpu.memory_space<vmem>> -> memref<1x64xi32, #tpu.memory_space<vmem>>
          %dma_start3A_103 = tpu.memref_squeeze %dma_start3A_102 : memref<1x64xi32, #tpu.memory_space<vmem>> -> memref<64xi32, #tpu.memory_space<vmem>>
          %dma_start3A_104 = arith.constant 0 : i32
          %dma_start3A_105 = arith.constant 0 : i32
          %dma_start3A_106 = tpu.memref_slice %arg6[%dma_start3A_104, %dma_start3A_105] : memref<30336x64xf32, #tpu.memory_space<vmem_shared>> -> memref<30336x64xf32, #tpu.memory_space<vmem_shared>>
          tpu.enqueue_indirect_dma source(%arg7 : memref<64x64xf32, #tpu.memory_space<vmem>>) target(%dma_start3A_106 : memref<30336x64xf32, #tpu.memory_space<vmem_shared>>) offsets(%dma_start3A_103 : memref<64xi32, #tpu.memory_space<vmem>>) semaphore(%arg14 : memref<!tpu.dma_semaphore, #tpu.memory_space<semaphore_mem>>) {add = true}
          %add3A_107 = arith.constant 1 : i32
          %add3A_108 = arith.addi %add3A_59, %add3A_107 : i32
          %lt3A = arith.constant 313 : i32
          %lt3A_109 = arith.cmpi slt, %add3A_108, %lt3A : i32
          %convert_element_type3A_110 = arith.extui %lt3A_109 : i1 to i32
          %cond3A_111 = arith.constant 0 : i32
          %cond3A_112 = arith.cmpi ne, %convert_element_type3A_110, %cond3A_111 : i32
          scf.if %cond3A_112 {
            %add3A_131 = arith.constant 1 : i32
            %add3A_132 = arith.addi %add3A_59, %add3A_131 : i32
            %mul3A_133 = arith.constant 16 : i32
            %mul3A_134 = arith.muli %add3A_132, %mul3A_133 : i32
            %add3A_135 = arith.addi %mul3A_134, %arg1 : i32
            %dma_wait3A_136 = arith.constant 0 : i32
            %dma_wait3A_137 = arith.constant 0 : i32
            %dma_wait3A_138 = tpu.memref_slice %arg3[%add3A_135, %dma_wait3A_136, %dma_wait3A_137] : memref<5008x2x64xi32, #tpu.memory_space<hbm>> -> memref<1x2x64xi32, #tpu.memory_space<hbm>>
            %dma_wait3A_139 = tpu.memref_squeeze %dma_wait3A_138 : memref<1x2x64xi32, #tpu.memory_space<hbm>> -> memref<2x64xi32, #tpu.memory_space<hbm>>
            %dma_wait3A_140 = arith.constant 0 : i32
            %dma_wait3A_141 = arith.constant 0 : i32
            %dma_wait3A_142 = tpu.memref_slice %arg3[%add3A_135, %dma_wait3A_140, %dma_wait3A_141] : memref<5008x2x64xi32, #tpu.memory_space<hbm>> -> memref<1x2x64xi32, #tpu.memory_space<hbm>>
            %dma_wait3A_143 = tpu.memref_squeeze %dma_wait3A_142 : memref<1x2x64xi32, #tpu.memory_space<hbm>> -> memref<2x64xi32, #tpu.memory_space<hbm>>
            tpu.wait_dma2 semaphore(%arg18 : memref<!tpu.dma_semaphore, #tpu.memory_space<semaphore_mem>>) src(%dma_wait3A_143 : memref<2x64xi32, #tpu.memory_space<hbm>>) dst(%arg11 : memref<2x64xi32, #tpu.memory_space<vmem>>)
          } else {
          }
          %ge3A = arith.constant 1 : i32
          %ge3A_113 = arith.cmpi sge, %add3A_59, %ge3A : i32
          %convert_element_type3A_114 = arith.extui %ge3A_113 : i1 to i32
          %cond3A_115 = arith.constant 0 : i32
          %cond3A_116 = arith.cmpi ne, %convert_element_type3A_114, %cond3A_115 : i32
          scf.if %cond3A_116 {
            %sub3A = arith.constant 1 : i32
            %sub3A_131 = arith.subi %add3A_59, %sub3A : i32
            %dma_wait3A_132 = arith.constant 1 : i32
            %dma_wait3A_133 = arith.constant 0 : i32
            %dma_wait3A_134 = tpu.memref_slice %arg9[%dma_wait3A_132, %dma_wait3A_133] : memref<2x64xi32, #tpu.memory_space<vmem>> -> memref<1x64xi32, #tpu.memory_space<vmem>>
            %dma_wait3A_135 = tpu.memref_squeeze %dma_wait3A_134 : memref<1x64xi32, #tpu.memory_space<vmem>> -> memref<64xi32, #tpu.memory_space<vmem>>
            %dma_wait3A_136 = arith.constant 0 : i32
            %dma_wait3A_137 = arith.constant 0 : i32
            %dma_wait3A_138 = tpu.memref_slice %arg6[%dma_wait3A_136, %dma_wait3A_137] : memref<30336x64xf32, #tpu.memory_space<vmem_shared>> -> memref<30336x64xf32, #tpu.memory_space<vmem_shared>>
            tpu.wait_indirect_dma semaphore(%arg15 : memref<!tpu.dma_semaphore, #tpu.memory_space<semaphore_mem>>) src(%arg8 : memref<64x64xf32, #tpu.memory_space<vmem>>) dst(%dma_wait3A_138 : memref<30336x64xf32, #tpu.memory_space<vmem_shared>>)
          } else {
          }
          %add3A_117 = arith.constant 1 : i32
          %add3A_118 = arith.addi %add3A_59, %add3A_117 : i32
          %lt3A_119 = arith.constant 313 : i32
          %lt3A_120 = arith.cmpi slt, %add3A_118, %lt3A_119 : i32
          %convert_element_type3A_121 = arith.extui %lt3A_120 : i1 to i32
          %cond3A_122 = arith.constant 0 : i32
          %cond3A_123 = arith.cmpi ne, %convert_element_type3A_121, %cond3A_122 : i32
          scf.if %cond3A_123 {
            %add3A_131 = arith.constant 1 : i32
            %add3A_132 = arith.addi %add3A_59, %add3A_131 : i32
            %dma_start3A_133 = arith.constant 0 : i32
            %dma_start3A_134 = arith.constant 0 : i32
            %dma_start3A_135 = tpu.memref_slice %arg11[%dma_start3A_133, %dma_start3A_134] : memref<2x64xi32, #tpu.memory_space<vmem>> -> memref<1x64xi32, #tpu.memory_space<vmem>>
            %dma_start3A_136 = tpu.memref_squeeze %dma_start3A_135 : memref<1x64xi32, #tpu.memory_space<vmem>> -> memref<64xi32, #tpu.memory_space<vmem>>
            %dma_start3A_137 = arith.constant 0 : i32
            %dma_start3A_138 = tpu.memref_slice %arg2[%arg0, %dma_start3A_137] : memref<20000x64xf32, #tpu.memory_space<hbm>> -> memref<19999x64xf32, #tpu.memory_space<hbm>>
            %dma_start3A_139 = arith.constant 0 : i32
            %dma_start3A_140 = arith.constant 0 : i32
            %dma_start3A_141 = tpu.memref_slice %dma_start3A_138[%dma_start3A_139, %dma_start3A_140] : memref<19999x64xf32, #tpu.memory_space<hbm>> -> memref<19999x64xf32, #tpu.memory_space<hbm>>
            tpu.enqueue_indirect_dma source(%dma_start3A_141 : memref<19999x64xf32, #tpu.memory_space<hbm>>) target(%arg8 : memref<64x64xf32, #tpu.memory_space<vmem>>) offsets(%dma_start3A_136 : memref<64xi32, #tpu.memory_space<vmem>>) semaphore(%arg13 : memref<!tpu.dma_semaphore, #tpu.memory_space<semaphore_mem>>)
          } else {
          }
          %add3A_124 = arith.constant 2 : i32
          %add3A_125 = arith.addi %add3A_59, %add3A_124 : i32
          %lt3A_126 = arith.constant 313 : i32
          %lt3A_127 = arith.cmpi slt, %add3A_125, %lt3A_126 : i32
          %convert_element_type3A_128 = arith.extui %lt3A_127 : i1 to i32
          %cond3A_129 = arith.constant 0 : i32
          %cond3A_130 = arith.cmpi ne, %convert_element_type3A_128, %cond3A_129 : i32
          scf.if %cond3A_130 {
            %add3A_131 = arith.constant 2 : i32
            %add3A_132 = arith.addi %add3A_59, %add3A_131 : i32
            %mul3A_133 = arith.constant 16 : i32
            %mul3A_134 = arith.muli %add3A_132, %mul3A_133 : i32
            %add3A_135 = arith.addi %mul3A_134, %arg1 : i32
            %dma_start3A_136 = arith.constant 0 : i32
            %dma_start3A_137 = arith.constant 0 : i32
            %dma_start3A_138 = tpu.memref_slice %arg3[%add3A_135, %dma_start3A_136, %dma_start3A_137] : memref<5008x2x64xi32, #tpu.memory_space<hbm>> -> memref<1x2x64xi32, #tpu.memory_space<hbm>>
            %dma_start3A_139 = tpu.memref_squeeze %dma_start3A_138 : memref<1x2x64xi32, #tpu.memory_space<hbm>> -> memref<2x64xi32, #tpu.memory_space<hbm>>
            %dma_start3A_140 = arith.constant 0 : i32
            %dma_start3A_141 = arith.constant 0 : i32
            %dma_start3A_142 = tpu.memref_slice %arg3[%add3A_135, %dma_start3A_140, %dma_start3A_141] : memref<5008x2x64xi32, #tpu.memory_space<hbm>> -> memref<1x2x64xi32, #tpu.memory_space<hbm>>
            %dma_start3A_143 = tpu.memref_squeeze %dma_start3A_142 : memref<1x2x64xi32, #tpu.memory_space<hbm>> -> memref<2x64xi32, #tpu.memory_space<hbm>>
            tpu.enqueue_dma source(%dma_start3A_143 : memref<2x64xi32, #tpu.memory_space<hbm>>) target(%arg9 : memref<2x64xi32, #tpu.memory_space<vmem>>) target_semaphore(%arg16 : memref<!tpu.dma_semaphore, #tpu.memory_space<semaphore_mem>>)
          } else {
          }
        } else {
        }
        %rem3A_84 = arith.constant 2 : i32
        %rem3A_85 = arith.remsi %add3A_59, %rem3A_84 : i32
        %eq3A_86 = arith.constant 1 : i32
        %eq3A_87 = arith.cmpi eq, %rem3A_85, %eq3A_86 : i32
        %convert_element_type3A_88 = arith.extui %eq3A_87 : i1 to i32
        %cond3A_89 = arith.constant 0 : i32
        %cond3A_90 = arith.cmpi ne, %convert_element_type3A_88, %cond3A_89 : i32
        scf.if %cond3A_90 {
          %dma_wait3A_91 = arith.constant 0 : i32
          %dma_wait3A_92 = arith.constant 0 : i32
          %dma_wait3A_93 = tpu.memref_slice %arg10[%dma_wait3A_91, %dma_wait3A_92] : memref<2x64xi32, #tpu.memory_space<vmem>> -> memref<1x64xi32, #tpu.memory_space<vmem>>
          %dma_wait3A_94 = tpu.memref_squeeze %dma_wait3A_93 : memref<1x64xi32, #tpu.memory_space<vmem>> -> memref<64xi32, #tpu.memory_space<vmem>>
          %dma_wait3A_95 = arith.constant 0 : i32
          %dma_wait3A_96 = tpu.memref_slice %arg2[%arg0, %dma_wait3A_95] : memref<20000x64xf32, #tpu.memory_space<hbm>> -> memref<19999x64xf32, #tpu.memory_space<hbm>>
          %dma_wait3A_97 = arith.constant 0 : i32
          %dma_wait3A_98 = arith.constant 0 : i32
          %dma_wait3A_99 = tpu.memref_slice %dma_wait3A_96[%dma_wait3A_97, %dma_wait3A_98] : memref<19999x64xf32, #tpu.memory_space<hbm>> -> memref<19999x64xf32, #tpu.memory_space<hbm>>
          tpu.wait_indirect_dma semaphore(%arg13 : memref<!tpu.dma_semaphore, #tpu.memory_space<semaphore_mem>>) src(%dma_wait3A_99 : memref<19999x64xf32, #tpu.memory_space<hbm>>) dst(%arg8 : memref<64x64xf32, #tpu.memory_space<vmem>>)
          %dma_start3A_100 = arith.constant 1 : i32
          %dma_start3A_101 = arith.constant 0 : i32
          %dma_start3A_102 = tpu.memref_slice %arg10[%dma_start3A_100, %dma_start3A_101] : memref<2x64xi32, #tpu.memory_space<vmem>> -> memref<1x64xi32, #tpu.memory_space<vmem>>
          %dma_start3A_103 = tpu.memref_squeeze %dma_start3A_102 : memref<1x64xi32, #tpu.memory_space<vmem>> -> memref<64xi32, #tpu.memory_space<vmem>>
          %dma_start3A_104 = arith.constant 0 : i32
          %dma_start3A_105 = arith.constant 0 : i32
          %dma_start3A_106 = tpu.memref_slice %arg6[%dma_start3A_104, %dma_start3A_105] : memref<30336x64xf32, #tpu.memory_space<vmem_shared>> -> memref<30336x64xf32, #tpu.memory_space<vmem_shared>>
          tpu.enqueue_indirect_dma source(%arg8 : memref<64x64xf32, #tpu.memory_space<vmem>>) target(%dma_start3A_106 : memref<30336x64xf32, #tpu.memory_space<vmem_shared>>) offsets(%dma_start3A_103 : memref<64xi32, #tpu.memory_space<vmem>>) semaphore(%arg15 : memref<!tpu.dma_semaphore, #tpu.memory_space<semaphore_mem>>) {add = true}
          %add3A_107 = arith.constant 1 : i32
          %add3A_108 = arith.addi %add3A_59, %add3A_107 : i32
          %lt3A = arith.constant 313 : i32
          %lt3A_109 = arith.cmpi slt, %add3A_108, %lt3A : i32
          %convert_element_type3A_110 = arith.extui %lt3A_109 : i1 to i32
          %cond3A_111 = arith.constant 0 : i32
          %cond3A_112 = arith.cmpi ne, %convert_element_type3A_110, %cond3A_111 : i32
          scf.if %cond3A_112 {
            %add3A_131 = arith.constant 1 : i32
            %add3A_132 = arith.addi %add3A_59, %add3A_131 : i32
            %mul3A_133 = arith.constant 16 : i32
            %mul3A_134 = arith.muli %add3A_132, %mul3A_133 : i32
            %add3A_135 = arith.addi %mul3A_134, %arg1 : i32
            %dma_wait3A_136 = arith.constant 0 : i32
            %dma_wait3A_137 = arith.constant 0 : i32
            %dma_wait3A_138 = tpu.memref_slice %arg3[%add3A_135, %dma_wait3A_136, %dma_wait3A_137] : memref<5008x2x64xi32, #tpu.memory_space<hbm>> -> memref<1x2x64xi32, #tpu.memory_space<hbm>>
            %dma_wait3A_139 = tpu.memref_squeeze %dma_wait3A_138 : memref<1x2x64xi32, #tpu.memory_space<hbm>> -> memref<2x64xi32, #tpu.memory_space<hbm>>
            %dma_wait3A_140 = arith.constant 0 : i32
            %dma_wait3A_141 = arith.constant 0 : i32
            %dma_wait3A_142 = tpu.memref_slice %arg3[%add3A_135, %dma_wait3A_140, %dma_wait3A_141] : memref<5008x2x64xi32, #tpu.memory_space<hbm>> -> memref<1x2x64xi32, #tpu.memory_space<hbm>>
            %dma_wait3A_143 = tpu.memref_squeeze %dma_wait3A_142 : memref<1x2x64xi32, #tpu.memory_space<hbm>> -> memref<2x64xi32, #tpu.memory_space<hbm>>
            tpu.wait_dma2 semaphore(%arg18 : memref<!tpu.dma_semaphore, #tpu.memory_space<semaphore_mem>>) src(%dma_wait3A_143 : memref<2x64xi32, #tpu.memory_space<hbm>>) dst(%arg11 : memref<2x64xi32, #tpu.memory_space<vmem>>)
          } else {
          }
          %ge3A = arith.constant 1 : i32
          %ge3A_113 = arith.cmpi sge, %add3A_59, %ge3A : i32
          %convert_element_type3A_114 = arith.extui %ge3A_113 : i1 to i32
          %cond3A_115 = arith.constant 0 : i32
          %cond3A_116 = arith.cmpi ne, %convert_element_type3A_114, %cond3A_115 : i32
          scf.if %cond3A_116 {
            %sub3A = arith.constant 1 : i32
            %sub3A_131 = arith.subi %add3A_59, %sub3A : i32
            %dma_wait3A_132 = arith.constant 1 : i32
            %dma_wait3A_133 = arith.constant 0 : i32
            %dma_wait3A_134 = tpu.memref_slice %arg9[%dma_wait3A_132, %dma_wait3A_133] : memref<2x64xi32, #tpu.memory_space<vmem>> -> memref<1x64xi32, #tpu.memory_space<vmem>>
            %dma_wait3A_135 = tpu.memref_squeeze %dma_wait3A_134 : memref<1x64xi32, #tpu.memory_space<vmem>> -> memref<64xi32, #tpu.memory_space<vmem>>
            %dma_wait3A_136 = arith.constant 0 : i32
            %dma_wait3A_137 = arith.constant 0 : i32
            %dma_wait3A_138 = tpu.memref_slice %arg6[%dma_wait3A_136, %dma_wait3A_137] : memref<30336x64xf32, #tpu.memory_space<vmem_shared>> -> memref<30336x64xf32, #tpu.memory_space<vmem_shared>>
            tpu.wait_indirect_dma semaphore(%arg14 : memref<!tpu.dma_semaphore, #tpu.memory_space<semaphore_mem>>) src(%arg7 : memref<64x64xf32, #tpu.memory_space<vmem>>) dst(%dma_wait3A_138 : memref<30336x64xf32, #tpu.memory_space<vmem_shared>>)
          } else {
          }
          %add3A_117 = arith.constant 1 : i32
          %add3A_118 = arith.addi %add3A_59, %add3A_117 : i32
          %lt3A_119 = arith.constant 313 : i32
          %lt3A_120 = arith.cmpi slt, %add3A_118, %lt3A_119 : i32
          %convert_element_type3A_121 = arith.extui %lt3A_120 : i1 to i32
          %cond3A_122 = arith.constant 0 : i32
          %cond3A_123 = arith.cmpi ne, %convert_element_type3A_121, %cond3A_122 : i32
          scf.if %cond3A_123 {
            %add3A_131 = arith.constant 1 : i32
            %add3A_132 = arith.addi %add3A_59, %add3A_131 : i32
            %dma_start3A_133 = arith.constant 0 : i32
            %dma_start3A_134 = arith.constant 0 : i32
            %dma_start3A_135 = tpu.memref_slice %arg11[%dma_start3A_133, %dma_start3A_134] : memref<2x64xi32, #tpu.memory_space<vmem>> -> memref<1x64xi32, #tpu.memory_space<vmem>>
            %dma_start3A_136 = tpu.memref_squeeze %dma_start3A_135 : memref<1x64xi32, #tpu.memory_space<vmem>> -> memref<64xi32, #tpu.memory_space<vmem>>
            %dma_start3A_137 = arith.constant 0 : i32
            %dma_start3A_138 = tpu.memref_slice %arg2[%arg0, %dma_start3A_137] : memref<20000x64xf32, #tpu.memory_space<hbm>> -> memref<19999x64xf32, #tpu.memory_space<hbm>>
            %dma_start3A_139 = arith.constant 0 : i32
            %dma_start3A_140 = arith.constant 0 : i32
            %dma_start3A_141 = tpu.memref_slice %dma_start3A_138[%dma_start3A_139, %dma_start3A_140] : memref<19999x64xf32, #tpu.memory_space<hbm>> -> memref<19999x64xf32, #tpu.memory_space<hbm>>
            tpu.enqueue_indirect_dma source(%dma_start3A_141 : memref<19999x64xf32, #tpu.memory_space<hbm>>) target(%arg7 : memref<64x64xf32, #tpu.memory_space<vmem>>) offsets(%dma_start3A_136 : memref<64xi32, #tpu.memory_space<vmem>>) semaphore(%arg12 : memref<!tpu.dma_semaphore, #tpu.memory_space<semaphore_mem>>)
          } else {
          }
          %add3A_124 = arith.constant 2 : i32
          %add3A_125 = arith.addi %add3A_59, %add3A_124 : i32
          %lt3A_126 = arith.constant 313 : i32
          %lt3A_127 = arith.cmpi slt, %add3A_125, %lt3A_126 : i32
          %convert_element_type3A_128 = arith.extui %lt3A_127 : i1 to i32
          %cond3A_129 = arith.constant 0 : i32
          %cond3A_130 = arith.cmpi ne, %convert_element_type3A_128, %cond3A_129 : i32
          scf.if %cond3A_130 {
            %add3A_131 = arith.constant 2 : i32
            %add3A_132 = arith.addi %add3A_59, %add3A_131 : i32
            %mul3A_133 = arith.constant 16 : i32
            %mul3A_134 = arith.muli %add3A_132, %mul3A_133 : i32
            %add3A_135 = arith.addi %mul3A_134, %arg1 : i32
            %dma_start3A_136 = arith.constant 0 : i32
            %dma_start3A_137 = arith.constant 0 : i32
            %dma_start3A_138 = tpu.memref_slice %arg3[%add3A_135, %dma_start3A_136, %dma_start3A_137] : memref<5008x2x64xi32, #tpu.memory_space<hbm>> -> memref<1x2x64xi32, #tpu.memory_space<hbm>>
            %dma_start3A_139 = tpu.memref_squeeze %dma_start3A_138 : memref<1x2x64xi32, #tpu.memory_space<hbm>> -> memref<2x64xi32, #tpu.memory_space<hbm>>
            %dma_start3A_140 = arith.constant 0 : i32
            %dma_start3A_141 = arith.constant 0 : i32
            %dma_start3A_142 = tpu.memref_slice %arg3[%add3A_135, %dma_start3A_140, %dma_start3A_141] : memref<5008x2x64xi32, #tpu.memory_space<hbm>> -> memref<1x2x64xi32, #tpu.memory_space<hbm>>
            %dma_start3A_143 = tpu.memref_squeeze %dma_start3A_142 : memref<1x2x64xi32, #tpu.memory_space<hbm>> -> memref<2x64xi32, #tpu.memory_space<hbm>>
            tpu.enqueue_dma source(%dma_start3A_143 : memref<2x64xi32, #tpu.memory_space<hbm>>) target(%arg9 : memref<2x64xi32, #tpu.memory_space<vmem>>) target_semaphore(%arg16 : memref<!tpu.dma_semaphore, #tpu.memory_space<semaphore_mem>>)
          } else {
          }
        } else {
        }
      } else {
      }
      %rem3A_70 = arith.constant 3 : i32
      %rem3A_71 = arith.remsi %add3A_59, %rem3A_70 : i32
      %eq3A_72 = arith.constant 2 : i32
      %eq3A_73 = arith.cmpi eq, %rem3A_71, %eq3A_72 : i32
      %convert_element_type3A_74 = arith.extui %eq3A_73 : i1 to i32
      %cond3A_75 = arith.constant 0 : i32
      %cond3A_76 = arith.cmpi ne, %convert_element_type3A_74, %cond3A_75 : i32
      scf.if %cond3A_76 {
        %rem3A_77 = arith.constant 2 : i32
        %rem3A_78 = arith.remsi %add3A_59, %rem3A_77 : i32
        %eq3A_79 = arith.constant 0 : i32
        %eq3A_80 = arith.cmpi eq, %rem3A_78, %eq3A_79 : i32
        %convert_element_type3A_81 = arith.extui %eq3A_80 : i1 to i32
        %cond3A_82 = arith.constant 0 : i32
        %cond3A_83 = arith.cmpi ne, %convert_element_type3A_81, %cond3A_82 : i32
        scf.if %cond3A_83 {
          %dma_wait3A_91 = arith.constant 0 : i32
          %dma_wait3A_92 = arith.constant 0 : i32
          %dma_wait3A_93 = tpu.memref_slice %arg11[%dma_wait3A_91, %dma_wait3A_92] : memref<2x64xi32, #tpu.memory_space<vmem>> -> memref<1x64xi32, #tpu.memory_space<vmem>>
          %dma_wait3A_94 = tpu.memref_squeeze %dma_wait3A_93 : memref<1x64xi32, #tpu.memory_space<vmem>> -> memref<64xi32, #tpu.memory_space<vmem>>
          %dma_wait3A_95 = arith.constant 0 : i32
          %dma_wait3A_96 = tpu.memref_slice %arg2[%arg0, %dma_wait3A_95] : memref<20000x64xf32, #tpu.memory_space<hbm>> -> memref<19999x64xf32, #tpu.memory_space<hbm>>
          %dma_wait3A_97 = arith.constant 0 : i32
          %dma_wait3A_98 = arith.constant 0 : i32
          %dma_wait3A_99 = tpu.memref_slice %dma_wait3A_96[%dma_wait3A_97, %dma_wait3A_98] : memref<19999x64xf32, #tpu.memory_space<hbm>> -> memref<19999x64xf32, #tpu.memory_space<hbm>>
          tpu.wait_indirect_dma semaphore(%arg12 : memref<!tpu.dma_semaphore, #tpu.memory_space<semaphore_mem>>) src(%dma_wait3A_99 : memref<19999x64xf32, #tpu.memory_space<hbm>>) dst(%arg7 : memref<64x64xf32, #tpu.memory_space<vmem>>)
          %dma_start3A_100 = arith.constant 1 : i32
          %dma_start3A_101 = arith.constant 0 : i32
          %dma_start3A_102 = tpu.memref_slice %arg11[%dma_start3A_100, %dma_start3A_101] : memref<2x64xi32, #tpu.memory_space<vmem>> -> memref<1x64xi32, #tpu.memory_space<vmem>>
          %dma_start3A_103 = tpu.memref_squeeze %dma_start3A_102 : memref<1x64xi32, #tpu.memory_space<vmem>> -> memref<64xi32, #tpu.memory_space<vmem>>
          %dma_start3A_104 = arith.constant 0 : i32
          %dma_start3A_105 = arith.constant 0 : i32
          %dma_start3A_106 = tpu.memref_slice %arg6[%dma_start3A_104, %dma_start3A_105] : memref<30336x64xf32, #tpu.memory_space<vmem_shared>> -> memref<30336x64xf32, #tpu.memory_space<vmem_shared>>
          tpu.enqueue_indirect_dma source(%arg7 : memref<64x64xf32, #tpu.memory_space<vmem>>) target(%dma_start3A_106 : memref<30336x64xf32, #tpu.memory_space<vmem_shared>>) offsets(%dma_start3A_103 : memref<64xi32, #tpu.memory_space<vmem>>) semaphore(%arg14 : memref<!tpu.dma_semaphore, #tpu.memory_space<semaphore_mem>>) {add = true}
          %add3A_107 = arith.constant 1 : i32
          %add3A_108 = arith.addi %add3A_59, %add3A_107 : i32
          %lt3A = arith.constant 313 : i32
          %lt3A_109 = arith.cmpi slt, %add3A_108, %lt3A : i32
          %convert_element_type3A_110 = arith.extui %lt3A_109 : i1 to i32
          %cond3A_111 = arith.constant 0 : i32
          %cond3A_112 = arith.cmpi ne, %convert_element_type3A_110, %cond3A_111 : i32
          scf.if %cond3A_112 {
            %add3A_131 = arith.constant 1 : i32
            %add3A_132 = arith.addi %add3A_59, %add3A_131 : i32
            %mul3A_133 = arith.constant 16 : i32
            %mul3A_134 = arith.muli %add3A_132, %mul3A_133 : i32
            %add3A_135 = arith.addi %mul3A_134, %arg1 : i32
            %dma_wait3A_136 = arith.constant 0 : i32
            %dma_wait3A_137 = arith.constant 0 : i32
            %dma_wait3A_138 = tpu.memref_slice %arg3[%add3A_135, %dma_wait3A_136, %dma_wait3A_137] : memref<5008x2x64xi32, #tpu.memory_space<hbm>> -> memref<1x2x64xi32, #tpu.memory_space<hbm>>
            %dma_wait3A_139 = tpu.memref_squeeze %dma_wait3A_138 : memref<1x2x64xi32, #tpu.memory_space<hbm>> -> memref<2x64xi32, #tpu.memory_space<hbm>>
            %dma_wait3A_140 = arith.constant 0 : i32
            %dma_wait3A_141 = arith.constant 0 : i32
            %dma_wait3A_142 = tpu.memref_slice %arg3[%add3A_135, %dma_wait3A_140, %dma_wait3A_141] : memref<5008x2x64xi32, #tpu.memory_space<hbm>> -> memref<1x2x64xi32, #tpu.memory_space<hbm>>
            %dma_wait3A_143 = tpu.memref_squeeze %dma_wait3A_142 : memref<1x2x64xi32, #tpu.memory_space<hbm>> -> memref<2x64xi32, #tpu.memory_space<hbm>>
            tpu.wait_dma2 semaphore(%arg16 : memref<!tpu.dma_semaphore, #tpu.memory_space<semaphore_mem>>) src(%dma_wait3A_143 : memref<2x64xi32, #tpu.memory_space<hbm>>) dst(%arg9 : memref<2x64xi32, #tpu.memory_space<vmem>>)
          } else {
          }
          %ge3A = arith.constant 1 : i32
          %ge3A_113 = arith.cmpi sge, %add3A_59, %ge3A : i32
          %convert_element_type3A_114 = arith.extui %ge3A_113 : i1 to i32
          %cond3A_115 = arith.constant 0 : i32
          %cond3A_116 = arith.cmpi ne, %convert_element_type3A_114, %cond3A_115 : i32
          scf.if %cond3A_116 {
            %sub3A = arith.constant 1 : i32
            %sub3A_131 = arith.subi %add3A_59, %sub3A : i32
            %dma_wait3A_132 = arith.constant 1 : i32
            %dma_wait3A_133 = arith.constant 0 : i32
            %dma_wait3A_134 = tpu.memref_slice %arg10[%dma_wait3A_132, %dma_wait3A_133] : memref<2x64xi32, #tpu.memory_space<vmem>> -> memref<1x64xi32, #tpu.memory_space<vmem>>
            %dma_wait3A_135 = tpu.memref_squeeze %dma_wait3A_134 : memref<1x64xi32, #tpu.memory_space<vmem>> -> memref<64xi32, #tpu.memory_space<vmem>>
            %dma_wait3A_136 = arith.constant 0 : i32
            %dma_wait3A_137 = arith.constant 0 : i32
            %dma_wait3A_138 = tpu.memref_slice %arg6[%dma_wait3A_136, %dma_wait3A_137] : memref<30336x64xf32, #tpu.memory_space<vmem_shared>> -> memref<30336x64xf32, #tpu.memory_space<vmem_shared>>
            tpu.wait_indirect_dma semaphore(%arg15 : memref<!tpu.dma_semaphore, #tpu.memory_space<semaphore_mem>>) src(%arg8 : memref<64x64xf32, #tpu.memory_space<vmem>>) dst(%dma_wait3A_138 : memref<30336x64xf32, #tpu.memory_space<vmem_shared>>)
          } else {
          }
          %add3A_117 = arith.constant 1 : i32
          %add3A_118 = arith.addi %add3A_59, %add3A_117 : i32
          %lt3A_119 = arith.constant 313 : i32
          %lt3A_120 = arith.cmpi slt, %add3A_118, %lt3A_119 : i32
          %convert_element_type3A_121 = arith.extui %lt3A_120 : i1 to i32
          %cond3A_122 = arith.constant 0 : i32
          %cond3A_123 = arith.cmpi ne, %convert_element_type3A_121, %cond3A_122 : i32
          scf.if %cond3A_123 {
            %add3A_131 = arith.constant 1 : i32
            %add3A_132 = arith.addi %add3A_59, %add3A_131 : i32
            %dma_start3A_133 = arith.constant 0 : i32
            %dma_start3A_134 = arith.constant 0 : i32
            %dma_start3A_135 = tpu.memref_slice %arg9[%dma_start3A_133, %dma_start3A_134] : memref<2x64xi32, #tpu.memory_space<vmem>> -> memref<1x64xi32, #tpu.memory_space<vmem>>
            %dma_start3A_136 = tpu.memref_squeeze %dma_start3A_135 : memref<1x64xi32, #tpu.memory_space<vmem>> -> memref<64xi32, #tpu.memory_space<vmem>>
            %dma_start3A_137 = arith.constant 0 : i32
            %dma_start3A_138 = tpu.memref_slice %arg2[%arg0, %dma_start3A_137] : memref<20000x64xf32, #tpu.memory_space<hbm>> -> memref<19999x64xf32, #tpu.memory_space<hbm>>
            %dma_start3A_139 = arith.constant 0 : i32
            %dma_start3A_140 = arith.constant 0 : i32
            %dma_start3A_141 = tpu.memref_slice %dma_start3A_138[%dma_start3A_139, %dma_start3A_140] : memref<19999x64xf32, #tpu.memory_space<hbm>> -> memref<19999x64xf32, #tpu.memory_space<hbm>>
            tpu.enqueue_indirect_dma source(%dma_start3A_141 : memref<19999x64xf32, #tpu.memory_space<hbm>>) target(%arg8 : memref<64x64xf32, #tpu.memory_space<vmem>>) offsets(%dma_start3A_136 : memref<64xi32, #tpu.memory_space<vmem>>) semaphore(%arg13 : memref<!tpu.dma_semaphore, #tpu.memory_space<semaphore_mem>>)
          } else {
          }
          %add3A_124 = arith.constant 2 : i32
          %add3A_125 = arith.addi %add3A_59, %add3A_124 : i32
          %lt3A_126 = arith.constant 313 : i32
          %lt3A_127 = arith.cmpi slt, %add3A_125, %lt3A_126 : i32
          %convert_element_type3A_128 = arith.extui %lt3A_127 : i1 to i32
          %cond3A_129 = arith.constant 0 : i32
          %cond3A_130 = arith.cmpi ne, %convert_element_type3A_128, %cond3A_129 : i32
          scf.if %cond3A_130 {
            %add3A_131 = arith.constant 2 : i32
            %add3A_132 = arith.addi %add3A_59, %add3A_131 : i32
            %mul3A_133 = arith.constant 16 : i32
            %mul3A_134 = arith.muli %add3A_132, %mul3A_133 : i32
            %add3A_135 = arith.addi %mul3A_134, %arg1 : i32
            %dma_start3A_136 = arith.constant 0 : i32
            %dma_start3A_137 = arith.constant 0 : i32
            %dma_start3A_138 = tpu.memref_slice %arg3[%add3A_135, %dma_start3A_136, %dma_start3A_137] : memref<5008x2x64xi32, #tpu.memory_space<hbm>> -> memref<1x2x64xi32, #tpu.memory_space<hbm>>
            %dma_start3A_139 = tpu.memref_squeeze %dma_start3A_138 : memref<1x2x64xi32, #tpu.memory_space<hbm>> -> memref<2x64xi32, #tpu.memory_space<hbm>>
            %dma_start3A_140 = arith.constant 0 : i32
            %dma_start3A_141 = arith.constant 0 : i32
            %dma_start3A_142 = tpu.memref_slice %arg3[%add3A_135, %dma_start3A_140, %dma_start3A_141] : memref<5008x2x64xi32, #tpu.memory_space<hbm>> -> memref<1x2x64xi32, #tpu.memory_space<hbm>>
            %dma_start3A_143 = tpu.memref_squeeze %dma_start3A_142 : memref<1x2x64xi32, #tpu.memory_space<hbm>> -> memref<2x64xi32, #tpu.memory_space<hbm>>
            tpu.enqueue_dma source(%dma_start3A_143 : memref<2x64xi32, #tpu.memory_space<hbm>>) target(%arg10 : memref<2x64xi32, #tpu.memory_space<vmem>>) target_semaphore(%arg17 : memref<!tpu.dma_semaphore, #tpu.memory_space<semaphore_mem>>)
          } else {
          }
        } else {
        }
        %rem3A_84 = arith.constant 2 : i32
        %rem3A_85 = arith.remsi %add3A_59, %rem3A_84 : i32
        %eq3A_86 = arith.constant 1 : i32
        %eq3A_87 = arith.cmpi eq, %rem3A_85, %eq3A_86 : i32
        %convert_element_type3A_88 = arith.extui %eq3A_87 : i1 to i32
        %cond3A_89 = arith.constant 0 : i32
        %cond3A_90 = arith.cmpi ne, %convert_element_type3A_88, %cond3A_89 : i32
        scf.if %cond3A_90 {
          %dma_wait3A_91 = arith.constant 0 : i32
          %dma_wait3A_92 = arith.constant 0 : i32
          %dma_wait3A_93 = tpu.memref_slice %arg11[%dma_wait3A_91, %dma_wait3A_92] : memref<2x64xi32, #tpu.memory_space<vmem>> -> memref<1x64xi32, #tpu.memory_space<vmem>>
          %dma_wait3A_94 = tpu.memref_squeeze %dma_wait3A_93 : memref<1x64xi32, #tpu.memory_space<vmem>> -> memref<64xi32, #tpu.memory_space<vmem>>
          %dma_wait3A_95 = arith.constant 0 : i32
          %dma_wait3A_96 = tpu.memref_slice %arg2[%arg0, %dma_wait3A_95] : memref<20000x64xf32, #tpu.memory_space<hbm>> -> memref<19999x64xf32, #tpu.memory_space<hbm>>
          %dma_wait3A_97 = arith.constant 0 : i32
          %dma_wait3A_98 = arith.constant 0 : i32
          %dma_wait3A_99 = tpu.memref_slice %dma_wait3A_96[%dma_wait3A_97, %dma_wait3A_98] : memref<19999x64xf32, #tpu.memory_space<hbm>> -> memref<19999x64xf32, #tpu.memory_space<hbm>>
          tpu.wait_indirect_dma semaphore(%arg13 : memref<!tpu.dma_semaphore, #tpu.memory_space<semaphore_mem>>) src(%dma_wait3A_99 : memref<19999x64xf32, #tpu.memory_space<hbm>>) dst(%arg8 : memref<64x64xf32, #tpu.memory_space<vmem>>)
          %dma_start3A_100 = arith.constant 1 : i32
          %dma_start3A_101 = arith.constant 0 : i32
          %dma_start3A_102 = tpu.memref_slice %arg11[%dma_start3A_100, %dma_start3A_101] : memref<2x64xi32, #tpu.memory_space<vmem>> -> memref<1x64xi32, #tpu.memory_space<vmem>>
          %dma_start3A_103 = tpu.memref_squeeze %dma_start3A_102 : memref<1x64xi32, #tpu.memory_space<vmem>> -> memref<64xi32, #tpu.memory_space<vmem>>
          %dma_start3A_104 = arith.constant 0 : i32
          %dma_start3A_105 = arith.constant 0 : i32
          %dma_start3A_106 = tpu.memref_slice %arg6[%dma_start3A_104, %dma_start3A_105] : memref<30336x64xf32, #tpu.memory_space<vmem_shared>> -> memref<30336x64xf32, #tpu.memory_space<vmem_shared>>
          tpu.enqueue_indirect_dma source(%arg8 : memref<64x64xf32, #tpu.memory_space<vmem>>) target(%dma_start3A_106 : memref<30336x64xf32, #tpu.memory_space<vmem_shared>>) offsets(%dma_start3A_103 : memref<64xi32, #tpu.memory_space<vmem>>) semaphore(%arg15 : memref<!tpu.dma_semaphore, #tpu.memory_space<semaphore_mem>>) {add = true}
          %add3A_107 = arith.constant 1 : i32
          %add3A_108 = arith.addi %add3A_59, %add3A_107 : i32
          %lt3A = arith.constant 313 : i32
          %lt3A_109 = arith.cmpi slt, %add3A_108, %lt3A : i32
          %convert_element_type3A_110 = arith.extui %lt3A_109 : i1 to i32
          %cond3A_111 = arith.constant 0 : i32
          %cond3A_112 = arith.cmpi ne, %convert_element_type3A_110, %cond3A_111 : i32
          scf.if %cond3A_112 {
            %add3A_131 = arith.constant 1 : i32
            %add3A_132 = arith.addi %add3A_59, %add3A_131 : i32
            %mul3A_133 = arith.constant 16 : i32
            %mul3A_134 = arith.muli %add3A_132, %mul3A_133 : i32
            %add3A_135 = arith.addi %mul3A_134, %arg1 : i32
            %dma_wait3A_136 = arith.constant 0 : i32
            %dma_wait3A_137 = arith.constant 0 : i32
            %dma_wait3A_138 = tpu.memref_slice %arg3[%add3A_135, %dma_wait3A_136, %dma_wait3A_137] : memref<5008x2x64xi32, #tpu.memory_space<hbm>> -> memref<1x2x64xi32, #tpu.memory_space<hbm>>
            %dma_wait3A_139 = tpu.memref_squeeze %dma_wait3A_138 : memref<1x2x64xi32, #tpu.memory_space<hbm>> -> memref<2x64xi32, #tpu.memory_space<hbm>>
            %dma_wait3A_140 = arith.constant 0 : i32
            %dma_wait3A_141 = arith.constant 0 : i32
            %dma_wait3A_142 = tpu.memref_slice %arg3[%add3A_135, %dma_wait3A_140, %dma_wait3A_141] : memref<5008x2x64xi32, #tpu.memory_space<hbm>> -> memref<1x2x64xi32, #tpu.memory_space<hbm>>
            %dma_wait3A_143 = tpu.memref_squeeze %dma_wait3A_142 : memref<1x2x64xi32, #tpu.memory_space<hbm>> -> memref<2x64xi32, #tpu.memory_space<hbm>>
            tpu.wait_dma2 semaphore(%arg16 : memref<!tpu.dma_semaphore, #tpu.memory_space<semaphore_mem>>) src(%dma_wait3A_143 : memref<2x64xi32, #tpu.memory_space<hbm>>) dst(%arg9 : memref<2x64xi32, #tpu.memory_space<vmem>>)
          } else {
          }
          %ge3A = arith.constant 1 : i32
          %ge3A_113 = arith.cmpi sge, %add3A_59, %ge3A : i32
          %convert_element_type3A_114 = arith.extui %ge3A_113 : i1 to i32
          %cond3A_115 = arith.constant 0 : i32
          %cond3A_116 = arith.cmpi ne, %convert_element_type3A_114, %cond3A_115 : i32
          scf.if %cond3A_116 {
            %sub3A = arith.constant 1 : i32
            %sub3A_131 = arith.subi %add3A_59, %sub3A : i32
            %dma_wait3A_132 = arith.constant 1 : i32
            %dma_wait3A_133 = arith.constant 0 : i32
            %dma_wait3A_134 = tpu.memref_slice %arg10[%dma_wait3A_132, %dma_wait3A_133] : memref<2x64xi32, #tpu.memory_space<vmem>> -> memref<1x64xi32, #tpu.memory_space<vmem>>
            %dma_wait3A_135 = tpu.memref_squeeze %dma_wait3A_134 : memref<1x64xi32, #tpu.memory_space<vmem>> -> memref<64xi32, #tpu.memory_space<vmem>>
            %dma_wait3A_136 = arith.constant 0 : i32
            %dma_wait3A_137 = arith.constant 0 : i32
            %dma_wait3A_138 = tpu.memref_slice %arg6[%dma_wait3A_136, %dma_wait3A_137] : memref<30336x64xf32, #tpu.memory_space<vmem_shared>> -> memref<30336x64xf32, #tpu.memory_space<vmem_shared>>
            tpu.wait_indirect_dma semaphore(%arg14 : memref<!tpu.dma_semaphore, #tpu.memory_space<semaphore_mem>>) src(%arg7 : memref<64x64xf32, #tpu.memory_space<vmem>>) dst(%dma_wait3A_138 : memref<30336x64xf32, #tpu.memory_space<vmem_shared>>)
          } else {
          }
          %add3A_117 = arith.constant 1 : i32
          %add3A_118 = arith.addi %add3A_59, %add3A_117 : i32
          %lt3A_119 = arith.constant 313 : i32
          %lt3A_120 = arith.cmpi slt, %add3A_118, %lt3A_119 : i32
          %convert_element_type3A_121 = arith.extui %lt3A_120 : i1 to i32
          %cond3A_122 = arith.constant 0 : i32
          %cond3A_123 = arith.cmpi ne, %convert_element_type3A_121, %cond3A_122 : i32
          scf.if %cond3A_123 {
            %add3A_131 = arith.constant 1 : i32
            %add3A_132 = arith.addi %add3A_59, %add3A_131 : i32
            %dma_start3A_133 = arith.constant 0 : i32
            %dma_start3A_134 = arith.constant 0 : i32
            %dma_start3A_135 = tpu.memref_slice %arg9[%dma_start3A_133, %dma_start3A_134] : memref<2x64xi32, #tpu.memory_space<vmem>> -> memref<1x64xi32, #tpu.memory_space<vmem>>
            %dma_start3A_136 = tpu.memref_squeeze %dma_start3A_135 : memref<1x64xi32, #tpu.memory_space<vmem>> -> memref<64xi32, #tpu.memory_space<vmem>>
            %dma_start3A_137 = arith.constant 0 : i32
            %dma_start3A_138 = tpu.memref_slice %arg2[%arg0, %dma_start3A_137] : memref<20000x64xf32, #tpu.memory_space<hbm>> -> memref<19999x64xf32, #tpu.memory_space<hbm>>
            %dma_start3A_139 = arith.constant 0 : i32
            %dma_start3A_140 = arith.constant 0 : i32
            %dma_start3A_141 = tpu.memref_slice %dma_start3A_138[%dma_start3A_139, %dma_start3A_140] : memref<19999x64xf32, #tpu.memory_space<hbm>> -> memref<19999x64xf32, #tpu.memory_space<hbm>>
            tpu.enqueue_indirect_dma source(%dma_start3A_141 : memref<19999x64xf32, #tpu.memory_space<hbm>>) target(%arg7 : memref<64x64xf32, #tpu.memory_space<vmem>>) offsets(%dma_start3A_136 : memref<64xi32, #tpu.memory_space<vmem>>) semaphore(%arg12 : memref<!tpu.dma_semaphore, #tpu.memory_space<semaphore_mem>>)
          } else {
          }
          %add3A_124 = arith.constant 2 : i32
          %add3A_125 = arith.addi %add3A_59, %add3A_124 : i32
          %lt3A_126 = arith.constant 313 : i32
          %lt3A_127 = arith.cmpi slt, %add3A_125, %lt3A_126 : i32
          %convert_element_type3A_128 = arith.extui %lt3A_127 : i1 to i32
          %cond3A_129 = arith.constant 0 : i32
          %cond3A_130 = arith.cmpi ne, %convert_element_type3A_128, %cond3A_129 : i32
          scf.if %cond3A_130 {
            %add3A_131 = arith.constant 2 : i32
            %add3A_132 = arith.addi %add3A_59, %add3A_131 : i32
            %mul3A_133 = arith.constant 16 : i32
            %mul3A_134 = arith.muli %add3A_132, %mul3A_133 : i32
            %add3A_135 = arith.addi %mul3A_134, %arg1 : i32
            %dma_start3A_136 = arith.constant 0 : i32
            %dma_start3A_137 = arith.constant 0 : i32
            %dma_start3A_138 = tpu.memref_slice %arg3[%add3A_135, %dma_start3A_136, %dma_start3A_137] : memref<5008x2x64xi32, #tpu.memory_space<hbm>> -> memref<1x2x64xi32, #tpu.memory_space<hbm>>
            %dma_start3A_139 = tpu.memref_squeeze %dma_start3A_138 : memref<1x2x64xi32, #tpu.memory_space<hbm>> -> memref<2x64xi32, #tpu.memory_space<hbm>>
            %dma_start3A_140 = arith.constant 0 : i32
            %dma_start3A_141 = arith.constant 0 : i32
            %dma_start3A_142 = tpu.memref_slice %arg3[%add3A_135, %dma_start3A_140, %dma_start3A_141] : memref<5008x2x64xi32, #tpu.memory_space<hbm>> -> memref<1x2x64xi32, #tpu.memory_space<hbm>>
            %dma_start3A_143 = tpu.memref_squeeze %dma_start3A_142 : memref<1x2x64xi32, #tpu.memory_space<hbm>> -> memref<2x64xi32, #tpu.memory_space<hbm>>
            tpu.enqueue_dma source(%dma_start3A_143 : memref<2x64xi32, #tpu.memory_space<hbm>>) target(%arg10 : memref<2x64xi32, #tpu.memory_space<vmem>>) target_semaphore(%arg17 : memref<!tpu.dma_semaphore, #tpu.memory_space<semaphore_mem>>)
          } else {
          }
        } else {
        }
      } else {
      }
    }
    %scan3A_44 = arith.constant 313 : i32
    %dma_wait3A_45 = arith.constant 1 : i32
    %dma_wait3A_46 = arith.constant 0 : i32
    %dma_wait3A_47 = tpu.memref_slice %arg9[%dma_wait3A_45, %dma_wait3A_46] : memref<2x64xi32, #tpu.memory_space<vmem>> -> memref<1x64xi32, #tpu.memory_space<vmem>>
    %dma_wait3A_48 = tpu.memref_squeeze %dma_wait3A_47 : memref<1x64xi32, #tpu.memory_space<vmem>> -> memref<64xi32, #tpu.memory_space<vmem>>
    %dma_wait3A_49 = arith.constant 0 : i32
    %dma_wait3A_50 = arith.constant 0 : i32
    %dma_wait3A_51 = tpu.memref_slice %arg6[%dma_wait3A_49, %dma_wait3A_50] : memref<30336x64xf32, #tpu.memory_space<vmem_shared>> -> memref<30336x64xf32, #tpu.memory_space<vmem_shared>>
    tpu.wait_indirect_dma semaphore(%arg14 : memref<!tpu.dma_semaphore, #tpu.memory_space<semaphore_mem>>) src(%arg7 : memref<64x64xf32, #tpu.memory_space<vmem>>) dst(%dma_wait3A_51 : memref<30336x64xf32, #tpu.memory_space<vmem_shared>>)
    %barrier3A_52 = arith.constant 0 : index
    tpu.barrier barrier_id(%barrier3A_52)
    %mul3A_53 = arith.constant 1896 : i32
    %mul3A_54 = arith.muli %arg1, %mul3A_53 : i32
    "tpu.region"() ({
      %run_scoped3A = tpu.sem_alloc : memref<!tpu.dma_semaphore, #tpu.memory_space<semaphore_mem>>
      %dma_start3A_55 = arith.constant 0 : i32
      %dma_start3A_56 = arith.constant 0 : i32
      %dma_start3A_57 = tpu.memref_slice %arg5[%arg0, %dma_start3A_55, %dma_start3A_56] : memref<2x30336x64xf32, #tpu.memory_space<hbm>> -> memref<1x30336x64xf32, #tpu.memory_space<hbm>>
      %dma_start3A_58 = tpu.memref_squeeze %dma_start3A_57 : memref<1x30336x64xf32, #tpu.memory_space<hbm>> -> memref<30336x64xf32, #tpu.memory_space<hbm>>
      %dma_start3A_59 = arith.constant 0 : i32
      %dma_start3A_60 = tpu.memref_slice %dma_start3A_58[%mul3A_54, %dma_start3A_59] : memref<30336x64xf32, #tpu.memory_space<hbm>> -> memref<1896x64xf32, #tpu.memory_space<hbm>>
      %dma_start3A_61 = arith.constant 0 : i32
      %dma_start3A_62 = tpu.memref_slice %arg6[%mul3A_54, %dma_start3A_61] : memref<30336x64xf32, #tpu.memory_space<vmem_shared>> -> memref<1896x64xf32, #tpu.memory_space<vmem_shared>>
      tpu.enqueue_dma source(%dma_start3A_62 : memref<1896x64xf32, #tpu.memory_space<vmem_shared>>) target(%dma_start3A_60 : memref<1896x64xf32, #tpu.memory_space<hbm>>) target_semaphore(%run_scoped3A : memref<!tpu.dma_semaphore, #tpu.memory_space<semaphore_mem>>)
      %dma_wait3A_63 = arith.constant 0 : i32
      %dma_wait3A_64 = arith.constant 0 : i32
      %dma_wait3A_65 = tpu.memref_slice %arg5[%arg0, %dma_wait3A_63, %dma_wait3A_64] : memref<2x30336x64xf32, #tpu.memory_space<hbm>> -> memref<1x30336x64xf32, #tpu.memory_space<hbm>>
      %dma_wait3A_66 = tpu.memref_squeeze %dma_wait3A_65 : memref<1x30336x64xf32, #tpu.memory_space<hbm>> -> memref<30336x64xf32, #tpu.memory_space<hbm>>
      %dma_wait3A_67 = arith.constant 0 : i32
      %dma_wait3A_68 = tpu.memref_slice %dma_wait3A_66[%mul3A_54, %dma_wait3A_67] : memref<30336x64xf32, #tpu.memory_space<hbm>> -> memref<1896x64xf32, #tpu.memory_space<hbm>>
      %dma_wait3A_69 = arith.constant 0 : i32
      %dma_wait3A_70 = tpu.memref_slice %arg6[%mul3A_54, %dma_wait3A_69] : memref<30336x64xf32, #tpu.memory_space<vmem_shared>> -> memref<1896x64xf32, #tpu.memory_space<vmem_shared>>
      tpu.wait_dma2 semaphore(%run_scoped3A : memref<!tpu.dma_semaphore, #tpu.memory_space<semaphore_mem>>) src(%dma_wait3A_70 : memref<1896x64xf32, #tpu.memory_space<vmem_shared>>) dst(%dma_wait3A_68 : memref<1896x64xf32, #tpu.memory_space<hbm>>)
      tpu.yield
    }) : () -> ()
    return
  }
}

#map = affine_map<(d0, d1) -> (0)>
#map1 = affine_map<(d0, d1) -> (0, 0)>
#map2 = affine_map<(d0, d1) -> (0, 0, 0)>
module attributes {stable_mosaic.version = 14 : i64} {
  func.func @_deg_body(%arg0: i32, %arg1: i32, %arg2: memref<320000xi32, #tpu.memory_space<hbm>>, %arg3: memref<128x16xf32, #tpu.memory_space<hbm>>, %arg4: memref<1896x16xf32, #tpu.memory_space<hbm>>, %arg5: memref<2x30336x16xf32, #tpu.memory_space<hbm>>, %arg6: memref<30336x16xf32, #tpu.memory_space<vmem_shared>>, %arg7: memref<128xi32, #tpu.memory_space<vmem>>, %arg8: memref<128xi32, #tpu.memory_space<vmem>>, %arg9: memref<128x16xf32, #tpu.memory_space<vmem>>, %arg10: memref<!tpu.dma_semaphore, #tpu.memory_space<semaphore_mem>>, %arg11: memref<!tpu.dma_semaphore, #tpu.memory_space<semaphore_mem>>) attributes {dimension_semantics = [#tpu.dimension_semantics<core_parallel>, #tpu.dimension_semantics<subcore_parallel>], iteration_bounds = array<i64: 2, 16>, scalar_prefetch = 0 : i64, scratch_operands = 6 : i64, tpu.core_type = #tpu.core_type<sc_vector_subcore>, window_params = [{transform_indices = #map}, {transform_indices = #map1}, {transform_indices = #map1}, {transform_indices = #map2}]} {
    %mul3A = arith.constant 16 : i32
    %mul3A_0 = arith.muli %arg0, %mul3A : i32
    %add3A = arith.addi %mul3A_0, %arg1 : i32
    %mul3A_1 = arith.constant 1896 : i32
    %mul3A_2 = arith.muli %arg1, %mul3A_1 : i32
    "tpu.region"() ({
      %run_scoped3A = tpu.sem_alloc : memref<!tpu.dma_semaphore, #tpu.memory_space<semaphore_mem>>
      %dma_start3A = arith.constant 0 : i32
      %dma_start3A_21 = tpu.memref_slice %arg6[%mul3A_2, %dma_start3A] : memref<30336x16xf32, #tpu.memory_space<vmem_shared>> -> memref<1896x16xf32, #tpu.memory_space<vmem_shared>>
      tpu.enqueue_dma source(%arg4 : memref<1896x16xf32, #tpu.memory_space<hbm>>) target(%dma_start3A_21 : memref<1896x16xf32, #tpu.memory_space<vmem_shared>>) target_semaphore(%run_scoped3A : memref<!tpu.dma_semaphore, #tpu.memory_space<semaphore_mem>>)
      %dma_wait3A = arith.constant 0 : i32
      %dma_wait3A_22 = tpu.memref_slice %arg6[%mul3A_2, %dma_wait3A] : memref<30336x16xf32, #tpu.memory_space<vmem_shared>> -> memref<1896x16xf32, #tpu.memory_space<vmem_shared>>
      tpu.wait_dma2 semaphore(%run_scoped3A : memref<!tpu.dma_semaphore, #tpu.memory_space<semaphore_mem>>) src(%arg4 : memref<1896x16xf32, #tpu.memory_space<hbm>>) dst(%dma_wait3A_22 : memref<1896x16xf32, #tpu.memory_space<vmem_shared>>)
      tpu.yield
    }) : () -> ()
    "tpu.region"() ({
      %run_scoped3A = tpu.sem_alloc : memref<!tpu.dma_semaphore, #tpu.memory_space<semaphore_mem>>
      tpu.enqueue_dma source(%arg3 : memref<128x16xf32, #tpu.memory_space<hbm>>) target(%arg9 : memref<128x16xf32, #tpu.memory_space<vmem>>) target_semaphore(%run_scoped3A : memref<!tpu.dma_semaphore, #tpu.memory_space<semaphore_mem>>)
      tpu.wait_dma2 semaphore(%run_scoped3A : memref<!tpu.dma_semaphore, #tpu.memory_space<semaphore_mem>>) src(%arg3 : memref<128x16xf32, #tpu.memory_space<hbm>>) dst(%arg9 : memref<128x16xf32, #tpu.memory_space<vmem>>)
      tpu.yield
    }) : () -> ()
    %add3A_3 = arith.constant 0 : i32
    %add3A_4 = arith.addi %add3A_3, %add3A : i32
    %lt3A = arith.constant 2500 : i32
    %lt3A_5 = arith.cmpi slt, %add3A_4, %lt3A : i32
    %convert_element_type3A = arith.extui %lt3A_5 : i1 to i32
    %cond3A = arith.constant 0 : i32
    %cond3A_6 = arith.cmpi ne, %convert_element_type3A, %cond3A : i32
    scf.if %cond3A_6 {
      %add3A_21 = arith.constant 0 : i32
      %add3A_22 = arith.addi %add3A_21, %add3A : i32
      %mul3A_23 = arith.constant 128 : i32
      %mul3A_24 = arith.muli %add3A_22, %mul3A_23 : i32
      %dma_start3A = tpu.memref_slice %arg2[%mul3A_24] : memref<320000xi32, #tpu.memory_space<hbm>> -> memref<128xi32, #tpu.memory_space<hbm>>
      %dma_start3A_25 = tpu.memref_slice %arg2[%mul3A_24] : memref<320000xi32, #tpu.memory_space<hbm>> -> memref<128xi32, #tpu.memory_space<hbm>>
      tpu.enqueue_dma source(%dma_start3A_25 : memref<128xi32, #tpu.memory_space<hbm>>) target(%arg7 : memref<128xi32, #tpu.memory_space<vmem>>) target_semaphore(%arg10 : memref<!tpu.dma_semaphore, #tpu.memory_space<semaphore_mem>>)
    } else {
    }
    %add3A_7 = arith.constant 32 : i32
    %add3A_8 = arith.addi %add3A_7, %add3A : i32
    %lt3A_9 = arith.constant 2500 : i32
    %lt3A_10 = arith.cmpi slt, %add3A_8, %lt3A_9 : i32
    %convert_element_type3A_11 = arith.extui %lt3A_10 : i1 to i32
    %cond3A_12 = arith.constant 0 : i32
    %cond3A_13 = arith.cmpi ne, %convert_element_type3A_11, %cond3A_12 : i32
    scf.if %cond3A_13 {
      %add3A_21 = arith.constant 32 : i32
      %add3A_22 = arith.addi %add3A_21, %add3A : i32
      %mul3A_23 = arith.constant 128 : i32
      %mul3A_24 = arith.muli %add3A_22, %mul3A_23 : i32
      %dma_start3A = tpu.memref_slice %arg2[%mul3A_24] : memref<320000xi32, #tpu.memory_space<hbm>> -> memref<128xi32, #tpu.memory_space<hbm>>
      %dma_start3A_25 = tpu.memref_slice %arg2[%mul3A_24] : memref<320000xi32, #tpu.memory_space<hbm>> -> memref<128xi32, #tpu.memory_space<hbm>>
      tpu.enqueue_dma source(%dma_start3A_25 : memref<128xi32, #tpu.memory_space<hbm>>) target(%arg8 : memref<128xi32, #tpu.memory_space<vmem>>) target_semaphore(%arg11 : memref<!tpu.dma_semaphore, #tpu.memory_space<semaphore_mem>>)
    } else {
    }
    %barrier3A = arith.constant 0 : index
    tpu.barrier barrier_id(%barrier3A)
    %scan3A = arith.constant 0 : i32
    %scan3A_14 = arith.constant 79 : i32
    %scan3A_15 = arith.addi %scan3A, %scan3A_14 : i32
    %scan3A_16 = arith.constant 1 : i32
    scf.for %scan3A_21 = %scan3A to %scan3A_15 step %scan3A_16  : i32 {
      %mul3A_22 = arith.constant 1 : i32
      %mul3A_23 = arith.muli %scan3A_21, %mul3A_22 : i32
      %add3A_24 = arith.constant 0 : i32
      %add3A_25 = arith.addi %add3A_24, %mul3A_23 : i32
      %mul3A_26 = arith.constant 32 : i32
      %mul3A_27 = arith.muli %add3A_25, %mul3A_26 : i32
      %add3A_28 = arith.addi %mul3A_27, %add3A : i32
      %lt3A_29 = arith.constant 2500 : i32
      %lt3A_30 = arith.cmpi slt, %add3A_28, %lt3A_29 : i32
      %convert_element_type3A_31 = arith.extui %lt3A_30 : i1 to i32
      %cond3A_32 = arith.constant 0 : i32
      %cond3A_33 = arith.cmpi ne, %convert_element_type3A_31, %cond3A_32 : i32
      scf.if %cond3A_33 {
        %rem3A = arith.constant 2 : i32
        %rem3A_34 = arith.remsi %add3A_25, %rem3A : i32
        %eq3A = arith.constant 0 : i32
        %eq3A_35 = arith.cmpi eq, %rem3A_34, %eq3A : i32
        %convert_element_type3A_36 = arith.extui %eq3A_35 : i1 to i32
        %cond3A_37 = arith.constant 0 : i32
        %cond3A_38 = arith.cmpi ne, %convert_element_type3A_36, %cond3A_37 : i32
        scf.if %cond3A_38 {
          %mul3A_46 = arith.constant 32 : i32
          %mul3A_47 = arith.muli %add3A_25, %mul3A_46 : i32
          %add3A_48 = arith.addi %mul3A_47, %add3A : i32
          %mul3A_49 = arith.constant 128 : i32
          %mul3A_50 = arith.muli %add3A_48, %mul3A_49 : i32
          %dma_wait3A = tpu.memref_slice %arg2[%mul3A_50] : memref<320000xi32, #tpu.memory_space<hbm>> -> memref<128xi32, #tpu.memory_space<hbm>>
          %dma_wait3A_51 = tpu.memref_slice %arg2[%mul3A_50] : memref<320000xi32, #tpu.memory_space<hbm>> -> memref<128xi32, #tpu.memory_space<hbm>>
          tpu.wait_dma2 semaphore(%arg10 : memref<!tpu.dma_semaphore, #tpu.memory_space<semaphore_mem>>) src(%dma_wait3A_51 : memref<128xi32, #tpu.memory_space<hbm>>) dst(%arg7 : memref<128xi32, #tpu.memory_space<vmem>>)
          "tpu.region"() ({
            %run_scoped3A = tpu.sem_alloc : memref<!tpu.dma_semaphore, #tpu.memory_space<semaphore_mem>>
            %dma_start3A = arith.constant 0 : i32
            %dma_start3A_62 = arith.constant 0 : i32
            %dma_start3A_63 = tpu.memref_slice %arg6[%dma_start3A, %dma_start3A_62] : memref<30336x16xf32, #tpu.memory_space<vmem_shared>> -> memref<30336x16xf32, #tpu.memory_space<vmem_shared>>
            tpu.enqueue_indirect_dma source(%arg9 : memref<128x16xf32, #tpu.memory_space<vmem>>) target(%dma_start3A_63 : memref<30336x16xf32, #tpu.memory_space<vmem_shared>>) offsets(%arg7 : memref<128xi32, #tpu.memory_space<vmem>>) semaphore(%run_scoped3A : memref<!tpu.dma_semaphore, #tpu.memory_space<semaphore_mem>>) {add = true}
            %dma_wait3A_64 = arith.constant 0 : i32
            %dma_wait3A_65 = arith.constant 0 : i32
            %dma_wait3A_66 = tpu.memref_slice %arg6[%dma_wait3A_64, %dma_wait3A_65] : memref<30336x16xf32, #tpu.memory_space<vmem_shared>> -> memref<30336x16xf32, #tpu.memory_space<vmem_shared>>
            tpu.wait_indirect_dma semaphore(%run_scoped3A : memref<!tpu.dma_semaphore, #tpu.memory_space<semaphore_mem>>) src(%arg9 : memref<128x16xf32, #tpu.memory_space<vmem>>) dst(%dma_wait3A_66 : memref<30336x16xf32, #tpu.memory_space<vmem_shared>>)
            tpu.yield
          }) : () -> ()
          %add3A_52 = arith.constant 2 : i32
          %add3A_53 = arith.addi %add3A_25, %add3A_52 : i32
          %mul3A_54 = arith.constant 32 : i32
          %mul3A_55 = arith.muli %add3A_53, %mul3A_54 : i32
          %add3A_56 = arith.addi %mul3A_55, %add3A : i32
          %lt3A_57 = arith.constant 2500 : i32
          %lt3A_58 = arith.cmpi slt, %add3A_56, %lt3A_57 : i32
          %convert_element_type3A_59 = arith.extui %lt3A_58 : i1 to i32
          %cond3A_60 = arith.constant 0 : i32
          %cond3A_61 = arith.cmpi ne, %convert_element_type3A_59, %cond3A_60 : i32
          scf.if %cond3A_61 {
            %mul3A_62 = arith.constant 32 : i32
            %mul3A_63 = arith.muli %add3A_53, %mul3A_62 : i32
            %add3A_64 = arith.addi %mul3A_63, %add3A : i32
            %mul3A_65 = arith.constant 128 : i32
            %mul3A_66 = arith.muli %add3A_64, %mul3A_65 : i32
            %dma_start3A = tpu.memref_slice %arg2[%mul3A_66] : memref<320000xi32, #tpu.memory_space<hbm>> -> memref<128xi32, #tpu.memory_space<hbm>>
            %dma_start3A_67 = tpu.memref_slice %arg2[%mul3A_66] : memref<320000xi32, #tpu.memory_space<hbm>> -> memref<128xi32, #tpu.memory_space<hbm>>
            tpu.enqueue_dma source(%dma_start3A_67 : memref<128xi32, #tpu.memory_space<hbm>>) target(%arg7 : memref<128xi32, #tpu.memory_space<vmem>>) target_semaphore(%arg10 : memref<!tpu.dma_semaphore, #tpu.memory_space<semaphore_mem>>)
          } else {
          }
        } else {
        }
        %rem3A_39 = arith.constant 2 : i32
        %rem3A_40 = arith.remsi %add3A_25, %rem3A_39 : i32
        %eq3A_41 = arith.constant 1 : i32
        %eq3A_42 = arith.cmpi eq, %rem3A_40, %eq3A_41 : i32
        %convert_element_type3A_43 = arith.extui %eq3A_42 : i1 to i32
        %cond3A_44 = arith.constant 0 : i32
        %cond3A_45 = arith.cmpi ne, %convert_element_type3A_43, %cond3A_44 : i32
        scf.if %cond3A_45 {
          %mul3A_46 = arith.constant 32 : i32
          %mul3A_47 = arith.muli %add3A_25, %mul3A_46 : i32
          %add3A_48 = arith.addi %mul3A_47, %add3A : i32
          %mul3A_49 = arith.constant 128 : i32
          %mul3A_50 = arith.muli %add3A_48, %mul3A_49 : i32
          %dma_wait3A = tpu.memref_slice %arg2[%mul3A_50] : memref<320000xi32, #tpu.memory_space<hbm>> -> memref<128xi32, #tpu.memory_space<hbm>>
          %dma_wait3A_51 = tpu.memref_slice %arg2[%mul3A_50] : memref<320000xi32, #tpu.memory_space<hbm>> -> memref<128xi32, #tpu.memory_space<hbm>>
          tpu.wait_dma2 semaphore(%arg11 : memref<!tpu.dma_semaphore, #tpu.memory_space<semaphore_mem>>) src(%dma_wait3A_51 : memref<128xi32, #tpu.memory_space<hbm>>) dst(%arg8 : memref<128xi32, #tpu.memory_space<vmem>>)
          "tpu.region"() ({
            %run_scoped3A = tpu.sem_alloc : memref<!tpu.dma_semaphore, #tpu.memory_space<semaphore_mem>>
            %dma_start3A = arith.constant 0 : i32
            %dma_start3A_62 = arith.constant 0 : i32
            %dma_start3A_63 = tpu.memref_slice %arg6[%dma_start3A, %dma_start3A_62] : memref<30336x16xf32, #tpu.memory_space<vmem_shared>> -> memref<30336x16xf32, #tpu.memory_space<vmem_shared>>
            tpu.enqueue_indirect_dma source(%arg9 : memref<128x16xf32, #tpu.memory_space<vmem>>) target(%dma_start3A_63 : memref<30336x16xf32, #tpu.memory_space<vmem_shared>>) offsets(%arg8 : memref<128xi32, #tpu.memory_space<vmem>>) semaphore(%run_scoped3A : memref<!tpu.dma_semaphore, #tpu.memory_space<semaphore_mem>>) {add = true}
            %dma_wait3A_64 = arith.constant 0 : i32
            %dma_wait3A_65 = arith.constant 0 : i32
            %dma_wait3A_66 = tpu.memref_slice %arg6[%dma_wait3A_64, %dma_wait3A_65] : memref<30336x16xf32, #tpu.memory_space<vmem_shared>> -> memref<30336x16xf32, #tpu.memory_space<vmem_shared>>
            tpu.wait_indirect_dma semaphore(%run_scoped3A : memref<!tpu.dma_semaphore, #tpu.memory_space<semaphore_mem>>) src(%arg9 : memref<128x16xf32, #tpu.memory_space<vmem>>) dst(%dma_wait3A_66 : memref<30336x16xf32, #tpu.memory_space<vmem_shared>>)
            tpu.yield
          }) : () -> ()
          %add3A_52 = arith.constant 2 : i32
          %add3A_53 = arith.addi %add3A_25, %add3A_52 : i32
          %mul3A_54 = arith.constant 32 : i32
          %mul3A_55 = arith.muli %add3A_53, %mul3A_54 : i32
          %add3A_56 = arith.addi %mul3A_55, %add3A : i32
          %lt3A_57 = arith.constant 2500 : i32
          %lt3A_58 = arith.cmpi slt, %add3A_56, %lt3A_57 : i32
          %convert_element_type3A_59 = arith.extui %lt3A_58 : i1 to i32
          %cond3A_60 = arith.constant 0 : i32
          %cond3A_61 = arith.cmpi ne, %convert_element_type3A_59, %cond3A_60 : i32
          scf.if %cond3A_61 {
            %mul3A_62 = arith.constant 32 : i32
            %mul3A_63 = arith.muli %add3A_53, %mul3A_62 : i32
            %add3A_64 = arith.addi %mul3A_63, %add3A : i32
            %mul3A_65 = arith.constant 128 : i32
            %mul3A_66 = arith.muli %add3A_64, %mul3A_65 : i32
            %dma_start3A = tpu.memref_slice %arg2[%mul3A_66] : memref<320000xi32, #tpu.memory_space<hbm>> -> memref<128xi32, #tpu.memory_space<hbm>>
            %dma_start3A_67 = tpu.memref_slice %arg2[%mul3A_66] : memref<320000xi32, #tpu.memory_space<hbm>> -> memref<128xi32, #tpu.memory_space<hbm>>
            tpu.enqueue_dma source(%dma_start3A_67 : memref<128xi32, #tpu.memory_space<hbm>>) target(%arg8 : memref<128xi32, #tpu.memory_space<vmem>>) target_semaphore(%arg11 : memref<!tpu.dma_semaphore, #tpu.memory_space<semaphore_mem>>)
          } else {
          }
        } else {
        }
      } else {
      }
    }
    %scan3A_17 = arith.constant 79 : i32
    %barrier3A_18 = arith.constant 0 : index
    tpu.barrier barrier_id(%barrier3A_18)
    %mul3A_19 = arith.constant 1896 : i32
    %mul3A_20 = arith.muli %arg1, %mul3A_19 : i32
    "tpu.region"() ({
      %run_scoped3A = tpu.sem_alloc : memref<!tpu.dma_semaphore, #tpu.memory_space<semaphore_mem>>
      %dma_start3A = arith.constant 0 : i32
      %dma_start3A_21 = arith.constant 0 : i32
      %dma_start3A_22 = tpu.memref_slice %arg5[%arg0, %dma_start3A, %dma_start3A_21] : memref<2x30336x16xf32, #tpu.memory_space<hbm>> -> memref<1x30336x16xf32, #tpu.memory_space<hbm>>
      %dma_start3A_23 = tpu.memref_squeeze %dma_start3A_22 : memref<1x30336x16xf32, #tpu.memory_space<hbm>> -> memref<30336x16xf32, #tpu.memory_space<hbm>>
      %dma_start3A_24 = arith.constant 0 : i32
      %dma_start3A_25 = tpu.memref_slice %dma_start3A_23[%mul3A_20, %dma_start3A_24] : memref<30336x16xf32, #tpu.memory_space<hbm>> -> memref<1896x16xf32, #tpu.memory_space<hbm>>
      %dma_start3A_26 = arith.constant 0 : i32
      %dma_start3A_27 = tpu.memref_slice %arg6[%mul3A_20, %dma_start3A_26] : memref<30336x16xf32, #tpu.memory_space<vmem_shared>> -> memref<1896x16xf32, #tpu.memory_space<vmem_shared>>
      tpu.enqueue_dma source(%dma_start3A_27 : memref<1896x16xf32, #tpu.memory_space<vmem_shared>>) target(%dma_start3A_25 : memref<1896x16xf32, #tpu.memory_space<hbm>>) target_semaphore(%run_scoped3A : memref<!tpu.dma_semaphore, #tpu.memory_space<semaphore_mem>>)
      %dma_wait3A = arith.constant 0 : i32
      %dma_wait3A_28 = arith.constant 0 : i32
      %dma_wait3A_29 = tpu.memref_slice %arg5[%arg0, %dma_wait3A, %dma_wait3A_28] : memref<2x30336x16xf32, #tpu.memory_space<hbm>> -> memref<1x30336x16xf32, #tpu.memory_space<hbm>>
      %dma_wait3A_30 = tpu.memref_squeeze %dma_wait3A_29 : memref<1x30336x16xf32, #tpu.memory_space<hbm>> -> memref<30336x16xf32, #tpu.memory_space<hbm>>
      %dma_wait3A_31 = arith.constant 0 : i32
      %dma_wait3A_32 = tpu.memref_slice %dma_wait3A_30[%mul3A_20, %dma_wait3A_31] : memref<30336x16xf32, #tpu.memory_space<hbm>> -> memref<1896x16xf32, #tpu.memory_space<hbm>>
      %dma_wait3A_33 = arith.constant 0 : i32
      %dma_wait3A_34 = tpu.memref_slice %arg6[%mul3A_20, %dma_wait3A_33] : memref<30336x16xf32, #tpu.memory_space<vmem_shared>> -> memref<1896x16xf32, #tpu.memory_space<vmem_shared>>
      tpu.wait_dma2 semaphore(%run_scoped3A : memref<!tpu.dma_semaphore, #tpu.memory_space<semaphore_mem>>) src(%dma_wait3A_34 : memref<1896x16xf32, #tpu.memory_space<vmem_shared>>) dst(%dma_wait3A_32 : memref<1896x16xf32, #tpu.memory_space<hbm>>)
      tpu.yield
    }) : () -> ()
    return
  }
}

#map = affine_map<(d0, d1) -> (0, 0)>
#map1 = affine_map<(d0, d1) -> (0, 0, 0)>
module attributes {stable_mosaic.version = 14 : i64} {
  func.func @_agg_body(%arg0: i32, %arg1: i32, %arg2: memref<20000x64xf32, #tpu.memory_space<hbm>>, %arg3: memref<5008x2x64xi32, #tpu.memory_space<hbm>>, %arg4: memref<1896x64xf32, #tpu.memory_space<hbm>>, %arg5: memref<2x30336x64xf32, #tpu.memory_space<hbm>>, %arg6: memref<30336x64xf32, #tpu.memory_space<vmem_shared>>, %arg7: memref<64x64xf32, #tpu.memory_space<vmem>>, %arg8: memref<64x64xf32, #tpu.memory_space<vmem>>, %arg9: memref<2x64xi32, #tpu.memory_space<vmem>>, %arg10: memref<2x64xi32, #tpu.memory_space<vmem>>, %arg11: memref<2x64xi32, #tpu.memory_space<vmem>>, %arg12: memref<!tpu.dma_semaphore, #tpu.memory_space<semaphore_mem>>, %arg13: memref<!tpu.dma_semaphore, #tpu.memory_space<semaphore_mem>>, %arg14: memref<!tpu.dma_semaphore, #tpu.memory_space<semaphore_mem>>, %arg15: memref<!tpu.dma_semaphore, #tpu.memory_space<semaphore_mem>>, %arg16: memref<!tpu.dma_semaphore, #tpu.memory_space<semaphore_mem>>, %arg17: memref<!tpu.dma_semaphore, #tpu.memory_space<semaphore_mem>>, %arg18: memref<!tpu.dma_semaphore, #tpu.memory_space<semaphore_mem>>) attributes {dimension_semantics = [#tpu.dimension_semantics<core_parallel>, #tpu.dimension_semantics<subcore_parallel>], iteration_bounds = array<i64: 2, 16>, scalar_prefetch = 0 : i64, scratch_operands = 13 : i64, tpu.core_type = #tpu.core_type<sc_vector_subcore>, window_params = [{transform_indices = #map}, {transform_indices = #map1}, {transform_indices = #map}, {transform_indices = #map1}]} {
    %mul3A = arith.constant 1896 : i32
    %mul3A_0 = arith.muli %arg1, %mul3A : i32
    %dma_start3A = arith.constant 0 : i32
    %dma_start3A_1 = tpu.memref_slice %arg6[%mul3A_0, %dma_start3A] : memref<30336x64xf32, #tpu.memory_space<vmem_shared>> -> memref<1896x64xf32, #tpu.memory_space<vmem_shared>>
    tpu.enqueue_dma source(%arg4 : memref<1896x64xf32, #tpu.memory_space<hbm>>) target(%dma_start3A_1 : memref<1896x64xf32, #tpu.memory_space<vmem_shared>>) target_semaphore(%arg18 : memref<!tpu.dma_semaphore, #tpu.memory_space<semaphore_mem>>)
    %add3A = arith.constant 0 : i32
    %add3A_2 = arith.addi %add3A, %arg1 : i32
    %dma_start3A_3 = arith.constant 0 : i32
    %dma_start3A_4 = arith.constant 0 : i32
    %dma_start3A_5 = tpu.memref_slice %arg3[%add3A_2, %dma_start3A_3, %dma_start3A_4] : memref<5008x2x64xi32, #tpu.memory_space<hbm>> -> memref<1x2x64xi32, #tpu.memory_space<hbm>>
    %dma_start3A_6 = tpu.memref_squeeze %dma_start3A_5 : memref<1x2x64xi32, #tpu.memory_space<hbm>> -> memref<2x64xi32, #tpu.memory_space<hbm>>
    %dma_start3A_7 = arith.constant 0 : i32
    %dma_start3A_8 = arith.constant 0 : i32
    %dma_start3A_9 = tpu.memref_slice %arg3[%add3A_2, %dma_start3A_7, %dma_start3A_8] : memref<5008x2x64xi32, #tpu.memory_space<hbm>> -> memref<1x2x64xi32, #tpu.memory_space<hbm>>
    %dma_start3A_10 = tpu.memref_squeeze %dma_start3A_9 : memref<1x2x64xi32, #tpu.memory_space<hbm>> -> memref<2x64xi32, #tpu.memory_space<hbm>>
    tpu.enqueue_dma source(%dma_start3A_10 : memref<2x64xi32, #tpu.memory_space<hbm>>) target(%arg9 : memref<2x64xi32, #tpu.memory_space<vmem>>) target_semaphore(%arg16 : memref<!tpu.dma_semaphore, #tpu.memory_space<semaphore_mem>>)
    %add3A_11 = arith.constant 16 : i32
    %add3A_12 = arith.addi %add3A_11, %arg1 : i32
    %dma_start3A_13 = arith.constant 0 : i32
    %dma_start3A_14 = arith.constant 0 : i32
    %dma_start3A_15 = tpu.memref_slice %arg3[%add3A_12, %dma_start3A_13, %dma_start3A_14] : memref<5008x2x64xi32, #tpu.memory_space<hbm>> -> memref<1x2x64xi32, #tpu.memory_space<hbm>>
    %dma_start3A_16 = tpu.memref_squeeze %dma_start3A_15 : memref<1x2x64xi32, #tpu.memory_space<hbm>> -> memref<2x64xi32, #tpu.memory_space<hbm>>
    %dma_start3A_17 = arith.constant 0 : i32
    %dma_start3A_18 = arith.constant 0 : i32
    %dma_start3A_19 = tpu.memref_slice %arg3[%add3A_12, %dma_start3A_17, %dma_start3A_18] : memref<5008x2x64xi32, #tpu.memory_space<hbm>> -> memref<1x2x64xi32, #tpu.memory_space<hbm>>
    %dma_start3A_20 = tpu.memref_squeeze %dma_start3A_19 : memref<1x2x64xi32, #tpu.memory_space<hbm>> -> memref<2x64xi32, #tpu.memory_space<hbm>>
    tpu.enqueue_dma source(%dma_start3A_20 : memref<2x64xi32, #tpu.memory_space<hbm>>) target(%arg10 : memref<2x64xi32, #tpu.memory_space<vmem>>) target_semaphore(%arg17 : memref<!tpu.dma_semaphore, #tpu.memory_space<semaphore_mem>>)
    %add3A_21 = arith.constant 0 : i32
    %add3A_22 = arith.addi %add3A_21, %arg1 : i32
    %dma_wait3A = arith.constant 0 : i32
    %dma_wait3A_23 = arith.constant 0 : i32
    %dma_wait3A_24 = tpu.memref_slice %arg3[%add3A_22, %dma_wait3A, %dma_wait3A_23] : memref<5008x2x64xi32, #tpu.memory_space<hbm>> -> memref<1x2x64xi32, #tpu.memory_space<hbm>>
    %dma_wait3A_25 = tpu.memref_squeeze %dma_wait3A_24 : memref<1x2x64xi32, #tpu.memory_space<hbm>> -> memref<2x64xi32, #tpu.memory_space<hbm>>
    %dma_wait3A_26 = arith.constant 0 : i32
    %dma_wait3A_27 = arith.constant 0 : i32
    %dma_wait3A_28 = tpu.memref_slice %arg3[%add3A_22, %dma_wait3A_26, %dma_wait3A_27] : memref<5008x2x64xi32, #tpu.memory_space<hbm>> -> memref<1x2x64xi32, #tpu.memory_space<hbm>>
    %dma_wait3A_29 = tpu.memref_squeeze %dma_wait3A_28 : memref<1x2x64xi32, #tpu.memory_space<hbm>> -> memref<2x64xi32, #tpu.memory_space<hbm>>
    tpu.wait_dma2 semaphore(%arg16 : memref<!tpu.dma_semaphore, #tpu.memory_space<semaphore_mem>>) src(%dma_wait3A_29 : memref<2x64xi32, #tpu.memory_space<hbm>>) dst(%arg9 : memref<2x64xi32, #tpu.memory_space<vmem>>)
    %dma_start3A_30 = arith.constant 0 : i32
    %dma_start3A_31 = arith.constant 0 : i32
    %dma_start3A_32 = tpu.memref_slice %arg9[%dma_start3A_30, %dma_start3A_31] : memref<2x64xi32, #tpu.memory_space<vmem>> -> memref<1x64xi32, #tpu.memory_space<vmem>>
    %dma_start3A_33 = tpu.memref_squeeze %dma_start3A_32 : memref<1x64xi32, #tpu.memory_space<vmem>> -> memref<64xi32, #tpu.memory_space<vmem>>
    %dma_start3A_34 = arith.constant 0 : i32
    %dma_start3A_35 = tpu.memref_slice %arg2[%arg0, %dma_start3A_34] : memref<20000x64xf32, #tpu.memory_space<hbm>> -> memref<19999x64xf32, #tpu.memory_space<hbm>>
    %dma_start3A_36 = arith.constant 0 : i32
    %dma_start3A_37 = arith.constant 0 : i32
    %dma_start3A_38 = tpu.memref_slice %dma_start3A_35[%dma_start3A_36, %dma_start3A_37] : memref<19999x64xf32, #tpu.memory_space<hbm>> -> memref<19999x64xf32, #tpu.memory_space<hbm>>
    tpu.enqueue_indirect_dma source(%dma_start3A_38 : memref<19999x64xf32, #tpu.memory_space<hbm>>) target(%arg7 : memref<64x64xf32, #tpu.memory_space<vmem>>) offsets(%dma_start3A_33 : memref<64xi32, #tpu.memory_space<vmem>>) semaphore(%arg12 : memref<!tpu.dma_semaphore, #tpu.memory_space<semaphore_mem>>)
    %dma_wait3A_39 = arith.constant 0 : i32
    %dma_wait3A_40 = tpu.memref_slice %arg6[%mul3A_0, %dma_wait3A_39] : memref<30336x64xf32, #tpu.memory_space<vmem_shared>> -> memref<1896x64xf32, #tpu.memory_space<vmem_shared>>
    tpu.wait_dma2 semaphore(%arg18 : memref<!tpu.dma_semaphore, #tpu.memory_space<semaphore_mem>>) src(%arg4 : memref<1896x64xf32, #tpu.memory_space<hbm>>) dst(%dma_wait3A_40 : memref<1896x64xf32, #tpu.memory_space<vmem_shared>>)
    %barrier3A = arith.constant 0 : index
    tpu.barrier barrier_id(%barrier3A)
    %scan3A = arith.constant 0 : i32
    %scan3A_41 = arith.constant 313 : i32
    %scan3A_42 = arith.addi %scan3A, %scan3A_41 : i32
    %scan3A_43 = arith.constant 1 : i32
    scf.for %scan3A_55 = %scan3A to %scan3A_42 step %scan3A_43  : i32 {
      %mul3A_56 = arith.constant 1 : i32
      %mul3A_57 = arith.muli %scan3A_55, %mul3A_56 : i32
      %add3A_58 = arith.constant 0 : i32
      %add3A_59 = arith.addi %add3A_58, %mul3A_57 : i32
      %rem3A = arith.constant 3 : i32
      %rem3A_60 = arith.remsi %add3A_59, %rem3A : i32
      %eq3A = arith.constant 0 : i32
      %eq3A_61 = arith.cmpi eq, %rem3A_60, %eq3A : i32
      %convert_element_type3A = arith.extui %eq3A_61 : i1 to i32
      %cond3A = arith.constant 0 : i32
      %cond3A_62 = arith.cmpi ne, %convert_element_type3A, %cond3A : i32
      scf.if %cond3A_62 {
        %rem3A_77 = arith.constant 2 : i32
        %rem3A_78 = arith.remsi %add3A_59, %rem3A_77 : i32
        %eq3A_79 = arith.constant 0 : i32
        %eq3A_80 = arith.cmpi eq, %rem3A_78, %eq3A_79 : i32
        %convert_element_type3A_81 = arith.extui %eq3A_80 : i1 to i32
        %cond3A_82 = arith.constant 0 : i32
        %cond3A_83 = arith.cmpi ne, %convert_element_type3A_81, %cond3A_82 : i32
        scf.if %cond3A_83 {
          %dma_wait3A_91 = arith.constant 0 : i32
          %dma_wait3A_92 = arith.constant 0 : i32
          %dma_wait3A_93 = tpu.memref_slice %arg9[%dma_wait3A_91, %dma_wait3A_92] : memref<2x64xi32, #tpu.memory_space<vmem>> -> memref<1x64xi32, #tpu.memory_space<vmem>>
          %dma_wait3A_94 = tpu.memref_squeeze %dma_wait3A_93 : memref<1x64xi32, #tpu.memory_space<vmem>> -> memref<64xi32, #tpu.memory_space<vmem>>
          %dma_wait3A_95 = arith.constant 0 : i32
          %dma_wait3A_96 = tpu.memref_slice %arg2[%arg0, %dma_wait3A_95] : memref<20000x64xf32, #tpu.memory_space<hbm>> -> memref<19999x64xf32, #tpu.memory_space<hbm>>
          %dma_wait3A_97 = arith.constant 0 : i32
          %dma_wait3A_98 = arith.constant 0 : i32
          %dma_wait3A_99 = tpu.memref_slice %dma_wait3A_96[%dma_wait3A_97, %dma_wait3A_98] : memref<19999x64xf32, #tpu.memory_space<hbm>> -> memref<19999x64xf32, #tpu.memory_space<hbm>>
          tpu.wait_indirect_dma semaphore(%arg12 : memref<!tpu.dma_semaphore, #tpu.memory_space<semaphore_mem>>) src(%dma_wait3A_99 : memref<19999x64xf32, #tpu.memory_space<hbm>>) dst(%arg7 : memref<64x64xf32, #tpu.memory_space<vmem>>)
          %dma_start3A_100 = arith.constant 1 : i32
          %dma_start3A_101 = arith.constant 0 : i32
          %dma_start3A_102 = tpu.memref_slice %arg9[%dma_start3A_100, %dma_start3A_101] : memref<2x64xi32, #tpu.memory_space<vmem>> -> memref<1x64xi32, #tpu.memory_space<vmem>>
          %dma_start3A_103 = tpu.memref_squeeze %dma_start3A_102 : memref<1x64xi32, #tpu.memory_space<vmem>> -> memref<64xi32, #tpu.memory_space<vmem>>
          %dma_start3A_104 = arith.constant 0 : i32
          %dma_start3A_105 = arith.constant 0 : i32
          %dma_start3A_106 = tpu.memref_slice %arg6[%dma_start3A_104, %dma_start3A_105] : memref<30336x64xf32, #tpu.memory_space<vmem_shared>> -> memref<30336x64xf32, #tpu.memory_space<vmem_shared>>
          tpu.enqueue_indirect_dma source(%arg7 : memref<64x64xf32, #tpu.memory_space<vmem>>) target(%dma_start3A_106 : memref<30336x64xf32, #tpu.memory_space<vmem_shared>>) offsets(%dma_start3A_103 : memref<64xi32, #tpu.memory_space<vmem>>) semaphore(%arg14 : memref<!tpu.dma_semaphore, #tpu.memory_space<semaphore_mem>>) {add = true}
          %add3A_107 = arith.constant 1 : i32
          %add3A_108 = arith.addi %add3A_59, %add3A_107 : i32
          %lt3A = arith.constant 313 : i32
          %lt3A_109 = arith.cmpi slt, %add3A_108, %lt3A : i32
          %convert_element_type3A_110 = arith.extui %lt3A_109 : i1 to i32
          %cond3A_111 = arith.constant 0 : i32
          %cond3A_112 = arith.cmpi ne, %convert_element_type3A_110, %cond3A_111 : i32
          scf.if %cond3A_112 {
            %add3A_131 = arith.constant 1 : i32
            %add3A_132 = arith.addi %add3A_59, %add3A_131 : i32
            %mul3A_133 = arith.constant 16 : i32
            %mul3A_134 = arith.muli %add3A_132, %mul3A_133 : i32
            %add3A_135 = arith.addi %mul3A_134, %arg1 : i32
            %dma_wait3A_136 = arith.constant 0 : i32
            %dma_wait3A_137 = arith.constant 0 : i32
            %dma_wait3A_138 = tpu.memref_slice %arg3[%add3A_135, %dma_wait3A_136, %dma_wait3A_137] : memref<5008x2x64xi32, #tpu.memory_space<hbm>> -> memref<1x2x64xi32, #tpu.memory_space<hbm>>
            %dma_wait3A_139 = tpu.memref_squeeze %dma_wait3A_138 : memref<1x2x64xi32, #tpu.memory_space<hbm>> -> memref<2x64xi32, #tpu.memory_space<hbm>>
            %dma_wait3A_140 = arith.constant 0 : i32
            %dma_wait3A_141 = arith.constant 0 : i32
            %dma_wait3A_142 = tpu.memref_slice %arg3[%add3A_135, %dma_wait3A_140, %dma_wait3A_141] : memref<5008x2x64xi32, #tpu.memory_space<hbm>> -> memref<1x2x64xi32, #tpu.memory_space<hbm>>
            %dma_wait3A_143 = tpu.memref_squeeze %dma_wait3A_142 : memref<1x2x64xi32, #tpu.memory_space<hbm>> -> memref<2x64xi32, #tpu.memory_space<hbm>>
            tpu.wait_dma2 semaphore(%arg17 : memref<!tpu.dma_semaphore, #tpu.memory_space<semaphore_mem>>) src(%dma_wait3A_143 : memref<2x64xi32, #tpu.memory_space<hbm>>) dst(%arg10 : memref<2x64xi32, #tpu.memory_space<vmem>>)
          } else {
          }
          %ge3A = arith.constant 1 : i32
          %ge3A_113 = arith.cmpi sge, %add3A_59, %ge3A : i32
          %convert_element_type3A_114 = arith.extui %ge3A_113 : i1 to i32
          %cond3A_115 = arith.constant 0 : i32
          %cond3A_116 = arith.cmpi ne, %convert_element_type3A_114, %cond3A_115 : i32
          scf.if %cond3A_116 {
            %sub3A = arith.constant 1 : i32
            %sub3A_131 = arith.subi %add3A_59, %sub3A : i32
            %dma_wait3A_132 = arith.constant 1 : i32
            %dma_wait3A_133 = arith.constant 0 : i32
            %dma_wait3A_134 = tpu.memref_slice %arg11[%dma_wait3A_132, %dma_wait3A_133] : memref<2x64xi32, #tpu.memory_space<vmem>> -> memref<1x64xi32, #tpu.memory_space<vmem>>
            %dma_wait3A_135 = tpu.memref_squeeze %dma_wait3A_134 : memref<1x64xi32, #tpu.memory_space<vmem>> -> memref<64xi32, #tpu.memory_space<vmem>>
            %dma_wait3A_136 = arith.constant 0 : i32
            %dma_wait3A_137 = arith.constant 0 : i32
            %dma_wait3A_138 = tpu.memref_slice %arg6[%dma_wait3A_136, %dma_wait3A_137] : memref<30336x64xf32, #tpu.memory_space<vmem_shared>> -> memref<30336x64xf32, #tpu.memory_space<vmem_shared>>
            tpu.wait_indirect_dma semaphore(%arg15 : memref<!tpu.dma_semaphore, #tpu.memory_space<semaphore_mem>>) src(%arg8 : memref<64x64xf32, #tpu.memory_space<vmem>>) dst(%dma_wait3A_138 : memref<30336x64xf32, #tpu.memory_space<vmem_shared>>)
          } else {
          }
          %add3A_117 = arith.constant 1 : i32
          %add3A_118 = arith.addi %add3A_59, %add3A_117 : i32
          %lt3A_119 = arith.constant 313 : i32
          %lt3A_120 = arith.cmpi slt, %add3A_118, %lt3A_119 : i32
          %convert_element_type3A_121 = arith.extui %lt3A_120 : i1 to i32
          %cond3A_122 = arith.constant 0 : i32
          %cond3A_123 = arith.cmpi ne, %convert_element_type3A_121, %cond3A_122 : i32
          scf.if %cond3A_123 {
            %add3A_131 = arith.constant 1 : i32
            %add3A_132 = arith.addi %add3A_59, %add3A_131 : i32
            %dma_start3A_133 = arith.constant 0 : i32
            %dma_start3A_134 = arith.constant 0 : i32
            %dma_start3A_135 = tpu.memref_slice %arg10[%dma_start3A_133, %dma_start3A_134] : memref<2x64xi32, #tpu.memory_space<vmem>> -> memref<1x64xi32, #tpu.memory_space<vmem>>
            %dma_start3A_136 = tpu.memref_squeeze %dma_start3A_135 : memref<1x64xi32, #tpu.memory_space<vmem>> -> memref<64xi32, #tpu.memory_space<vmem>>
            %dma_start3A_137 = arith.constant 0 : i32
            %dma_start3A_138 = tpu.memref_slice %arg2[%arg0, %dma_start3A_137] : memref<20000x64xf32, #tpu.memory_space<hbm>> -> memref<19999x64xf32, #tpu.memory_space<hbm>>
            %dma_start3A_139 = arith.constant 0 : i32
            %dma_start3A_140 = arith.constant 0 : i32
            %dma_start3A_141 = tpu.memref_slice %dma_start3A_138[%dma_start3A_139, %dma_start3A_140] : memref<19999x64xf32, #tpu.memory_space<hbm>> -> memref<19999x64xf32, #tpu.memory_space<hbm>>
            tpu.enqueue_indirect_dma source(%dma_start3A_141 : memref<19999x64xf32, #tpu.memory_space<hbm>>) target(%arg8 : memref<64x64xf32, #tpu.memory_space<vmem>>) offsets(%dma_start3A_136 : memref<64xi32, #tpu.memory_space<vmem>>) semaphore(%arg13 : memref<!tpu.dma_semaphore, #tpu.memory_space<semaphore_mem>>)
          } else {
          }
          %add3A_124 = arith.constant 2 : i32
          %add3A_125 = arith.addi %add3A_59, %add3A_124 : i32
          %lt3A_126 = arith.constant 313 : i32
          %lt3A_127 = arith.cmpi slt, %add3A_125, %lt3A_126 : i32
          %convert_element_type3A_128 = arith.extui %lt3A_127 : i1 to i32
          %cond3A_129 = arith.constant 0 : i32
          %cond3A_130 = arith.cmpi ne, %convert_element_type3A_128, %cond3A_129 : i32
          scf.if %cond3A_130 {
            %add3A_131 = arith.constant 2 : i32
            %add3A_132 = arith.addi %add3A_59, %add3A_131 : i32
            %mul3A_133 = arith.constant 16 : i32
            %mul3A_134 = arith.muli %add3A_132, %mul3A_133 : i32
            %add3A_135 = arith.addi %mul3A_134, %arg1 : i32
            %dma_start3A_136 = arith.constant 0 : i32
            %dma_start3A_137 = arith.constant 0 : i32
            %dma_start3A_138 = tpu.memref_slice %arg3[%add3A_135, %dma_start3A_136, %dma_start3A_137] : memref<5008x2x64xi32, #tpu.memory_space<hbm>> -> memref<1x2x64xi32, #tpu.memory_space<hbm>>
            %dma_start3A_139 = tpu.memref_squeeze %dma_start3A_138 : memref<1x2x64xi32, #tpu.memory_space<hbm>> -> memref<2x64xi32, #tpu.memory_space<hbm>>
            %dma_start3A_140 = arith.constant 0 : i32
            %dma_start3A_141 = arith.constant 0 : i32
            %dma_start3A_142 = tpu.memref_slice %arg3[%add3A_135, %dma_start3A_140, %dma_start3A_141] : memref<5008x2x64xi32, #tpu.memory_space<hbm>> -> memref<1x2x64xi32, #tpu.memory_space<hbm>>
            %dma_start3A_143 = tpu.memref_squeeze %dma_start3A_142 : memref<1x2x64xi32, #tpu.memory_space<hbm>> -> memref<2x64xi32, #tpu.memory_space<hbm>>
            tpu.enqueue_dma source(%dma_start3A_143 : memref<2x64xi32, #tpu.memory_space<hbm>>) target(%arg11 : memref<2x64xi32, #tpu.memory_space<vmem>>) target_semaphore(%arg18 : memref<!tpu.dma_semaphore, #tpu.memory_space<semaphore_mem>>)
          } else {
          }
        } else {
        }
        %rem3A_84 = arith.constant 2 : i32
        %rem3A_85 = arith.remsi %add3A_59, %rem3A_84 : i32
        %eq3A_86 = arith.constant 1 : i32
        %eq3A_87 = arith.cmpi eq, %rem3A_85, %eq3A_86 : i32
        %convert_element_type3A_88 = arith.extui %eq3A_87 : i1 to i32
        %cond3A_89 = arith.constant 0 : i32
        %cond3A_90 = arith.cmpi ne, %convert_element_type3A_88, %cond3A_89 : i32
        scf.if %cond3A_90 {
          %dma_wait3A_91 = arith.constant 0 : i32
          %dma_wait3A_92 = arith.constant 0 : i32
          %dma_wait3A_93 = tpu.memref_slice %arg9[%dma_wait3A_91, %dma_wait3A_92] : memref<2x64xi32, #tpu.memory_space<vmem>> -> memref<1x64xi32, #tpu.memory_space<vmem>>
          %dma_wait3A_94 = tpu.memref_squeeze %dma_wait3A_93 : memref<1x64xi32, #tpu.memory_space<vmem>> -> memref<64xi32, #tpu.memory_space<vmem>>
          %dma_wait3A_95 = arith.constant 0 : i32
          %dma_wait3A_96 = tpu.memref_slice %arg2[%arg0, %dma_wait3A_95] : memref<20000x64xf32, #tpu.memory_space<hbm>> -> memref<19999x64xf32, #tpu.memory_space<hbm>>
          %dma_wait3A_97 = arith.constant 0 : i32
          %dma_wait3A_98 = arith.constant 0 : i32
          %dma_wait3A_99 = tpu.memref_slice %dma_wait3A_96[%dma_wait3A_97, %dma_wait3A_98] : memref<19999x64xf32, #tpu.memory_space<hbm>> -> memref<19999x64xf32, #tpu.memory_space<hbm>>
          tpu.wait_indirect_dma semaphore(%arg13 : memref<!tpu.dma_semaphore, #tpu.memory_space<semaphore_mem>>) src(%dma_wait3A_99 : memref<19999x64xf32, #tpu.memory_space<hbm>>) dst(%arg8 : memref<64x64xf32, #tpu.memory_space<vmem>>)
          %dma_start3A_100 = arith.constant 1 : i32
          %dma_start3A_101 = arith.constant 0 : i32
          %dma_start3A_102 = tpu.memref_slice %arg9[%dma_start3A_100, %dma_start3A_101] : memref<2x64xi32, #tpu.memory_space<vmem>> -> memref<1x64xi32, #tpu.memory_space<vmem>>
          %dma_start3A_103 = tpu.memref_squeeze %dma_start3A_102 : memref<1x64xi32, #tpu.memory_space<vmem>> -> memref<64xi32, #tpu.memory_space<vmem>>
          %dma_start3A_104 = arith.constant 0 : i32
          %dma_start3A_105 = arith.constant 0 : i32
          %dma_start3A_106 = tpu.memref_slice %arg6[%dma_start3A_104, %dma_start3A_105] : memref<30336x64xf32, #tpu.memory_space<vmem_shared>> -> memref<30336x64xf32, #tpu.memory_space<vmem_shared>>
          tpu.enqueue_indirect_dma source(%arg8 : memref<64x64xf32, #tpu.memory_space<vmem>>) target(%dma_start3A_106 : memref<30336x64xf32, #tpu.memory_space<vmem_shared>>) offsets(%dma_start3A_103 : memref<64xi32, #tpu.memory_space<vmem>>) semaphore(%arg15 : memref<!tpu.dma_semaphore, #tpu.memory_space<semaphore_mem>>) {add = true}
          %add3A_107 = arith.constant 1 : i32
          %add3A_108 = arith.addi %add3A_59, %add3A_107 : i32
          %lt3A = arith.constant 313 : i32
          %lt3A_109 = arith.cmpi slt, %add3A_108, %lt3A : i32
          %convert_element_type3A_110 = arith.extui %lt3A_109 : i1 to i32
          %cond3A_111 = arith.constant 0 : i32
          %cond3A_112 = arith.cmpi ne, %convert_element_type3A_110, %cond3A_111 : i32
          scf.if %cond3A_112 {
            %add3A_131 = arith.constant 1 : i32
            %add3A_132 = arith.addi %add3A_59, %add3A_131 : i32
            %mul3A_133 = arith.constant 16 : i32
            %mul3A_134 = arith.muli %add3A_132, %mul3A_133 : i32
            %add3A_135 = arith.addi %mul3A_134, %arg1 : i32
            %dma_wait3A_136 = arith.constant 0 : i32
            %dma_wait3A_137 = arith.constant 0 : i32
            %dma_wait3A_138 = tpu.memref_slice %arg3[%add3A_135, %dma_wait3A_136, %dma_wait3A_137] : memref<5008x2x64xi32, #tpu.memory_space<hbm>> -> memref<1x2x64xi32, #tpu.memory_space<hbm>>
            %dma_wait3A_139 = tpu.memref_squeeze %dma_wait3A_138 : memref<1x2x64xi32, #tpu.memory_space<hbm>> -> memref<2x64xi32, #tpu.memory_space<hbm>>
            %dma_wait3A_140 = arith.constant 0 : i32
            %dma_wait3A_141 = arith.constant 0 : i32
            %dma_wait3A_142 = tpu.memref_slice %arg3[%add3A_135, %dma_wait3A_140, %dma_wait3A_141] : memref<5008x2x64xi32, #tpu.memory_space<hbm>> -> memref<1x2x64xi32, #tpu.memory_space<hbm>>
            %dma_wait3A_143 = tpu.memref_squeeze %dma_wait3A_142 : memref<1x2x64xi32, #tpu.memory_space<hbm>> -> memref<2x64xi32, #tpu.memory_space<hbm>>
            tpu.wait_dma2 semaphore(%arg17 : memref<!tpu.dma_semaphore, #tpu.memory_space<semaphore_mem>>) src(%dma_wait3A_143 : memref<2x64xi32, #tpu.memory_space<hbm>>) dst(%arg10 : memref<2x64xi32, #tpu.memory_space<vmem>>)
          } else {
          }
          %ge3A = arith.constant 1 : i32
          %ge3A_113 = arith.cmpi sge, %add3A_59, %ge3A : i32
          %convert_element_type3A_114 = arith.extui %ge3A_113 : i1 to i32
          %cond3A_115 = arith.constant 0 : i32
          %cond3A_116 = arith.cmpi ne, %convert_element_type3A_114, %cond3A_115 : i32
          scf.if %cond3A_116 {
            %sub3A = arith.constant 1 : i32
            %sub3A_131 = arith.subi %add3A_59, %sub3A : i32
            %dma_wait3A_132 = arith.constant 1 : i32
            %dma_wait3A_133 = arith.constant 0 : i32
            %dma_wait3A_134 = tpu.memref_slice %arg11[%dma_wait3A_132, %dma_wait3A_133] : memref<2x64xi32, #tpu.memory_space<vmem>> -> memref<1x64xi32, #tpu.memory_space<vmem>>
            %dma_wait3A_135 = tpu.memref_squeeze %dma_wait3A_134 : memref<1x64xi32, #tpu.memory_space<vmem>> -> memref<64xi32, #tpu.memory_space<vmem>>
            %dma_wait3A_136 = arith.constant 0 : i32
            %dma_wait3A_137 = arith.constant 0 : i32
            %dma_wait3A_138 = tpu.memref_slice %arg6[%dma_wait3A_136, %dma_wait3A_137] : memref<30336x64xf32, #tpu.memory_space<vmem_shared>> -> memref<30336x64xf32, #tpu.memory_space<vmem_shared>>
            tpu.wait_indirect_dma semaphore(%arg14 : memref<!tpu.dma_semaphore, #tpu.memory_space<semaphore_mem>>) src(%arg7 : memref<64x64xf32, #tpu.memory_space<vmem>>) dst(%dma_wait3A_138 : memref<30336x64xf32, #tpu.memory_space<vmem_shared>>)
          } else {
          }
          %add3A_117 = arith.constant 1 : i32
          %add3A_118 = arith.addi %add3A_59, %add3A_117 : i32
          %lt3A_119 = arith.constant 313 : i32
          %lt3A_120 = arith.cmpi slt, %add3A_118, %lt3A_119 : i32
          %convert_element_type3A_121 = arith.extui %lt3A_120 : i1 to i32
          %cond3A_122 = arith.constant 0 : i32
          %cond3A_123 = arith.cmpi ne, %convert_element_type3A_121, %cond3A_122 : i32
          scf.if %cond3A_123 {
            %add3A_131 = arith.constant 1 : i32
            %add3A_132 = arith.addi %add3A_59, %add3A_131 : i32
            %dma_start3A_133 = arith.constant 0 : i32
            %dma_start3A_134 = arith.constant 0 : i32
            %dma_start3A_135 = tpu.memref_slice %arg10[%dma_start3A_133, %dma_start3A_134] : memref<2x64xi32, #tpu.memory_space<vmem>> -> memref<1x64xi32, #tpu.memory_space<vmem>>
            %dma_start3A_136 = tpu.memref_squeeze %dma_start3A_135 : memref<1x64xi32, #tpu.memory_space<vmem>> -> memref<64xi32, #tpu.memory_space<vmem>>
            %dma_start3A_137 = arith.constant 0 : i32
            %dma_start3A_138 = tpu.memref_slice %arg2[%arg0, %dma_start3A_137] : memref<20000x64xf32, #tpu.memory_space<hbm>> -> memref<19999x64xf32, #tpu.memory_space<hbm>>
            %dma_start3A_139 = arith.constant 0 : i32
            %dma_start3A_140 = arith.constant 0 : i32
            %dma_start3A_141 = tpu.memref_slice %dma_start3A_138[%dma_start3A_139, %dma_start3A_140] : memref<19999x64xf32, #tpu.memory_space<hbm>> -> memref<19999x64xf32, #tpu.memory_space<hbm>>
            tpu.enqueue_indirect_dma source(%dma_start3A_141 : memref<19999x64xf32, #tpu.memory_space<hbm>>) target(%arg7 : memref<64x64xf32, #tpu.memory_space<vmem>>) offsets(%dma_start3A_136 : memref<64xi32, #tpu.memory_space<vmem>>) semaphore(%arg12 : memref<!tpu.dma_semaphore, #tpu.memory_space<semaphore_mem>>)
          } else {
          }
          %add3A_124 = arith.constant 2 : i32
          %add3A_125 = arith.addi %add3A_59, %add3A_124 : i32
          %lt3A_126 = arith.constant 313 : i32
          %lt3A_127 = arith.cmpi slt, %add3A_125, %lt3A_126 : i32
          %convert_element_type3A_128 = arith.extui %lt3A_127 : i1 to i32
          %cond3A_129 = arith.constant 0 : i32
          %cond3A_130 = arith.cmpi ne, %convert_element_type3A_128, %cond3A_129 : i32
          scf.if %cond3A_130 {
            %add3A_131 = arith.constant 2 : i32
            %add3A_132 = arith.addi %add3A_59, %add3A_131 : i32
            %mul3A_133 = arith.constant 16 : i32
            %mul3A_134 = arith.muli %add3A_132, %mul3A_133 : i32
            %add3A_135 = arith.addi %mul3A_134, %arg1 : i32
            %dma_start3A_136 = arith.constant 0 : i32
            %dma_start3A_137 = arith.constant 0 : i32
            %dma_start3A_138 = tpu.memref_slice %arg3[%add3A_135, %dma_start3A_136, %dma_start3A_137] : memref<5008x2x64xi32, #tpu.memory_space<hbm>> -> memref<1x2x64xi32, #tpu.memory_space<hbm>>
            %dma_start3A_139 = tpu.memref_squeeze %dma_start3A_138 : memref<1x2x64xi32, #tpu.memory_space<hbm>> -> memref<2x64xi32, #tpu.memory_space<hbm>>
            %dma_start3A_140 = arith.constant 0 : i32
            %dma_start3A_141 = arith.constant 0 : i32
            %dma_start3A_142 = tpu.memref_slice %arg3[%add3A_135, %dma_start3A_140, %dma_start3A_141] : memref<5008x2x64xi32, #tpu.memory_space<hbm>> -> memref<1x2x64xi32, #tpu.memory_space<hbm>>
            %dma_start3A_143 = tpu.memref_squeeze %dma_start3A_142 : memref<1x2x64xi32, #tpu.memory_space<hbm>> -> memref<2x64xi32, #tpu.memory_space<hbm>>
            tpu.enqueue_dma source(%dma_start3A_143 : memref<2x64xi32, #tpu.memory_space<hbm>>) target(%arg11 : memref<2x64xi32, #tpu.memory_space<vmem>>) target_semaphore(%arg18 : memref<!tpu.dma_semaphore, #tpu.memory_space<semaphore_mem>>)
          } else {
          }
        } else {
        }
      } else {
      }
      %rem3A_63 = arith.constant 3 : i32
      %rem3A_64 = arith.remsi %add3A_59, %rem3A_63 : i32
      %eq3A_65 = arith.constant 1 : i32
      %eq3A_66 = arith.cmpi eq, %rem3A_64, %eq3A_65 : i32
      %convert_element_type3A_67 = arith.extui %eq3A_66 : i1 to i32
      %cond3A_68 = arith.constant 0 : i32
      %cond3A_69 = arith.cmpi ne, %convert_element_type3A_67, %cond3A_68 : i32
      scf.if %cond3A_69 {
        %rem3A_77 = arith.constant 2 : i32
        %rem3A_78 = arith.remsi %add3A_59, %rem3A_77 : i32
        %eq3A_79 = arith.constant 0 : i32
        %eq3A_80 = arith.cmpi eq, %rem3A_78, %eq3A_79 : i32
        %convert_element_type3A_81 = arith.extui %eq3A_80 : i1 to i32
        %cond3A_82 = arith.constant 0 : i32
        %cond3A_83 = arith.cmpi ne, %convert_element_type3A_81, %cond3A_82 : i32
        scf.if %cond3A_83 {
          %dma_wait3A_91 = arith.constant 0 : i32
          %dma_wait3A_92 = arith.constant 0 : i32
          %dma_wait3A_93 = tpu.memref_slice %arg10[%dma_wait3A_91, %dma_wait3A_92] : memref<2x64xi32, #tpu.memory_space<vmem>> -> memref<1x64xi32, #tpu.memory_space<vmem>>
          %dma_wait3A_94 = tpu.memref_squeeze %dma_wait3A_93 : memref<1x64xi32, #tpu.memory_space<vmem>> -> memref<64xi32, #tpu.memory_space<vmem>>
          %dma_wait3A_95 = arith.constant 0 : i32
          %dma_wait3A_96 = tpu.memref_slice %arg2[%arg0, %dma_wait3A_95] : memref<20000x64xf32, #tpu.memory_space<hbm>> -> memref<19999x64xf32, #tpu.memory_space<hbm>>
          %dma_wait3A_97 = arith.constant 0 : i32
          %dma_wait3A_98 = arith.constant 0 : i32
          %dma_wait3A_99 = tpu.memref_slice %dma_wait3A_96[%dma_wait3A_97, %dma_wait3A_98] : memref<19999x64xf32, #tpu.memory_space<hbm>> -> memref<19999x64xf32, #tpu.memory_space<hbm>>
          tpu.wait_indirect_dma semaphore(%arg12 : memref<!tpu.dma_semaphore, #tpu.memory_space<semaphore_mem>>) src(%dma_wait3A_99 : memref<19999x64xf32, #tpu.memory_space<hbm>>) dst(%arg7 : memref<64x64xf32, #tpu.memory_space<vmem>>)
          %dma_start3A_100 = arith.constant 1 : i32
          %dma_start3A_101 = arith.constant 0 : i32
          %dma_start3A_102 = tpu.memref_slice %arg10[%dma_start3A_100, %dma_start3A_101] : memref<2x64xi32, #tpu.memory_space<vmem>> -> memref<1x64xi32, #tpu.memory_space<vmem>>
          %dma_start3A_103 = tpu.memref_squeeze %dma_start3A_102 : memref<1x64xi32, #tpu.memory_space<vmem>> -> memref<64xi32, #tpu.memory_space<vmem>>
          %dma_start3A_104 = arith.constant 0 : i32
          %dma_start3A_105 = arith.constant 0 : i32
          %dma_start3A_106 = tpu.memref_slice %arg6[%dma_start3A_104, %dma_start3A_105] : memref<30336x64xf32, #tpu.memory_space<vmem_shared>> -> memref<30336x64xf32, #tpu.memory_space<vmem_shared>>
          tpu.enqueue_indirect_dma source(%arg7 : memref<64x64xf32, #tpu.memory_space<vmem>>) target(%dma_start3A_106 : memref<30336x64xf32, #tpu.memory_space<vmem_shared>>) offsets(%dma_start3A_103 : memref<64xi32, #tpu.memory_space<vmem>>) semaphore(%arg14 : memref<!tpu.dma_semaphore, #tpu.memory_space<semaphore_mem>>) {add = true}
          %add3A_107 = arith.constant 1 : i32
          %add3A_108 = arith.addi %add3A_59, %add3A_107 : i32
          %lt3A = arith.constant 313 : i32
          %lt3A_109 = arith.cmpi slt, %add3A_108, %lt3A : i32
          %convert_element_type3A_110 = arith.extui %lt3A_109 : i1 to i32
          %cond3A_111 = arith.constant 0 : i32
          %cond3A_112 = arith.cmpi ne, %convert_element_type3A_110, %cond3A_111 : i32
          scf.if %cond3A_112 {
            %add3A_131 = arith.constant 1 : i32
            %add3A_132 = arith.addi %add3A_59, %add3A_131 : i32
            %mul3A_133 = arith.constant 16 : i32
            %mul3A_134 = arith.muli %add3A_132, %mul3A_133 : i32
            %add3A_135 = arith.addi %mul3A_134, %arg1 : i32
            %dma_wait3A_136 = arith.constant 0 : i32
            %dma_wait3A_137 = arith.constant 0 : i32
            %dma_wait3A_138 = tpu.memref_slice %arg3[%add3A_135, %dma_wait3A_136, %dma_wait3A_137] : memref<5008x2x64xi32, #tpu.memory_space<hbm>> -> memref<1x2x64xi32, #tpu.memory_space<hbm>>
            %dma_wait3A_139 = tpu.memref_squeeze %dma_wait3A_138 : memref<1x2x64xi32, #tpu.memory_space<hbm>> -> memref<2x64xi32, #tpu.memory_space<hbm>>
            %dma_wait3A_140 = arith.constant 0 : i32
            %dma_wait3A_141 = arith.constant 0 : i32
            %dma_wait3A_142 = tpu.memref_slice %arg3[%add3A_135, %dma_wait3A_140, %dma_wait3A_141] : memref<5008x2x64xi32, #tpu.memory_space<hbm>> -> memref<1x2x64xi32, #tpu.memory_space<hbm>>
            %dma_wait3A_143 = tpu.memref_squeeze %dma_wait3A_142 : memref<1x2x64xi32, #tpu.memory_space<hbm>> -> memref<2x64xi32, #tpu.memory_space<hbm>>
            tpu.wait_dma2 semaphore(%arg18 : memref<!tpu.dma_semaphore, #tpu.memory_space<semaphore_mem>>) src(%dma_wait3A_143 : memref<2x64xi32, #tpu.memory_space<hbm>>) dst(%arg11 : memref<2x64xi32, #tpu.memory_space<vmem>>)
          } else {
          }
          %ge3A = arith.constant 1 : i32
          %ge3A_113 = arith.cmpi sge, %add3A_59, %ge3A : i32
          %convert_element_type3A_114 = arith.extui %ge3A_113 : i1 to i32
          %cond3A_115 = arith.constant 0 : i32
          %cond3A_116 = arith.cmpi ne, %convert_element_type3A_114, %cond3A_115 : i32
          scf.if %cond3A_116 {
            %sub3A = arith.constant 1 : i32
            %sub3A_131 = arith.subi %add3A_59, %sub3A : i32
            %dma_wait3A_132 = arith.constant 1 : i32
            %dma_wait3A_133 = arith.constant 0 : i32
            %dma_wait3A_134 = tpu.memref_slice %arg9[%dma_wait3A_132, %dma_wait3A_133] : memref<2x64xi32, #tpu.memory_space<vmem>> -> memref<1x64xi32, #tpu.memory_space<vmem>>
            %dma_wait3A_135 = tpu.memref_squeeze %dma_wait3A_134 : memref<1x64xi32, #tpu.memory_space<vmem>> -> memref<64xi32, #tpu.memory_space<vmem>>
            %dma_wait3A_136 = arith.constant 0 : i32
            %dma_wait3A_137 = arith.constant 0 : i32
            %dma_wait3A_138 = tpu.memref_slice %arg6[%dma_wait3A_136, %dma_wait3A_137] : memref<30336x64xf32, #tpu.memory_space<vmem_shared>> -> memref<30336x64xf32, #tpu.memory_space<vmem_shared>>
            tpu.wait_indirect_dma semaphore(%arg15 : memref<!tpu.dma_semaphore, #tpu.memory_space<semaphore_mem>>) src(%arg8 : memref<64x64xf32, #tpu.memory_space<vmem>>) dst(%dma_wait3A_138 : memref<30336x64xf32, #tpu.memory_space<vmem_shared>>)
          } else {
          }
          %add3A_117 = arith.constant 1 : i32
          %add3A_118 = arith.addi %add3A_59, %add3A_117 : i32
          %lt3A_119 = arith.constant 313 : i32
          %lt3A_120 = arith.cmpi slt, %add3A_118, %lt3A_119 : i32
          %convert_element_type3A_121 = arith.extui %lt3A_120 : i1 to i32
          %cond3A_122 = arith.constant 0 : i32
          %cond3A_123 = arith.cmpi ne, %convert_element_type3A_121, %cond3A_122 : i32
          scf.if %cond3A_123 {
            %add3A_131 = arith.constant 1 : i32
            %add3A_132 = arith.addi %add3A_59, %add3A_131 : i32
            %dma_start3A_133 = arith.constant 0 : i32
            %dma_start3A_134 = arith.constant 0 : i32
            %dma_start3A_135 = tpu.memref_slice %arg11[%dma_start3A_133, %dma_start3A_134] : memref<2x64xi32, #tpu.memory_space<vmem>> -> memref<1x64xi32, #tpu.memory_space<vmem>>
            %dma_start3A_136 = tpu.memref_squeeze %dma_start3A_135 : memref<1x64xi32, #tpu.memory_space<vmem>> -> memref<64xi32, #tpu.memory_space<vmem>>
            %dma_start3A_137 = arith.constant 0 : i32
            %dma_start3A_138 = tpu.memref_slice %arg2[%arg0, %dma_start3A_137] : memref<20000x64xf32, #tpu.memory_space<hbm>> -> memref<19999x64xf32, #tpu.memory_space<hbm>>
            %dma_start3A_139 = arith.constant 0 : i32
            %dma_start3A_140 = arith.constant 0 : i32
            %dma_start3A_141 = tpu.memref_slice %dma_start3A_138[%dma_start3A_139, %dma_start3A_140] : memref<19999x64xf32, #tpu.memory_space<hbm>> -> memref<19999x64xf32, #tpu.memory_space<hbm>>
            tpu.enqueue_indirect_dma source(%dma_start3A_141 : memref<19999x64xf32, #tpu.memory_space<hbm>>) target(%arg8 : memref<64x64xf32, #tpu.memory_space<vmem>>) offsets(%dma_start3A_136 : memref<64xi32, #tpu.memory_space<vmem>>) semaphore(%arg13 : memref<!tpu.dma_semaphore, #tpu.memory_space<semaphore_mem>>)
          } else {
          }
          %add3A_124 = arith.constant 2 : i32
          %add3A_125 = arith.addi %add3A_59, %add3A_124 : i32
          %lt3A_126 = arith.constant 313 : i32
          %lt3A_127 = arith.cmpi slt, %add3A_125, %lt3A_126 : i32
          %convert_element_type3A_128 = arith.extui %lt3A_127 : i1 to i32
          %cond3A_129 = arith.constant 0 : i32
          %cond3A_130 = arith.cmpi ne, %convert_element_type3A_128, %cond3A_129 : i32
          scf.if %cond3A_130 {
            %add3A_131 = arith.constant 2 : i32
            %add3A_132 = arith.addi %add3A_59, %add3A_131 : i32
            %mul3A_133 = arith.constant 16 : i32
            %mul3A_134 = arith.muli %add3A_132, %mul3A_133 : i32
            %add3A_135 = arith.addi %mul3A_134, %arg1 : i32
            %dma_start3A_136 = arith.constant 0 : i32
            %dma_start3A_137 = arith.constant 0 : i32
            %dma_start3A_138 = tpu.memref_slice %arg3[%add3A_135, %dma_start3A_136, %dma_start3A_137] : memref<5008x2x64xi32, #tpu.memory_space<hbm>> -> memref<1x2x64xi32, #tpu.memory_space<hbm>>
            %dma_start3A_139 = tpu.memref_squeeze %dma_start3A_138 : memref<1x2x64xi32, #tpu.memory_space<hbm>> -> memref<2x64xi32, #tpu.memory_space<hbm>>
            %dma_start3A_140 = arith.constant 0 : i32
            %dma_start3A_141 = arith.constant 0 : i32
            %dma_start3A_142 = tpu.memref_slice %arg3[%add3A_135, %dma_start3A_140, %dma_start3A_141] : memref<5008x2x64xi32, #tpu.memory_space<hbm>> -> memref<1x2x64xi32, #tpu.memory_space<hbm>>
            %dma_start3A_143 = tpu.memref_squeeze %dma_start3A_142 : memref<1x2x64xi32, #tpu.memory_space<hbm>> -> memref<2x64xi32, #tpu.memory_space<hbm>>
            tpu.enqueue_dma source(%dma_start3A_143 : memref<2x64xi32, #tpu.memory_space<hbm>>) target(%arg9 : memref<2x64xi32, #tpu.memory_space<vmem>>) target_semaphore(%arg16 : memref<!tpu.dma_semaphore, #tpu.memory_space<semaphore_mem>>)
          } else {
          }
        } else {
        }
        %rem3A_84 = arith.constant 2 : i32
        %rem3A_85 = arith.remsi %add3A_59, %rem3A_84 : i32
        %eq3A_86 = arith.constant 1 : i32
        %eq3A_87 = arith.cmpi eq, %rem3A_85, %eq3A_86 : i32
        %convert_element_type3A_88 = arith.extui %eq3A_87 : i1 to i32
        %cond3A_89 = arith.constant 0 : i32
        %cond3A_90 = arith.cmpi ne, %convert_element_type3A_88, %cond3A_89 : i32
        scf.if %cond3A_90 {
          %dma_wait3A_91 = arith.constant 0 : i32
          %dma_wait3A_92 = arith.constant 0 : i32
          %dma_wait3A_93 = tpu.memref_slice %arg10[%dma_wait3A_91, %dma_wait3A_92] : memref<2x64xi32, #tpu.memory_space<vmem>> -> memref<1x64xi32, #tpu.memory_space<vmem>>
          %dma_wait3A_94 = tpu.memref_squeeze %dma_wait3A_93 : memref<1x64xi32, #tpu.memory_space<vmem>> -> memref<64xi32, #tpu.memory_space<vmem>>
          %dma_wait3A_95 = arith.constant 0 : i32
          %dma_wait3A_96 = tpu.memref_slice %arg2[%arg0, %dma_wait3A_95] : memref<20000x64xf32, #tpu.memory_space<hbm>> -> memref<19999x64xf32, #tpu.memory_space<hbm>>
          %dma_wait3A_97 = arith.constant 0 : i32
          %dma_wait3A_98 = arith.constant 0 : i32
          %dma_wait3A_99 = tpu.memref_slice %dma_wait3A_96[%dma_wait3A_97, %dma_wait3A_98] : memref<19999x64xf32, #tpu.memory_space<hbm>> -> memref<19999x64xf32, #tpu.memory_space<hbm>>
          tpu.wait_indirect_dma semaphore(%arg13 : memref<!tpu.dma_semaphore, #tpu.memory_space<semaphore_mem>>) src(%dma_wait3A_99 : memref<19999x64xf32, #tpu.memory_space<hbm>>) dst(%arg8 : memref<64x64xf32, #tpu.memory_space<vmem>>)
          %dma_start3A_100 = arith.constant 1 : i32
          %dma_start3A_101 = arith.constant 0 : i32
          %dma_start3A_102 = tpu.memref_slice %arg10[%dma_start3A_100, %dma_start3A_101] : memref<2x64xi32, #tpu.memory_space<vmem>> -> memref<1x64xi32, #tpu.memory_space<vmem>>
          %dma_start3A_103 = tpu.memref_squeeze %dma_start3A_102 : memref<1x64xi32, #tpu.memory_space<vmem>> -> memref<64xi32, #tpu.memory_space<vmem>>
          %dma_start3A_104 = arith.constant 0 : i32
          %dma_start3A_105 = arith.constant 0 : i32
          %dma_start3A_106 = tpu.memref_slice %arg6[%dma_start3A_104, %dma_start3A_105] : memref<30336x64xf32, #tpu.memory_space<vmem_shared>> -> memref<30336x64xf32, #tpu.memory_space<vmem_shared>>
          tpu.enqueue_indirect_dma source(%arg8 : memref<64x64xf32, #tpu.memory_space<vmem>>) target(%dma_start3A_106 : memref<30336x64xf32, #tpu.memory_space<vmem_shared>>) offsets(%dma_start3A_103 : memref<64xi32, #tpu.memory_space<vmem>>) semaphore(%arg15 : memref<!tpu.dma_semaphore, #tpu.memory_space<semaphore_mem>>) {add = true}
          %add3A_107 = arith.constant 1 : i32
          %add3A_108 = arith.addi %add3A_59, %add3A_107 : i32
          %lt3A = arith.constant 313 : i32
          %lt3A_109 = arith.cmpi slt, %add3A_108, %lt3A : i32
          %convert_element_type3A_110 = arith.extui %lt3A_109 : i1 to i32
          %cond3A_111 = arith.constant 0 : i32
          %cond3A_112 = arith.cmpi ne, %convert_element_type3A_110, %cond3A_111 : i32
          scf.if %cond3A_112 {
            %add3A_131 = arith.constant 1 : i32
            %add3A_132 = arith.addi %add3A_59, %add3A_131 : i32
            %mul3A_133 = arith.constant 16 : i32
            %mul3A_134 = arith.muli %add3A_132, %mul3A_133 : i32
            %add3A_135 = arith.addi %mul3A_134, %arg1 : i32
            %dma_wait3A_136 = arith.constant 0 : i32
            %dma_wait3A_137 = arith.constant 0 : i32
            %dma_wait3A_138 = tpu.memref_slice %arg3[%add3A_135, %dma_wait3A_136, %dma_wait3A_137] : memref<5008x2x64xi32, #tpu.memory_space<hbm>> -> memref<1x2x64xi32, #tpu.memory_space<hbm>>
            %dma_wait3A_139 = tpu.memref_squeeze %dma_wait3A_138 : memref<1x2x64xi32, #tpu.memory_space<hbm>> -> memref<2x64xi32, #tpu.memory_space<hbm>>
            %dma_wait3A_140 = arith.constant 0 : i32
            %dma_wait3A_141 = arith.constant 0 : i32
            %dma_wait3A_142 = tpu.memref_slice %arg3[%add3A_135, %dma_wait3A_140, %dma_wait3A_141] : memref<5008x2x64xi32, #tpu.memory_space<hbm>> -> memref<1x2x64xi32, #tpu.memory_space<hbm>>
            %dma_wait3A_143 = tpu.memref_squeeze %dma_wait3A_142 : memref<1x2x64xi32, #tpu.memory_space<hbm>> -> memref<2x64xi32, #tpu.memory_space<hbm>>
            tpu.wait_dma2 semaphore(%arg18 : memref<!tpu.dma_semaphore, #tpu.memory_space<semaphore_mem>>) src(%dma_wait3A_143 : memref<2x64xi32, #tpu.memory_space<hbm>>) dst(%arg11 : memref<2x64xi32, #tpu.memory_space<vmem>>)
          } else {
          }
          %ge3A = arith.constant 1 : i32
          %ge3A_113 = arith.cmpi sge, %add3A_59, %ge3A : i32
          %convert_element_type3A_114 = arith.extui %ge3A_113 : i1 to i32
          %cond3A_115 = arith.constant 0 : i32
          %cond3A_116 = arith.cmpi ne, %convert_element_type3A_114, %cond3A_115 : i32
          scf.if %cond3A_116 {
            %sub3A = arith.constant 1 : i32
            %sub3A_131 = arith.subi %add3A_59, %sub3A : i32
            %dma_wait3A_132 = arith.constant 1 : i32
            %dma_wait3A_133 = arith.constant 0 : i32
            %dma_wait3A_134 = tpu.memref_slice %arg9[%dma_wait3A_132, %dma_wait3A_133] : memref<2x64xi32, #tpu.memory_space<vmem>> -> memref<1x64xi32, #tpu.memory_space<vmem>>
            %dma_wait3A_135 = tpu.memref_squeeze %dma_wait3A_134 : memref<1x64xi32, #tpu.memory_space<vmem>> -> memref<64xi32, #tpu.memory_space<vmem>>
            %dma_wait3A_136 = arith.constant 0 : i32
            %dma_wait3A_137 = arith.constant 0 : i32
            %dma_wait3A_138 = tpu.memref_slice %arg6[%dma_wait3A_136, %dma_wait3A_137] : memref<30336x64xf32, #tpu.memory_space<vmem_shared>> -> memref<30336x64xf32, #tpu.memory_space<vmem_shared>>
            tpu.wait_indirect_dma semaphore(%arg14 : memref<!tpu.dma_semaphore, #tpu.memory_space<semaphore_mem>>) src(%arg7 : memref<64x64xf32, #tpu.memory_space<vmem>>) dst(%dma_wait3A_138 : memref<30336x64xf32, #tpu.memory_space<vmem_shared>>)
          } else {
          }
          %add3A_117 = arith.constant 1 : i32
          %add3A_118 = arith.addi %add3A_59, %add3A_117 : i32
          %lt3A_119 = arith.constant 313 : i32
          %lt3A_120 = arith.cmpi slt, %add3A_118, %lt3A_119 : i32
          %convert_element_type3A_121 = arith.extui %lt3A_120 : i1 to i32
          %cond3A_122 = arith.constant 0 : i32
          %cond3A_123 = arith.cmpi ne, %convert_element_type3A_121, %cond3A_122 : i32
          scf.if %cond3A_123 {
            %add3A_131 = arith.constant 1 : i32
            %add3A_132 = arith.addi %add3A_59, %add3A_131 : i32
            %dma_start3A_133 = arith.constant 0 : i32
            %dma_start3A_134 = arith.constant 0 : i32
            %dma_start3A_135 = tpu.memref_slice %arg11[%dma_start3A_133, %dma_start3A_134] : memref<2x64xi32, #tpu.memory_space<vmem>> -> memref<1x64xi32, #tpu.memory_space<vmem>>
            %dma_start3A_136 = tpu.memref_squeeze %dma_start3A_135 : memref<1x64xi32, #tpu.memory_space<vmem>> -> memref<64xi32, #tpu.memory_space<vmem>>
            %dma_start3A_137 = arith.constant 0 : i32
            %dma_start3A_138 = tpu.memref_slice %arg2[%arg0, %dma_start3A_137] : memref<20000x64xf32, #tpu.memory_space<hbm>> -> memref<19999x64xf32, #tpu.memory_space<hbm>>
            %dma_start3A_139 = arith.constant 0 : i32
            %dma_start3A_140 = arith.constant 0 : i32
            %dma_start3A_141 = tpu.memref_slice %dma_start3A_138[%dma_start3A_139, %dma_start3A_140] : memref<19999x64xf32, #tpu.memory_space<hbm>> -> memref<19999x64xf32, #tpu.memory_space<hbm>>
            tpu.enqueue_indirect_dma source(%dma_start3A_141 : memref<19999x64xf32, #tpu.memory_space<hbm>>) target(%arg7 : memref<64x64xf32, #tpu.memory_space<vmem>>) offsets(%dma_start3A_136 : memref<64xi32, #tpu.memory_space<vmem>>) semaphore(%arg12 : memref<!tpu.dma_semaphore, #tpu.memory_space<semaphore_mem>>)
          } else {
          }
          %add3A_124 = arith.constant 2 : i32
          %add3A_125 = arith.addi %add3A_59, %add3A_124 : i32
          %lt3A_126 = arith.constant 313 : i32
          %lt3A_127 = arith.cmpi slt, %add3A_125, %lt3A_126 : i32
          %convert_element_type3A_128 = arith.extui %lt3A_127 : i1 to i32
          %cond3A_129 = arith.constant 0 : i32
          %cond3A_130 = arith.cmpi ne, %convert_element_type3A_128, %cond3A_129 : i32
          scf.if %cond3A_130 {
            %add3A_131 = arith.constant 2 : i32
            %add3A_132 = arith.addi %add3A_59, %add3A_131 : i32
            %mul3A_133 = arith.constant 16 : i32
            %mul3A_134 = arith.muli %add3A_132, %mul3A_133 : i32
            %add3A_135 = arith.addi %mul3A_134, %arg1 : i32
            %dma_start3A_136 = arith.constant 0 : i32
            %dma_start3A_137 = arith.constant 0 : i32
            %dma_start3A_138 = tpu.memref_slice %arg3[%add3A_135, %dma_start3A_136, %dma_start3A_137] : memref<5008x2x64xi32, #tpu.memory_space<hbm>> -> memref<1x2x64xi32, #tpu.memory_space<hbm>>
            %dma_start3A_139 = tpu.memref_squeeze %dma_start3A_138 : memref<1x2x64xi32, #tpu.memory_space<hbm>> -> memref<2x64xi32, #tpu.memory_space<hbm>>
            %dma_start3A_140 = arith.constant 0 : i32
            %dma_start3A_141 = arith.constant 0 : i32
            %dma_start3A_142 = tpu.memref_slice %arg3[%add3A_135, %dma_start3A_140, %dma_start3A_141] : memref<5008x2x64xi32, #tpu.memory_space<hbm>> -> memref<1x2x64xi32, #tpu.memory_space<hbm>>
            %dma_start3A_143 = tpu.memref_squeeze %dma_start3A_142 : memref<1x2x64xi32, #tpu.memory_space<hbm>> -> memref<2x64xi32, #tpu.memory_space<hbm>>
            tpu.enqueue_dma source(%dma_start3A_143 : memref<2x64xi32, #tpu.memory_space<hbm>>) target(%arg9 : memref<2x64xi32, #tpu.memory_space<vmem>>) target_semaphore(%arg16 : memref<!tpu.dma_semaphore, #tpu.memory_space<semaphore_mem>>)
          } else {
          }
        } else {
        }
      } else {
      }
      %rem3A_70 = arith.constant 3 : i32
      %rem3A_71 = arith.remsi %add3A_59, %rem3A_70 : i32
      %eq3A_72 = arith.constant 2 : i32
      %eq3A_73 = arith.cmpi eq, %rem3A_71, %eq3A_72 : i32
      %convert_element_type3A_74 = arith.extui %eq3A_73 : i1 to i32
      %cond3A_75 = arith.constant 0 : i32
      %cond3A_76 = arith.cmpi ne, %convert_element_type3A_74, %cond3A_75 : i32
      scf.if %cond3A_76 {
        %rem3A_77 = arith.constant 2 : i32
        %rem3A_78 = arith.remsi %add3A_59, %rem3A_77 : i32
        %eq3A_79 = arith.constant 0 : i32
        %eq3A_80 = arith.cmpi eq, %rem3A_78, %eq3A_79 : i32
        %convert_element_type3A_81 = arith.extui %eq3A_80 : i1 to i32
        %cond3A_82 = arith.constant 0 : i32
        %cond3A_83 = arith.cmpi ne, %convert_element_type3A_81, %cond3A_82 : i32
        scf.if %cond3A_83 {
          %dma_wait3A_91 = arith.constant 0 : i32
          %dma_wait3A_92 = arith.constant 0 : i32
          %dma_wait3A_93 = tpu.memref_slice %arg11[%dma_wait3A_91, %dma_wait3A_92] : memref<2x64xi32, #tpu.memory_space<vmem>> -> memref<1x64xi32, #tpu.memory_space<vmem>>
          %dma_wait3A_94 = tpu.memref_squeeze %dma_wait3A_93 : memref<1x64xi32, #tpu.memory_space<vmem>> -> memref<64xi32, #tpu.memory_space<vmem>>
          %dma_wait3A_95 = arith.constant 0 : i32
          %dma_wait3A_96 = tpu.memref_slice %arg2[%arg0, %dma_wait3A_95] : memref<20000x64xf32, #tpu.memory_space<hbm>> -> memref<19999x64xf32, #tpu.memory_space<hbm>>
          %dma_wait3A_97 = arith.constant 0 : i32
          %dma_wait3A_98 = arith.constant 0 : i32
          %dma_wait3A_99 = tpu.memref_slice %dma_wait3A_96[%dma_wait3A_97, %dma_wait3A_98] : memref<19999x64xf32, #tpu.memory_space<hbm>> -> memref<19999x64xf32, #tpu.memory_space<hbm>>
          tpu.wait_indirect_dma semaphore(%arg12 : memref<!tpu.dma_semaphore, #tpu.memory_space<semaphore_mem>>) src(%dma_wait3A_99 : memref<19999x64xf32, #tpu.memory_space<hbm>>) dst(%arg7 : memref<64x64xf32, #tpu.memory_space<vmem>>)
          %dma_start3A_100 = arith.constant 1 : i32
          %dma_start3A_101 = arith.constant 0 : i32
          %dma_start3A_102 = tpu.memref_slice %arg11[%dma_start3A_100, %dma_start3A_101] : memref<2x64xi32, #tpu.memory_space<vmem>> -> memref<1x64xi32, #tpu.memory_space<vmem>>
          %dma_start3A_103 = tpu.memref_squeeze %dma_start3A_102 : memref<1x64xi32, #tpu.memory_space<vmem>> -> memref<64xi32, #tpu.memory_space<vmem>>
          %dma_start3A_104 = arith.constant 0 : i32
          %dma_start3A_105 = arith.constant 0 : i32
          %dma_start3A_106 = tpu.memref_slice %arg6[%dma_start3A_104, %dma_start3A_105] : memref<30336x64xf32, #tpu.memory_space<vmem_shared>> -> memref<30336x64xf32, #tpu.memory_space<vmem_shared>>
          tpu.enqueue_indirect_dma source(%arg7 : memref<64x64xf32, #tpu.memory_space<vmem>>) target(%dma_start3A_106 : memref<30336x64xf32, #tpu.memory_space<vmem_shared>>) offsets(%dma_start3A_103 : memref<64xi32, #tpu.memory_space<vmem>>) semaphore(%arg14 : memref<!tpu.dma_semaphore, #tpu.memory_space<semaphore_mem>>) {add = true}
          %add3A_107 = arith.constant 1 : i32
          %add3A_108 = arith.addi %add3A_59, %add3A_107 : i32
          %lt3A = arith.constant 313 : i32
          %lt3A_109 = arith.cmpi slt, %add3A_108, %lt3A : i32
          %convert_element_type3A_110 = arith.extui %lt3A_109 : i1 to i32
          %cond3A_111 = arith.constant 0 : i32
          %cond3A_112 = arith.cmpi ne, %convert_element_type3A_110, %cond3A_111 : i32
          scf.if %cond3A_112 {
            %add3A_131 = arith.constant 1 : i32
            %add3A_132 = arith.addi %add3A_59, %add3A_131 : i32
            %mul3A_133 = arith.constant 16 : i32
            %mul3A_134 = arith.muli %add3A_132, %mul3A_133 : i32
            %add3A_135 = arith.addi %mul3A_134, %arg1 : i32
            %dma_wait3A_136 = arith.constant 0 : i32
            %dma_wait3A_137 = arith.constant 0 : i32
            %dma_wait3A_138 = tpu.memref_slice %arg3[%add3A_135, %dma_wait3A_136, %dma_wait3A_137] : memref<5008x2x64xi32, #tpu.memory_space<hbm>> -> memref<1x2x64xi32, #tpu.memory_space<hbm>>
            %dma_wait3A_139 = tpu.memref_squeeze %dma_wait3A_138 : memref<1x2x64xi32, #tpu.memory_space<hbm>> -> memref<2x64xi32, #tpu.memory_space<hbm>>
            %dma_wait3A_140 = arith.constant 0 : i32
            %dma_wait3A_141 = arith.constant 0 : i32
            %dma_wait3A_142 = tpu.memref_slice %arg3[%add3A_135, %dma_wait3A_140, %dma_wait3A_141] : memref<5008x2x64xi32, #tpu.memory_space<hbm>> -> memref<1x2x64xi32, #tpu.memory_space<hbm>>
            %dma_wait3A_143 = tpu.memref_squeeze %dma_wait3A_142 : memref<1x2x64xi32, #tpu.memory_space<hbm>> -> memref<2x64xi32, #tpu.memory_space<hbm>>
            tpu.wait_dma2 semaphore(%arg16 : memref<!tpu.dma_semaphore, #tpu.memory_space<semaphore_mem>>) src(%dma_wait3A_143 : memref<2x64xi32, #tpu.memory_space<hbm>>) dst(%arg9 : memref<2x64xi32, #tpu.memory_space<vmem>>)
          } else {
          }
          %ge3A = arith.constant 1 : i32
          %ge3A_113 = arith.cmpi sge, %add3A_59, %ge3A : i32
          %convert_element_type3A_114 = arith.extui %ge3A_113 : i1 to i32
          %cond3A_115 = arith.constant 0 : i32
          %cond3A_116 = arith.cmpi ne, %convert_element_type3A_114, %cond3A_115 : i32
          scf.if %cond3A_116 {
            %sub3A = arith.constant 1 : i32
            %sub3A_131 = arith.subi %add3A_59, %sub3A : i32
            %dma_wait3A_132 = arith.constant 1 : i32
            %dma_wait3A_133 = arith.constant 0 : i32
            %dma_wait3A_134 = tpu.memref_slice %arg10[%dma_wait3A_132, %dma_wait3A_133] : memref<2x64xi32, #tpu.memory_space<vmem>> -> memref<1x64xi32, #tpu.memory_space<vmem>>
            %dma_wait3A_135 = tpu.memref_squeeze %dma_wait3A_134 : memref<1x64xi32, #tpu.memory_space<vmem>> -> memref<64xi32, #tpu.memory_space<vmem>>
            %dma_wait3A_136 = arith.constant 0 : i32
            %dma_wait3A_137 = arith.constant 0 : i32
            %dma_wait3A_138 = tpu.memref_slice %arg6[%dma_wait3A_136, %dma_wait3A_137] : memref<30336x64xf32, #tpu.memory_space<vmem_shared>> -> memref<30336x64xf32, #tpu.memory_space<vmem_shared>>
            tpu.wait_indirect_dma semaphore(%arg15 : memref<!tpu.dma_semaphore, #tpu.memory_space<semaphore_mem>>) src(%arg8 : memref<64x64xf32, #tpu.memory_space<vmem>>) dst(%dma_wait3A_138 : memref<30336x64xf32, #tpu.memory_space<vmem_shared>>)
          } else {
          }
          %add3A_117 = arith.constant 1 : i32
          %add3A_118 = arith.addi %add3A_59, %add3A_117 : i32
          %lt3A_119 = arith.constant 313 : i32
          %lt3A_120 = arith.cmpi slt, %add3A_118, %lt3A_119 : i32
          %convert_element_type3A_121 = arith.extui %lt3A_120 : i1 to i32
          %cond3A_122 = arith.constant 0 : i32
          %cond3A_123 = arith.cmpi ne, %convert_element_type3A_121, %cond3A_122 : i32
          scf.if %cond3A_123 {
            %add3A_131 = arith.constant 1 : i32
            %add3A_132 = arith.addi %add3A_59, %add3A_131 : i32
            %dma_start3A_133 = arith.constant 0 : i32
            %dma_start3A_134 = arith.constant 0 : i32
            %dma_start3A_135 = tpu.memref_slice %arg9[%dma_start3A_133, %dma_start3A_134] : memref<2x64xi32, #tpu.memory_space<vmem>> -> memref<1x64xi32, #tpu.memory_space<vmem>>
            %dma_start3A_136 = tpu.memref_squeeze %dma_start3A_135 : memref<1x64xi32, #tpu.memory_space<vmem>> -> memref<64xi32, #tpu.memory_space<vmem>>
            %dma_start3A_137 = arith.constant 0 : i32
            %dma_start3A_138 = tpu.memref_slice %arg2[%arg0, %dma_start3A_137] : memref<20000x64xf32, #tpu.memory_space<hbm>> -> memref<19999x64xf32, #tpu.memory_space<hbm>>
            %dma_start3A_139 = arith.constant 0 : i32
            %dma_start3A_140 = arith.constant 0 : i32
            %dma_start3A_141 = tpu.memref_slice %dma_start3A_138[%dma_start3A_139, %dma_start3A_140] : memref<19999x64xf32, #tpu.memory_space<hbm>> -> memref<19999x64xf32, #tpu.memory_space<hbm>>
            tpu.enqueue_indirect_dma source(%dma_start3A_141 : memref<19999x64xf32, #tpu.memory_space<hbm>>) target(%arg8 : memref<64x64xf32, #tpu.memory_space<vmem>>) offsets(%dma_start3A_136 : memref<64xi32, #tpu.memory_space<vmem>>) semaphore(%arg13 : memref<!tpu.dma_semaphore, #tpu.memory_space<semaphore_mem>>)
          } else {
          }
          %add3A_124 = arith.constant 2 : i32
          %add3A_125 = arith.addi %add3A_59, %add3A_124 : i32
          %lt3A_126 = arith.constant 313 : i32
          %lt3A_127 = arith.cmpi slt, %add3A_125, %lt3A_126 : i32
          %convert_element_type3A_128 = arith.extui %lt3A_127 : i1 to i32
          %cond3A_129 = arith.constant 0 : i32
          %cond3A_130 = arith.cmpi ne, %convert_element_type3A_128, %cond3A_129 : i32
          scf.if %cond3A_130 {
            %add3A_131 = arith.constant 2 : i32
            %add3A_132 = arith.addi %add3A_59, %add3A_131 : i32
            %mul3A_133 = arith.constant 16 : i32
            %mul3A_134 = arith.muli %add3A_132, %mul3A_133 : i32
            %add3A_135 = arith.addi %mul3A_134, %arg1 : i32
            %dma_start3A_136 = arith.constant 0 : i32
            %dma_start3A_137 = arith.constant 0 : i32
            %dma_start3A_138 = tpu.memref_slice %arg3[%add3A_135, %dma_start3A_136, %dma_start3A_137] : memref<5008x2x64xi32, #tpu.memory_space<hbm>> -> memref<1x2x64xi32, #tpu.memory_space<hbm>>
            %dma_start3A_139 = tpu.memref_squeeze %dma_start3A_138 : memref<1x2x64xi32, #tpu.memory_space<hbm>> -> memref<2x64xi32, #tpu.memory_space<hbm>>
            %dma_start3A_140 = arith.constant 0 : i32
            %dma_start3A_141 = arith.constant 0 : i32
            %dma_start3A_142 = tpu.memref_slice %arg3[%add3A_135, %dma_start3A_140, %dma_start3A_141] : memref<5008x2x64xi32, #tpu.memory_space<hbm>> -> memref<1x2x64xi32, #tpu.memory_space<hbm>>
            %dma_start3A_143 = tpu.memref_squeeze %dma_start3A_142 : memref<1x2x64xi32, #tpu.memory_space<hbm>> -> memref<2x64xi32, #tpu.memory_space<hbm>>
            tpu.enqueue_dma source(%dma_start3A_143 : memref<2x64xi32, #tpu.memory_space<hbm>>) target(%arg10 : memref<2x64xi32, #tpu.memory_space<vmem>>) target_semaphore(%arg17 : memref<!tpu.dma_semaphore, #tpu.memory_space<semaphore_mem>>)
          } else {
          }
        } else {
        }
        %rem3A_84 = arith.constant 2 : i32
        %rem3A_85 = arith.remsi %add3A_59, %rem3A_84 : i32
        %eq3A_86 = arith.constant 1 : i32
        %eq3A_87 = arith.cmpi eq, %rem3A_85, %eq3A_86 : i32
        %convert_element_type3A_88 = arith.extui %eq3A_87 : i1 to i32
        %cond3A_89 = arith.constant 0 : i32
        %cond3A_90 = arith.cmpi ne, %convert_element_type3A_88, %cond3A_89 : i32
        scf.if %cond3A_90 {
          %dma_wait3A_91 = arith.constant 0 : i32
          %dma_wait3A_92 = arith.constant 0 : i32
          %dma_wait3A_93 = tpu.memref_slice %arg11[%dma_wait3A_91, %dma_wait3A_92] : memref<2x64xi32, #tpu.memory_space<vmem>> -> memref<1x64xi32, #tpu.memory_space<vmem>>
          %dma_wait3A_94 = tpu.memref_squeeze %dma_wait3A_93 : memref<1x64xi32, #tpu.memory_space<vmem>> -> memref<64xi32, #tpu.memory_space<vmem>>
          %dma_wait3A_95 = arith.constant 0 : i32
          %dma_wait3A_96 = tpu.memref_slice %arg2[%arg0, %dma_wait3A_95] : memref<20000x64xf32, #tpu.memory_space<hbm>> -> memref<19999x64xf32, #tpu.memory_space<hbm>>
          %dma_wait3A_97 = arith.constant 0 : i32
          %dma_wait3A_98 = arith.constant 0 : i32
          %dma_wait3A_99 = tpu.memref_slice %dma_wait3A_96[%dma_wait3A_97, %dma_wait3A_98] : memref<19999x64xf32, #tpu.memory_space<hbm>> -> memref<19999x64xf32, #tpu.memory_space<hbm>>
          tpu.wait_indirect_dma semaphore(%arg13 : memref<!tpu.dma_semaphore, #tpu.memory_space<semaphore_mem>>) src(%dma_wait3A_99 : memref<19999x64xf32, #tpu.memory_space<hbm>>) dst(%arg8 : memref<64x64xf32, #tpu.memory_space<vmem>>)
          %dma_start3A_100 = arith.constant 1 : i32
          %dma_start3A_101 = arith.constant 0 : i32
          %dma_start3A_102 = tpu.memref_slice %arg11[%dma_start3A_100, %dma_start3A_101] : memref<2x64xi32, #tpu.memory_space<vmem>> -> memref<1x64xi32, #tpu.memory_space<vmem>>
          %dma_start3A_103 = tpu.memref_squeeze %dma_start3A_102 : memref<1x64xi32, #tpu.memory_space<vmem>> -> memref<64xi32, #tpu.memory_space<vmem>>
          %dma_start3A_104 = arith.constant 0 : i32
          %dma_start3A_105 = arith.constant 0 : i32
          %dma_start3A_106 = tpu.memref_slice %arg6[%dma_start3A_104, %dma_start3A_105] : memref<30336x64xf32, #tpu.memory_space<vmem_shared>> -> memref<30336x64xf32, #tpu.memory_space<vmem_shared>>
          tpu.enqueue_indirect_dma source(%arg8 : memref<64x64xf32, #tpu.memory_space<vmem>>) target(%dma_start3A_106 : memref<30336x64xf32, #tpu.memory_space<vmem_shared>>) offsets(%dma_start3A_103 : memref<64xi32, #tpu.memory_space<vmem>>) semaphore(%arg15 : memref<!tpu.dma_semaphore, #tpu.memory_space<semaphore_mem>>) {add = true}
          %add3A_107 = arith.constant 1 : i32
          %add3A_108 = arith.addi %add3A_59, %add3A_107 : i32
          %lt3A = arith.constant 313 : i32
          %lt3A_109 = arith.cmpi slt, %add3A_108, %lt3A : i32
          %convert_element_type3A_110 = arith.extui %lt3A_109 : i1 to i32
          %cond3A_111 = arith.constant 0 : i32
          %cond3A_112 = arith.cmpi ne, %convert_element_type3A_110, %cond3A_111 : i32
          scf.if %cond3A_112 {
            %add3A_131 = arith.constant 1 : i32
            %add3A_132 = arith.addi %add3A_59, %add3A_131 : i32
            %mul3A_133 = arith.constant 16 : i32
            %mul3A_134 = arith.muli %add3A_132, %mul3A_133 : i32
            %add3A_135 = arith.addi %mul3A_134, %arg1 : i32
            %dma_wait3A_136 = arith.constant 0 : i32
            %dma_wait3A_137 = arith.constant 0 : i32
            %dma_wait3A_138 = tpu.memref_slice %arg3[%add3A_135, %dma_wait3A_136, %dma_wait3A_137] : memref<5008x2x64xi32, #tpu.memory_space<hbm>> -> memref<1x2x64xi32, #tpu.memory_space<hbm>>
            %dma_wait3A_139 = tpu.memref_squeeze %dma_wait3A_138 : memref<1x2x64xi32, #tpu.memory_space<hbm>> -> memref<2x64xi32, #tpu.memory_space<hbm>>
            %dma_wait3A_140 = arith.constant 0 : i32
            %dma_wait3A_141 = arith.constant 0 : i32
            %dma_wait3A_142 = tpu.memref_slice %arg3[%add3A_135, %dma_wait3A_140, %dma_wait3A_141] : memref<5008x2x64xi32, #tpu.memory_space<hbm>> -> memref<1x2x64xi32, #tpu.memory_space<hbm>>
            %dma_wait3A_143 = tpu.memref_squeeze %dma_wait3A_142 : memref<1x2x64xi32, #tpu.memory_space<hbm>> -> memref<2x64xi32, #tpu.memory_space<hbm>>
            tpu.wait_dma2 semaphore(%arg16 : memref<!tpu.dma_semaphore, #tpu.memory_space<semaphore_mem>>) src(%dma_wait3A_143 : memref<2x64xi32, #tpu.memory_space<hbm>>) dst(%arg9 : memref<2x64xi32, #tpu.memory_space<vmem>>)
          } else {
          }
          %ge3A = arith.constant 1 : i32
          %ge3A_113 = arith.cmpi sge, %add3A_59, %ge3A : i32
          %convert_element_type3A_114 = arith.extui %ge3A_113 : i1 to i32
          %cond3A_115 = arith.constant 0 : i32
          %cond3A_116 = arith.cmpi ne, %convert_element_type3A_114, %cond3A_115 : i32
          scf.if %cond3A_116 {
            %sub3A = arith.constant 1 : i32
            %sub3A_131 = arith.subi %add3A_59, %sub3A : i32
            %dma_wait3A_132 = arith.constant 1 : i32
            %dma_wait3A_133 = arith.constant 0 : i32
            %dma_wait3A_134 = tpu.memref_slice %arg10[%dma_wait3A_132, %dma_wait3A_133] : memref<2x64xi32, #tpu.memory_space<vmem>> -> memref<1x64xi32, #tpu.memory_space<vmem>>
            %dma_wait3A_135 = tpu.memref_squeeze %dma_wait3A_134 : memref<1x64xi32, #tpu.memory_space<vmem>> -> memref<64xi32, #tpu.memory_space<vmem>>
            %dma_wait3A_136 = arith.constant 0 : i32
            %dma_wait3A_137 = arith.constant 0 : i32
            %dma_wait3A_138 = tpu.memref_slice %arg6[%dma_wait3A_136, %dma_wait3A_137] : memref<30336x64xf32, #tpu.memory_space<vmem_shared>> -> memref<30336x64xf32, #tpu.memory_space<vmem_shared>>
            tpu.wait_indirect_dma semaphore(%arg14 : memref<!tpu.dma_semaphore, #tpu.memory_space<semaphore_mem>>) src(%arg7 : memref<64x64xf32, #tpu.memory_space<vmem>>) dst(%dma_wait3A_138 : memref<30336x64xf32, #tpu.memory_space<vmem_shared>>)
          } else {
          }
          %add3A_117 = arith.constant 1 : i32
          %add3A_118 = arith.addi %add3A_59, %add3A_117 : i32
          %lt3A_119 = arith.constant 313 : i32
          %lt3A_120 = arith.cmpi slt, %add3A_118, %lt3A_119 : i32
          %convert_element_type3A_121 = arith.extui %lt3A_120 : i1 to i32
          %cond3A_122 = arith.constant 0 : i32
          %cond3A_123 = arith.cmpi ne, %convert_element_type3A_121, %cond3A_122 : i32
          scf.if %cond3A_123 {
            %add3A_131 = arith.constant 1 : i32
            %add3A_132 = arith.addi %add3A_59, %add3A_131 : i32
            %dma_start3A_133 = arith.constant 0 : i32
            %dma_start3A_134 = arith.constant 0 : i32
            %dma_start3A_135 = tpu.memref_slice %arg9[%dma_start3A_133, %dma_start3A_134] : memref<2x64xi32, #tpu.memory_space<vmem>> -> memref<1x64xi32, #tpu.memory_space<vmem>>
            %dma_start3A_136 = tpu.memref_squeeze %dma_start3A_135 : memref<1x64xi32, #tpu.memory_space<vmem>> -> memref<64xi32, #tpu.memory_space<vmem>>
            %dma_start3A_137 = arith.constant 0 : i32
            %dma_start3A_138 = tpu.memref_slice %arg2[%arg0, %dma_start3A_137] : memref<20000x64xf32, #tpu.memory_space<hbm>> -> memref<19999x64xf32, #tpu.memory_space<hbm>>
            %dma_start3A_139 = arith.constant 0 : i32
            %dma_start3A_140 = arith.constant 0 : i32
            %dma_start3A_141 = tpu.memref_slice %dma_start3A_138[%dma_start3A_139, %dma_start3A_140] : memref<19999x64xf32, #tpu.memory_space<hbm>> -> memref<19999x64xf32, #tpu.memory_space<hbm>>
            tpu.enqueue_indirect_dma source(%dma_start3A_141 : memref<19999x64xf32, #tpu.memory_space<hbm>>) target(%arg7 : memref<64x64xf32, #tpu.memory_space<vmem>>) offsets(%dma_start3A_136 : memref<64xi32, #tpu.memory_space<vmem>>) semaphore(%arg12 : memref<!tpu.dma_semaphore, #tpu.memory_space<semaphore_mem>>)
          } else {
          }
          %add3A_124 = arith.constant 2 : i32
          %add3A_125 = arith.addi %add3A_59, %add3A_124 : i32
          %lt3A_126 = arith.constant 313 : i32
          %lt3A_127 = arith.cmpi slt, %add3A_125, %lt3A_126 : i32
          %convert_element_type3A_128 = arith.extui %lt3A_127 : i1 to i32
          %cond3A_129 = arith.constant 0 : i32
          %cond3A_130 = arith.cmpi ne, %convert_element_type3A_128, %cond3A_129 : i32
          scf.if %cond3A_130 {
            %add3A_131 = arith.constant 2 : i32
            %add3A_132 = arith.addi %add3A_59, %add3A_131 : i32
            %mul3A_133 = arith.constant 16 : i32
            %mul3A_134 = arith.muli %add3A_132, %mul3A_133 : i32
            %add3A_135 = arith.addi %mul3A_134, %arg1 : i32
            %dma_start3A_136 = arith.constant 0 : i32
            %dma_start3A_137 = arith.constant 0 : i32
            %dma_start3A_138 = tpu.memref_slice %arg3[%add3A_135, %dma_start3A_136, %dma_start3A_137] : memref<5008x2x64xi32, #tpu.memory_space<hbm>> -> memref<1x2x64xi32, #tpu.memory_space<hbm>>
            %dma_start3A_139 = tpu.memref_squeeze %dma_start3A_138 : memref<1x2x64xi32, #tpu.memory_space<hbm>> -> memref<2x64xi32, #tpu.memory_space<hbm>>
            %dma_start3A_140 = arith.constant 0 : i32
            %dma_start3A_141 = arith.constant 0 : i32
            %dma_start3A_142 = tpu.memref_slice %arg3[%add3A_135, %dma_start3A_140, %dma_start3A_141] : memref<5008x2x64xi32, #tpu.memory_space<hbm>> -> memref<1x2x64xi32, #tpu.memory_space<hbm>>
            %dma_start3A_143 = tpu.memref_squeeze %dma_start3A_142 : memref<1x2x64xi32, #tpu.memory_space<hbm>> -> memref<2x64xi32, #tpu.memory_space<hbm>>
            tpu.enqueue_dma source(%dma_start3A_143 : memref<2x64xi32, #tpu.memory_space<hbm>>) target(%arg10 : memref<2x64xi32, #tpu.memory_space<vmem>>) target_semaphore(%arg17 : memref<!tpu.dma_semaphore, #tpu.memory_space<semaphore_mem>>)
          } else {
          }
        } else {
        }
      } else {
      }
    }
    %scan3A_44 = arith.constant 313 : i32
    %dma_wait3A_45 = arith.constant 1 : i32
    %dma_wait3A_46 = arith.constant 0 : i32
    %dma_wait3A_47 = tpu.memref_slice %arg9[%dma_wait3A_45, %dma_wait3A_46] : memref<2x64xi32, #tpu.memory_space<vmem>> -> memref<1x64xi32, #tpu.memory_space<vmem>>
    %dma_wait3A_48 = tpu.memref_squeeze %dma_wait3A_47 : memref<1x64xi32, #tpu.memory_space<vmem>> -> memref<64xi32, #tpu.memory_space<vmem>>
    %dma_wait3A_49 = arith.constant 0 : i32
    %dma_wait3A_50 = arith.constant 0 : i32
    %dma_wait3A_51 = tpu.memref_slice %arg6[%dma_wait3A_49, %dma_wait3A_50] : memref<30336x64xf32, #tpu.memory_space<vmem_shared>> -> memref<30336x64xf32, #tpu.memory_space<vmem_shared>>
    tpu.wait_indirect_dma semaphore(%arg14 : memref<!tpu.dma_semaphore, #tpu.memory_space<semaphore_mem>>) src(%arg7 : memref<64x64xf32, #tpu.memory_space<vmem>>) dst(%dma_wait3A_51 : memref<30336x64xf32, #tpu.memory_space<vmem_shared>>)
    %barrier3A_52 = arith.constant 0 : index
    tpu.barrier barrier_id(%barrier3A_52)
    %mul3A_53 = arith.constant 1896 : i32
    %mul3A_54 = arith.muli %arg1, %mul3A_53 : i32
    "tpu.region"() ({
      %run_scoped3A = tpu.sem_alloc : memref<!tpu.dma_semaphore, #tpu.memory_space<semaphore_mem>>
      %dma_start3A_55 = arith.constant 0 : i32
      %dma_start3A_56 = arith.constant 0 : i32
      %dma_start3A_57 = tpu.memref_slice %arg5[%arg0, %dma_start3A_55, %dma_start3A_56] : memref<2x30336x64xf32, #tpu.memory_space<hbm>> -> memref<1x30336x64xf32, #tpu.memory_space<hbm>>
      %dma_start3A_58 = tpu.memref_squeeze %dma_start3A_57 : memref<1x30336x64xf32, #tpu.memory_space<hbm>> -> memref<30336x64xf32, #tpu.memory_space<hbm>>
      %dma_start3A_59 = arith.constant 0 : i32
      %dma_start3A_60 = tpu.memref_slice %dma_start3A_58[%mul3A_54, %dma_start3A_59] : memref<30336x64xf32, #tpu.memory_space<hbm>> -> memref<1896x64xf32, #tpu.memory_space<hbm>>
      %dma_start3A_61 = arith.constant 0 : i32
      %dma_start3A_62 = tpu.memref_slice %arg6[%mul3A_54, %dma_start3A_61] : memref<30336x64xf32, #tpu.memory_space<vmem_shared>> -> memref<1896x64xf32, #tpu.memory_space<vmem_shared>>
      tpu.enqueue_dma source(%dma_start3A_62 : memref<1896x64xf32, #tpu.memory_space<vmem_shared>>) target(%dma_start3A_60 : memref<1896x64xf32, #tpu.memory_space<hbm>>) target_semaphore(%run_scoped3A : memref<!tpu.dma_semaphore, #tpu.memory_space<semaphore_mem>>)
      %dma_wait3A_63 = arith.constant 0 : i32
      %dma_wait3A_64 = arith.constant 0 : i32
      %dma_wait3A_65 = tpu.memref_slice %arg5[%arg0, %dma_wait3A_63, %dma_wait3A_64] : memref<2x30336x64xf32, #tpu.memory_space<hbm>> -> memref<1x30336x64xf32, #tpu.memory_space<hbm>>
      %dma_wait3A_66 = tpu.memref_squeeze %dma_wait3A_65 : memref<1x30336x64xf32, #tpu.memory_space<hbm>> -> memref<30336x64xf32, #tpu.memory_space<hbm>>
      %dma_wait3A_67 = arith.constant 0 : i32
      %dma_wait3A_68 = tpu.memref_slice %dma_wait3A_66[%mul3A_54, %dma_wait3A_67] : memref<30336x64xf32, #tpu.memory_space<hbm>> -> memref<1896x64xf32, #tpu.memory_space<hbm>>
      %dma_wait3A_69 = arith.constant 0 : i32
      %dma_wait3A_70 = tpu.memref_slice %arg6[%mul3A_54, %dma_wait3A_69] : memref<30336x64xf32, #tpu.memory_space<vmem_shared>> -> memref<1896x64xf32, #tpu.memory_space<vmem_shared>>
      tpu.wait_dma2 semaphore(%run_scoped3A : memref<!tpu.dma_semaphore, #tpu.memory_space<semaphore_mem>>) src(%dma_wait3A_70 : memref<1896x64xf32, #tpu.memory_space<vmem_shared>>) dst(%dma_wait3A_68 : memref<1896x64xf32, #tpu.memory_space<hbm>>)
      tpu.yield
    }) : () -> ()
    return
  }
}

#map = affine_map<(d0, d1) -> (0, 0)>
#map1 = affine_map<(d0, d1) -> (0, 0, 0)>
module attributes {stable_mosaic.version = 14 : i64} {
  func.func @_agg_body(%arg0: i32, %arg1: i32, %arg2: memref<20000x64xf32, #tpu.memory_space<hbm>>, %arg3: memref<5008x2x64xi32, #tpu.memory_space<hbm>>, %arg4: memref<1896x64xf32, #tpu.memory_space<hbm>>, %arg5: memref<2x30336x64xf32, #tpu.memory_space<hbm>>, %arg6: memref<30336x64xf32, #tpu.memory_space<vmem_shared>>, %arg7: memref<64x64xf32, #tpu.memory_space<vmem>>, %arg8: memref<64x64xf32, #tpu.memory_space<vmem>>, %arg9: memref<2x64xi32, #tpu.memory_space<vmem>>, %arg10: memref<2x64xi32, #tpu.memory_space<vmem>>, %arg11: memref<2x64xi32, #tpu.memory_space<vmem>>, %arg12: memref<!tpu.dma_semaphore, #tpu.memory_space<semaphore_mem>>, %arg13: memref<!tpu.dma_semaphore, #tpu.memory_space<semaphore_mem>>, %arg14: memref<!tpu.dma_semaphore, #tpu.memory_space<semaphore_mem>>, %arg15: memref<!tpu.dma_semaphore, #tpu.memory_space<semaphore_mem>>, %arg16: memref<!tpu.dma_semaphore, #tpu.memory_space<semaphore_mem>>, %arg17: memref<!tpu.dma_semaphore, #tpu.memory_space<semaphore_mem>>, %arg18: memref<!tpu.dma_semaphore, #tpu.memory_space<semaphore_mem>>) attributes {dimension_semantics = [#tpu.dimension_semantics<core_parallel>, #tpu.dimension_semantics<subcore_parallel>], iteration_bounds = array<i64: 2, 16>, scalar_prefetch = 0 : i64, scratch_operands = 13 : i64, tpu.core_type = #tpu.core_type<sc_vector_subcore>, window_params = [{transform_indices = #map}, {transform_indices = #map1}, {transform_indices = #map}, {transform_indices = #map1}]} {
    %mul3A = arith.constant 1896 : i32
    %mul3A_0 = arith.muli %arg1, %mul3A : i32
    %dma_start3A = arith.constant 0 : i32
    %dma_start3A_1 = tpu.memref_slice %arg6[%mul3A_0, %dma_start3A] : memref<30336x64xf32, #tpu.memory_space<vmem_shared>> -> memref<1896x64xf32, #tpu.memory_space<vmem_shared>>
    tpu.enqueue_dma source(%arg4 : memref<1896x64xf32, #tpu.memory_space<hbm>>) target(%dma_start3A_1 : memref<1896x64xf32, #tpu.memory_space<vmem_shared>>) target_semaphore(%arg18 : memref<!tpu.dma_semaphore, #tpu.memory_space<semaphore_mem>>)
    %add3A = arith.constant 0 : i32
    %add3A_2 = arith.addi %add3A, %arg1 : i32
    %dma_start3A_3 = arith.constant 0 : i32
    %dma_start3A_4 = arith.constant 0 : i32
    %dma_start3A_5 = tpu.memref_slice %arg3[%add3A_2, %dma_start3A_3, %dma_start3A_4] : memref<5008x2x64xi32, #tpu.memory_space<hbm>> -> memref<1x2x64xi32, #tpu.memory_space<hbm>>
    %dma_start3A_6 = tpu.memref_squeeze %dma_start3A_5 : memref<1x2x64xi32, #tpu.memory_space<hbm>> -> memref<2x64xi32, #tpu.memory_space<hbm>>
    %dma_start3A_7 = arith.constant 0 : i32
    %dma_start3A_8 = arith.constant 0 : i32
    %dma_start3A_9 = tpu.memref_slice %arg3[%add3A_2, %dma_start3A_7, %dma_start3A_8] : memref<5008x2x64xi32, #tpu.memory_space<hbm>> -> memref<1x2x64xi32, #tpu.memory_space<hbm>>
    %dma_start3A_10 = tpu.memref_squeeze %dma_start3A_9 : memref<1x2x64xi32, #tpu.memory_space<hbm>> -> memref<2x64xi32, #tpu.memory_space<hbm>>
    tpu.enqueue_dma source(%dma_start3A_10 : memref<2x64xi32, #tpu.memory_space<hbm>>) target(%arg9 : memref<2x64xi32, #tpu.memory_space<vmem>>) target_semaphore(%arg16 : memref<!tpu.dma_semaphore, #tpu.memory_space<semaphore_mem>>)
    %add3A_11 = arith.constant 16 : i32
    %add3A_12 = arith.addi %add3A_11, %arg1 : i32
    %dma_start3A_13 = arith.constant 0 : i32
    %dma_start3A_14 = arith.constant 0 : i32
    %dma_start3A_15 = tpu.memref_slice %arg3[%add3A_12, %dma_start3A_13, %dma_start3A_14] : memref<5008x2x64xi32, #tpu.memory_space<hbm>> -> memref<1x2x64xi32, #tpu.memory_space<hbm>>
    %dma_start3A_16 = tpu.memref_squeeze %dma_start3A_15 : memref<1x2x64xi32, #tpu.memory_space<hbm>> -> memref<2x64xi32, #tpu.memory_space<hbm>>
    %dma_start3A_17 = arith.constant 0 : i32
    %dma_start3A_18 = arith.constant 0 : i32
    %dma_start3A_19 = tpu.memref_slice %arg3[%add3A_12, %dma_start3A_17, %dma_start3A_18] : memref<5008x2x64xi32, #tpu.memory_space<hbm>> -> memref<1x2x64xi32, #tpu.memory_space<hbm>>
    %dma_start3A_20 = tpu.memref_squeeze %dma_start3A_19 : memref<1x2x64xi32, #tpu.memory_space<hbm>> -> memref<2x64xi32, #tpu.memory_space<hbm>>
    tpu.enqueue_dma source(%dma_start3A_20 : memref<2x64xi32, #tpu.memory_space<hbm>>) target(%arg10 : memref<2x64xi32, #tpu.memory_space<vmem>>) target_semaphore(%arg17 : memref<!tpu.dma_semaphore, #tpu.memory_space<semaphore_mem>>)
    %add3A_21 = arith.constant 0 : i32
    %add3A_22 = arith.addi %add3A_21, %arg1 : i32
    %dma_wait3A = arith.constant 0 : i32
    %dma_wait3A_23 = arith.constant 0 : i32
    %dma_wait3A_24 = tpu.memref_slice %arg3[%add3A_22, %dma_wait3A, %dma_wait3A_23] : memref<5008x2x64xi32, #tpu.memory_space<hbm>> -> memref<1x2x64xi32, #tpu.memory_space<hbm>>
    %dma_wait3A_25 = tpu.memref_squeeze %dma_wait3A_24 : memref<1x2x64xi32, #tpu.memory_space<hbm>> -> memref<2x64xi32, #tpu.memory_space<hbm>>
    %dma_wait3A_26 = arith.constant 0 : i32
    %dma_wait3A_27 = arith.constant 0 : i32
    %dma_wait3A_28 = tpu.memref_slice %arg3[%add3A_22, %dma_wait3A_26, %dma_wait3A_27] : memref<5008x2x64xi32, #tpu.memory_space<hbm>> -> memref<1x2x64xi32, #tpu.memory_space<hbm>>
    %dma_wait3A_29 = tpu.memref_squeeze %dma_wait3A_28 : memref<1x2x64xi32, #tpu.memory_space<hbm>> -> memref<2x64xi32, #tpu.memory_space<hbm>>
    tpu.wait_dma2 semaphore(%arg16 : memref<!tpu.dma_semaphore, #tpu.memory_space<semaphore_mem>>) src(%dma_wait3A_29 : memref<2x64xi32, #tpu.memory_space<hbm>>) dst(%arg9 : memref<2x64xi32, #tpu.memory_space<vmem>>)
    %dma_start3A_30 = arith.constant 0 : i32
    %dma_start3A_31 = arith.constant 0 : i32
    %dma_start3A_32 = tpu.memref_slice %arg9[%dma_start3A_30, %dma_start3A_31] : memref<2x64xi32, #tpu.memory_space<vmem>> -> memref<1x64xi32, #tpu.memory_space<vmem>>
    %dma_start3A_33 = tpu.memref_squeeze %dma_start3A_32 : memref<1x64xi32, #tpu.memory_space<vmem>> -> memref<64xi32, #tpu.memory_space<vmem>>
    %dma_start3A_34 = arith.constant 0 : i32
    %dma_start3A_35 = tpu.memref_slice %arg2[%arg0, %dma_start3A_34] : memref<20000x64xf32, #tpu.memory_space<hbm>> -> memref<19999x64xf32, #tpu.memory_space<hbm>>
    %dma_start3A_36 = arith.constant 0 : i32
    %dma_start3A_37 = arith.constant 0 : i32
    %dma_start3A_38 = tpu.memref_slice %dma_start3A_35[%dma_start3A_36, %dma_start3A_37] : memref<19999x64xf32, #tpu.memory_space<hbm>> -> memref<19999x64xf32, #tpu.memory_space<hbm>>
    tpu.enqueue_indirect_dma source(%dma_start3A_38 : memref<19999x64xf32, #tpu.memory_space<hbm>>) target(%arg7 : memref<64x64xf32, #tpu.memory_space<vmem>>) offsets(%dma_start3A_33 : memref<64xi32, #tpu.memory_space<vmem>>) semaphore(%arg12 : memref<!tpu.dma_semaphore, #tpu.memory_space<semaphore_mem>>)
    %dma_wait3A_39 = arith.constant 0 : i32
    %dma_wait3A_40 = tpu.memref_slice %arg6[%mul3A_0, %dma_wait3A_39] : memref<30336x64xf32, #tpu.memory_space<vmem_shared>> -> memref<1896x64xf32, #tpu.memory_space<vmem_shared>>
    tpu.wait_dma2 semaphore(%arg18 : memref<!tpu.dma_semaphore, #tpu.memory_space<semaphore_mem>>) src(%arg4 : memref<1896x64xf32, #tpu.memory_space<hbm>>) dst(%dma_wait3A_40 : memref<1896x64xf32, #tpu.memory_space<vmem_shared>>)
    %barrier3A = arith.constant 0 : index
    tpu.barrier barrier_id(%barrier3A)
    %scan3A = arith.constant 0 : i32
    %scan3A_41 = arith.constant 313 : i32
    %scan3A_42 = arith.addi %scan3A, %scan3A_41 : i32
    %scan3A_43 = arith.constant 1 : i32
    scf.for %scan3A_55 = %scan3A to %scan3A_42 step %scan3A_43  : i32 {
      %mul3A_56 = arith.constant 1 : i32
      %mul3A_57 = arith.muli %scan3A_55, %mul3A_56 : i32
      %add3A_58 = arith.constant 0 : i32
      %add3A_59 = arith.addi %add3A_58, %mul3A_57 : i32
      %rem3A = arith.constant 3 : i32
      %rem3A_60 = arith.remsi %add3A_59, %rem3A : i32
      %eq3A = arith.constant 0 : i32
      %eq3A_61 = arith.cmpi eq, %rem3A_60, %eq3A : i32
      %convert_element_type3A = arith.extui %eq3A_61 : i1 to i32
      %cond3A = arith.constant 0 : i32
      %cond3A_62 = arith.cmpi ne, %convert_element_type3A, %cond3A : i32
      scf.if %cond3A_62 {
        %rem3A_77 = arith.constant 2 : i32
        %rem3A_78 = arith.remsi %add3A_59, %rem3A_77 : i32
        %eq3A_79 = arith.constant 0 : i32
        %eq3A_80 = arith.cmpi eq, %rem3A_78, %eq3A_79 : i32
        %convert_element_type3A_81 = arith.extui %eq3A_80 : i1 to i32
        %cond3A_82 = arith.constant 0 : i32
        %cond3A_83 = arith.cmpi ne, %convert_element_type3A_81, %cond3A_82 : i32
        scf.if %cond3A_83 {
          %dma_wait3A_91 = arith.constant 0 : i32
          %dma_wait3A_92 = arith.constant 0 : i32
          %dma_wait3A_93 = tpu.memref_slice %arg9[%dma_wait3A_91, %dma_wait3A_92] : memref<2x64xi32, #tpu.memory_space<vmem>> -> memref<1x64xi32, #tpu.memory_space<vmem>>
          %dma_wait3A_94 = tpu.memref_squeeze %dma_wait3A_93 : memref<1x64xi32, #tpu.memory_space<vmem>> -> memref<64xi32, #tpu.memory_space<vmem>>
          %dma_wait3A_95 = arith.constant 0 : i32
          %dma_wait3A_96 = tpu.memref_slice %arg2[%arg0, %dma_wait3A_95] : memref<20000x64xf32, #tpu.memory_space<hbm>> -> memref<19999x64xf32, #tpu.memory_space<hbm>>
          %dma_wait3A_97 = arith.constant 0 : i32
          %dma_wait3A_98 = arith.constant 0 : i32
          %dma_wait3A_99 = tpu.memref_slice %dma_wait3A_96[%dma_wait3A_97, %dma_wait3A_98] : memref<19999x64xf32, #tpu.memory_space<hbm>> -> memref<19999x64xf32, #tpu.memory_space<hbm>>
          tpu.wait_indirect_dma semaphore(%arg12 : memref<!tpu.dma_semaphore, #tpu.memory_space<semaphore_mem>>) src(%dma_wait3A_99 : memref<19999x64xf32, #tpu.memory_space<hbm>>) dst(%arg7 : memref<64x64xf32, #tpu.memory_space<vmem>>)
          %dma_start3A_100 = arith.constant 1 : i32
          %dma_start3A_101 = arith.constant 0 : i32
          %dma_start3A_102 = tpu.memref_slice %arg9[%dma_start3A_100, %dma_start3A_101] : memref<2x64xi32, #tpu.memory_space<vmem>> -> memref<1x64xi32, #tpu.memory_space<vmem>>
          %dma_start3A_103 = tpu.memref_squeeze %dma_start3A_102 : memref<1x64xi32, #tpu.memory_space<vmem>> -> memref<64xi32, #tpu.memory_space<vmem>>
          %dma_start3A_104 = arith.constant 0 : i32
          %dma_start3A_105 = arith.constant 0 : i32
          %dma_start3A_106 = tpu.memref_slice %arg6[%dma_start3A_104, %dma_start3A_105] : memref<30336x64xf32, #tpu.memory_space<vmem_shared>> -> memref<30336x64xf32, #tpu.memory_space<vmem_shared>>
          tpu.enqueue_indirect_dma source(%arg7 : memref<64x64xf32, #tpu.memory_space<vmem>>) target(%dma_start3A_106 : memref<30336x64xf32, #tpu.memory_space<vmem_shared>>) offsets(%dma_start3A_103 : memref<64xi32, #tpu.memory_space<vmem>>) semaphore(%arg14 : memref<!tpu.dma_semaphore, #tpu.memory_space<semaphore_mem>>) {add = true}
          %add3A_107 = arith.constant 1 : i32
          %add3A_108 = arith.addi %add3A_59, %add3A_107 : i32
          %lt3A = arith.constant 313 : i32
          %lt3A_109 = arith.cmpi slt, %add3A_108, %lt3A : i32
          %convert_element_type3A_110 = arith.extui %lt3A_109 : i1 to i32
          %cond3A_111 = arith.constant 0 : i32
          %cond3A_112 = arith.cmpi ne, %convert_element_type3A_110, %cond3A_111 : i32
          scf.if %cond3A_112 {
            %add3A_131 = arith.constant 1 : i32
            %add3A_132 = arith.addi %add3A_59, %add3A_131 : i32
            %mul3A_133 = arith.constant 16 : i32
            %mul3A_134 = arith.muli %add3A_132, %mul3A_133 : i32
            %add3A_135 = arith.addi %mul3A_134, %arg1 : i32
            %dma_wait3A_136 = arith.constant 0 : i32
            %dma_wait3A_137 = arith.constant 0 : i32
            %dma_wait3A_138 = tpu.memref_slice %arg3[%add3A_135, %dma_wait3A_136, %dma_wait3A_137] : memref<5008x2x64xi32, #tpu.memory_space<hbm>> -> memref<1x2x64xi32, #tpu.memory_space<hbm>>
            %dma_wait3A_139 = tpu.memref_squeeze %dma_wait3A_138 : memref<1x2x64xi32, #tpu.memory_space<hbm>> -> memref<2x64xi32, #tpu.memory_space<hbm>>
            %dma_wait3A_140 = arith.constant 0 : i32
            %dma_wait3A_141 = arith.constant 0 : i32
            %dma_wait3A_142 = tpu.memref_slice %arg3[%add3A_135, %dma_wait3A_140, %dma_wait3A_141] : memref<5008x2x64xi32, #tpu.memory_space<hbm>> -> memref<1x2x64xi32, #tpu.memory_space<hbm>>
            %dma_wait3A_143 = tpu.memref_squeeze %dma_wait3A_142 : memref<1x2x64xi32, #tpu.memory_space<hbm>> -> memref<2x64xi32, #tpu.memory_space<hbm>>
            tpu.wait_dma2 semaphore(%arg17 : memref<!tpu.dma_semaphore, #tpu.memory_space<semaphore_mem>>) src(%dma_wait3A_143 : memref<2x64xi32, #tpu.memory_space<hbm>>) dst(%arg10 : memref<2x64xi32, #tpu.memory_space<vmem>>)
          } else {
          }
          %ge3A = arith.constant 1 : i32
          %ge3A_113 = arith.cmpi sge, %add3A_59, %ge3A : i32
          %convert_element_type3A_114 = arith.extui %ge3A_113 : i1 to i32
          %cond3A_115 = arith.constant 0 : i32
          %cond3A_116 = arith.cmpi ne, %convert_element_type3A_114, %cond3A_115 : i32
          scf.if %cond3A_116 {
            %sub3A = arith.constant 1 : i32
            %sub3A_131 = arith.subi %add3A_59, %sub3A : i32
            %dma_wait3A_132 = arith.constant 1 : i32
            %dma_wait3A_133 = arith.constant 0 : i32
            %dma_wait3A_134 = tpu.memref_slice %arg11[%dma_wait3A_132, %dma_wait3A_133] : memref<2x64xi32, #tpu.memory_space<vmem>> -> memref<1x64xi32, #tpu.memory_space<vmem>>
            %dma_wait3A_135 = tpu.memref_squeeze %dma_wait3A_134 : memref<1x64xi32, #tpu.memory_space<vmem>> -> memref<64xi32, #tpu.memory_space<vmem>>
            %dma_wait3A_136 = arith.constant 0 : i32
            %dma_wait3A_137 = arith.constant 0 : i32
            %dma_wait3A_138 = tpu.memref_slice %arg6[%dma_wait3A_136, %dma_wait3A_137] : memref<30336x64xf32, #tpu.memory_space<vmem_shared>> -> memref<30336x64xf32, #tpu.memory_space<vmem_shared>>
            tpu.wait_indirect_dma semaphore(%arg15 : memref<!tpu.dma_semaphore, #tpu.memory_space<semaphore_mem>>) src(%arg8 : memref<64x64xf32, #tpu.memory_space<vmem>>) dst(%dma_wait3A_138 : memref<30336x64xf32, #tpu.memory_space<vmem_shared>>)
          } else {
          }
          %add3A_117 = arith.constant 1 : i32
          %add3A_118 = arith.addi %add3A_59, %add3A_117 : i32
          %lt3A_119 = arith.constant 313 : i32
          %lt3A_120 = arith.cmpi slt, %add3A_118, %lt3A_119 : i32
          %convert_element_type3A_121 = arith.extui %lt3A_120 : i1 to i32
          %cond3A_122 = arith.constant 0 : i32
          %cond3A_123 = arith.cmpi ne, %convert_element_type3A_121, %cond3A_122 : i32
          scf.if %cond3A_123 {
            %add3A_131 = arith.constant 1 : i32
            %add3A_132 = arith.addi %add3A_59, %add3A_131 : i32
            %dma_start3A_133 = arith.constant 0 : i32
            %dma_start3A_134 = arith.constant 0 : i32
            %dma_start3A_135 = tpu.memref_slice %arg10[%dma_start3A_133, %dma_start3A_134] : memref<2x64xi32, #tpu.memory_space<vmem>> -> memref<1x64xi32, #tpu.memory_space<vmem>>
            %dma_start3A_136 = tpu.memref_squeeze %dma_start3A_135 : memref<1x64xi32, #tpu.memory_space<vmem>> -> memref<64xi32, #tpu.memory_space<vmem>>
            %dma_start3A_137 = arith.constant 0 : i32
            %dma_start3A_138 = tpu.memref_slice %arg2[%arg0, %dma_start3A_137] : memref<20000x64xf32, #tpu.memory_space<hbm>> -> memref<19999x64xf32, #tpu.memory_space<hbm>>
            %dma_start3A_139 = arith.constant 0 : i32
            %dma_start3A_140 = arith.constant 0 : i32
            %dma_start3A_141 = tpu.memref_slice %dma_start3A_138[%dma_start3A_139, %dma_start3A_140] : memref<19999x64xf32, #tpu.memory_space<hbm>> -> memref<19999x64xf32, #tpu.memory_space<hbm>>
            tpu.enqueue_indirect_dma source(%dma_start3A_141 : memref<19999x64xf32, #tpu.memory_space<hbm>>) target(%arg8 : memref<64x64xf32, #tpu.memory_space<vmem>>) offsets(%dma_start3A_136 : memref<64xi32, #tpu.memory_space<vmem>>) semaphore(%arg13 : memref<!tpu.dma_semaphore, #tpu.memory_space<semaphore_mem>>)
          } else {
          }
          %add3A_124 = arith.constant 2 : i32
          %add3A_125 = arith.addi %add3A_59, %add3A_124 : i32
          %lt3A_126 = arith.constant 313 : i32
          %lt3A_127 = arith.cmpi slt, %add3A_125, %lt3A_126 : i32
          %convert_element_type3A_128 = arith.extui %lt3A_127 : i1 to i32
          %cond3A_129 = arith.constant 0 : i32
          %cond3A_130 = arith.cmpi ne, %convert_element_type3A_128, %cond3A_129 : i32
          scf.if %cond3A_130 {
            %add3A_131 = arith.constant 2 : i32
            %add3A_132 = arith.addi %add3A_59, %add3A_131 : i32
            %mul3A_133 = arith.constant 16 : i32
            %mul3A_134 = arith.muli %add3A_132, %mul3A_133 : i32
            %add3A_135 = arith.addi %mul3A_134, %arg1 : i32
            %dma_start3A_136 = arith.constant 0 : i32
            %dma_start3A_137 = arith.constant 0 : i32
            %dma_start3A_138 = tpu.memref_slice %arg3[%add3A_135, %dma_start3A_136, %dma_start3A_137] : memref<5008x2x64xi32, #tpu.memory_space<hbm>> -> memref<1x2x64xi32, #tpu.memory_space<hbm>>
            %dma_start3A_139 = tpu.memref_squeeze %dma_start3A_138 : memref<1x2x64xi32, #tpu.memory_space<hbm>> -> memref<2x64xi32, #tpu.memory_space<hbm>>
            %dma_start3A_140 = arith.constant 0 : i32
            %dma_start3A_141 = arith.constant 0 : i32
            %dma_start3A_142 = tpu.memref_slice %arg3[%add3A_135, %dma_start3A_140, %dma_start3A_141] : memref<5008x2x64xi32, #tpu.memory_space<hbm>> -> memref<1x2x64xi32, #tpu.memory_space<hbm>>
            %dma_start3A_143 = tpu.memref_squeeze %dma_start3A_142 : memref<1x2x64xi32, #tpu.memory_space<hbm>> -> memref<2x64xi32, #tpu.memory_space<hbm>>
            tpu.enqueue_dma source(%dma_start3A_143 : memref<2x64xi32, #tpu.memory_space<hbm>>) target(%arg11 : memref<2x64xi32, #tpu.memory_space<vmem>>) target_semaphore(%arg18 : memref<!tpu.dma_semaphore, #tpu.memory_space<semaphore_mem>>)
          } else {
          }
        } else {
        }
        %rem3A_84 = arith.constant 2 : i32
        %rem3A_85 = arith.remsi %add3A_59, %rem3A_84 : i32
        %eq3A_86 = arith.constant 1 : i32
        %eq3A_87 = arith.cmpi eq, %rem3A_85, %eq3A_86 : i32
        %convert_element_type3A_88 = arith.extui %eq3A_87 : i1 to i32
        %cond3A_89 = arith.constant 0 : i32
        %cond3A_90 = arith.cmpi ne, %convert_element_type3A_88, %cond3A_89 : i32
        scf.if %cond3A_90 {
          %dma_wait3A_91 = arith.constant 0 : i32
          %dma_wait3A_92 = arith.constant 0 : i32
          %dma_wait3A_93 = tpu.memref_slice %arg9[%dma_wait3A_91, %dma_wait3A_92] : memref<2x64xi32, #tpu.memory_space<vmem>> -> memref<1x64xi32, #tpu.memory_space<vmem>>
          %dma_wait3A_94 = tpu.memref_squeeze %dma_wait3A_93 : memref<1x64xi32, #tpu.memory_space<vmem>> -> memref<64xi32, #tpu.memory_space<vmem>>
          %dma_wait3A_95 = arith.constant 0 : i32
          %dma_wait3A_96 = tpu.memref_slice %arg2[%arg0, %dma_wait3A_95] : memref<20000x64xf32, #tpu.memory_space<hbm>> -> memref<19999x64xf32, #tpu.memory_space<hbm>>
          %dma_wait3A_97 = arith.constant 0 : i32
          %dma_wait3A_98 = arith.constant 0 : i32
          %dma_wait3A_99 = tpu.memref_slice %dma_wait3A_96[%dma_wait3A_97, %dma_wait3A_98] : memref<19999x64xf32, #tpu.memory_space<hbm>> -> memref<19999x64xf32, #tpu.memory_space<hbm>>
          tpu.wait_indirect_dma semaphore(%arg13 : memref<!tpu.dma_semaphore, #tpu.memory_space<semaphore_mem>>) src(%dma_wait3A_99 : memref<19999x64xf32, #tpu.memory_space<hbm>>) dst(%arg8 : memref<64x64xf32, #tpu.memory_space<vmem>>)
          %dma_start3A_100 = arith.constant 1 : i32
          %dma_start3A_101 = arith.constant 0 : i32
          %dma_start3A_102 = tpu.memref_slice %arg9[%dma_start3A_100, %dma_start3A_101] : memref<2x64xi32, #tpu.memory_space<vmem>> -> memref<1x64xi32, #tpu.memory_space<vmem>>
          %dma_start3A_103 = tpu.memref_squeeze %dma_start3A_102 : memref<1x64xi32, #tpu.memory_space<vmem>> -> memref<64xi32, #tpu.memory_space<vmem>>
          %dma_start3A_104 = arith.constant 0 : i32
          %dma_start3A_105 = arith.constant 0 : i32
          %dma_start3A_106 = tpu.memref_slice %arg6[%dma_start3A_104, %dma_start3A_105] : memref<30336x64xf32, #tpu.memory_space<vmem_shared>> -> memref<30336x64xf32, #tpu.memory_space<vmem_shared>>
          tpu.enqueue_indirect_dma source(%arg8 : memref<64x64xf32, #tpu.memory_space<vmem>>) target(%dma_start3A_106 : memref<30336x64xf32, #tpu.memory_space<vmem_shared>>) offsets(%dma_start3A_103 : memref<64xi32, #tpu.memory_space<vmem>>) semaphore(%arg15 : memref<!tpu.dma_semaphore, #tpu.memory_space<semaphore_mem>>) {add = true}
          %add3A_107 = arith.constant 1 : i32
          %add3A_108 = arith.addi %add3A_59, %add3A_107 : i32
          %lt3A = arith.constant 313 : i32
          %lt3A_109 = arith.cmpi slt, %add3A_108, %lt3A : i32
          %convert_element_type3A_110 = arith.extui %lt3A_109 : i1 to i32
          %cond3A_111 = arith.constant 0 : i32
          %cond3A_112 = arith.cmpi ne, %convert_element_type3A_110, %cond3A_111 : i32
          scf.if %cond3A_112 {
            %add3A_131 = arith.constant 1 : i32
            %add3A_132 = arith.addi %add3A_59, %add3A_131 : i32
            %mul3A_133 = arith.constant 16 : i32
            %mul3A_134 = arith.muli %add3A_132, %mul3A_133 : i32
            %add3A_135 = arith.addi %mul3A_134, %arg1 : i32
            %dma_wait3A_136 = arith.constant 0 : i32
            %dma_wait3A_137 = arith.constant 0 : i32
            %dma_wait3A_138 = tpu.memref_slice %arg3[%add3A_135, %dma_wait3A_136, %dma_wait3A_137] : memref<5008x2x64xi32, #tpu.memory_space<hbm>> -> memref<1x2x64xi32, #tpu.memory_space<hbm>>
            %dma_wait3A_139 = tpu.memref_squeeze %dma_wait3A_138 : memref<1x2x64xi32, #tpu.memory_space<hbm>> -> memref<2x64xi32, #tpu.memory_space<hbm>>
            %dma_wait3A_140 = arith.constant 0 : i32
            %dma_wait3A_141 = arith.constant 0 : i32
            %dma_wait3A_142 = tpu.memref_slice %arg3[%add3A_135, %dma_wait3A_140, %dma_wait3A_141] : memref<5008x2x64xi32, #tpu.memory_space<hbm>> -> memref<1x2x64xi32, #tpu.memory_space<hbm>>
            %dma_wait3A_143 = tpu.memref_squeeze %dma_wait3A_142 : memref<1x2x64xi32, #tpu.memory_space<hbm>> -> memref<2x64xi32, #tpu.memory_space<hbm>>
            tpu.wait_dma2 semaphore(%arg17 : memref<!tpu.dma_semaphore, #tpu.memory_space<semaphore_mem>>) src(%dma_wait3A_143 : memref<2x64xi32, #tpu.memory_space<hbm>>) dst(%arg10 : memref<2x64xi32, #tpu.memory_space<vmem>>)
          } else {
          }
          %ge3A = arith.constant 1 : i32
          %ge3A_113 = arith.cmpi sge, %add3A_59, %ge3A : i32
          %convert_element_type3A_114 = arith.extui %ge3A_113 : i1 to i32
          %cond3A_115 = arith.constant 0 : i32
          %cond3A_116 = arith.cmpi ne, %convert_element_type3A_114, %cond3A_115 : i32
          scf.if %cond3A_116 {
            %sub3A = arith.constant 1 : i32
            %sub3A_131 = arith.subi %add3A_59, %sub3A : i32
            %dma_wait3A_132 = arith.constant 1 : i32
            %dma_wait3A_133 = arith.constant 0 : i32
            %dma_wait3A_134 = tpu.memref_slice %arg11[%dma_wait3A_132, %dma_wait3A_133] : memref<2x64xi32, #tpu.memory_space<vmem>> -> memref<1x64xi32, #tpu.memory_space<vmem>>
            %dma_wait3A_135 = tpu.memref_squeeze %dma_wait3A_134 : memref<1x64xi32, #tpu.memory_space<vmem>> -> memref<64xi32, #tpu.memory_space<vmem>>
            %dma_wait3A_136 = arith.constant 0 : i32
            %dma_wait3A_137 = arith.constant 0 : i32
            %dma_wait3A_138 = tpu.memref_slice %arg6[%dma_wait3A_136, %dma_wait3A_137] : memref<30336x64xf32, #tpu.memory_space<vmem_shared>> -> memref<30336x64xf32, #tpu.memory_space<vmem_shared>>
            tpu.wait_indirect_dma semaphore(%arg14 : memref<!tpu.dma_semaphore, #tpu.memory_space<semaphore_mem>>) src(%arg7 : memref<64x64xf32, #tpu.memory_space<vmem>>) dst(%dma_wait3A_138 : memref<30336x64xf32, #tpu.memory_space<vmem_shared>>)
          } else {
          }
          %add3A_117 = arith.constant 1 : i32
          %add3A_118 = arith.addi %add3A_59, %add3A_117 : i32
          %lt3A_119 = arith.constant 313 : i32
          %lt3A_120 = arith.cmpi slt, %add3A_118, %lt3A_119 : i32
          %convert_element_type3A_121 = arith.extui %lt3A_120 : i1 to i32
          %cond3A_122 = arith.constant 0 : i32
          %cond3A_123 = arith.cmpi ne, %convert_element_type3A_121, %cond3A_122 : i32
          scf.if %cond3A_123 {
            %add3A_131 = arith.constant 1 : i32
            %add3A_132 = arith.addi %add3A_59, %add3A_131 : i32
            %dma_start3A_133 = arith.constant 0 : i32
            %dma_start3A_134 = arith.constant 0 : i32
            %dma_start3A_135 = tpu.memref_slice %arg10[%dma_start3A_133, %dma_start3A_134] : memref<2x64xi32, #tpu.memory_space<vmem>> -> memref<1x64xi32, #tpu.memory_space<vmem>>
            %dma_start3A_136 = tpu.memref_squeeze %dma_start3A_135 : memref<1x64xi32, #tpu.memory_space<vmem>> -> memref<64xi32, #tpu.memory_space<vmem>>
            %dma_start3A_137 = arith.constant 0 : i32
            %dma_start3A_138 = tpu.memref_slice %arg2[%arg0, %dma_start3A_137] : memref<20000x64xf32, #tpu.memory_space<hbm>> -> memref<19999x64xf32, #tpu.memory_space<hbm>>
            %dma_start3A_139 = arith.constant 0 : i32
            %dma_start3A_140 = arith.constant 0 : i32
            %dma_start3A_141 = tpu.memref_slice %dma_start3A_138[%dma_start3A_139, %dma_start3A_140] : memref<19999x64xf32, #tpu.memory_space<hbm>> -> memref<19999x64xf32, #tpu.memory_space<hbm>>
            tpu.enqueue_indirect_dma source(%dma_start3A_141 : memref<19999x64xf32, #tpu.memory_space<hbm>>) target(%arg7 : memref<64x64xf32, #tpu.memory_space<vmem>>) offsets(%dma_start3A_136 : memref<64xi32, #tpu.memory_space<vmem>>) semaphore(%arg12 : memref<!tpu.dma_semaphore, #tpu.memory_space<semaphore_mem>>)
          } else {
          }
          %add3A_124 = arith.constant 2 : i32
          %add3A_125 = arith.addi %add3A_59, %add3A_124 : i32
          %lt3A_126 = arith.constant 313 : i32
          %lt3A_127 = arith.cmpi slt, %add3A_125, %lt3A_126 : i32
          %convert_element_type3A_128 = arith.extui %lt3A_127 : i1 to i32
          %cond3A_129 = arith.constant 0 : i32
          %cond3A_130 = arith.cmpi ne, %convert_element_type3A_128, %cond3A_129 : i32
          scf.if %cond3A_130 {
            %add3A_131 = arith.constant 2 : i32
            %add3A_132 = arith.addi %add3A_59, %add3A_131 : i32
            %mul3A_133 = arith.constant 16 : i32
            %mul3A_134 = arith.muli %add3A_132, %mul3A_133 : i32
            %add3A_135 = arith.addi %mul3A_134, %arg1 : i32
            %dma_start3A_136 = arith.constant 0 : i32
            %dma_start3A_137 = arith.constant 0 : i32
            %dma_start3A_138 = tpu.memref_slice %arg3[%add3A_135, %dma_start3A_136, %dma_start3A_137] : memref<5008x2x64xi32, #tpu.memory_space<hbm>> -> memref<1x2x64xi32, #tpu.memory_space<hbm>>
            %dma_start3A_139 = tpu.memref_squeeze %dma_start3A_138 : memref<1x2x64xi32, #tpu.memory_space<hbm>> -> memref<2x64xi32, #tpu.memory_space<hbm>>
            %dma_start3A_140 = arith.constant 0 : i32
            %dma_start3A_141 = arith.constant 0 : i32
            %dma_start3A_142 = tpu.memref_slice %arg3[%add3A_135, %dma_start3A_140, %dma_start3A_141] : memref<5008x2x64xi32, #tpu.memory_space<hbm>> -> memref<1x2x64xi32, #tpu.memory_space<hbm>>
            %dma_start3A_143 = tpu.memref_squeeze %dma_start3A_142 : memref<1x2x64xi32, #tpu.memory_space<hbm>> -> memref<2x64xi32, #tpu.memory_space<hbm>>
            tpu.enqueue_dma source(%dma_start3A_143 : memref<2x64xi32, #tpu.memory_space<hbm>>) target(%arg11 : memref<2x64xi32, #tpu.memory_space<vmem>>) target_semaphore(%arg18 : memref<!tpu.dma_semaphore, #tpu.memory_space<semaphore_mem>>)
          } else {
          }
        } else {
        }
      } else {
      }
      %rem3A_63 = arith.constant 3 : i32
      %rem3A_64 = arith.remsi %add3A_59, %rem3A_63 : i32
      %eq3A_65 = arith.constant 1 : i32
      %eq3A_66 = arith.cmpi eq, %rem3A_64, %eq3A_65 : i32
      %convert_element_type3A_67 = arith.extui %eq3A_66 : i1 to i32
      %cond3A_68 = arith.constant 0 : i32
      %cond3A_69 = arith.cmpi ne, %convert_element_type3A_67, %cond3A_68 : i32
      scf.if %cond3A_69 {
        %rem3A_77 = arith.constant 2 : i32
        %rem3A_78 = arith.remsi %add3A_59, %rem3A_77 : i32
        %eq3A_79 = arith.constant 0 : i32
        %eq3A_80 = arith.cmpi eq, %rem3A_78, %eq3A_79 : i32
        %convert_element_type3A_81 = arith.extui %eq3A_80 : i1 to i32
        %cond3A_82 = arith.constant 0 : i32
        %cond3A_83 = arith.cmpi ne, %convert_element_type3A_81, %cond3A_82 : i32
        scf.if %cond3A_83 {
          %dma_wait3A_91 = arith.constant 0 : i32
          %dma_wait3A_92 = arith.constant 0 : i32
          %dma_wait3A_93 = tpu.memref_slice %arg10[%dma_wait3A_91, %dma_wait3A_92] : memref<2x64xi32, #tpu.memory_space<vmem>> -> memref<1x64xi32, #tpu.memory_space<vmem>>
          %dma_wait3A_94 = tpu.memref_squeeze %dma_wait3A_93 : memref<1x64xi32, #tpu.memory_space<vmem>> -> memref<64xi32, #tpu.memory_space<vmem>>
          %dma_wait3A_95 = arith.constant 0 : i32
          %dma_wait3A_96 = tpu.memref_slice %arg2[%arg0, %dma_wait3A_95] : memref<20000x64xf32, #tpu.memory_space<hbm>> -> memref<19999x64xf32, #tpu.memory_space<hbm>>
          %dma_wait3A_97 = arith.constant 0 : i32
          %dma_wait3A_98 = arith.constant 0 : i32
          %dma_wait3A_99 = tpu.memref_slice %dma_wait3A_96[%dma_wait3A_97, %dma_wait3A_98] : memref<19999x64xf32, #tpu.memory_space<hbm>> -> memref<19999x64xf32, #tpu.memory_space<hbm>>
          tpu.wait_indirect_dma semaphore(%arg12 : memref<!tpu.dma_semaphore, #tpu.memory_space<semaphore_mem>>) src(%dma_wait3A_99 : memref<19999x64xf32, #tpu.memory_space<hbm>>) dst(%arg7 : memref<64x64xf32, #tpu.memory_space<vmem>>)
          %dma_start3A_100 = arith.constant 1 : i32
          %dma_start3A_101 = arith.constant 0 : i32
          %dma_start3A_102 = tpu.memref_slice %arg10[%dma_start3A_100, %dma_start3A_101] : memref<2x64xi32, #tpu.memory_space<vmem>> -> memref<1x64xi32, #tpu.memory_space<vmem>>
          %dma_start3A_103 = tpu.memref_squeeze %dma_start3A_102 : memref<1x64xi32, #tpu.memory_space<vmem>> -> memref<64xi32, #tpu.memory_space<vmem>>
          %dma_start3A_104 = arith.constant 0 : i32
          %dma_start3A_105 = arith.constant 0 : i32
          %dma_start3A_106 = tpu.memref_slice %arg6[%dma_start3A_104, %dma_start3A_105] : memref<30336x64xf32, #tpu.memory_space<vmem_shared>> -> memref<30336x64xf32, #tpu.memory_space<vmem_shared>>
          tpu.enqueue_indirect_dma source(%arg7 : memref<64x64xf32, #tpu.memory_space<vmem>>) target(%dma_start3A_106 : memref<30336x64xf32, #tpu.memory_space<vmem_shared>>) offsets(%dma_start3A_103 : memref<64xi32, #tpu.memory_space<vmem>>) semaphore(%arg14 : memref<!tpu.dma_semaphore, #tpu.memory_space<semaphore_mem>>) {add = true}
          %add3A_107 = arith.constant 1 : i32
          %add3A_108 = arith.addi %add3A_59, %add3A_107 : i32
          %lt3A = arith.constant 313 : i32
          %lt3A_109 = arith.cmpi slt, %add3A_108, %lt3A : i32
          %convert_element_type3A_110 = arith.extui %lt3A_109 : i1 to i32
          %cond3A_111 = arith.constant 0 : i32
          %cond3A_112 = arith.cmpi ne, %convert_element_type3A_110, %cond3A_111 : i32
          scf.if %cond3A_112 {
            %add3A_131 = arith.constant 1 : i32
            %add3A_132 = arith.addi %add3A_59, %add3A_131 : i32
            %mul3A_133 = arith.constant 16 : i32
            %mul3A_134 = arith.muli %add3A_132, %mul3A_133 : i32
            %add3A_135 = arith.addi %mul3A_134, %arg1 : i32
            %dma_wait3A_136 = arith.constant 0 : i32
            %dma_wait3A_137 = arith.constant 0 : i32
            %dma_wait3A_138 = tpu.memref_slice %arg3[%add3A_135, %dma_wait3A_136, %dma_wait3A_137] : memref<5008x2x64xi32, #tpu.memory_space<hbm>> -> memref<1x2x64xi32, #tpu.memory_space<hbm>>
            %dma_wait3A_139 = tpu.memref_squeeze %dma_wait3A_138 : memref<1x2x64xi32, #tpu.memory_space<hbm>> -> memref<2x64xi32, #tpu.memory_space<hbm>>
            %dma_wait3A_140 = arith.constant 0 : i32
            %dma_wait3A_141 = arith.constant 0 : i32
            %dma_wait3A_142 = tpu.memref_slice %arg3[%add3A_135, %dma_wait3A_140, %dma_wait3A_141] : memref<5008x2x64xi32, #tpu.memory_space<hbm>> -> memref<1x2x64xi32, #tpu.memory_space<hbm>>
            %dma_wait3A_143 = tpu.memref_squeeze %dma_wait3A_142 : memref<1x2x64xi32, #tpu.memory_space<hbm>> -> memref<2x64xi32, #tpu.memory_space<hbm>>
            tpu.wait_dma2 semaphore(%arg18 : memref<!tpu.dma_semaphore, #tpu.memory_space<semaphore_mem>>) src(%dma_wait3A_143 : memref<2x64xi32, #tpu.memory_space<hbm>>) dst(%arg11 : memref<2x64xi32, #tpu.memory_space<vmem>>)
          } else {
          }
          %ge3A = arith.constant 1 : i32
          %ge3A_113 = arith.cmpi sge, %add3A_59, %ge3A : i32
          %convert_element_type3A_114 = arith.extui %ge3A_113 : i1 to i32
          %cond3A_115 = arith.constant 0 : i32
          %cond3A_116 = arith.cmpi ne, %convert_element_type3A_114, %cond3A_115 : i32
          scf.if %cond3A_116 {
            %sub3A = arith.constant 1 : i32
            %sub3A_131 = arith.subi %add3A_59, %sub3A : i32
            %dma_wait3A_132 = arith.constant 1 : i32
            %dma_wait3A_133 = arith.constant 0 : i32
            %dma_wait3A_134 = tpu.memref_slice %arg9[%dma_wait3A_132, %dma_wait3A_133] : memref<2x64xi32, #tpu.memory_space<vmem>> -> memref<1x64xi32, #tpu.memory_space<vmem>>
            %dma_wait3A_135 = tpu.memref_squeeze %dma_wait3A_134 : memref<1x64xi32, #tpu.memory_space<vmem>> -> memref<64xi32, #tpu.memory_space<vmem>>
            %dma_wait3A_136 = arith.constant 0 : i32
            %dma_wait3A_137 = arith.constant 0 : i32
            %dma_wait3A_138 = tpu.memref_slice %arg6[%dma_wait3A_136, %dma_wait3A_137] : memref<30336x64xf32, #tpu.memory_space<vmem_shared>> -> memref<30336x64xf32, #tpu.memory_space<vmem_shared>>
            tpu.wait_indirect_dma semaphore(%arg15 : memref<!tpu.dma_semaphore, #tpu.memory_space<semaphore_mem>>) src(%arg8 : memref<64x64xf32, #tpu.memory_space<vmem>>) dst(%dma_wait3A_138 : memref<30336x64xf32, #tpu.memory_space<vmem_shared>>)
          } else {
          }
          %add3A_117 = arith.constant 1 : i32
          %add3A_118 = arith.addi %add3A_59, %add3A_117 : i32
          %lt3A_119 = arith.constant 313 : i32
          %lt3A_120 = arith.cmpi slt, %add3A_118, %lt3A_119 : i32
          %convert_element_type3A_121 = arith.extui %lt3A_120 : i1 to i32
          %cond3A_122 = arith.constant 0 : i32
          %cond3A_123 = arith.cmpi ne, %convert_element_type3A_121, %cond3A_122 : i32
          scf.if %cond3A_123 {
            %add3A_131 = arith.constant 1 : i32
            %add3A_132 = arith.addi %add3A_59, %add3A_131 : i32
            %dma_start3A_133 = arith.constant 0 : i32
            %dma_start3A_134 = arith.constant 0 : i32
            %dma_start3A_135 = tpu.memref_slice %arg11[%dma_start3A_133, %dma_start3A_134] : memref<2x64xi32, #tpu.memory_space<vmem>> -> memref<1x64xi32, #tpu.memory_space<vmem>>
            %dma_start3A_136 = tpu.memref_squeeze %dma_start3A_135 : memref<1x64xi32, #tpu.memory_space<vmem>> -> memref<64xi32, #tpu.memory_space<vmem>>
            %dma_start3A_137 = arith.constant 0 : i32
            %dma_start3A_138 = tpu.memref_slice %arg2[%arg0, %dma_start3A_137] : memref<20000x64xf32, #tpu.memory_space<hbm>> -> memref<19999x64xf32, #tpu.memory_space<hbm>>
            %dma_start3A_139 = arith.constant 0 : i32
            %dma_start3A_140 = arith.constant 0 : i32
            %dma_start3A_141 = tpu.memref_slice %dma_start3A_138[%dma_start3A_139, %dma_start3A_140] : memref<19999x64xf32, #tpu.memory_space<hbm>> -> memref<19999x64xf32, #tpu.memory_space<hbm>>
            tpu.enqueue_indirect_dma source(%dma_start3A_141 : memref<19999x64xf32, #tpu.memory_space<hbm>>) target(%arg8 : memref<64x64xf32, #tpu.memory_space<vmem>>) offsets(%dma_start3A_136 : memref<64xi32, #tpu.memory_space<vmem>>) semaphore(%arg13 : memref<!tpu.dma_semaphore, #tpu.memory_space<semaphore_mem>>)
          } else {
          }
          %add3A_124 = arith.constant 2 : i32
          %add3A_125 = arith.addi %add3A_59, %add3A_124 : i32
          %lt3A_126 = arith.constant 313 : i32
          %lt3A_127 = arith.cmpi slt, %add3A_125, %lt3A_126 : i32
          %convert_element_type3A_128 = arith.extui %lt3A_127 : i1 to i32
          %cond3A_129 = arith.constant 0 : i32
          %cond3A_130 = arith.cmpi ne, %convert_element_type3A_128, %cond3A_129 : i32
          scf.if %cond3A_130 {
            %add3A_131 = arith.constant 2 : i32
            %add3A_132 = arith.addi %add3A_59, %add3A_131 : i32
            %mul3A_133 = arith.constant 16 : i32
            %mul3A_134 = arith.muli %add3A_132, %mul3A_133 : i32
            %add3A_135 = arith.addi %mul3A_134, %arg1 : i32
            %dma_start3A_136 = arith.constant 0 : i32
            %dma_start3A_137 = arith.constant 0 : i32
            %dma_start3A_138 = tpu.memref_slice %arg3[%add3A_135, %dma_start3A_136, %dma_start3A_137] : memref<5008x2x64xi32, #tpu.memory_space<hbm>> -> memref<1x2x64xi32, #tpu.memory_space<hbm>>
            %dma_start3A_139 = tpu.memref_squeeze %dma_start3A_138 : memref<1x2x64xi32, #tpu.memory_space<hbm>> -> memref<2x64xi32, #tpu.memory_space<hbm>>
            %dma_start3A_140 = arith.constant 0 : i32
            %dma_start3A_141 = arith.constant 0 : i32
            %dma_start3A_142 = tpu.memref_slice %arg3[%add3A_135, %dma_start3A_140, %dma_start3A_141] : memref<5008x2x64xi32, #tpu.memory_space<hbm>> -> memref<1x2x64xi32, #tpu.memory_space<hbm>>
            %dma_start3A_143 = tpu.memref_squeeze %dma_start3A_142 : memref<1x2x64xi32, #tpu.memory_space<hbm>> -> memref<2x64xi32, #tpu.memory_space<hbm>>
            tpu.enqueue_dma source(%dma_start3A_143 : memref<2x64xi32, #tpu.memory_space<hbm>>) target(%arg9 : memref<2x64xi32, #tpu.memory_space<vmem>>) target_semaphore(%arg16 : memref<!tpu.dma_semaphore, #tpu.memory_space<semaphore_mem>>)
          } else {
          }
        } else {
        }
        %rem3A_84 = arith.constant 2 : i32
        %rem3A_85 = arith.remsi %add3A_59, %rem3A_84 : i32
        %eq3A_86 = arith.constant 1 : i32
        %eq3A_87 = arith.cmpi eq, %rem3A_85, %eq3A_86 : i32
        %convert_element_type3A_88 = arith.extui %eq3A_87 : i1 to i32
        %cond3A_89 = arith.constant 0 : i32
        %cond3A_90 = arith.cmpi ne, %convert_element_type3A_88, %cond3A_89 : i32
        scf.if %cond3A_90 {
          %dma_wait3A_91 = arith.constant 0 : i32
          %dma_wait3A_92 = arith.constant 0 : i32
          %dma_wait3A_93 = tpu.memref_slice %arg10[%dma_wait3A_91, %dma_wait3A_92] : memref<2x64xi32, #tpu.memory_space<vmem>> -> memref<1x64xi32, #tpu.memory_space<vmem>>
          %dma_wait3A_94 = tpu.memref_squeeze %dma_wait3A_93 : memref<1x64xi32, #tpu.memory_space<vmem>> -> memref<64xi32, #tpu.memory_space<vmem>>
          %dma_wait3A_95 = arith.constant 0 : i32
          %dma_wait3A_96 = tpu.memref_slice %arg2[%arg0, %dma_wait3A_95] : memref<20000x64xf32, #tpu.memory_space<hbm>> -> memref<19999x64xf32, #tpu.memory_space<hbm>>
          %dma_wait3A_97 = arith.constant 0 : i32
          %dma_wait3A_98 = arith.constant 0 : i32
          %dma_wait3A_99 = tpu.memref_slice %dma_wait3A_96[%dma_wait3A_97, %dma_wait3A_98] : memref<19999x64xf32, #tpu.memory_space<hbm>> -> memref<19999x64xf32, #tpu.memory_space<hbm>>
          tpu.wait_indirect_dma semaphore(%arg13 : memref<!tpu.dma_semaphore, #tpu.memory_space<semaphore_mem>>) src(%dma_wait3A_99 : memref<19999x64xf32, #tpu.memory_space<hbm>>) dst(%arg8 : memref<64x64xf32, #tpu.memory_space<vmem>>)
          %dma_start3A_100 = arith.constant 1 : i32
          %dma_start3A_101 = arith.constant 0 : i32
          %dma_start3A_102 = tpu.memref_slice %arg10[%dma_start3A_100, %dma_start3A_101] : memref<2x64xi32, #tpu.memory_space<vmem>> -> memref<1x64xi32, #tpu.memory_space<vmem>>
          %dma_start3A_103 = tpu.memref_squeeze %dma_start3A_102 : memref<1x64xi32, #tpu.memory_space<vmem>> -> memref<64xi32, #tpu.memory_space<vmem>>
          %dma_start3A_104 = arith.constant 0 : i32
          %dma_start3A_105 = arith.constant 0 : i32
          %dma_start3A_106 = tpu.memref_slice %arg6[%dma_start3A_104, %dma_start3A_105] : memref<30336x64xf32, #tpu.memory_space<vmem_shared>> -> memref<30336x64xf32, #tpu.memory_space<vmem_shared>>
          tpu.enqueue_indirect_dma source(%arg8 : memref<64x64xf32, #tpu.memory_space<vmem>>) target(%dma_start3A_106 : memref<30336x64xf32, #tpu.memory_space<vmem_shared>>) offsets(%dma_start3A_103 : memref<64xi32, #tpu.memory_space<vmem>>) semaphore(%arg15 : memref<!tpu.dma_semaphore, #tpu.memory_space<semaphore_mem>>) {add = true}
          %add3A_107 = arith.constant 1 : i32
          %add3A_108 = arith.addi %add3A_59, %add3A_107 : i32
          %lt3A = arith.constant 313 : i32
          %lt3A_109 = arith.cmpi slt, %add3A_108, %lt3A : i32
          %convert_element_type3A_110 = arith.extui %lt3A_109 : i1 to i32
          %cond3A_111 = arith.constant 0 : i32
          %cond3A_112 = arith.cmpi ne, %convert_element_type3A_110, %cond3A_111 : i32
          scf.if %cond3A_112 {
            %add3A_131 = arith.constant 1 : i32
            %add3A_132 = arith.addi %add3A_59, %add3A_131 : i32
            %mul3A_133 = arith.constant 16 : i32
            %mul3A_134 = arith.muli %add3A_132, %mul3A_133 : i32
            %add3A_135 = arith.addi %mul3A_134, %arg1 : i32
            %dma_wait3A_136 = arith.constant 0 : i32
            %dma_wait3A_137 = arith.constant 0 : i32
            %dma_wait3A_138 = tpu.memref_slice %arg3[%add3A_135, %dma_wait3A_136, %dma_wait3A_137] : memref<5008x2x64xi32, #tpu.memory_space<hbm>> -> memref<1x2x64xi32, #tpu.memory_space<hbm>>
            %dma_wait3A_139 = tpu.memref_squeeze %dma_wait3A_138 : memref<1x2x64xi32, #tpu.memory_space<hbm>> -> memref<2x64xi32, #tpu.memory_space<hbm>>
            %dma_wait3A_140 = arith.constant 0 : i32
            %dma_wait3A_141 = arith.constant 0 : i32
            %dma_wait3A_142 = tpu.memref_slice %arg3[%add3A_135, %dma_wait3A_140, %dma_wait3A_141] : memref<5008x2x64xi32, #tpu.memory_space<hbm>> -> memref<1x2x64xi32, #tpu.memory_space<hbm>>
            %dma_wait3A_143 = tpu.memref_squeeze %dma_wait3A_142 : memref<1x2x64xi32, #tpu.memory_space<hbm>> -> memref<2x64xi32, #tpu.memory_space<hbm>>
            tpu.wait_dma2 semaphore(%arg18 : memref<!tpu.dma_semaphore, #tpu.memory_space<semaphore_mem>>) src(%dma_wait3A_143 : memref<2x64xi32, #tpu.memory_space<hbm>>) dst(%arg11 : memref<2x64xi32, #tpu.memory_space<vmem>>)
          } else {
          }
          %ge3A = arith.constant 1 : i32
          %ge3A_113 = arith.cmpi sge, %add3A_59, %ge3A : i32
          %convert_element_type3A_114 = arith.extui %ge3A_113 : i1 to i32
          %cond3A_115 = arith.constant 0 : i32
          %cond3A_116 = arith.cmpi ne, %convert_element_type3A_114, %cond3A_115 : i32
          scf.if %cond3A_116 {
            %sub3A = arith.constant 1 : i32
            %sub3A_131 = arith.subi %add3A_59, %sub3A : i32
            %dma_wait3A_132 = arith.constant 1 : i32
            %dma_wait3A_133 = arith.constant 0 : i32
            %dma_wait3A_134 = tpu.memref_slice %arg9[%dma_wait3A_132, %dma_wait3A_133] : memref<2x64xi32, #tpu.memory_space<vmem>> -> memref<1x64xi32, #tpu.memory_space<vmem>>
            %dma_wait3A_135 = tpu.memref_squeeze %dma_wait3A_134 : memref<1x64xi32, #tpu.memory_space<vmem>> -> memref<64xi32, #tpu.memory_space<vmem>>
            %dma_wait3A_136 = arith.constant 0 : i32
            %dma_wait3A_137 = arith.constant 0 : i32
            %dma_wait3A_138 = tpu.memref_slice %arg6[%dma_wait3A_136, %dma_wait3A_137] : memref<30336x64xf32, #tpu.memory_space<vmem_shared>> -> memref<30336x64xf32, #tpu.memory_space<vmem_shared>>
            tpu.wait_indirect_dma semaphore(%arg14 : memref<!tpu.dma_semaphore, #tpu.memory_space<semaphore_mem>>) src(%arg7 : memref<64x64xf32, #tpu.memory_space<vmem>>) dst(%dma_wait3A_138 : memref<30336x64xf32, #tpu.memory_space<vmem_shared>>)
          } else {
          }
          %add3A_117 = arith.constant 1 : i32
          %add3A_118 = arith.addi %add3A_59, %add3A_117 : i32
          %lt3A_119 = arith.constant 313 : i32
          %lt3A_120 = arith.cmpi slt, %add3A_118, %lt3A_119 : i32
          %convert_element_type3A_121 = arith.extui %lt3A_120 : i1 to i32
          %cond3A_122 = arith.constant 0 : i32
          %cond3A_123 = arith.cmpi ne, %convert_element_type3A_121, %cond3A_122 : i32
          scf.if %cond3A_123 {
            %add3A_131 = arith.constant 1 : i32
            %add3A_132 = arith.addi %add3A_59, %add3A_131 : i32
            %dma_start3A_133 = arith.constant 0 : i32
            %dma_start3A_134 = arith.constant 0 : i32
            %dma_start3A_135 = tpu.memref_slice %arg11[%dma_start3A_133, %dma_start3A_134] : memref<2x64xi32, #tpu.memory_space<vmem>> -> memref<1x64xi32, #tpu.memory_space<vmem>>
            %dma_start3A_136 = tpu.memref_squeeze %dma_start3A_135 : memref<1x64xi32, #tpu.memory_space<vmem>> -> memref<64xi32, #tpu.memory_space<vmem>>
            %dma_start3A_137 = arith.constant 0 : i32
            %dma_start3A_138 = tpu.memref_slice %arg2[%arg0, %dma_start3A_137] : memref<20000x64xf32, #tpu.memory_space<hbm>> -> memref<19999x64xf32, #tpu.memory_space<hbm>>
            %dma_start3A_139 = arith.constant 0 : i32
            %dma_start3A_140 = arith.constant 0 : i32
            %dma_start3A_141 = tpu.memref_slice %dma_start3A_138[%dma_start3A_139, %dma_start3A_140] : memref<19999x64xf32, #tpu.memory_space<hbm>> -> memref<19999x64xf32, #tpu.memory_space<hbm>>
            tpu.enqueue_indirect_dma source(%dma_start3A_141 : memref<19999x64xf32, #tpu.memory_space<hbm>>) target(%arg7 : memref<64x64xf32, #tpu.memory_space<vmem>>) offsets(%dma_start3A_136 : memref<64xi32, #tpu.memory_space<vmem>>) semaphore(%arg12 : memref<!tpu.dma_semaphore, #tpu.memory_space<semaphore_mem>>)
          } else {
          }
          %add3A_124 = arith.constant 2 : i32
          %add3A_125 = arith.addi %add3A_59, %add3A_124 : i32
          %lt3A_126 = arith.constant 313 : i32
          %lt3A_127 = arith.cmpi slt, %add3A_125, %lt3A_126 : i32
          %convert_element_type3A_128 = arith.extui %lt3A_127 : i1 to i32
          %cond3A_129 = arith.constant 0 : i32
          %cond3A_130 = arith.cmpi ne, %convert_element_type3A_128, %cond3A_129 : i32
          scf.if %cond3A_130 {
            %add3A_131 = arith.constant 2 : i32
            %add3A_132 = arith.addi %add3A_59, %add3A_131 : i32
            %mul3A_133 = arith.constant 16 : i32
            %mul3A_134 = arith.muli %add3A_132, %mul3A_133 : i32
            %add3A_135 = arith.addi %mul3A_134, %arg1 : i32
            %dma_start3A_136 = arith.constant 0 : i32
            %dma_start3A_137 = arith.constant 0 : i32
            %dma_start3A_138 = tpu.memref_slice %arg3[%add3A_135, %dma_start3A_136, %dma_start3A_137] : memref<5008x2x64xi32, #tpu.memory_space<hbm>> -> memref<1x2x64xi32, #tpu.memory_space<hbm>>
            %dma_start3A_139 = tpu.memref_squeeze %dma_start3A_138 : memref<1x2x64xi32, #tpu.memory_space<hbm>> -> memref<2x64xi32, #tpu.memory_space<hbm>>
            %dma_start3A_140 = arith.constant 0 : i32
            %dma_start3A_141 = arith.constant 0 : i32
            %dma_start3A_142 = tpu.memref_slice %arg3[%add3A_135, %dma_start3A_140, %dma_start3A_141] : memref<5008x2x64xi32, #tpu.memory_space<hbm>> -> memref<1x2x64xi32, #tpu.memory_space<hbm>>
            %dma_start3A_143 = tpu.memref_squeeze %dma_start3A_142 : memref<1x2x64xi32, #tpu.memory_space<hbm>> -> memref<2x64xi32, #tpu.memory_space<hbm>>
            tpu.enqueue_dma source(%dma_start3A_143 : memref<2x64xi32, #tpu.memory_space<hbm>>) target(%arg9 : memref<2x64xi32, #tpu.memory_space<vmem>>) target_semaphore(%arg16 : memref<!tpu.dma_semaphore, #tpu.memory_space<semaphore_mem>>)
          } else {
          }
        } else {
        }
      } else {
      }
      %rem3A_70 = arith.constant 3 : i32
      %rem3A_71 = arith.remsi %add3A_59, %rem3A_70 : i32
      %eq3A_72 = arith.constant 2 : i32
      %eq3A_73 = arith.cmpi eq, %rem3A_71, %eq3A_72 : i32
      %convert_element_type3A_74 = arith.extui %eq3A_73 : i1 to i32
      %cond3A_75 = arith.constant 0 : i32
      %cond3A_76 = arith.cmpi ne, %convert_element_type3A_74, %cond3A_75 : i32
      scf.if %cond3A_76 {
        %rem3A_77 = arith.constant 2 : i32
        %rem3A_78 = arith.remsi %add3A_59, %rem3A_77 : i32
        %eq3A_79 = arith.constant 0 : i32
        %eq3A_80 = arith.cmpi eq, %rem3A_78, %eq3A_79 : i32
        %convert_element_type3A_81 = arith.extui %eq3A_80 : i1 to i32
        %cond3A_82 = arith.constant 0 : i32
        %cond3A_83 = arith.cmpi ne, %convert_element_type3A_81, %cond3A_82 : i32
        scf.if %cond3A_83 {
          %dma_wait3A_91 = arith.constant 0 : i32
          %dma_wait3A_92 = arith.constant 0 : i32
          %dma_wait3A_93 = tpu.memref_slice %arg11[%dma_wait3A_91, %dma_wait3A_92] : memref<2x64xi32, #tpu.memory_space<vmem>> -> memref<1x64xi32, #tpu.memory_space<vmem>>
          %dma_wait3A_94 = tpu.memref_squeeze %dma_wait3A_93 : memref<1x64xi32, #tpu.memory_space<vmem>> -> memref<64xi32, #tpu.memory_space<vmem>>
          %dma_wait3A_95 = arith.constant 0 : i32
          %dma_wait3A_96 = tpu.memref_slice %arg2[%arg0, %dma_wait3A_95] : memref<20000x64xf32, #tpu.memory_space<hbm>> -> memref<19999x64xf32, #tpu.memory_space<hbm>>
          %dma_wait3A_97 = arith.constant 0 : i32
          %dma_wait3A_98 = arith.constant 0 : i32
          %dma_wait3A_99 = tpu.memref_slice %dma_wait3A_96[%dma_wait3A_97, %dma_wait3A_98] : memref<19999x64xf32, #tpu.memory_space<hbm>> -> memref<19999x64xf32, #tpu.memory_space<hbm>>
          tpu.wait_indirect_dma semaphore(%arg12 : memref<!tpu.dma_semaphore, #tpu.memory_space<semaphore_mem>>) src(%dma_wait3A_99 : memref<19999x64xf32, #tpu.memory_space<hbm>>) dst(%arg7 : memref<64x64xf32, #tpu.memory_space<vmem>>)
          %dma_start3A_100 = arith.constant 1 : i32
          %dma_start3A_101 = arith.constant 0 : i32
          %dma_start3A_102 = tpu.memref_slice %arg11[%dma_start3A_100, %dma_start3A_101] : memref<2x64xi32, #tpu.memory_space<vmem>> -> memref<1x64xi32, #tpu.memory_space<vmem>>
          %dma_start3A_103 = tpu.memref_squeeze %dma_start3A_102 : memref<1x64xi32, #tpu.memory_space<vmem>> -> memref<64xi32, #tpu.memory_space<vmem>>
          %dma_start3A_104 = arith.constant 0 : i32
          %dma_start3A_105 = arith.constant 0 : i32
          %dma_start3A_106 = tpu.memref_slice %arg6[%dma_start3A_104, %dma_start3A_105] : memref<30336x64xf32, #tpu.memory_space<vmem_shared>> -> memref<30336x64xf32, #tpu.memory_space<vmem_shared>>
          tpu.enqueue_indirect_dma source(%arg7 : memref<64x64xf32, #tpu.memory_space<vmem>>) target(%dma_start3A_106 : memref<30336x64xf32, #tpu.memory_space<vmem_shared>>) offsets(%dma_start3A_103 : memref<64xi32, #tpu.memory_space<vmem>>) semaphore(%arg14 : memref<!tpu.dma_semaphore, #tpu.memory_space<semaphore_mem>>) {add = true}
          %add3A_107 = arith.constant 1 : i32
          %add3A_108 = arith.addi %add3A_59, %add3A_107 : i32
          %lt3A = arith.constant 313 : i32
          %lt3A_109 = arith.cmpi slt, %add3A_108, %lt3A : i32
          %convert_element_type3A_110 = arith.extui %lt3A_109 : i1 to i32
          %cond3A_111 = arith.constant 0 : i32
          %cond3A_112 = arith.cmpi ne, %convert_element_type3A_110, %cond3A_111 : i32
          scf.if %cond3A_112 {
            %add3A_131 = arith.constant 1 : i32
            %add3A_132 = arith.addi %add3A_59, %add3A_131 : i32
            %mul3A_133 = arith.constant 16 : i32
            %mul3A_134 = arith.muli %add3A_132, %mul3A_133 : i32
            %add3A_135 = arith.addi %mul3A_134, %arg1 : i32
            %dma_wait3A_136 = arith.constant 0 : i32
            %dma_wait3A_137 = arith.constant 0 : i32
            %dma_wait3A_138 = tpu.memref_slice %arg3[%add3A_135, %dma_wait3A_136, %dma_wait3A_137] : memref<5008x2x64xi32, #tpu.memory_space<hbm>> -> memref<1x2x64xi32, #tpu.memory_space<hbm>>
            %dma_wait3A_139 = tpu.memref_squeeze %dma_wait3A_138 : memref<1x2x64xi32, #tpu.memory_space<hbm>> -> memref<2x64xi32, #tpu.memory_space<hbm>>
            %dma_wait3A_140 = arith.constant 0 : i32
            %dma_wait3A_141 = arith.constant 0 : i32
            %dma_wait3A_142 = tpu.memref_slice %arg3[%add3A_135, %dma_wait3A_140, %dma_wait3A_141] : memref<5008x2x64xi32, #tpu.memory_space<hbm>> -> memref<1x2x64xi32, #tpu.memory_space<hbm>>
            %dma_wait3A_143 = tpu.memref_squeeze %dma_wait3A_142 : memref<1x2x64xi32, #tpu.memory_space<hbm>> -> memref<2x64xi32, #tpu.memory_space<hbm>>
            tpu.wait_dma2 semaphore(%arg16 : memref<!tpu.dma_semaphore, #tpu.memory_space<semaphore_mem>>) src(%dma_wait3A_143 : memref<2x64xi32, #tpu.memory_space<hbm>>) dst(%arg9 : memref<2x64xi32, #tpu.memory_space<vmem>>)
          } else {
          }
          %ge3A = arith.constant 1 : i32
          %ge3A_113 = arith.cmpi sge, %add3A_59, %ge3A : i32
          %convert_element_type3A_114 = arith.extui %ge3A_113 : i1 to i32
          %cond3A_115 = arith.constant 0 : i32
          %cond3A_116 = arith.cmpi ne, %convert_element_type3A_114, %cond3A_115 : i32
          scf.if %cond3A_116 {
            %sub3A = arith.constant 1 : i32
            %sub3A_131 = arith.subi %add3A_59, %sub3A : i32
            %dma_wait3A_132 = arith.constant 1 : i32
            %dma_wait3A_133 = arith.constant 0 : i32
            %dma_wait3A_134 = tpu.memref_slice %arg10[%dma_wait3A_132, %dma_wait3A_133] : memref<2x64xi32, #tpu.memory_space<vmem>> -> memref<1x64xi32, #tpu.memory_space<vmem>>
            %dma_wait3A_135 = tpu.memref_squeeze %dma_wait3A_134 : memref<1x64xi32, #tpu.memory_space<vmem>> -> memref<64xi32, #tpu.memory_space<vmem>>
            %dma_wait3A_136 = arith.constant 0 : i32
            %dma_wait3A_137 = arith.constant 0 : i32
            %dma_wait3A_138 = tpu.memref_slice %arg6[%dma_wait3A_136, %dma_wait3A_137] : memref<30336x64xf32, #tpu.memory_space<vmem_shared>> -> memref<30336x64xf32, #tpu.memory_space<vmem_shared>>
            tpu.wait_indirect_dma semaphore(%arg15 : memref<!tpu.dma_semaphore, #tpu.memory_space<semaphore_mem>>) src(%arg8 : memref<64x64xf32, #tpu.memory_space<vmem>>) dst(%dma_wait3A_138 : memref<30336x64xf32, #tpu.memory_space<vmem_shared>>)
          } else {
          }
          %add3A_117 = arith.constant 1 : i32
          %add3A_118 = arith.addi %add3A_59, %add3A_117 : i32
          %lt3A_119 = arith.constant 313 : i32
          %lt3A_120 = arith.cmpi slt, %add3A_118, %lt3A_119 : i32
          %convert_element_type3A_121 = arith.extui %lt3A_120 : i1 to i32
          %cond3A_122 = arith.constant 0 : i32
          %cond3A_123 = arith.cmpi ne, %convert_element_type3A_121, %cond3A_122 : i32
          scf.if %cond3A_123 {
            %add3A_131 = arith.constant 1 : i32
            %add3A_132 = arith.addi %add3A_59, %add3A_131 : i32
            %dma_start3A_133 = arith.constant 0 : i32
            %dma_start3A_134 = arith.constant 0 : i32
            %dma_start3A_135 = tpu.memref_slice %arg9[%dma_start3A_133, %dma_start3A_134] : memref<2x64xi32, #tpu.memory_space<vmem>> -> memref<1x64xi32, #tpu.memory_space<vmem>>
            %dma_start3A_136 = tpu.memref_squeeze %dma_start3A_135 : memref<1x64xi32, #tpu.memory_space<vmem>> -> memref<64xi32, #tpu.memory_space<vmem>>
            %dma_start3A_137 = arith.constant 0 : i32
            %dma_start3A_138 = tpu.memref_slice %arg2[%arg0, %dma_start3A_137] : memref<20000x64xf32, #tpu.memory_space<hbm>> -> memref<19999x64xf32, #tpu.memory_space<hbm>>
            %dma_start3A_139 = arith.constant 0 : i32
            %dma_start3A_140 = arith.constant 0 : i32
            %dma_start3A_141 = tpu.memref_slice %dma_start3A_138[%dma_start3A_139, %dma_start3A_140] : memref<19999x64xf32, #tpu.memory_space<hbm>> -> memref<19999x64xf32, #tpu.memory_space<hbm>>
            tpu.enqueue_indirect_dma source(%dma_start3A_141 : memref<19999x64xf32, #tpu.memory_space<hbm>>) target(%arg8 : memref<64x64xf32, #tpu.memory_space<vmem>>) offsets(%dma_start3A_136 : memref<64xi32, #tpu.memory_space<vmem>>) semaphore(%arg13 : memref<!tpu.dma_semaphore, #tpu.memory_space<semaphore_mem>>)
          } else {
          }
          %add3A_124 = arith.constant 2 : i32
          %add3A_125 = arith.addi %add3A_59, %add3A_124 : i32
          %lt3A_126 = arith.constant 313 : i32
          %lt3A_127 = arith.cmpi slt, %add3A_125, %lt3A_126 : i32
          %convert_element_type3A_128 = arith.extui %lt3A_127 : i1 to i32
          %cond3A_129 = arith.constant 0 : i32
          %cond3A_130 = arith.cmpi ne, %convert_element_type3A_128, %cond3A_129 : i32
          scf.if %cond3A_130 {
            %add3A_131 = arith.constant 2 : i32
            %add3A_132 = arith.addi %add3A_59, %add3A_131 : i32
            %mul3A_133 = arith.constant 16 : i32
            %mul3A_134 = arith.muli %add3A_132, %mul3A_133 : i32
            %add3A_135 = arith.addi %mul3A_134, %arg1 : i32
            %dma_start3A_136 = arith.constant 0 : i32
            %dma_start3A_137 = arith.constant 0 : i32
            %dma_start3A_138 = tpu.memref_slice %arg3[%add3A_135, %dma_start3A_136, %dma_start3A_137] : memref<5008x2x64xi32, #tpu.memory_space<hbm>> -> memref<1x2x64xi32, #tpu.memory_space<hbm>>
            %dma_start3A_139 = tpu.memref_squeeze %dma_start3A_138 : memref<1x2x64xi32, #tpu.memory_space<hbm>> -> memref<2x64xi32, #tpu.memory_space<hbm>>
            %dma_start3A_140 = arith.constant 0 : i32
            %dma_start3A_141 = arith.constant 0 : i32
            %dma_start3A_142 = tpu.memref_slice %arg3[%add3A_135, %dma_start3A_140, %dma_start3A_141] : memref<5008x2x64xi32, #tpu.memory_space<hbm>> -> memref<1x2x64xi32, #tpu.memory_space<hbm>>
            %dma_start3A_143 = tpu.memref_squeeze %dma_start3A_142 : memref<1x2x64xi32, #tpu.memory_space<hbm>> -> memref<2x64xi32, #tpu.memory_space<hbm>>
            tpu.enqueue_dma source(%dma_start3A_143 : memref<2x64xi32, #tpu.memory_space<hbm>>) target(%arg10 : memref<2x64xi32, #tpu.memory_space<vmem>>) target_semaphore(%arg17 : memref<!tpu.dma_semaphore, #tpu.memory_space<semaphore_mem>>)
          } else {
          }
        } else {
        }
        %rem3A_84 = arith.constant 2 : i32
        %rem3A_85 = arith.remsi %add3A_59, %rem3A_84 : i32
        %eq3A_86 = arith.constant 1 : i32
        %eq3A_87 = arith.cmpi eq, %rem3A_85, %eq3A_86 : i32
        %convert_element_type3A_88 = arith.extui %eq3A_87 : i1 to i32
        %cond3A_89 = arith.constant 0 : i32
        %cond3A_90 = arith.cmpi ne, %convert_element_type3A_88, %cond3A_89 : i32
        scf.if %cond3A_90 {
          %dma_wait3A_91 = arith.constant 0 : i32
          %dma_wait3A_92 = arith.constant 0 : i32
          %dma_wait3A_93 = tpu.memref_slice %arg11[%dma_wait3A_91, %dma_wait3A_92] : memref<2x64xi32, #tpu.memory_space<vmem>> -> memref<1x64xi32, #tpu.memory_space<vmem>>
          %dma_wait3A_94 = tpu.memref_squeeze %dma_wait3A_93 : memref<1x64xi32, #tpu.memory_space<vmem>> -> memref<64xi32, #tpu.memory_space<vmem>>
          %dma_wait3A_95 = arith.constant 0 : i32
          %dma_wait3A_96 = tpu.memref_slice %arg2[%arg0, %dma_wait3A_95] : memref<20000x64xf32, #tpu.memory_space<hbm>> -> memref<19999x64xf32, #tpu.memory_space<hbm>>
          %dma_wait3A_97 = arith.constant 0 : i32
          %dma_wait3A_98 = arith.constant 0 : i32
          %dma_wait3A_99 = tpu.memref_slice %dma_wait3A_96[%dma_wait3A_97, %dma_wait3A_98] : memref<19999x64xf32, #tpu.memory_space<hbm>> -> memref<19999x64xf32, #tpu.memory_space<hbm>>
          tpu.wait_indirect_dma semaphore(%arg13 : memref<!tpu.dma_semaphore, #tpu.memory_space<semaphore_mem>>) src(%dma_wait3A_99 : memref<19999x64xf32, #tpu.memory_space<hbm>>) dst(%arg8 : memref<64x64xf32, #tpu.memory_space<vmem>>)
          %dma_start3A_100 = arith.constant 1 : i32
          %dma_start3A_101 = arith.constant 0 : i32
          %dma_start3A_102 = tpu.memref_slice %arg11[%dma_start3A_100, %dma_start3A_101] : memref<2x64xi32, #tpu.memory_space<vmem>> -> memref<1x64xi32, #tpu.memory_space<vmem>>
          %dma_start3A_103 = tpu.memref_squeeze %dma_start3A_102 : memref<1x64xi32, #tpu.memory_space<vmem>> -> memref<64xi32, #tpu.memory_space<vmem>>
          %dma_start3A_104 = arith.constant 0 : i32
          %dma_start3A_105 = arith.constant 0 : i32
          %dma_start3A_106 = tpu.memref_slice %arg6[%dma_start3A_104, %dma_start3A_105] : memref<30336x64xf32, #tpu.memory_space<vmem_shared>> -> memref<30336x64xf32, #tpu.memory_space<vmem_shared>>
          tpu.enqueue_indirect_dma source(%arg8 : memref<64x64xf32, #tpu.memory_space<vmem>>) target(%dma_start3A_106 : memref<30336x64xf32, #tpu.memory_space<vmem_shared>>) offsets(%dma_start3A_103 : memref<64xi32, #tpu.memory_space<vmem>>) semaphore(%arg15 : memref<!tpu.dma_semaphore, #tpu.memory_space<semaphore_mem>>) {add = true}
          %add3A_107 = arith.constant 1 : i32
          %add3A_108 = arith.addi %add3A_59, %add3A_107 : i32
          %lt3A = arith.constant 313 : i32
          %lt3A_109 = arith.cmpi slt, %add3A_108, %lt3A : i32
          %convert_element_type3A_110 = arith.extui %lt3A_109 : i1 to i32
          %cond3A_111 = arith.constant 0 : i32
          %cond3A_112 = arith.cmpi ne, %convert_element_type3A_110, %cond3A_111 : i32
          scf.if %cond3A_112 {
            %add3A_131 = arith.constant 1 : i32
            %add3A_132 = arith.addi %add3A_59, %add3A_131 : i32
            %mul3A_133 = arith.constant 16 : i32
            %mul3A_134 = arith.muli %add3A_132, %mul3A_133 : i32
            %add3A_135 = arith.addi %mul3A_134, %arg1 : i32
            %dma_wait3A_136 = arith.constant 0 : i32
            %dma_wait3A_137 = arith.constant 0 : i32
            %dma_wait3A_138 = tpu.memref_slice %arg3[%add3A_135, %dma_wait3A_136, %dma_wait3A_137] : memref<5008x2x64xi32, #tpu.memory_space<hbm>> -> memref<1x2x64xi32, #tpu.memory_space<hbm>>
            %dma_wait3A_139 = tpu.memref_squeeze %dma_wait3A_138 : memref<1x2x64xi32, #tpu.memory_space<hbm>> -> memref<2x64xi32, #tpu.memory_space<hbm>>
            %dma_wait3A_140 = arith.constant 0 : i32
            %dma_wait3A_141 = arith.constant 0 : i32
            %dma_wait3A_142 = tpu.memref_slice %arg3[%add3A_135, %dma_wait3A_140, %dma_wait3A_141] : memref<5008x2x64xi32, #tpu.memory_space<hbm>> -> memref<1x2x64xi32, #tpu.memory_space<hbm>>
            %dma_wait3A_143 = tpu.memref_squeeze %dma_wait3A_142 : memref<1x2x64xi32, #tpu.memory_space<hbm>> -> memref<2x64xi32, #tpu.memory_space<hbm>>
            tpu.wait_dma2 semaphore(%arg16 : memref<!tpu.dma_semaphore, #tpu.memory_space<semaphore_mem>>) src(%dma_wait3A_143 : memref<2x64xi32, #tpu.memory_space<hbm>>) dst(%arg9 : memref<2x64xi32, #tpu.memory_space<vmem>>)
          } else {
          }
          %ge3A = arith.constant 1 : i32
          %ge3A_113 = arith.cmpi sge, %add3A_59, %ge3A : i32
          %convert_element_type3A_114 = arith.extui %ge3A_113 : i1 to i32
          %cond3A_115 = arith.constant 0 : i32
          %cond3A_116 = arith.cmpi ne, %convert_element_type3A_114, %cond3A_115 : i32
          scf.if %cond3A_116 {
            %sub3A = arith.constant 1 : i32
            %sub3A_131 = arith.subi %add3A_59, %sub3A : i32
            %dma_wait3A_132 = arith.constant 1 : i32
            %dma_wait3A_133 = arith.constant 0 : i32
            %dma_wait3A_134 = tpu.memref_slice %arg10[%dma_wait3A_132, %dma_wait3A_133] : memref<2x64xi32, #tpu.memory_space<vmem>> -> memref<1x64xi32, #tpu.memory_space<vmem>>
            %dma_wait3A_135 = tpu.memref_squeeze %dma_wait3A_134 : memref<1x64xi32, #tpu.memory_space<vmem>> -> memref<64xi32, #tpu.memory_space<vmem>>
            %dma_wait3A_136 = arith.constant 0 : i32
            %dma_wait3A_137 = arith.constant 0 : i32
            %dma_wait3A_138 = tpu.memref_slice %arg6[%dma_wait3A_136, %dma_wait3A_137] : memref<30336x64xf32, #tpu.memory_space<vmem_shared>> -> memref<30336x64xf32, #tpu.memory_space<vmem_shared>>
            tpu.wait_indirect_dma semaphore(%arg14 : memref<!tpu.dma_semaphore, #tpu.memory_space<semaphore_mem>>) src(%arg7 : memref<64x64xf32, #tpu.memory_space<vmem>>) dst(%dma_wait3A_138 : memref<30336x64xf32, #tpu.memory_space<vmem_shared>>)
          } else {
          }
          %add3A_117 = arith.constant 1 : i32
          %add3A_118 = arith.addi %add3A_59, %add3A_117 : i32
          %lt3A_119 = arith.constant 313 : i32
          %lt3A_120 = arith.cmpi slt, %add3A_118, %lt3A_119 : i32
          %convert_element_type3A_121 = arith.extui %lt3A_120 : i1 to i32
          %cond3A_122 = arith.constant 0 : i32
          %cond3A_123 = arith.cmpi ne, %convert_element_type3A_121, %cond3A_122 : i32
          scf.if %cond3A_123 {
            %add3A_131 = arith.constant 1 : i32
            %add3A_132 = arith.addi %add3A_59, %add3A_131 : i32
            %dma_start3A_133 = arith.constant 0 : i32
            %dma_start3A_134 = arith.constant 0 : i32
            %dma_start3A_135 = tpu.memref_slice %arg9[%dma_start3A_133, %dma_start3A_134] : memref<2x64xi32, #tpu.memory_space<vmem>> -> memref<1x64xi32, #tpu.memory_space<vmem>>
            %dma_start3A_136 = tpu.memref_squeeze %dma_start3A_135 : memref<1x64xi32, #tpu.memory_space<vmem>> -> memref<64xi32, #tpu.memory_space<vmem>>
            %dma_start3A_137 = arith.constant 0 : i32
            %dma_start3A_138 = tpu.memref_slice %arg2[%arg0, %dma_start3A_137] : memref<20000x64xf32, #tpu.memory_space<hbm>> -> memref<19999x64xf32, #tpu.memory_space<hbm>>
            %dma_start3A_139 = arith.constant 0 : i32
            %dma_start3A_140 = arith.constant 0 : i32
            %dma_start3A_141 = tpu.memref_slice %dma_start3A_138[%dma_start3A_139, %dma_start3A_140] : memref<19999x64xf32, #tpu.memory_space<hbm>> -> memref<19999x64xf32, #tpu.memory_space<hbm>>
            tpu.enqueue_indirect_dma source(%dma_start3A_141 : memref<19999x64xf32, #tpu.memory_space<hbm>>) target(%arg7 : memref<64x64xf32, #tpu.memory_space<vmem>>) offsets(%dma_start3A_136 : memref<64xi32, #tpu.memory_space<vmem>>) semaphore(%arg12 : memref<!tpu.dma_semaphore, #tpu.memory_space<semaphore_mem>>)
          } else {
          }
          %add3A_124 = arith.constant 2 : i32
          %add3A_125 = arith.addi %add3A_59, %add3A_124 : i32
          %lt3A_126 = arith.constant 313 : i32
          %lt3A_127 = arith.cmpi slt, %add3A_125, %lt3A_126 : i32
          %convert_element_type3A_128 = arith.extui %lt3A_127 : i1 to i32
          %cond3A_129 = arith.constant 0 : i32
          %cond3A_130 = arith.cmpi ne, %convert_element_type3A_128, %cond3A_129 : i32
          scf.if %cond3A_130 {
            %add3A_131 = arith.constant 2 : i32
            %add3A_132 = arith.addi %add3A_59, %add3A_131 : i32
            %mul3A_133 = arith.constant 16 : i32
            %mul3A_134 = arith.muli %add3A_132, %mul3A_133 : i32
            %add3A_135 = arith.addi %mul3A_134, %arg1 : i32
            %dma_start3A_136 = arith.constant 0 : i32
            %dma_start3A_137 = arith.constant 0 : i32
            %dma_start3A_138 = tpu.memref_slice %arg3[%add3A_135, %dma_start3A_136, %dma_start3A_137] : memref<5008x2x64xi32, #tpu.memory_space<hbm>> -> memref<1x2x64xi32, #tpu.memory_space<hbm>>
            %dma_start3A_139 = tpu.memref_squeeze %dma_start3A_138 : memref<1x2x64xi32, #tpu.memory_space<hbm>> -> memref<2x64xi32, #tpu.memory_space<hbm>>
            %dma_start3A_140 = arith.constant 0 : i32
            %dma_start3A_141 = arith.constant 0 : i32
            %dma_start3A_142 = tpu.memref_slice %arg3[%add3A_135, %dma_start3A_140, %dma_start3A_141] : memref<5008x2x64xi32, #tpu.memory_space<hbm>> -> memref<1x2x64xi32, #tpu.memory_space<hbm>>
            %dma_start3A_143 = tpu.memref_squeeze %dma_start3A_142 : memref<1x2x64xi32, #tpu.memory_space<hbm>> -> memref<2x64xi32, #tpu.memory_space<hbm>>
            tpu.enqueue_dma source(%dma_start3A_143 : memref<2x64xi32, #tpu.memory_space<hbm>>) target(%arg10 : memref<2x64xi32, #tpu.memory_space<vmem>>) target_semaphore(%arg17 : memref<!tpu.dma_semaphore, #tpu.memory_space<semaphore_mem>>)
          } else {
          }
        } else {
        }
      } else {
      }
    }
    %scan3A_44 = arith.constant 313 : i32
    %dma_wait3A_45 = arith.constant 1 : i32
    %dma_wait3A_46 = arith.constant 0 : i32
    %dma_wait3A_47 = tpu.memref_slice %arg9[%dma_wait3A_45, %dma_wait3A_46] : memref<2x64xi32, #tpu.memory_space<vmem>> -> memref<1x64xi32, #tpu.memory_space<vmem>>
    %dma_wait3A_48 = tpu.memref_squeeze %dma_wait3A_47 : memref<1x64xi32, #tpu.memory_space<vmem>> -> memref<64xi32, #tpu.memory_space<vmem>>
    %dma_wait3A_49 = arith.constant 0 : i32
    %dma_wait3A_50 = arith.constant 0 : i32
    %dma_wait3A_51 = tpu.memref_slice %arg6[%dma_wait3A_49, %dma_wait3A_50] : memref<30336x64xf32, #tpu.memory_space<vmem_shared>> -> memref<30336x64xf32, #tpu.memory_space<vmem_shared>>
    tpu.wait_indirect_dma semaphore(%arg14 : memref<!tpu.dma_semaphore, #tpu.memory_space<semaphore_mem>>) src(%arg7 : memref<64x64xf32, #tpu.memory_space<vmem>>) dst(%dma_wait3A_51 : memref<30336x64xf32, #tpu.memory_space<vmem_shared>>)
    %barrier3A_52 = arith.constant 0 : index
    tpu.barrier barrier_id(%barrier3A_52)
    %mul3A_53 = arith.constant 1896 : i32
    %mul3A_54 = arith.muli %arg1, %mul3A_53 : i32
    "tpu.region"() ({
      %run_scoped3A = tpu.sem_alloc : memref<!tpu.dma_semaphore, #tpu.memory_space<semaphore_mem>>
      %dma_start3A_55 = arith.constant 0 : i32
      %dma_start3A_56 = arith.constant 0 : i32
      %dma_start3A_57 = tpu.memref_slice %arg5[%arg0, %dma_start3A_55, %dma_start3A_56] : memref<2x30336x64xf32, #tpu.memory_space<hbm>> -> memref<1x30336x64xf32, #tpu.memory_space<hbm>>
      %dma_start3A_58 = tpu.memref_squeeze %dma_start3A_57 : memref<1x30336x64xf32, #tpu.memory_space<hbm>> -> memref<30336x64xf32, #tpu.memory_space<hbm>>
      %dma_start3A_59 = arith.constant 0 : i32
      %dma_start3A_60 = tpu.memref_slice %dma_start3A_58[%mul3A_54, %dma_start3A_59] : memref<30336x64xf32, #tpu.memory_space<hbm>> -> memref<1896x64xf32, #tpu.memory_space<hbm>>
      %dma_start3A_61 = arith.constant 0 : i32
      %dma_start3A_62 = tpu.memref_slice %arg6[%mul3A_54, %dma_start3A_61] : memref<30336x64xf32, #tpu.memory_space<vmem_shared>> -> memref<1896x64xf32, #tpu.memory_space<vmem_shared>>
      tpu.enqueue_dma source(%dma_start3A_62 : memref<1896x64xf32, #tpu.memory_space<vmem_shared>>) target(%dma_start3A_60 : memref<1896x64xf32, #tpu.memory_space<hbm>>) target_semaphore(%run_scoped3A : memref<!tpu.dma_semaphore, #tpu.memory_space<semaphore_mem>>)
      %dma_wait3A_63 = arith.constant 0 : i32
      %dma_wait3A_64 = arith.constant 0 : i32
      %dma_wait3A_65 = tpu.memref_slice %arg5[%arg0, %dma_wait3A_63, %dma_wait3A_64] : memref<2x30336x64xf32, #tpu.memory_space<hbm>> -> memref<1x30336x64xf32, #tpu.memory_space<hbm>>
      %dma_wait3A_66 = tpu.memref_squeeze %dma_wait3A_65 : memref<1x30336x64xf32, #tpu.memory_space<hbm>> -> memref<30336x64xf32, #tpu.memory_space<hbm>>
      %dma_wait3A_67 = arith.constant 0 : i32
      %dma_wait3A_68 = tpu.memref_slice %dma_wait3A_66[%mul3A_54, %dma_wait3A_67] : memref<30336x64xf32, #tpu.memory_space<hbm>> -> memref<1896x64xf32, #tpu.memory_space<hbm>>
      %dma_wait3A_69 = arith.constant 0 : i32
      %dma_wait3A_70 = tpu.memref_slice %arg6[%mul3A_54, %dma_wait3A_69] : memref<30336x64xf32, #tpu.memory_space<vmem_shared>> -> memref<1896x64xf32, #tpu.memory_space<vmem_shared>>
      tpu.wait_dma2 semaphore(%run_scoped3A : memref<!tpu.dma_semaphore, #tpu.memory_space<semaphore_mem>>) src(%dma_wait3A_70 : memref<1896x64xf32, #tpu.memory_space<vmem_shared>>) dst(%dma_wait3A_68 : memref<1896x64xf32, #tpu.memory_space<hbm>>)
      tpu.yield
    }) : () -> ()
    return
  }
}

module attributes {stable_mosaic.version = 14 : i64} {
  func.func @_layer0_body(%arg0: i32, %arg1: memref<2x3x2000x16xf32, #tpu.memory_space<vmem>>, %arg2: memref<2x2000x192xf32, #tpu.memory_space<vmem>>, %arg3: memref<3x192xf32, #tpu.memory_space<vmem>>, %arg4: memref<2x192x128xf32, #tpu.memory_space<vmem>>, %arg5: memref<1x128xf32, #tpu.memory_space<vmem>>, %arg6: memref<2000x128xf32, #tpu.memory_space<vmem>>, %arg7: memref<2000x192xf32, #tpu.memory_space<vmem>>) attributes {dimension_semantics = [#tpu.dimension_semantics<arbitrary>], iteration_bounds = array<i64: 5>, scalar_prefetch = 0 : i64, scratch_operands = 0 : i64, tpu.core_type = #tpu.core_type<tc>, window_params = [{transform_indices = @transform_0, window_bounds = array<i64: 2, 3, 2000, 16>}, {transform_indices = @transform_1, window_bounds = array<i64: 2, 2000, 192>}, {pipeline_mode = #tpu.pipeline_mode<synchronous>, transform_indices = @transform_2, window_bounds = array<i64: 3, 192>}, {pipeline_mode = #tpu.pipeline_mode<synchronous>, transform_indices = @transform_3, window_bounds = array<i64: 2, 192, 128>}, {pipeline_mode = #tpu.pipeline_mode<synchronous>, transform_indices = @transform_4, window_bounds = array<i64: 1, 128>}, {transform_indices = @transform_5, window_bounds = array<i64: 2000, 128>}, {transform_indices = @transform_6, window_bounds = array<i64: 2000, 192>}]} {
    %get3A = arith.constant 0 : index
    %get3A_0 = arith.constant 0 : index
    %get3A_1 = arith.constant 0 : index
    %get3A_2 = arith.constant 0 : index
    %get3A_3 = vector.load %arg1[%get3A, %get3A_0, %get3A_1, %get3A_2] : memref<2x3x2000x16xf32, #tpu.memory_space<vmem>>, vector<1x3x2000x16xf32>
    %get3A_4 = vector.shape_cast %get3A_3 : vector<1x3x2000x16xf32> to vector<3x2000x16xf32>
    %get3A_5 = arith.constant 1 : index
    %get3A_6 = arith.constant 0 : index
    %get3A_7 = arith.constant 0 : index
    %get3A_8 = arith.constant 0 : index
    %get3A_9 = vector.load %arg1[%get3A_5, %get3A_6, %get3A_7, %get3A_8] : memref<2x3x2000x16xf32, #tpu.memory_space<vmem>>, vector<1x3x2000x16xf32>
    %get3A_10 = vector.shape_cast %get3A_9 : vector<1x3x2000x16xf32> to vector<3x2000x16xf32>
    %add3A = arith.addf %get3A_4, %get3A_10 : vector<3x2000x16xf32>
    %slice3A = vector.extract_strided_slice %add3A {offsets = [0, 0, 0], sizes = [1, 2000, 16], strides = [1, 1, 1]} : vector<3x2000x16xf32> to vector<1x2000x16xf32>
    %squeeze3A = vector.shape_cast %slice3A : vector<1x2000x16xf32> to vector<2000x16xf32>
    %slice3A_11 = vector.extract_strided_slice %squeeze3A {offsets = [0, 0], sizes = [2000, 1], strides = [1, 1]} : vector<2000x16xf32> to vector<2000x1xf32>
    %slice3A_12 = vector.extract_strided_slice %add3A {offsets = [1, 0, 0], sizes = [1, 2000, 16], strides = [1, 1, 1]} : vector<3x2000x16xf32> to vector<1x2000x16xf32>
    %squeeze3A_13 = vector.shape_cast %slice3A_12 : vector<1x2000x16xf32> to vector<2000x16xf32>
    %slice3A_14 = vector.extract_strided_slice %squeeze3A_13 {offsets = [0, 0], sizes = [2000, 1], strides = [1, 1]} : vector<2000x16xf32> to vector<2000x1xf32>
    %slice3A_15 = vector.extract_strided_slice %add3A {offsets = [2, 0, 0], sizes = [1, 2000, 16], strides = [1, 1, 1]} : vector<3x2000x16xf32> to vector<1x2000x16xf32>
    %squeeze3A_16 = vector.shape_cast %slice3A_15 : vector<1x2000x16xf32> to vector<2000x16xf32>
    %slice3A_17 = vector.extract_strided_slice %squeeze3A_16 {offsets = [0, 0], sizes = [2000, 1], strides = [1, 1]} : vector<2000x16xf32> to vector<2000x1xf32>
    %concatenate3A = tpu.concatenate %slice3A_11, %slice3A_14, %slice3A_17 in 1 : vector<2000x1xf32>, vector<2000x1xf32>, vector<2000x1xf32> -> vector<2000x3xf32>
    %max3A = arith.constant 1.000000e+00 : f32
    %max3A_18 = vector.broadcast %max3A : f32 to vector<2000x3xf32>
    %max3A_19 = arith.maximumf %concatenate3A, %max3A_18 : vector<2000x3xf32>
    %div3A = arith.constant 1.000000e+00 : f32
    %div3A_20 = vector.broadcast %div3A : f32 to vector<2000x3xf32>
    %div3A_21 = arith.divf %div3A_20, %max3A_19 : vector<2000x3xf32>
    %get3A_22 = arith.constant 0 : index
    %get3A_23 = arith.constant 0 : index
    %get3A_24 = vector.load %arg3[%get3A_22, %get3A_23] : memref<3x192xf32, #tpu.memory_space<vmem>>, vector<3x192xf32>
    %dot_general3A = arith.constant dense<0.000000e+00> : vector<2000x192xf32>
    %dot_general3A_25 = tpu.matmul %div3A_21, %get3A_24, %dot_general3A {dimension_numbers = #tpu.dot_dimension_numbers<[1], [0], [0], [1], [0, 0, 1, 1], [], []>, transpose_lhs_hint = false} : vector<2000x3xf32>, vector<3x192xf32>, vector<2000x192xf32> -> vector<2000x192xf32>
    %swap3A = arith.constant 0 : index
    %swap3A_26 = arith.constant 0 : index
    %swap3A_27 = vector.load %arg7[%swap3A, %swap3A_26] : memref<2000x192xf32, #tpu.memory_space<vmem>>, vector<2000x192xf32>
    tpu.vector_store %arg7[%swap3A, %swap3A_26], %dot_general3A_25 {strides = array<i32>} : memref<2000x192xf32, #tpu.memory_space<vmem>>, vector<2000x192xf32>,
    %get3A_28 = arith.constant 0 : index
    %get3A_29 = arith.constant 0 : index
    %get3A_30 = arith.constant 0 : index
    %get3A_31 = vector.load %arg2[%get3A_28, %get3A_29, %get3A_30] : memref<2x2000x192xf32, #tpu.memory_space<vmem>>, vector<1x2000x192xf32>
    %get3A_32 = vector.shape_cast %get3A_31 : vector<1x2000x192xf32> to vector<2000x192xf32>
    %mul3A = arith.mulf %get3A_32, %dot_general3A_25 : vector<2000x192xf32>
    %get3A_33 = arith.constant 0 : index
    %get3A_34 = arith.constant 0 : index
    %get3A_35 = arith.constant 0 : index
    %get3A_36 = vector.load %arg4[%get3A_33, %get3A_34, %get3A_35] : memref<2x192x128xf32, #tpu.memory_space<vmem>>, vector<1x192x128xf32>
    %get3A_37 = vector.shape_cast %get3A_36 : vector<1x192x128xf32> to vector<192x128xf32>
    %dot_general3A_38 = arith.constant dense<0.000000e+00> : vector<2000x128xf32>
    %dot_general3A_39 = tpu.matmul %mul3A, %get3A_37, %dot_general3A_38 {dimension_numbers = #tpu.dot_dimension_numbers<[1], [0], [0], [1], [0, 0, 1, 1], [], []>, transpose_lhs_hint = false} : vector<2000x192xf32>, vector<192x128xf32>, vector<2000x128xf32> -> vector<2000x128xf32>
    %get3A_40 = arith.constant 1 : index
    %get3A_41 = arith.constant 0 : index
    %get3A_42 = arith.constant 0 : index
    %get3A_43 = vector.load %arg2[%get3A_40, %get3A_41, %get3A_42] : memref<2x2000x192xf32, #tpu.memory_space<vmem>>, vector<1x2000x192xf32>
    %get3A_44 = vector.shape_cast %get3A_43 : vector<1x2000x192xf32> to vector<2000x192xf32>
    %mul3A_45 = arith.mulf %get3A_44, %dot_general3A_25 : vector<2000x192xf32>
    %get3A_46 = arith.constant 1 : index
    %get3A_47 = arith.constant 0 : index
    %get3A_48 = arith.constant 0 : index
    %get3A_49 = vector.load %arg4[%get3A_46, %get3A_47, %get3A_48] : memref<2x192x128xf32, #tpu.memory_space<vmem>>, vector<1x192x128xf32>
    %get3A_50 = vector.shape_cast %get3A_49 : vector<1x192x128xf32> to vector<192x128xf32>
    %dot_general3A_51 = arith.constant dense<0.000000e+00> : vector<2000x128xf32>
    %dot_general3A_52 = tpu.matmul %mul3A_45, %get3A_50, %dot_general3A_51 {dimension_numbers = #tpu.dot_dimension_numbers<[1], [0], [0], [1], [0, 0, 1, 1], [], []>, transpose_lhs_hint = false} : vector<2000x192xf32>, vector<192x128xf32>, vector<2000x128xf32> -> vector<2000x128xf32>
    %add3A_53 = arith.addf %dot_general3A_39, %dot_general3A_52 : vector<2000x128xf32>
    %get3A_54 = arith.constant 0 : index
    %get3A_55 = arith.constant 0 : index
    %get3A_56 = vector.load %arg5[%get3A_54, %get3A_55] : memref<1x128xf32, #tpu.memory_space<vmem>>, vector<1x128xf32>
    %add3A_57 = vector.broadcast %get3A_56 : vector<1x128xf32> to vector<2000x128xf32>
    %add3A_58 = arith.addf %add3A_53, %add3A_57 : vector<2000x128xf32>
    %max3A_59 = arith.constant 0.000000e+00 : f32
    %max3A_60 = vector.broadcast %max3A_59 : f32 to vector<2000x128xf32>
    %max3A_61 = arith.maximumf %add3A_58, %max3A_60 : vector<2000x128xf32>
    %swap3A_62 = arith.constant 0 : index
    %swap3A_63 = arith.constant 0 : index
    %swap3A_64 = vector.load %arg6[%swap3A_62, %swap3A_63] : memref<2000x128xf32, #tpu.memory_space<vmem>>, vector<2000x128xf32>
    tpu.vector_store %arg6[%swap3A_62, %swap3A_63], %max3A_61 {strides = array<i32>} : memref<2000x128xf32, #tpu.memory_space<vmem>>, vector<2000x128xf32>,
    return
  }
  func.func @transform_0(%arg0: i32) -> (i32, i32, i32, i32) {
    %c0_i32 = arith.constant 0 : i32
    %c0_i32_0 = arith.constant 0 : i32
    %c0_i32_1 = arith.constant 0 : i32
    %c0_i32_2 = arith.constant 0 : i32
    return %c0_i32, %c0_i32_0, %arg0, %c0_i32_1 : i32, i32, i32, i32
  }
  func.func @transform_1(%arg0: i32) -> (i32, i32, i32) {
    %c0_i32 = arith.constant 0 : i32
    %c0_i32_0 = arith.constant 0 : i32
    %c0_i32_1 = arith.constant 0 : i32
    return %c0_i32, %arg0, %c0_i32_0 : i32, i32, i32
  }
  func.func @transform_2(%arg0: i32) -> (i32, i32) {
    %c0_i32 = arith.constant 0 : i32
    %c0_i32_0 = arith.constant 0 : i32
    %c0_i32_1 = arith.constant 0 : i32
    return %c0_i32, %c0_i32_0 : i32, i32
  }
  func.func @transform_3(%arg0: i32) -> (i32, i32, i32) {
    %c0_i32 = arith.constant 0 : i32
    %c0_i32_0 = arith.constant 0 : i32
    %c0_i32_1 = arith.constant 0 : i32
    %c0_i32_2 = arith.constant 0 : i32
    return %c0_i32, %c0_i32_0, %c0_i32_1 : i32, i32, i32
  }
  func.func @transform_4(%arg0: i32) -> (i32, i32) {
    %c0_i32 = arith.constant 0 : i32
    %c0_i32_0 = arith.constant 0 : i32
    %c0_i32_1 = arith.constant 0 : i32
    return %c0_i32, %c0_i32_0 : i32, i32
  }
  func.func @transform_5(%arg0: i32) -> (i32, i32) {
    %c0_i32 = arith.constant 0 : i32
    %c0_i32_0 = arith.constant 0 : i32
    return %arg0, %c0_i32 : i32, i32
  }
  func.func @transform_6(%arg0: i32) -> (i32, i32) {
    %c0_i32 = arith.constant 0 : i32
    %c0_i32_0 = arith.constant 0 : i32
    return %arg0, %c0_i32 : i32, i32
  }
}

module attributes {stable_mosaic.version = 14 : i64} {
  func.func @_layer_body(%arg0: i32, %arg1: memref<2x2000x192xf32, #tpu.memory_space<vmem>>, %arg2: memref<2000x192xf32, #tpu.memory_space<vmem>>, %arg3: memref<2x192x128xf32, #tpu.memory_space<vmem>>, %arg4: memref<1x128xf32, #tpu.memory_space<vmem>>, %arg5: memref<2000x128xf32, #tpu.memory_space<vmem>>) attributes {dimension_semantics = [#tpu.dimension_semantics<arbitrary>], iteration_bounds = array<i64: 5>, scalar_prefetch = 0 : i64, scratch_operands = 0 : i64, tpu.core_type = #tpu.core_type<tc>, window_params = [{transform_indices = @transform_0, window_bounds = array<i64: 2, 2000, 192>}, {transform_indices = @transform_1, window_bounds = array<i64: 2000, 192>}, {pipeline_mode = #tpu.pipeline_mode<synchronous>, transform_indices = @transform_2, window_bounds = array<i64: 2, 192, 128>}, {pipeline_mode = #tpu.pipeline_mode<synchronous>, transform_indices = @transform_3, window_bounds = array<i64: 1, 128>}, {transform_indices = @transform_4, window_bounds = array<i64: 2000, 128>}]} {
    %get3A = arith.constant 0 : index
    %get3A_0 = arith.constant 0 : index
    %get3A_1 = vector.load %arg2[%get3A, %get3A_0] : memref<2000x192xf32, #tpu.memory_space<vmem>>, vector<2000x192xf32>
    %get3A_2 = arith.constant 0 : index
    %get3A_3 = arith.constant 0 : index
    %get3A_4 = arith.constant 0 : index
    %get3A_5 = vector.load %arg1[%get3A_2, %get3A_3, %get3A_4] : memref<2x2000x192xf32, #tpu.memory_space<vmem>>, vector<1x2000x192xf32>
    %get3A_6 = vector.shape_cast %get3A_5 : vector<1x2000x192xf32> to vector<2000x192xf32>
    %mul3A = arith.mulf %get3A_6, %get3A_1 : vector<2000x192xf32>
    %get3A_7 = arith.constant 0 : index
    %get3A_8 = arith.constant 0 : index
    %get3A_9 = arith.constant 0 : index
    %get3A_10 = vector.load %arg3[%get3A_7, %get3A_8, %get3A_9] : memref<2x192x128xf32, #tpu.memory_space<vmem>>, vector<1x192x128xf32>
    %get3A_11 = vector.shape_cast %get3A_10 : vector<1x192x128xf32> to vector<192x128xf32>
    %dot_general3A = arith.constant dense<0.000000e+00> : vector<2000x128xf32>
    %dot_general3A_12 = tpu.matmul %mul3A, %get3A_11, %dot_general3A {dimension_numbers = #tpu.dot_dimension_numbers<[1], [0], [0], [1], [0, 0, 1, 1], [], []>, transpose_lhs_hint = false} : vector<2000x192xf32>, vector<192x128xf32>, vector<2000x128xf32> -> vector<2000x128xf32>
    %get3A_13 = arith.constant 1 : index
    %get3A_14 = arith.constant 0 : index
    %get3A_15 = arith.constant 0 : index
    %get3A_16 = vector.load %arg1[%get3A_13, %get3A_14, %get3A_15] : memref<2x2000x192xf32, #tpu.memory_space<vmem>>, vector<1x2000x192xf32>
    %get3A_17 = vector.shape_cast %get3A_16 : vector<1x2000x192xf32> to vector<2000x192xf32>
    %mul3A_18 = arith.mulf %get3A_17, %get3A_1 : vector<2000x192xf32>
    %get3A_19 = arith.constant 1 : index
    %get3A_20 = arith.constant 0 : index
    %get3A_21 = arith.constant 0 : index
    %get3A_22 = vector.load %arg3[%get3A_19, %get3A_20, %get3A_21] : memref<2x192x128xf32, #tpu.memory_space<vmem>>, vector<1x192x128xf32>
    %get3A_23 = vector.shape_cast %get3A_22 : vector<1x192x128xf32> to vector<192x128xf32>
    %dot_general3A_24 = arith.constant dense<0.000000e+00> : vector<2000x128xf32>
    %dot_general3A_25 = tpu.matmul %mul3A_18, %get3A_23, %dot_general3A_24 {dimension_numbers = #tpu.dot_dimension_numbers<[1], [0], [0], [1], [0, 0, 1, 1], [], []>, transpose_lhs_hint = false} : vector<2000x192xf32>, vector<192x128xf32>, vector<2000x128xf32> -> vector<2000x128xf32>
    %add3A = arith.addf %dot_general3A_12, %dot_general3A_25 : vector<2000x128xf32>
    %get3A_26 = arith.constant 0 : index
    %get3A_27 = arith.constant 0 : index
    %get3A_28 = vector.load %arg4[%get3A_26, %get3A_27] : memref<1x128xf32, #tpu.memory_space<vmem>>, vector<1x128xf32>
    %add3A_29 = vector.broadcast %get3A_28 : vector<1x128xf32> to vector<2000x128xf32>
    %add3A_30 = arith.addf %add3A, %add3A_29 : vector<2000x128xf32>
    %max3A = arith.constant 0.000000e+00 : f32
    %max3A_31 = vector.broadcast %max3A : f32 to vector<2000x128xf32>
    %max3A_32 = arith.maximumf %add3A_30, %max3A_31 : vector<2000x128xf32>
    %swap3A = arith.constant 0 : index
    %swap3A_33 = arith.constant 0 : index
    %swap3A_34 = vector.load %arg5[%swap3A, %swap3A_33] : memref<2000x128xf32, #tpu.memory_space<vmem>>, vector<2000x128xf32>
    tpu.vector_store %arg5[%swap3A, %swap3A_33], %max3A_32 {strides = array<i32>} : memref<2000x128xf32, #tpu.memory_space<vmem>>, vector<2000x128xf32>,
    return
  }
  func.func @transform_0(%arg0: i32) -> (i32, i32, i32) {
    %c0_i32 = arith.constant 0 : i32
    %c0_i32_0 = arith.constant 0 : i32
    %c0_i32_1 = arith.constant 0 : i32
    return %c0_i32, %arg0, %c0_i32_0 : i32, i32, i32
  }
  func.func @transform_1(%arg0: i32) -> (i32, i32) {
    %c0_i32 = arith.constant 0 : i32
    %c0_i32_0 = arith.constant 0 : i32
    return %arg0, %c0_i32 : i32, i32
  }
  func.func @transform_2(%arg0: i32) -> (i32, i32, i32) {
    %c0_i32 = arith.constant 0 : i32
    %c0_i32_0 = arith.constant 0 : i32
    %c0_i32_1 = arith.constant 0 : i32
    %c0_i32_2 = arith.constant 0 : i32
    return %c0_i32, %c0_i32_0, %c0_i32_1 : i32, i32, i32
  }
  func.func @transform_3(%arg0: i32) -> (i32, i32) {
    %c0_i32 = arith.constant 0 : i32
    %c0_i32_0 = arith.constant 0 : i32
    %c0_i32_1 = arith.constant 0 : i32
    return %c0_i32, %c0_i32_0 : i32, i32
  }
  func.func @transform_4(%arg0: i32) -> (i32, i32) {
    %c0_i32 = arith.constant 0 : i32
    %c0_i32_0 = arith.constant 0 : i32
    return %arg0, %c0_i32 : i32, i32
  }
}

module attributes {stable_mosaic.version = 14 : i64} {
  func.func @_layer_body(%arg0: i32, %arg1: memref<2x2000x192xf32, #tpu.memory_space<vmem>>, %arg2: memref<2000x192xf32, #tpu.memory_space<vmem>>, %arg3: memref<2x192x128xf32, #tpu.memory_space<vmem>>, %arg4: memref<1x128xf32, #tpu.memory_space<vmem>>, %arg5: memref<2000x128xf32, #tpu.memory_space<vmem>>) attributes {dimension_semantics = [#tpu.dimension_semantics<arbitrary>], iteration_bounds = array<i64: 5>, scalar_prefetch = 0 : i64, scratch_operands = 0 : i64, tpu.core_type = #tpu.core_type<tc>, window_params = [{transform_indices = @transform_0, window_bounds = array<i64: 2, 2000, 192>}, {transform_indices = @transform_1, window_bounds = array<i64: 2000, 192>}, {pipeline_mode = #tpu.pipeline_mode<synchronous>, transform_indices = @transform_2, window_bounds = array<i64: 2, 192, 128>}, {pipeline_mode = #tpu.pipeline_mode<synchronous>, transform_indices = @transform_3, window_bounds = array<i64: 1, 128>}, {transform_indices = @transform_4, window_bounds = array<i64: 2000, 128>}]} {
    %get3A = arith.constant 0 : index
    %get3A_0 = arith.constant 0 : index
    %get3A_1 = vector.load %arg2[%get3A, %get3A_0] : memref<2000x192xf32, #tpu.memory_space<vmem>>, vector<2000x192xf32>
    %get3A_2 = arith.constant 0 : index
    %get3A_3 = arith.constant 0 : index
    %get3A_4 = arith.constant 0 : index
    %get3A_5 = vector.load %arg1[%get3A_2, %get3A_3, %get3A_4] : memref<2x2000x192xf32, #tpu.memory_space<vmem>>, vector<1x2000x192xf32>
    %get3A_6 = vector.shape_cast %get3A_5 : vector<1x2000x192xf32> to vector<2000x192xf32>
    %mul3A = arith.mulf %get3A_6, %get3A_1 : vector<2000x192xf32>
    %get3A_7 = arith.constant 0 : index
    %get3A_8 = arith.constant 0 : index
    %get3A_9 = arith.constant 0 : index
    %get3A_10 = vector.load %arg3[%get3A_7, %get3A_8, %get3A_9] : memref<2x192x128xf32, #tpu.memory_space<vmem>>, vector<1x192x128xf32>
    %get3A_11 = vector.shape_cast %get3A_10 : vector<1x192x128xf32> to vector<192x128xf32>
    %dot_general3A = arith.constant dense<0.000000e+00> : vector<2000x128xf32>
    %dot_general3A_12 = tpu.matmul %mul3A, %get3A_11, %dot_general3A {dimension_numbers = #tpu.dot_dimension_numbers<[1], [0], [0], [1], [0, 0, 1, 1], [], []>, transpose_lhs_hint = false} : vector<2000x192xf32>, vector<192x128xf32>, vector<2000x128xf32> -> vector<2000x128xf32>
    %get3A_13 = arith.constant 1 : index
    %get3A_14 = arith.constant 0 : index
    %get3A_15 = arith.constant 0 : index
    %get3A_16 = vector.load %arg1[%get3A_13, %get3A_14, %get3A_15] : memref<2x2000x192xf32, #tpu.memory_space<vmem>>, vector<1x2000x192xf32>
    %get3A_17 = vector.shape_cast %get3A_16 : vector<1x2000x192xf32> to vector<2000x192xf32>
    %mul3A_18 = arith.mulf %get3A_17, %get3A_1 : vector<2000x192xf32>
    %get3A_19 = arith.constant 1 : index
    %get3A_20 = arith.constant 0 : index
    %get3A_21 = arith.constant 0 : index
    %get3A_22 = vector.load %arg3[%get3A_19, %get3A_20, %get3A_21] : memref<2x192x128xf32, #tpu.memory_space<vmem>>, vector<1x192x128xf32>
    %get3A_23 = vector.shape_cast %get3A_22 : vector<1x192x128xf32> to vector<192x128xf32>
    %dot_general3A_24 = arith.constant dense<0.000000e+00> : vector<2000x128xf32>
    %dot_general3A_25 = tpu.matmul %mul3A_18, %get3A_23, %dot_general3A_24 {dimension_numbers = #tpu.dot_dimension_numbers<[1], [0], [0], [1], [0, 0, 1, 1], [], []>, transpose_lhs_hint = false} : vector<2000x192xf32>, vector<192x128xf32>, vector<2000x128xf32> -> vector<2000x128xf32>
    %add3A = arith.addf %dot_general3A_12, %dot_general3A_25 : vector<2000x128xf32>
    %get3A_26 = arith.constant 0 : index
    %get3A_27 = arith.constant 0 : index
    %get3A_28 = vector.load %arg4[%get3A_26, %get3A_27] : memref<1x128xf32, #tpu.memory_space<vmem>>, vector<1x128xf32>
    %add3A_29 = vector.broadcast %get3A_28 : vector<1x128xf32> to vector<2000x128xf32>
    %add3A_30 = arith.addf %add3A, %add3A_29 : vector<2000x128xf32>
    %swap3A = arith.constant 0 : index
    %swap3A_31 = arith.constant 0 : index
    %swap3A_32 = vector.load %arg5[%swap3A, %swap3A_31] : memref<2000x128xf32, #tpu.memory_space<vmem>>, vector<2000x128xf32>
    tpu.vector_store %arg5[%swap3A, %swap3A_31], %add3A_30 {strides = array<i32>} : memref<2000x128xf32, #tpu.memory_space<vmem>>, vector<2000x128xf32>,
    return
  }
  func.func @transform_0(%arg0: i32) -> (i32, i32, i32) {
    %c0_i32 = arith.constant 0 : i32
    %c0_i32_0 = arith.constant 0 : i32
    %c0_i32_1 = arith.constant 0 : i32
    return %c0_i32, %arg0, %c0_i32_0 : i32, i32, i32
  }
  func.func @transform_1(%arg0: i32) -> (i32, i32) {
    %c0_i32 = arith.constant 0 : i32
    %c0_i32_0 = arith.constant 0 : i32
    return %arg0, %c0_i32 : i32, i32
  }
  func.func @transform_2(%arg0: i32) -> (i32, i32, i32) {
    %c0_i32 = arith.constant 0 : i32
    %c0_i32_0 = arith.constant 0 : i32
    %c0_i32_1 = arith.constant 0 : i32
    %c0_i32_2 = arith.constant 0 : i32
    return %c0_i32, %c0_i32_0, %c0_i32_1 : i32, i32, i32
  }
  func.func @transform_3(%arg0: i32) -> (i32, i32) {
    %c0_i32 = arith.constant 0 : i32
    %c0_i32_0 = arith.constant 0 : i32
    %c0_i32_1 = arith.constant 0 : i32
    return %c0_i32, %c0_i32_0 : i32, i32
  }
  func.func @transform_4(%arg0: i32) -> (i32, i32) {
    %c0_i32 = arith.constant 0 : i32
    %c0_i32_0 = arith.constant 0 : i32
    return %arg0, %c0_i32 : i32, i32
  }
}

</mosaic_0001>

<sc_bundles>
// kernel: kernel.12.cloned.1.call-start
scs
__scs_entry_jumppad:
0x0: {  	(pc) =	sbr.rel $0x88, $3  }
0x1: {  	(tag) =	ssettag $0x0;
	lr =	simm.s32 $0x1  }
0x2: {  	[smem:$0x3F99] =	sst lr;
	_ =	strace $0xD0000000  }
0x3: {  	_ = 	snop  }
0x4: {  	_ = 	snop  }
0x5: {  	_ = 	snop  }
0x6: {  	_ = 	snop  }
0x7: {  	_ = 	snop  }
__scs_overlays_trampoline_lowered:
0x8: {  	[smem:$0x3FA8] =	sst s0  }
0x9: {  	[smem:$0x3FA9] =	sst s1  }
0xa: {  	[smem:$0x3FAA] =	sst s2  }
0xb: {  	[smem:$0x3FAB] =	sst s3  }
0xc: {  	[smem:$0x3FAC] =	sst s4  }
0xd: {  	[smem:$0x3FAD] =	sst s5  }
0xe: {  	[smem:$0x3FAE] =	sst s6  }
0xf: {  	[smem:$0x3FAF] =	sst s7  }
0x10: {  	[smem:$0x3FB0] =	sst s8  }
0x11: {  	[smem:$0x3FB1] =	sst s9;
	s0 =	simm.s32 @!p0 $0x0  }
0x12: {  	s1 =	sld [smem:$0x3F97];
	s0 =	simm.s32 @p0 $0x1  }
0x13: {  	[smem:$0x3FB2] =	sst s0;
	s0 =	simm.s32 @!p1 $0x0  }
0x14: {  	s2 =	sld [smem:$0x3F96];
	s0 =	simm.s32 @p1 $0x1  }
0x15: {  	[smem:$0x3FB3] =	sst s0;
	s0 =	simm.s32 @!p2 $0x0  }
0x16: {  	s3 =	sld [smem:$0x3FDB];
	s0 =	simm.s32 @p2 $0x1  }
0x17: {  	s4 =	simm.s32 $0x1BF5;
	[smem:$0x3FB5] =	sst s0  }
0x18: {  	s0 =	sld [smem:$0x3F98];
	_ =	swait.ge [sflag:s4], $0x0  }
0x19: {  	s7 =	sld [smem:$0x3F99]  }
0x1a: {  	s8 =	sadd.s32 $0xFFFFE003, lr  }
0x1b: {  	s9 =	sadd.s32 $0xFFFFFEF7, lr;
	s5 =	simm.s32 $0xFFFFFFFF;
	p2 =	slt.u32 s8, $0xFFFFF086  }
0x1c: {  	p1 =	slt.u32 s9, $0xF7A;
	s5 =	simm.s32 @!p2 $0x0  }
0x1d: {  	s5 =	simm.s32 @p1 $0x1;
	p0 =	seq.s32 s7, s2  }
0x1e: {  	s7 =	smul.u32 @!p0 $0xF7A, s2;
	p2 =	seq.s32 @!p0 s5, $0x0  }
0x1f: {  	s9 =	smul.u32 $0xF7A, s1;
	s8 =	simm.s32 @!p0 $0x1BF5;
	p2 =	por !p2, p0  }
0x20: {  	[sflag:s8] =	ssyncset.s32 @!p0 $0xFFFFF086;
	s6 =	sadd.s32 @!p0 s3, s7;
	s7 =	simm.s32 @!p0 $0x108  }
0x21: {  	s3 =	sadd.s32 s3, s9;
	s6 =	sadd.s32 @!p0 $0x88, s6;
	s7 =	simm.s32 @p2 $0x1082  }
0x22: {  	[simem:s7], [sflag:s8] =	dma.local @!p0 [hbm:s6], $0xF7A  }
0x23: {  	s9 =	sor.u32 $0xD0000000, s2;
	s6 =	simm.s32 $0x108;
	_ =	swait.ge @!p0 [sflag:s8], $0x0  }
0x24: {  	s3 =	sadd.s32 $0x88, s3;
	s6 =	simm.s32 @!p1 $0x1082;
	[sflag:s4] =	ssyncset.s32 $0xFFFFF086  }
0x25: {  	[simem:s6], [sflag:s4] =	dma.local [hbm:s3], $0xF7A  }
0x26: {  	[smem:$0x3F99] =	sst s1;
	(tag) =	ssettag s2;
	_ =	strace s9  }
0x27: {  	s1 =	sld [smem:$0x3FA9]  }
0x28: {  	s2 =	sld [smem:$0x3FAA]  }
0x29: {  	s4 =	sld [smem:$0x3FAC]  }
0x2a: {  	p0 =	seq.s32 s5, $0x0;
	s5 =	sld [smem:$0x3FAD]  }
0x2b: {  	s6 =	sld [smem:$0x3FAE]  }
0x2c: {  	s7 =	sld [smem:$0x3FAF]  }
0x2d: {  	s3 =	simm.s32 $0x108;
	s8 =	sld [smem:$0x3FB0]  }
0x2e: {  	s3 =	simm.s32 @!p0 $0x1082;
	s9 =	sld [smem:$0x3FB1]  }
0x2f: {  	lr =	sadd.s32 s0, s3;
	s0 =	sld [smem:$0x3FA8]  }
0x30: {  	s3 =	sld [smem:$0x3FAB]  }
0x31: {  	[smem:$0x3FB4] =	sst s10  }
0x32: {  	s10 =	sld [smem:$0x3FB2];
	_ =	sdelay $0x3  }
0x33: {  	p0 =	seq.s32 s10, $0x1;
	s10 =	sld [smem:$0x3FB4];
	_ =	sdelay $0x3  }
0x34: {  	[smem:$0x3FB4] =	sst s10  }
0x35: {  	s10 =	sld [smem:$0x3FB3];
	_ =	sdelay $0x3  }
0x36: {  	p1 =	seq.s32 s10, $0x1;
	s10 =	sld [smem:$0x3FB4];
	_ =	sdelay $0x3  }
0x37: {  	[smem:$0x3FB4] =	sst s10  }
0x38: {  	s10 =	sld [smem:$0x3FB5]  }
0x39: {  	_ = 	snop;
	(pc) =	sbr.ind lr, $3  }
0x3a: {  	_ = 	snop  }
0x3b: {  	_ = 	snop  }
0x3c: {  	p2 =	seq.s32 s10, $0x1;
	s10 =	sld [smem:$0x3FB4]  }
0x3d: {  	_ =	shalt  }
0x3e: {  	_ =	shalt  }
0x3f: {  	_ =	shalt  }
0x40: {  	_ =	shalt  }
0x41: {  	_ =	shalt  }
0x42: {  	_ =	shalt  }
0x43: {  	_ =	shalt  }
0x44: {  	_ =	shalt  }
0x45: {  	_ =	shalt  }
0x46: {  	_ =	shalt  }
0x47: {  	_ =	shalt  }
0x48: {  	_ =	shalt  }
0x49: {  	_ =	shalt  }
0x4a: {  	_ =	shalt  }
0x4b: {  	_ =	shalt  }
0x4c: {  	_ =	shalt  }
0x4d: {  	_ =	shalt  }
0x4e: {  	_ =	shalt  }
0x4f: {  	_ =	shalt  }
0x50: {  	_ =	shalt  }
0x51: {  	_ =	shalt  }
0x52: {  	_ =	shalt  }
0x53: {  	_ =	shalt  }
0x54: {  	_ =	shalt  }
0x55: {  	_ =	shalt  }
0x56: {  	_ =	shalt  }
0x57: {  	_ =	shalt  }
0x58: {  	_ =	shalt  }
0x59: {  	_ =	shalt  }
0x5a: {  	_ =	shalt  }
0x5b: {  	_ =	shalt  }
0x5c: {  	_ =	shalt  }
0x5d: {  	_ =	shalt  }
0x5e: {  	_ =	shalt  }
0x5f: {  	_ =	shalt  }
0x60: {  	_ =	shalt  }
0x61: {  	_ =	shalt  }
0x62: {  	_ =	shalt  }
0x63: {  	_ =	shalt  }
0x64: {  	_ =	shalt  }
0x65: {  	_ =	shalt  }
0x66: {  	_ =	shalt  }
0x67: {  	_ =	shalt  }
0x68: {  	_ =	shalt  }
0x69: {  	_ =	shalt  }
0x6a: {  	_ =	shalt  }
0x6b: {  	_ =	shalt  }
0x6c: {  	_ =	shalt  }
0x6d: {  	_ =	shalt  }
0x6e: {  	_ =	shalt  }
0x6f: {  	_ =	shalt  }
0x70: {  	_ =	shalt  }
0x71: {  	_ =	shalt  }
0x72: {  	_ =	shalt  }
0x73: {  	_ =	shalt  }
0x74: {  	_ =	shalt  }
0x75: {  	_ =	shalt  }
0x76: {  	_ =	shalt  }
0x77: {  	_ =	shalt  }
0x78: {  	_ =	shalt  }
0x79: {  	_ =	shalt  }
0x7a: {  	_ =	shalt  }
0x7b: {  	_ =	shalt  }
0x7c: {  	_ =	shalt  }
0x7d: {  	_ =	shalt  }
0x7e: {  	_ =	shalt  }
0x7f: {  	_ =	shalt  }
0x80: {  	_ =	shalt  }
0x81: {  	_ =	shalt  }
0x82: {  	_ =	shalt  }
0x83: {  	_ =	shalt  }
0x84: {  	_ =	shalt  }
0x85: {  	_ =	shalt  }
0x86: {  	_ =	shalt  }
0x87: {  	_ =	shalt  }
.Lfunc_end0:
.L_simem_size_0:
called_computation.1_lowered:
.L_overlay_start_0:
0x88: {  	s2 =	sld [smem:$0x3FD9]  }
0x89: {  	s3 =	sld [smem:$0x3FFE];
	_ =	sdelay $0x1  }
0x8a: {  	s1 =	srdreg.scid  }
0x8b: {  	s0 =	sand.u32 $0x1, s1  }
0x8c: {  	s17 =	sshll.u32 s0, $0xA;
	s2 =	sadd.s32 s3, s2  }
0x8d: {  	s2 =	sadd.s32 s2, s17  }
0x8e: {  	[smem:$0x3FC0] =	sst s2  }
0x8f: {  	_ = 	snop  }
0x90: {  	s2 =	sld [smem:$0x3FC9];
	(tm) =	ssettm $0x1  }
0x91: {  	s18 =	sld [smem:$0x3FFB];
	_ =	sdelay $0x3  }
0x92: {  	_ =	strace s18  }
0x93: {  	s3 =	sld [smem:$0x3FFC];
	_ =	sdelay $0x3  }
0x94: {  	_ =	strace s3  }
0x95: {  	s3 =	sld [smem:$0x3FFD];
	_ =	sdelay $0x3  }
0x96: {  	_ =	strace s3  }
0x97: {  	_ =	strace $0x8FFFFFFF  }
0x98: {  	s19 =	sld [smem:$0x3FDB];
	_ =	sdelay $0x1  }
0x99: {  	s4 =	simm.s32 $_scs_section_size  }
0x9a: {  	s5 =	simm.s32 $_size__tile_overlayer_lowered;
	s6 =	simm.s32 $_tile_overlayer_lowered  }
0x9b: {  	s22 =	simm.s32 $0x1BFF;
	s21 =	sshll.u32 s6, $0x1;
	s3 =	sadd.s32 s4, s19  }
0x9c: {  	s7 =	simm.s32 $0x0;
	s20 =	sshll.u32 s5, $0x1;
	s5 =	sadd.s32 s21, s3  }
0x9d: {  	[timem:s7], [sflag:s22] =	dma.local [hbm:s5], s20  }
0x9e: {  	_ =	swait.ge [sflag:s22], s20  }
0x9f: {  	s4 =	ssub.s32 $0x0, s20;
	[sflag:s22] =	ssyncset.done $0x0  }
0xa0: {  	[sflag:s22] =	ssyncadd.s32 s4;
	_ =	sdelay $0x1  }
0xa1: {  	s23 =	simm.s32 $0x1B8B  }
0xa2: {  	_ =	swait.ge [sflag:s23], $0x1  }
0xa3: {  	[sflag:s23] =	ssyncset.done $0x0  }
0xa4: {  	s25 =	simm.s32 $0x1B8E;
	s24 =	sld [smem:$0x3FFE];
	[sflag:s23] =	ssyncadd.s32 $0xFFFFFFFF  }
0xa5: {  	s26 =	simm.s32 $execute0_lowered;
	[smem:$0x3FD2] =	sst s25  }
0xa6: {  	s5 =	sshll.u32 s26, $0x1;
	_ =	strace $0x80000046;
	[dreg:$0x1] =	wrdreg $0xFFFFFFFF  }
0xa7: {  	s28 =	simm.s32 $_size_execute0_lowered;
	s3 =	sadd.s32 s3, s5;
	[dreg:$0x0] =	wrdreg $0x0  }
0xa8: {  	s5 =	sshll.u32 s28, $0x1;
	[dreg:$0x2] =	wrdreg s3  }
0xa9: {  	[dreg:$0x3] =	wrdreg s5  }
0xaa: {  	[dreg:$0x4] =	wrdreg $0xC0  }
0xab: {  	_ =	task [dreg:s7], $0x5FFFF  }
0xac: {  	[dreg:$0x1] =	wrdreg $0xFFFFFFFF  }
0xad: {  	[dreg:$0x0] =	wrdreg $0x60  }
0xae: {  	[dreg:$0x2] =	wrdreg s2  }
0xaf: {  	[dreg:$0x3] =	wrdreg s24  }
0xb0: {  	[dreg:$0x4] =	wrdreg $0x0  }
0xb1: {  	[dreg:$0x5] =	wrdreg $0xA  }
0xb2: {  	_ =	task.clear_ibuf [dreg:s7], $0x6FFFF;
	_ =	strace $0x90000046  }
0xb3: {  	s29 =	simm.s32 $0xA;
	_ =	strace $0x80000048  }
0xb4: {  	_ =	swait.ge [sflag:s29], $0x1  }
0xb5: {  	[sflag:s29] =	ssyncadd.s32 $0xFFFFFFFF  }
0xb6: {  	_ =	strace $0x90000048  }
0xb7: {  	_ =	sfence  }
0xb8: {  	s30 =	sld [smem:$0x0];
	_ =	sdelay $0x2  }
0xb9: {  	s31 =	sshll.u32 s1, $0xD;
	s1 =	sshrl.u32 s1, $0x2  }
0xba: {  	s3 =	sand.u32 $0x4000, s31;
	s1 =	sadd.s32 s1, s30  }
0xbb: {  	s0 =	sor.u32 s3, s0;
	s1 =	sshll.u32 s1, $0x11  }
0xbc: {  	s0 =	sor.u32 s1, s0  }
0xbd: {  	s0 =	sadd.s32 $0x8F2B, s0  }
0xbe: {  	[sflag:s0] =	ssyncadd.remote.s32 $0x1  }
0xbf: {  	_ =	sfence.sel $0xFFFF  }
0xc0: {  	[dreg:$0x0] =	wrdreg $0xFFFFFFFF;
	(pc) =	sbr.abs _section_cstart, $3  }
0xc1: {  	[dreg:$0x1] =	wrdreg $0xFFFFFFFF  }
0xc2: {  	_ =	task.clear_ibuf [dreg:s7], $0x2FFFF;
	_ =	strace $0x9FFFFFFF  }
0xc3: {  	(tm) =	ssettm $0x7FFFFFFF  }
tec
execute0_lowered:
.L_overlay_start_1:
0x0: {  	(tag) =	ssettag $0x1  }
0x1: {  	s0 =	rddreg [dreg:$0x0]  }
0x2: {  	s1 =	rddreg [dreg:$0x1]  }
0x3: {  	s2 =	rddreg [dreg:$0x2];
	s3 =	simm.s32 $0x0;
	s9 =	stileid.u32  }
0x4: {  	s4 =	srdreg.scid;
	s13 =	simm.s32 $0x1FA00;
	s14 =	simm.s32 $0x1FA80  }
0x5: {  	s15 =	simm.s32 $0x5;
	s16 =	simm.s32 $0x40;
	s17 =	simm.s32 $0x1DA00  }
0x6: {  	s18 =	simm.s32 $0x7;
	s19 =	simm.s32 $0x2;
	s20 =	simm.s32 $0x1FB40  }
0x7: {  	s28 =	simm.s32 $0x1FAC0;
	s29 =	simm.s32 $0x1FB00;
	s30 =	simm.s32 $0x1FA40  }
0x8: {  	s31 =	simm.s32 $0x6;
	[smem:$0x7FF] =	sst s3;
	s5 =	sshll.u32 s9, $0x4  }
0x9: {  	s4 =	sand.u32 $0x1, s4;
	s8 =	sadd.s32 $0x1FA00, s1;
	s10 =	smul.u32 $0x1DA00, s9  }
0xa: {  	_ =	strace $0x80000047;
	s6 =	sadd.s32 s5, s1;
	s21 =	smul.u32 $0x3B400, s4  }
0xb: {  	s7 =	ssub.s32 $0x2, s4;
	[dreg:$0x4] =	wrdreg s8;
	s5 =	sshll.u32 s9, $0x6  }
0xc: {  	s4 =	sshll.u32 s4, $0x3;
	s22 =	sshrl.u32 s7, $0x1;
	s12 =	sadd.s32 s10, s2  }
0xd: {  	s23 =	sor.u32 $0x1C07, s5;
	s24 =	sadd.s32 $0xC000, s6;
	s8 =	sadd.s32 $0xC100, s6  }
0xe: {  	s9 =	sadd.s32 s0, s4;
	s26 =	sshrl.u32 s10, $0x3;
	s0 =	simm.s32 $0x0  }
.Ltmp0:
0xf: {  	s1 =	sadd.s32 s21, s1;
	[dreg:$0x5] =	wrdreg s23;
	(pc) =	sbr.rel .LBB2_1-.Ltmp0, $4  }
0x10: {  	s11 =	ssub.s32 s7, s22;
	[dreg:$0x6] =	wrdreg s24;
	s12 =	sshrl.u32 s12, $0x3  }
0x11: {  	s21 =	simm.s32 $0x1EA00;
	s22 =	simm.s32 $0x3;
	s23 =	simm.s32 $0x1  }
0x12: {  	s25 =	sadd.s32 $0x23600, s1;
	s10 =	smax.u32 s11, $0x1;
	s1 =	sadd.s32 $0xC200, s6  }
0x13: {  	s24 =	sadd.s32 s26, s25;
	s25 =	simm.s32 $0x4;
	s26 =	simm.s32 $0x8  }
.LBB2_20:
0x14: {  	_ =	swait.ge [sflag:s25], $0x1000  }
0x15: {  	[sflag:s25] =	ssyncset.done $0x0  }
0x16: {  	[sflag:s25] =	ssyncadd.s32 $0xFFFFF000  }
.LBB2_21:
0x17: {  	_ =	swait.ge [sflag:s22], $0x1000  }
0x18: {  	s0 =	sadd.s32 $0x1, s0;
	[sflag:s22] =	ssyncset.done $0x0  }
0x19: {  	p0 =	sne.s32 s0, s10;
	[sflag:s22] =	ssyncadd.s32 $0xFFFFF000  }
.Ltmp1:
0x1a: {  	s4 =	sor.u32 $0x1C08, s5;
	[bflag:$0x0] =	sbarrier.arrive $0xFFFF;
	(pc) =	sbr.rel @!p0 .LBB2_22-.Ltmp1, $4  }
0x1b: {  	[hbm:s24], [sflag:s4] =	dma.local [spmem:s12], $0x3B40  }
0x1c: {  	_ =	swait.ge [sflag:s26], $0x3B40  }
0x1d: {  	[sflag:s26] =	ssyncset.done $0x0  }
0x1e: {  	[sflag:s26] =	ssyncadd.s32 $0xFFFFC4C0  }
.LBB2_1:
0x1f: {  	s4 =	rddreg [dreg:$0x4]  }
0x20: {  	s6 =	rddreg [dreg:$0x5]  }
0x21: {  	[spmem:s12], [sflag:s6] =	dma.local [hbm:s4], $0x3B40  }
0x22: {  	s4 =	rddreg [dreg:$0x6]  }
0x23: {  	[tilespmem:s13], [sflag:$0x5] =	stream.linear.gather [hbm4b:s4+s3], $0x80, $0x38;
	[tilespmem:$0x1FB80] =	vst v63  }
0x24: {  	_ = 	snop  }
0x25: {  	[tilespmem:s14], [sflag:$0x6] =	stream.linear.gather [hbm4b:s8+s3], $0x80, $0x38;
	[tilespmem:$0x1FB80] =	vst v63  }
0x26: {  	_ =	swait.ge [sflag:s15], $0x80  }
0x27: {  	[sflag:s15] =	ssyncset.done $0x0  }
0x28: {  	[sflag:s15] =	ssyncadd.s32 $0xFFFFFF80  }
0x29: {  	[tilespmem:s17], [sflag:$0x1] =	stream.indirect.gather [hbm4b:s9+s16], $0x40, s13, s16, $0xb8;
	[tilespmem:$0x1FB80] =	vst v63  }
.Ltmp2:
0x2a: {  	_ =	swait.ge [sflag:s18], $0x3B40;
	(pc) =	sbr.rel .LBB2_2-.Ltmp2, $4  }
0x2b: {  	[sflag:s18] =	ssyncset.done $0x0  }
0x2c: {  	[sflag:s18] =	ssyncadd.s32 $0xFFFFC4C0  }
0x2d: {  	[bflag:$0x0] =	sbarrier.arrive $0xFFFF  }
0x2e: {  	s11 =	smov.u32 s1;
	s4 =	simm.s32 $0x0  }
.LBB2_14:
0x2f: {  	_ =	swait.ge [sflag:s19], $0x1000  }
0x30: {  	[sflag:s19] =	ssyncset.done $0x0  }
0x31: {  	[sflag:s19] =	ssyncadd.s32 $0xFFFFF000  }
0x32: {  	[spmem:s2] =	stream.indirect.scatter.add.f32 [tilespmem:s21], [sflag:$0x4], $0x40, s28, s16, $0xb8;
	[tilespmem:$0x1FB80] =	vst v63  }
0x33: {  	_ =	swait.ge [sflag:s18], $0x80  }
0x34: {  	[sflag:s18] =	ssyncset.done $0x0  }
0x35: {  	[sflag:s18] =	ssyncadd.s32 $0xFFFFFF80  }
0x36: {  	_ =	swait.ge [sflag:s22], $0x1000  }
0x37: {  	[sflag:s22] =	ssyncset.done $0x0  }
0x38: {  	p0 =	sgt.u32 s4, $0x136;
	[sflag:s22] =	ssyncadd.s32 $0xFFFFF000  }
0x39: {  	[tilespmem:s17], [sflag:$0x1] =	stream.indirect.gather [hbm4b:s9+s16], $0x40, s29, s16, $0xb8;
	[tilespmem:$0x1FB80] =	vst v63  }
0x3a: {  	s6 =	simm.s32 @!p0 $0x0;
	s7 =	simm.s32 @!p0 $0x1FA00  }
0x3b: {  	[tilespmem:s7], [sflag:$0x5] =	stream.linear.gather @!p0 [hbm4b:s11+s6], $0x80, $0x38;
	[tilespmem:$0x1FB80] =	vst v63  }
.LBB2_19:
0x3c: {  	s4 =	sadd.s32 $0x1, s4  }
0x3d: {  	p0 =	seq.s32 s4, $0x139  }
.Ltmp3:
0x3e: {  	_ = 	snop;
	(pc) =	sbr.rel @p0 .LBB2_21-.Ltmp3, $2  }
0x3f: {  	_ =	sdelay $0x2  }
0x40: {  	s11 =	sadd.s32 $0x100, s11  }
.LBB2_2:
0x41: {  	s6 =	smul.u32 $0xAAAB, s4;
	_ =	sdelay $0x1  }
0x42: {  	s6 =	sshrl.u32 s6, $0x11  }
0x43: {  	s6 =	smul.u32 $0x3, s6;
	_ =	sdelay $0x1  }
0x44: {  	s6 =	ssub.s32 s4, s6  }
0x45: {  	s6 =	sand.u32 $0xFFFF, s6  }
0x46: {  	p1 =	seq.s32 s6, $0x2  }
.Ltmp4:
0x47: {  	_ = 	snop;
	(pc) =	sbr.rel @p1 .LBB2_15-.Ltmp4, $3  }
0x48: {  	_ =	sdelay $0x1  }
0x49: {  	s7 =	sand.u32 $0x1, s4  }
0x4a: {  	p0 =	seq.s32 s7, $0x1  }
0x4b: {  	p1 =	seq.s32 s6, $0x1  }
.Ltmp5:
0x4c: {  	_ = 	snop;
	(pc) =	sbr.rel @!p1 .LBB2_4-.Ltmp5, $1  }
0x4d: {  	_ =	sdelay $0x3  }
.Ltmp6:
0x4e: {  	(pc) =	sbr.rel @p0 .LBB2_14-.Ltmp6, $1  }
0x4f: {  	_ =	sdelay $0x3  }
0x50: {  	p0 =	seq.s32 s4, $0x138  }
.Ltmp7:
0x51: {  	_ = 	snop;
	(pc) =	sbr.rel @p0 .LBB2_20-.Ltmp7, $4  }
0x52: {  	_ =	swait.ge [sflag:s23], $0x1000  }
0x53: {  	[sflag:s23] =	ssyncset.done $0x0  }
0x54: {  	[sflag:s23] =	ssyncadd.s32 $0xFFFFF000  }
0x55: {  	[spmem:s2] =	stream.indirect.scatter.add.f32 [tilespmem:s17], [sflag:$0x3], $0x40, s28, s16, $0xb8;
	[tilespmem:$0x1FB80] =	vst v63  }
0x56: {  	_ =	swait.ge [sflag:s18], $0x80  }
0x57: {  	[sflag:s18] =	ssyncset.done $0x0  }
0x58: {  	[sflag:s18] =	ssyncadd.s32 $0xFFFFFF80  }
0x59: {  	_ =	swait.ge [sflag:s25], $0x1000  }
.Ltmp8:
0x5a: {  	[sflag:s25] =	ssyncset.done $0x0;
	(pc) =	sbr.rel .LBB2_19-.Ltmp8, $4  }
0x5b: {  	p0 =	sgt.u32 s4, $0x136;
	[sflag:s25] =	ssyncadd.s32 $0xFFFFF000  }
0x5c: {  	[tilespmem:s21], [sflag:$0x2] =	stream.indirect.gather [hbm4b:s9+s16], $0x40, s29, s16, $0xb8;
	[tilespmem:$0x1FB80] =	vst v63  }
0x5d: {  	s6 =	simm.s32 @!p0 $0x0;
	s7 =	simm.s32 @!p0 $0x1FA00  }
0x5e: {  	[tilespmem:s7], [sflag:$0x5] =	stream.linear.gather @!p0 [hbm4b:s11+s6], $0x80, $0x38;
	[tilespmem:$0x1FB80] =	vst v63  }
.LBB2_15:
.Ltmp9:
0x5f: {  	(pc) =	sbr.rel @!p0 .LBB2_16-.Ltmp9, $1  }
0x60: {  	_ =	sdelay $0x3  }
0x61: {  	_ =	swait.ge [sflag:s19], $0x1000  }
0x62: {  	[sflag:s19] =	ssyncset.done $0x0  }
0x63: {  	[sflag:s19] =	ssyncadd.s32 $0xFFFFF000  }
0x64: {  	[spmem:s2] =	stream.indirect.scatter.add.f32 [tilespmem:s21], [sflag:$0x4], $0x40, s20, s16, $0xb8;
	[tilespmem:$0x1FB80] =	vst v63  }
0x65: {  	_ =	swait.ge [sflag:s15], $0x80  }
0x66: {  	[sflag:s15] =	ssyncset.done $0x0  }
0x67: {  	[sflag:s15] =	ssyncadd.s32 $0xFFFFFF80  }
0x68: {  	_ =	swait.ge [sflag:s22], $0x1000  }
.Ltmp10:
0x69: {  	[sflag:s22] =	ssyncset.done $0x0;
	(pc) =	sbr.rel .LBB2_19-.Ltmp10, $4  }
0x6a: {  	p0 =	sgt.u32 s4, $0x136;
	[sflag:s22] =	ssyncadd.s32 $0xFFFFF000  }
0x6b: {  	[tilespmem:s17], [sflag:$0x1] =	stream.indirect.gather [hbm4b:s9+s16], $0x40, s13, s16, $0xb8;
	[tilespmem:$0x1FB80] =	vst v63  }
0x6c: {  	s6 =	simm.s32 @!p0 $0x0;
	s7 =	simm.s32 @!p0 $0x1FA80  }
0x6d: {  	[tilespmem:s7], [sflag:$0x6] =	stream.linear.gather @!p0 [hbm4b:s11+s6], $0x80, $0x38;
	[tilespmem:$0x1FB80] =	vst v63  }
.LBB2_4:
.Ltmp11:
0x6e: {  	(pc) =	sbr.rel @!p0 .LBB2_5-.Ltmp11, $1  }
0x6f: {  	_ =	sdelay $0x3  }
0x70: {  	_ =	swait.ge [sflag:s19], $0x1000  }
0x71: {  	[sflag:s19] =	ssyncset.done $0x0  }
0x72: {  	[sflag:s19] =	ssyncadd.s32 $0xFFFFF000  }
0x73: {  	[spmem:s2] =	stream.indirect.scatter.add.f32 [tilespmem:s21], [sflag:$0x4], $0x40, s30, s16, $0xb8;
	[tilespmem:$0x1FB80] =	vst v63  }
0x74: {  	_ =	swait.ge [sflag:s31], $0x80  }
0x75: {  	[sflag:s31] =	ssyncset.done $0x0  }
0x76: {  	[sflag:s31] =	ssyncadd.s32 $0xFFFFFF80  }
0x77: {  	_ =	swait.ge [sflag:s22], $0x1000  }
.Ltmp12:
0x78: {  	[sflag:s22] =	ssyncset.done $0x0;
	(pc) =	sbr.rel .LBB2_19-.Ltmp12, $4  }
0x79: {  	p0 =	sgt.u32 s4, $0x136;
	[sflag:s22] =	ssyncadd.s32 $0xFFFFF000  }
0x7a: {  	[tilespmem:s17], [sflag:$0x1] =	stream.indirect.gather [hbm4b:s9+s16], $0x40, s14, s16, $0xb8;
	[tilespmem:$0x1FB80] =	vst v63  }
0x7b: {  	s6 =	simm.s32 @!p0 $0x0;
	s7 =	simm.s32 @!p0 $0x1FB00  }
0x7c: {  	[tilespmem:s7], [sflag:$0x7] =	stream.linear.gather @!p0 [hbm4b:s11+s6], $0x80, $0x38;
	[tilespmem:$0x1FB80] =	vst v63  }
.LBB2_16:
0x7d: {  	p0 =	seq.s32 s4, $0x138  }
.Ltmp13:
0x7e: {  	_ = 	snop;
	(pc) =	sbr.rel @p0 .LBB2_20-.Ltmp13, $4  }
0x7f: {  	_ =	swait.ge [sflag:s23], $0x1000  }
0x80: {  	[sflag:s23] =	ssyncset.done $0x0  }
0x81: {  	[sflag:s23] =	ssyncadd.s32 $0xFFFFF000  }
0x82: {  	[spmem:s2] =	stream.indirect.scatter.add.f32 [tilespmem:s17], [sflag:$0x3], $0x40, s20, s16, $0xb8;
	[tilespmem:$0x1FB80] =	vst v63  }
0x83: {  	_ =	swait.ge [sflag:s15], $0x80  }
0x84: {  	[sflag:s15] =	ssyncset.done $0x0  }
0x85: {  	[sflag:s15] =	ssyncadd.s32 $0xFFFFFF80  }
0x86: {  	_ =	swait.ge [sflag:s25], $0x1000  }
.Ltmp14:
0x87: {  	[sflag:s25] =	ssyncset.done $0x0;
	(pc) =	sbr.rel .LBB2_19-.Ltmp14, $4  }
0x88: {  	p0 =	sgt.u32 s4, $0x136;
	[sflag:s25] =	ssyncadd.s32 $0xFFFFF000  }
0x89: {  	[tilespmem:s21], [sflag:$0x2] =	stream.indirect.gather [hbm4b:s9+s16], $0x40, s13, s16, $0xb8;
	[tilespmem:$0x1FB80] =	vst v63  }
0x8a: {  	s6 =	simm.s32 @!p0 $0x0;
	s7 =	simm.s32 @!p0 $0x1FA80  }
0x8b: {  	[tilespmem:s7], [sflag:$0x6] =	stream.linear.gather @!p0 [hbm4b:s11+s6], $0x80, $0x38;
	[tilespmem:$0x1FB80] =	vst v63  }
.LBB2_5:
0x8c: {  	p0 =	seq.s32 s4, $0x138  }
.Ltmp15:
0x8d: {  	_ = 	snop;
	(pc) =	sbr.rel @p0 .LBB2_20-.Ltmp15, $4  }
0x8e: {  	_ =	swait.ge [sflag:s23], $0x1000  }
0x8f: {  	[sflag:s23] =	ssyncset.done $0x0  }
0x90: {  	[sflag:s23] =	ssyncadd.s32 $0xFFFFF000  }
0x91: {  	[spmem:s2] =	stream.indirect.scatter.add.f32 [tilespmem:s17], [sflag:$0x3], $0x40, s30, s16, $0xb8;
	[tilespmem:$0x1FB80] =	vst v63  }
0x92: {  	p0 =	sne.s32 s4, $0x0  }
.Ltmp16:
0x93: {  	_ = 	snop;
	(pc) =	sbr.rel @!p0 .LBB2_7-.Ltmp16, $4  }
0x94: {  	_ = 	snop  }
0x95: {  	_ =	swait.ge [sflag:s31], $0x80  }
0x96: {  	[sflag:s31] =	ssyncset.done $0x0  }
0x97: {  	[sflag:s31] =	ssyncadd.s32 $0xFFFFFF80  }
0x98: {  	p0 =	sgt.u32 s4, $0x136  }
.Ltmp17:
0x99: {  	_ = 	snop;
	(pc) =	sbr.rel @p0 .LBB2_19-.Ltmp17, $4  }
0x9a: {  	_ =	swait.ge [sflag:s25], $0x1000  }
0x9b: {  	[sflag:s25] =	ssyncset.done $0x0  }
0x9c: {  	[sflag:s25] =	ssyncadd.s32 $0xFFFFF000  }
0x9d: {  	[tilespmem:s21], [sflag:$0x2] =	stream.indirect.gather [hbm4b:s9+s16], $0x40, s14, s16, $0xb8;
	[tilespmem:$0x1FB80] =	vst v63  }
.Ltmp18:
0x9e: {  	(pc) =	sbr.rel .LBB2_19-.Ltmp18, $2  }
0x9f: {  	_ =	sdelay $0x2  }
0xa0: {  	[tilespmem:s29], [sflag:$0x7] =	stream.linear.gather [hbm4b:s11+s3], $0x80, $0x38;
	[tilespmem:$0x1FB80] =	vst v63  }
.LBB2_7:
.Ltmp19:
0xa1: {  	(pc) =	sbr.rel .LBB2_19-.Ltmp19, $4  }
0xa2: {  	_ = 	snop  }
0xa3: {  	[tilespmem:s21], [sflag:$0x2] =	stream.indirect.gather [hbm4b:s9+s16], $0x40, s14, s16, $0xb8;
	[tilespmem:$0x1FB80] =	vst v63  }
0xa4: {  	_ = 	snop  }
0xa5: {  	[tilespmem:s29], [sflag:$0x7] =	stream.linear.gather [hbm4b:s11+s3], $0x80, $0x38;
	[tilespmem:$0x1FB80] =	vst v63  }
.LBB2_22:
0xa6: {  	_ =	sfence.sel $0x180000  }
0xa7: {  	[bflag:$0x0] =	sbarrier.arrive $0xFFFF  }
0xa8: {  	_ =	strace $0x90000047  }
0xa9: {  	s0 =	stileid.u32;
	[bflag:$0x2] =	sbarrier.arrive $0xFFFF  }
0xaa: {  	p0 =	sne.s32 s0, $0x0;
	s0 =	rddreg [dreg:$0x3]  }
0xab: {  	s0 =	sadd.s32 @!p0 $0x100000, s0  }
0xac: {  	[sflag:s0] =	ssyncadd.tile.s32 @!p0 $0x1;
	_ =	shalt  }
.Lfunc_end2:
_tile_overlayer_lowered:
.L_overlay_start_2:
0xad: {  	(tag) =	ssettag $0x2  }
0xae: {  	s0 =	rddreg [dreg:$0x0];
	s2 =	stileid.u32  }
0xaf: {  	s1 =	rddreg [dreg:$0x1];
	p0 =	sne.s32 s2, $0x0  }
0xb0: {  	s3 =	rddreg [dreg:$0x2];
	[bflag:$0x3] =	sbarrier.arrive $0xFFFF;
	s2 =	simm.s32 @!p0 $0x1C08  }
0xb1: {  	[timem:s3], [sflag:s2] =	dma.local @!p0 [hbm:s0], s1  }
0xb2: {  	s0 =	simm.s32 @!p0 $0x8  }
0xb3: {  	_ =	swait.ge @!p0 [sflag:s0], s1  }
0xb4: {  	s1 =	ssub.s32 @!p0 $0x0, s1;
	[sflag:s0] =	ssyncset.done @!p0 $0x0  }
0xb5: {  	[sflag:s0] =	ssyncadd.s32 @!p0 s1  }
0xb6: {  	[bflag:$0x3] =	sbarrier.arrive $0xFFFF  }
0xb7: {  	_ =	shalt  }

// kernel: kernel.15.cloned.1.call-start
scs
__scs_entry_jumppad:
0x0: {  	(pc) =	sbr.rel $0x88, $3  }
0x1: {  	(tag) =	ssettag $0x0;
	lr =	simm.s32 $0x1  }
0x2: {  	[smem:$0x3F99] =	sst lr;
	_ =	strace $0xD0000000  }
0x3: {  	_ = 	snop  }
0x4: {  	_ = 	snop  }
0x5: {  	_ = 	snop  }
0x6: {  	_ = 	snop  }
0x7: {  	_ = 	snop  }
__scs_overlays_trampoline_lowered:
0x8: {  	[smem:$0x3FA8] =	sst s0  }
0x9: {  	[smem:$0x3FA9] =	sst s1  }
0xa: {  	[smem:$0x3FAA] =	sst s2  }
0xb: {  	[smem:$0x3FAB] =	sst s3  }
0xc: {  	[smem:$0x3FAC] =	sst s4  }
0xd: {  	[smem:$0x3FAD] =	sst s5  }
0xe: {  	[smem:$0x3FAE] =	sst s6  }
0xf: {  	[smem:$0x3FAF] =	sst s7  }
0x10: {  	[smem:$0x3FB0] =	sst s8  }
0x11: {  	[smem:$0x3FB1] =	sst s9;
	s0 =	simm.s32 @!p0 $0x0  }
0x12: {  	s1 =	sld [smem:$0x3F97];
	s0 =	simm.s32 @p0 $0x1  }
0x13: {  	[smem:$0x3FB2] =	sst s0;
	s0 =	simm.s32 @!p1 $0x0  }
0x14: {  	s2 =	sld [smem:$0x3F96];
	s0 =	simm.s32 @p1 $0x1  }
0x15: {  	[smem:$0x3FB3] =	sst s0;
	s0 =	simm.s32 @!p2 $0x0  }
0x16: {  	s3 =	sld [smem:$0x3FDB];
	s0 =	simm.s32 @p2 $0x1  }
0x17: {  	s4 =	simm.s32 $0x1BF5;
	[smem:$0x3FB5] =	sst s0  }
0x18: {  	s0 =	sld [smem:$0x3F98];
	_ =	swait.ge [sflag:s4], $0x0  }
0x19: {  	s7 =	sld [smem:$0x3F99]  }
0x1a: {  	s8 =	sadd.s32 $0xFFFFE003, lr  }
0x1b: {  	s9 =	sadd.s32 $0xFFFFFEF7, lr;
	s5 =	simm.s32 $0xFFFFFFFF;
	p2 =	slt.u32 s8, $0xFFFFF086  }
0x1c: {  	p1 =	slt.u32 s9, $0xF7A;
	s5 =	simm.s32 @!p2 $0x0  }
0x1d: {  	s5 =	simm.s32 @p1 $0x1;
	p0 =	seq.s32 s7, s2  }
0x1e: {  	s7 =	smul.u32 @!p0 $0xF7A, s2;
	p2 =	seq.s32 @!p0 s5, $0x0  }
0x1f: {  	s9 =	smul.u32 $0xF7A, s1;
	s8 =	simm.s32 @!p0 $0x1BF5;
	p2 =	por !p2, p0  }
0x20: {  	[sflag:s8] =	ssyncset.s32 @!p0 $0xFFFFF086;
	s6 =	sadd.s32 @!p0 s3, s7;
	s7 =	simm.s32 @!p0 $0x108  }
0x21: {  	s3 =	sadd.s32 s3, s9;
	s6 =	sadd.s32 @!p0 $0x88, s6;
	s7 =	simm.s32 @p2 $0x1082  }
0x22: {  	[simem:s7], [sflag:s8] =	dma.local @!p0 [hbm:s6], $0xF7A  }
0x23: {  	s9 =	sor.u32 $0xD0000000, s2;
	s6 =	simm.s32 $0x108;
	_ =	swait.ge @!p0 [sflag:s8], $0x0  }
0x24: {  	s3 =	sadd.s32 $0x88, s3;
	s6 =	simm.s32 @!p1 $0x1082;
	[sflag:s4] =	ssyncset.s32 $0xFFFFF086  }
0x25: {  	[simem:s6], [sflag:s4] =	dma.local [hbm:s3], $0xF7A  }
0x26: {  	[smem:$0x3F99] =	sst s1;
	(tag) =	ssettag s2;
	_ =	strace s9  }
0x27: {  	s1 =	sld [smem:$0x3FA9]  }
0x28: {  	s2 =	sld [smem:$0x3FAA]  }
0x29: {  	s4 =	sld [smem:$0x3FAC]  }
0x2a: {  	p0 =	seq.s32 s5, $0x0;
	s5 =	sld [smem:$0x3FAD]  }
0x2b: {  	s6 =	sld [smem:$0x3FAE]  }
0x2c: {  	s7 =	sld [smem:$0x3FAF]  }
0x2d: {  	s3 =	simm.s32 $0x108;
	s8 =	sld [smem:$0x3FB0]  }
0x2e: {  	s3 =	simm.s32 @!p0 $0x1082;
	s9 =	sld [smem:$0x3FB1]  }
0x2f: {  	lr =	sadd.s32 s0, s3;
	s0 =	sld [smem:$0x3FA8]  }
0x30: {  	s3 =	sld [smem:$0x3FAB]  }
0x31: {  	[smem:$0x3FB4] =	sst s10  }
0x32: {  	s10 =	sld [smem:$0x3FB2];
	_ =	sdelay $0x3  }
0x33: {  	p0 =	seq.s32 s10, $0x1;
	s10 =	sld [smem:$0x3FB4];
	_ =	sdelay $0x3  }
0x34: {  	[smem:$0x3FB4] =	sst s10  }
0x35: {  	s10 =	sld [smem:$0x3FB3];
	_ =	sdelay $0x3  }
0x36: {  	p1 =	seq.s32 s10, $0x1;
	s10 =	sld [smem:$0x3FB4];
	_ =	sdelay $0x3  }
0x37: {  	[smem:$0x3FB4] =	sst s10  }
0x38: {  	s10 =	sld [smem:$0x3FB5]  }
0x39: {  	_ = 	snop;
	(pc) =	sbr.ind lr, $3  }
0x3a: {  	_ = 	snop  }
0x3b: {  	_ = 	snop  }
0x3c: {  	p2 =	seq.s32 s10, $0x1;
	s10 =	sld [smem:$0x3FB4]  }
0x3d: {  	_ =	shalt  }
0x3e: {  	_ =	shalt  }
0x3f: {  	_ =	shalt  }
0x40: {  	_ =	shalt  }
0x41: {  	_ =	shalt  }
0x42: {  	_ =	shalt  }
0x43: {  	_ =	shalt  }
0x44: {  	_ =	shalt  }
0x45: {  	_ =	shalt  }
0x46: {  	_ =	shalt  }
0x47: {  	_ =	shalt  }
0x48: {  	_ =	shalt  }
0x49: {  	_ =	shalt  }
0x4a: {  	_ =	shalt  }
0x4b: {  	_ =	shalt  }
0x4c: {  	_ =	shalt  }
0x4d: {  	_ =	shalt  }
0x4e: {  	_ =	shalt  }
0x4f: {  	_ =	shalt  }
0x50: {  	_ =	shalt  }
0x51: {  	_ =	shalt  }
0x52: {  	_ =	shalt  }
0x53: {  	_ =	shalt  }
0x54: {  	_ =	shalt  }
0x55: {  	_ =	shalt  }
0x56: {  	_ =	shalt  }
0x57: {  	_ =	shalt  }
0x58: {  	_ =	shalt  }
0x59: {  	_ =	shalt  }
0x5a: {  	_ =	shalt  }
0x5b: {  	_ =	shalt  }
0x5c: {  	_ =	shalt  }
0x5d: {  	_ =	shalt  }
0x5e: {  	_ =	shalt  }
0x5f: {  	_ =	shalt  }
0x60: {  	_ =	shalt  }
0x61: {  	_ =	shalt  }
0x62: {  	_ =	shalt  }
0x63: {  	_ =	shalt  }
0x64: {  	_ =	shalt  }
0x65: {  	_ =	shalt  }
0x66: {  	_ =	shalt  }
0x67: {  	_ =	shalt  }
0x68: {  	_ =	shalt  }
0x69: {  	_ =	shalt  }
0x6a: {  	_ =	shalt  }
0x6b: {  	_ =	shalt  }
0x6c: {  	_ =	shalt  }
0x6d: {  	_ =	shalt  }
0x6e: {  	_ =	shalt  }
0x6f: {  	_ =	shalt  }
0x70: {  	_ =	shalt  }
0x71: {  	_ =	shalt  }
0x72: {  	_ =	shalt  }
0x73: {  	_ =	shalt  }
0x74: {  	_ =	shalt  }
0x75: {  	_ =	shalt  }
0x76: {  	_ =	shalt  }
0x77: {  	_ =	shalt  }
0x78: {  	_ =	shalt  }
0x79: {  	_ =	shalt  }
0x7a: {  	_ =	shalt  }
0x7b: {  	_ =	shalt  }
0x7c: {  	_ =	shalt  }
0x7d: {  	_ =	shalt  }
0x7e: {  	_ =	shalt  }
0x7f: {  	_ =	shalt  }
0x80: {  	_ =	shalt  }
0x81: {  	_ =	shalt  }
0x82: {  	_ =	shalt  }
0x83: {  	_ =	shalt  }
0x84: {  	_ =	shalt  }
0x85: {  	_ =	shalt  }
0x86: {  	_ =	shalt  }
0x87: {  	_ =	shalt  }
.Lfunc_end0:
.L_simem_size_0:
called_computation.2_lowered:
.L_overlay_start_0:
0x88: {  	s2 =	sld [smem:$0x3FD9]  }
0x89: {  	s3 =	sld [smem:$0x3FFE];
	_ =	sdelay $0x1  }
0x8a: {  	s1 =	srdreg.scid  }
0x8b: {  	s0 =	sand.u32 $0x1, s1  }
0x8c: {  	s17 =	sshll.u32 s0, $0xA;
	s2 =	sadd.s32 s3, s2  }
0x8d: {  	s2 =	sadd.s32 s2, s17  }
0x8e: {  	[smem:$0x3FC0] =	sst s2  }
0x8f: {  	_ = 	snop  }
0x90: {  	s2 =	sld [smem:$0x3FD0];
	(tm) =	ssettm $0x1  }
0x91: {  	s18 =	sld [smem:$0x3FFB];
	_ =	sdelay $0x3  }
0x92: {  	_ =	strace s18  }
0x93: {  	s3 =	sld [smem:$0x3FFC];
	_ =	sdelay $0x3  }
0x94: {  	_ =	strace s3  }
0x95: {  	s3 =	sld [smem:$0x3FFD];
	_ =	sdelay $0x3  }
0x96: {  	_ =	strace s3  }
0x97: {  	_ =	strace $0x8FFFFFFF  }
0x98: {  	s19 =	sld [smem:$0x3FDB];
	_ =	sdelay $0x1  }
0x99: {  	s4 =	simm.s32 $_scs_section_size  }
0x9a: {  	s5 =	simm.s32 $_size__tile_overlayer_lowered;
	s6 =	simm.s32 $_tile_overlayer_lowered  }
0x9b: {  	s22 =	simm.s32 $0x1BFF;
	s21 =	sshll.u32 s6, $0x1;
	s3 =	sadd.s32 s4, s19  }
0x9c: {  	s7 =	simm.s32 $0x0;
	s20 =	sshll.u32 s5, $0x1;
	s5 =	sadd.s32 s21, s3  }
0x9d: {  	[timem:s7], [sflag:s22] =	dma.local [hbm:s5], s20  }
0x9e: {  	_ =	swait.ge [sflag:s22], s20  }
0x9f: {  	s4 =	ssub.s32 $0x0, s20;
	[sflag:s22] =	ssyncset.done $0x0  }
0xa0: {  	[sflag:s22] =	ssyncadd.s32 s4;
	_ =	sdelay $0x1  }
0xa1: {  	s23 =	simm.s32 $0x1B8B  }
0xa2: {  	_ =	swait.ge [sflag:s23], $0x1  }
0xa3: {  	[sflag:s23] =	ssyncset.done $0x0  }
0xa4: {  	s25 =	simm.s32 $0x1B8E;
	s24 =	sld [smem:$0x3FFE];
	[sflag:s23] =	ssyncadd.s32 $0xFFFFFFFF  }
0xa5: {  	s26 =	simm.s32 $execute0_lowered;
	[smem:$0x3FD2] =	sst s25  }
0xa6: {  	s5 =	sshll.u32 s26, $0x1;
	_ =	strace $0x8000004C;
	[dreg:$0x1] =	wrdreg $0xFFFFFFFF  }
0xa7: {  	s28 =	simm.s32 $_size_execute0_lowered;
	s3 =	sadd.s32 s3, s5;
	[dreg:$0x0] =	wrdreg $0x0  }
0xa8: {  	s5 =	sshll.u32 s28, $0x1;
	[dreg:$0x2] =	wrdreg s3  }
0xa9: {  	[dreg:$0x3] =	wrdreg s5  }
0xaa: {  	[dreg:$0x4] =	wrdreg $0xC0  }
0xab: {  	_ =	task [dreg:s7], $0x5FFFF  }
0xac: {  	[dreg:$0x1] =	wrdreg $0xFFFFFFFF  }
0xad: {  	[dreg:$0x0] =	wrdreg $0x60  }
0xae: {  	[dreg:$0x2] =	wrdreg s2  }
0xaf: {  	[dreg:$0x3] =	wrdreg s24  }
0xb0: {  	[dreg:$0x4] =	wrdreg $0x0  }
0xb1: {  	[dreg:$0x5] =	wrdreg $0x9  }
0xb2: {  	_ =	task.clear_ibuf [dreg:s7], $0x6FFFF;
	_ =	strace $0x9000004C  }
0xb3: {  	s29 =	simm.s32 $0x9;
	_ =	strace $0x8000004E  }
0xb4: {  	_ =	swait.ge [sflag:s29], $0x1  }
0xb5: {  	[sflag:s29] =	ssyncadd.s32 $0xFFFFFFFF  }
0xb6: {  	_ =	strace $0x9000004E  }
0xb7: {  	_ =	sfence  }
0xb8: {  	s30 =	sld [smem:$0x0];
	_ =	sdelay $0x2  }
0xb9: {  	s31 =	sshll.u32 s1, $0xD;
	s1 =	sshrl.u32 s1, $0x2  }
0xba: {  	s3 =	sand.u32 $0x4000, s31;
	s1 =	sadd.s32 s1, s30  }
0xbb: {  	s0 =	sor.u32 s3, s0;
	s1 =	sshll.u32 s1, $0x11  }
0xbc: {  	s0 =	sor.u32 s1, s0  }
0xbd: {  	s0 =	sadd.s32 $0x8F2B, s0  }
0xbe: {  	[sflag:s0] =	ssyncadd.remote.s32 $0x1  }
0xbf: {  	_ =	sfence.sel $0xFFFF  }
0xc0: {  	[dreg:$0x0] =	wrdreg $0xFFFFFFFF;
	(pc) =	sbr.abs _section_cstart, $3  }
0xc1: {  	[dreg:$0x1] =	wrdreg $0xFFFFFFFF  }
0xc2: {  	_ =	task.clear_ibuf [dreg:s7], $0x2FFFF;
	_ =	strace $0x9FFFFFFF  }
0xc3: {  	(tm) =	ssettm $0x7FFFFFFF  }
tec
execute0_lowered:
.L_overlay_start_1:
0x0: {  	(tag) =	ssettag $0x1  }
0x1: {  	s0 =	rddreg [dreg:$0x0]  }
0x2: {  	s1 =	rddreg [dreg:$0x1]  }
0x3: {  	s2 =	rddreg [dreg:$0x2];
	s3 =	simm.s32 $0x0;
	s9 =	stileid.u32  }
0x4: {  	s4 =	srdreg.scid;
	s13 =	simm.s32 $0x1FA00;
	s14 =	simm.s32 $0x1FA80  }
0x5: {  	s15 =	simm.s32 $0x5;
	s16 =	simm.s32 $0x40;
	s17 =	simm.s32 $0x1DA00  }
0x6: {  	s18 =	simm.s32 $0x7;
	s19 =	simm.s32 $0x2;
	s20 =	simm.s32 $0x1FB40  }
0x7: {  	s28 =	simm.s32 $0x1FAC0;
	s29 =	simm.s32 $0x1FB00;
	s30 =	simm.s32 $0x1FA40  }
0x8: {  	s31 =	simm.s32 $0x6;
	[smem:$0x7FF] =	sst s3;
	s5 =	sshll.u32 s9, $0x4  }
0x9: {  	s4 =	sand.u32 $0x1, s4;
	s8 =	sadd.s32 $0x1FA00, s1;
	s10 =	smul.u32 $0x1DA00, s9  }
0xa: {  	_ =	strace $0x8000004D;
	s6 =	sadd.s32 s5, s1;
	s21 =	smul.u32 $0x3B400, s4  }
0xb: {  	s7 =	ssub.s32 $0x2, s4;
	[dreg:$0x4] =	wrdreg s8;
	s5 =	sshll.u32 s9, $0x6  }
0xc: {  	s4 =	sshll.u32 s4, $0x3;
	s22 =	sshrl.u32 s7, $0x1;
	s12 =	sadd.s32 s10, s2  }
0xd: {  	s23 =	sor.u32 $0x1C07, s5;
	s24 =	sadd.s32 $0xC000, s6;
	s8 =	sadd.s32 $0xC100, s6  }
0xe: {  	s9 =	sadd.s32 s0, s4;
	s26 =	sshrl.u32 s10, $0x3;
	s0 =	simm.s32 $0x0  }
.Ltmp0:
0xf: {  	s1 =	sadd.s32 s21, s1;
	[dreg:$0x5] =	wrdreg s23;
	(pc) =	sbr.rel .LBB2_1-.Ltmp0, $4  }
0x10: {  	s11 =	ssub.s32 s7, s22;
	[dreg:$0x6] =	wrdreg s24;
	s12 =	sshrl.u32 s12, $0x3  }
0x11: {  	s21 =	simm.s32 $0x1EA00;
	s22 =	simm.s32 $0x3;
	s23 =	simm.s32 $0x1  }
0x12: {  	s25 =	sadd.s32 $0x23600, s1;
	s10 =	smax.u32 s11, $0x1;
	s1 =	sadd.s32 $0xC200, s6  }
0x13: {  	s24 =	sadd.s32 s26, s25;
	s25 =	simm.s32 $0x4;
	s26 =	simm.s32 $0x8  }
.LBB2_20:
0x14: {  	_ =	swait.ge [sflag:s25], $0x1000  }
0x15: {  	[sflag:s25] =	ssyncset.done $0x0  }
0x16: {  	[sflag:s25] =	ssyncadd.s32 $0xFFFFF000  }
.LBB2_21:
0x17: {  	_ =	swait.ge [sflag:s22], $0x1000  }
0x18: {  	s0 =	sadd.s32 $0x1, s0;
	[sflag:s22] =	ssyncset.done $0x0  }
0x19: {  	p0 =	sne.s32 s0, s10;
	[sflag:s22] =	ssyncadd.s32 $0xFFFFF000  }
.Ltmp1:
0x1a: {  	s4 =	sor.u32 $0x1C08, s5;
	[bflag:$0x0] =	sbarrier.arrive $0xFFFF;
	(pc) =	sbr.rel @!p0 .LBB2_22-.Ltmp1, $4  }
0x1b: {  	[hbm:s24], [sflag:s4] =	dma.local [spmem:s12], $0x3B40  }
0x1c: {  	_ =	swait.ge [sflag:s26], $0x3B40  }
0x1d: {  	[sflag:s26] =	ssyncset.done $0x0  }
0x1e: {  	[sflag:s26] =	ssyncadd.s32 $0xFFFFC4C0  }
.LBB2_1:
0x1f: {  	s4 =	rddreg [dreg:$0x4]  }
0x20: {  	s6 =	rddreg [dreg:$0x5]  }
0x21: {  	[spmem:s12], [sflag:s6] =	dma.local [hbm:s4], $0x3B40  }
0x22: {  	s4 =	rddreg [dreg:$0x6]  }
0x23: {  	[tilespmem:s13], [sflag:$0x5] =	stream.linear.gather [hbm4b:s4+s3], $0x80, $0x38;
	[tilespmem:$0x1FB80] =	vst v63  }
0x24: {  	_ = 	snop  }
0x25: {  	[tilespmem:s14], [sflag:$0x6] =	stream.linear.gather [hbm4b:s8+s3], $0x80, $0x38;
	[tilespmem:$0x1FB80] =	vst v63  }
0x26: {  	_ =	swait.ge [sflag:s15], $0x80  }
0x27: {  	[sflag:s15] =	ssyncset.done $0x0  }
0x28: {  	[sflag:s15] =	ssyncadd.s32 $0xFFFFFF80  }
0x29: {  	[tilespmem:s17], [sflag:$0x1] =	stream.indirect.gather [hbm4b:s9+s16], $0x40, s13, s16, $0xb8;
	[tilespmem:$0x1FB80] =	vst v63  }
.Ltmp2:
0x2a: {  	_ =	swait.ge [sflag:s18], $0x3B40;
	(pc) =	sbr.rel .LBB2_2-.Ltmp2, $4  }
0x2b: {  	[sflag:s18] =	ssyncset.done $0x0  }
0x2c: {  	[sflag:s18] =	ssyncadd.s32 $0xFFFFC4C0  }
0x2d: {  	[bflag:$0x0] =	sbarrier.arrive $0xFFFF  }
0x2e: {  	s11 =	smov.u32 s1;
	s4 =	simm.s32 $0x0  }
.LBB2_14:
0x2f: {  	_ =	swait.ge [sflag:s19], $0x1000  }
0x30: {  	[sflag:s19] =	ssyncset.done $0x0  }
0x31: {  	[sflag:s19] =	ssyncadd.s32 $0xFFFFF000  }
0x32: {  	[spmem:s2] =	stream.indirect.scatter.add.f32 [tilespmem:s21], [sflag:$0x4], $0x40, s28, s16, $0xb8;
	[tilespmem:$0x1FB80] =	vst v63  }
0x33: {  	_ =	swait.ge [sflag:s18], $0x80  }
0x34: {  	[sflag:s18] =	ssyncset.done $0x0  }
0x35: {  	[sflag:s18] =	ssyncadd.s32 $0xFFFFFF80  }
0x36: {  	_ =	swait.ge [sflag:s22], $0x1000  }
0x37: {  	[sflag:s22] =	ssyncset.done $0x0  }
0x38: {  	p0 =	sgt.u32 s4, $0x136;
	[sflag:s22] =	ssyncadd.s32 $0xFFFFF000  }
0x39: {  	[tilespmem:s17], [sflag:$0x1] =	stream.indirect.gather [hbm4b:s9+s16], $0x40, s29, s16, $0xb8;
	[tilespmem:$0x1FB80] =	vst v63  }
0x3a: {  	s6 =	simm.s32 @!p0 $0x0;
	s7 =	simm.s32 @!p0 $0x1FA00  }
0x3b: {  	[tilespmem:s7], [sflag:$0x5] =	stream.linear.gather @!p0 [hbm4b:s11+s6], $0x80, $0x38;
	[tilespmem:$0x1FB80] =	vst v63  }
.LBB2_19:
0x3c: {  	s4 =	sadd.s32 $0x1, s4  }
0x3d: {  	p0 =	seq.s32 s4, $0x139  }
.Ltmp3:
0x3e: {  	_ = 	snop;
	(pc) =	sbr.rel @p0 .LBB2_21-.Ltmp3, $2  }
0x3f: {  	_ =	sdelay $0x2  }
0x40: {  	s11 =	sadd.s32 $0x100, s11  }
.LBB2_2:
0x41: {  	s6 =	smul.u32 $0xAAAB, s4;
	_ =	sdelay $0x1  }
0x42: {  	s6 =	sshrl.u32 s6, $0x11  }
0x43: {  	s6 =	smul.u32 $0x3, s6;
	_ =	sdelay $0x1  }
0x44: {  	s6 =	ssub.s32 s4, s6  }
0x45: {  	s6 =	sand.u32 $0xFFFF, s6  }
0x46: {  	p1 =	seq.s32 s6, $0x2  }
.Ltmp4:
0x47: {  	_ = 	snop;
	(pc) =	sbr.rel @p1 .LBB2_15-.Ltmp4, $3  }
0x48: {  	_ =	sdelay $0x1  }
0x49: {  	s7 =	sand.u32 $0x1, s4  }
0x4a: {  	p0 =	seq.s32 s7, $0x1  }
0x4b: {  	p1 =	seq.s32 s6, $0x1  }
.Ltmp5:
0x4c: {  	_ = 	snop;
	(pc) =	sbr.rel @!p1 .LBB2_4-.Ltmp5, $1  }
0x4d: {  	_ =	sdelay $0x3  }
.Ltmp6:
0x4e: {  	(pc) =	sbr.rel @p0 .LBB2_14-.Ltmp6, $1  }
0x4f: {  	_ =	sdelay $0x3  }
0x50: {  	p0 =	seq.s32 s4, $0x138  }
.Ltmp7:
0x51: {  	_ = 	snop;
	(pc) =	sbr.rel @p0 .LBB2_20-.Ltmp7, $4  }
0x52: {  	_ =	swait.ge [sflag:s23], $0x1000  }
0x53: {  	[sflag:s23] =	ssyncset.done $0x0  }
0x54: {  	[sflag:s23] =	ssyncadd.s32 $0xFFFFF000  }
0x55: {  	[spmem:s2] =	stream.indirect.scatter.add.f32 [tilespmem:s17], [sflag:$0x3], $0x40, s28, s16, $0xb8;
	[tilespmem:$0x1FB80] =	vst v63  }
0x56: {  	_ =	swait.ge [sflag:s18], $0x80  }
0x57: {  	[sflag:s18] =	ssyncset.done $0x0  }
0x58: {  	[sflag:s18] =	ssyncadd.s32 $0xFFFFFF80  }
0x59: {  	_ =	swait.ge [sflag:s25], $0x1000  }
.Ltmp8:
0x5a: {  	[sflag:s25] =	ssyncset.done $0x0;
	(pc) =	sbr.rel .LBB2_19-.Ltmp8, $4  }
0x5b: {  	p0 =	sgt.u32 s4, $0x136;
	[sflag:s25] =	ssyncadd.s32 $0xFFFFF000  }
0x5c: {  	[tilespmem:s21], [sflag:$0x2] =	stream.indirect.gather [hbm4b:s9+s16], $0x40, s29, s16, $0xb8;
	[tilespmem:$0x1FB80] =	vst v63  }
0x5d: {  	s6 =	simm.s32 @!p0 $0x0;
	s7 =	simm.s32 @!p0 $0x1FA00  }
0x5e: {  	[tilespmem:s7], [sflag:$0x5] =	stream.linear.gather @!p0 [hbm4b:s11+s6], $0x80, $0x38;
	[tilespmem:$0x1FB80] =	vst v63  }
.LBB2_15:
.Ltmp9:
0x5f: {  	(pc) =	sbr.rel @!p0 .LBB2_16-.Ltmp9, $1  }
0x60: {  	_ =	sdelay $0x3  }
0x61: {  	_ =	swait.ge [sflag:s19], $0x1000  }
0x62: {  	[sflag:s19] =	ssyncset.done $0x0  }
0x63: {  	[sflag:s19] =	ssyncadd.s32 $0xFFFFF000  }
0x64: {  	[spmem:s2] =	stream.indirect.scatter.add.f32 [tilespmem:s21], [sflag:$0x4], $0x40, s20, s16, $0xb8;
	[tilespmem:$0x1FB80] =	vst v63  }
0x65: {  	_ =	swait.ge [sflag:s15], $0x80  }
0x66: {  	[sflag:s15] =	ssyncset.done $0x0  }
0x67: {  	[sflag:s15] =	ssyncadd.s32 $0xFFFFFF80  }
0x68: {  	_ =	swait.ge [sflag:s22], $0x1000  }
.Ltmp10:
0x69: {  	[sflag:s22] =	ssyncset.done $0x0;
	(pc) =	sbr.rel .LBB2_19-.Ltmp10, $4  }
0x6a: {  	p0 =	sgt.u32 s4, $0x136;
	[sflag:s22] =	ssyncadd.s32 $0xFFFFF000  }
0x6b: {  	[tilespmem:s17], [sflag:$0x1] =	stream.indirect.gather [hbm4b:s9+s16], $0x40, s13, s16, $0xb8;
	[tilespmem:$0x1FB80] =	vst v63  }
0x6c: {  	s6 =	simm.s32 @!p0 $0x0;
	s7 =	simm.s32 @!p0 $0x1FA80  }
0x6d: {  	[tilespmem:s7], [sflag:$0x6] =	stream.linear.gather @!p0 [hbm4b:s11+s6], $0x80, $0x38;
	[tilespmem:$0x1FB80] =	vst v63  }
.LBB2_4:
.Ltmp11:
0x6e: {  	(pc) =	sbr.rel @!p0 .LBB2_5-.Ltmp11, $1  }
0x6f: {  	_ =	sdelay $0x3  }
0x70: {  	_ =	swait.ge [sflag:s19], $0x1000  }
0x71: {  	[sflag:s19] =	ssyncset.done $0x0  }
0x72: {  	[sflag:s19] =	ssyncadd.s32 $0xFFFFF000  }
0x73: {  	[spmem:s2] =	stream.indirect.scatter.add.f32 [tilespmem:s21], [sflag:$0x4], $0x40, s30, s16, $0xb8;
	[tilespmem:$0x1FB80] =	vst v63  }
0x74: {  	_ =	swait.ge [sflag:s31], $0x80  }
0x75: {  	[sflag:s31] =	ssyncset.done $0x0  }
0x76: {  	[sflag:s31] =	ssyncadd.s32 $0xFFFFFF80  }
0x77: {  	_ =	swait.ge [sflag:s22], $0x1000  }
.Ltmp12:
0x78: {  	[sflag:s22] =	ssyncset.done $0x0;
	(pc) =	sbr.rel .LBB2_19-.Ltmp12, $4  }
0x79: {  	p0 =	sgt.u32 s4, $0x136;
	[sflag:s22] =	ssyncadd.s32 $0xFFFFF000  }
0x7a: {  	[tilespmem:s17], [sflag:$0x1] =	stream.indirect.gather [hbm4b:s9+s16], $0x40, s14, s16, $0xb8;
	[tilespmem:$0x1FB80] =	vst v63  }
0x7b: {  	s6 =	simm.s32 @!p0 $0x0;
	s7 =	simm.s32 @!p0 $0x1FB00  }
0x7c: {  	[tilespmem:s7], [sflag:$0x7] =	stream.linear.gather @!p0 [hbm4b:s11+s6], $0x80, $0x38;
	[tilespmem:$0x1FB80] =	vst v63  }
.LBB2_16:
0x7d: {  	p0 =	seq.s32 s4, $0x138  }
.Ltmp13:
0x7e: {  	_ = 	snop;
	(pc) =	sbr.rel @p0 .LBB2_20-.Ltmp13, $4  }
0x7f: {  	_ =	swait.ge [sflag:s23], $0x1000  }
0x80: {  	[sflag:s23] =	ssyncset.done $0x0  }
0x81: {  	[sflag:s23] =	ssyncadd.s32 $0xFFFFF000  }
0x82: {  	[spmem:s2] =	stream.indirect.scatter.add.f32 [tilespmem:s17], [sflag:$0x3], $0x40, s20, s16, $0xb8;
	[tilespmem:$0x1FB80] =	vst v63  }
0x83: {  	_ =	swait.ge [sflag:s15], $0x80  }
0x84: {  	[sflag:s15] =	ssyncset.done $0x0  }
0x85: {  	[sflag:s15] =	ssyncadd.s32 $0xFFFFFF80  }
0x86: {  	_ =	swait.ge [sflag:s25], $0x1000  }
.Ltmp14:
0x87: {  	[sflag:s25] =	ssyncset.done $0x0;
	(pc) =	sbr.rel .LBB2_19-.Ltmp14, $4  }
0x88: {  	p0 =	sgt.u32 s4, $0x136;
	[sflag:s25] =	ssyncadd.s32 $0xFFFFF000  }
0x89: {  	[tilespmem:s21], [sflag:$0x2] =	stream.indirect.gather [hbm4b:s9+s16], $0x40, s13, s16, $0xb8;
	[tilespmem:$0x1FB80] =	vst v63  }
0x8a: {  	s6 =	simm.s32 @!p0 $0x0;
	s7 =	simm.s32 @!p0 $0x1FA80  }
0x8b: {  	[tilespmem:s7], [sflag:$0x6] =	stream.linear.gather @!p0 [hbm4b:s11+s6], $0x80, $0x38;
	[tilespmem:$0x1FB80] =	vst v63  }
.LBB2_5:
0x8c: {  	p0 =	seq.s32 s4, $0x138  }
.Ltmp15:
0x8d: {  	_ = 	snop;
	(pc) =	sbr.rel @p0 .LBB2_20-.Ltmp15, $4  }
0x8e: {  	_ =	swait.ge [sflag:s23], $0x1000  }
0x8f: {  	[sflag:s23] =	ssyncset.done $0x0  }
0x90: {  	[sflag:s23] =	ssyncadd.s32 $0xFFFFF000  }
0x91: {  	[spmem:s2] =	stream.indirect.scatter.add.f32 [tilespmem:s17], [sflag:$0x3], $0x40, s30, s16, $0xb8;
	[tilespmem:$0x1FB80] =	vst v63  }
0x92: {  	p0 =	sne.s32 s4, $0x0  }
.Ltmp16:
0x93: {  	_ = 	snop;
	(pc) =	sbr.rel @!p0 .LBB2_7-.Ltmp16, $4  }
0x94: {  	_ = 	snop  }
0x95: {  	_ =	swait.ge [sflag:s31], $0x80  }
0x96: {  	[sflag:s31] =	ssyncset.done $0x0  }
0x97: {  	[sflag:s31] =	ssyncadd.s32 $0xFFFFFF80  }
0x98: {  	p0 =	sgt.u32 s4, $0x136  }
.Ltmp17:
0x99: {  	_ = 	snop;
	(pc) =	sbr.rel @p0 .LBB2_19-.Ltmp17, $4  }
0x9a: {  	_ =	swait.ge [sflag:s25], $0x1000  }
0x9b: {  	[sflag:s25] =	ssyncset.done $0x0  }
0x9c: {  	[sflag:s25] =	ssyncadd.s32 $0xFFFFF000  }
0x9d: {  	[tilespmem:s21], [sflag:$0x2] =	stream.indirect.gather [hbm4b:s9+s16], $0x40, s14, s16, $0xb8;
	[tilespmem:$0x1FB80] =	vst v63  }
.Ltmp18:
0x9e: {  	(pc) =	sbr.rel .LBB2_19-.Ltmp18, $2  }
0x9f: {  	_ =	sdelay $0x2  }
0xa0: {  	[tilespmem:s29], [sflag:$0x7] =	stream.linear.gather [hbm4b:s11+s3], $0x80, $0x38;
	[tilespmem:$0x1FB80] =	vst v63  }
.LBB2_7:
.Ltmp19:
0xa1: {  	(pc) =	sbr.rel .LBB2_19-.Ltmp19, $4  }
0xa2: {  	_ = 	snop  }
0xa3: {  	[tilespmem:s21], [sflag:$0x2] =	stream.indirect.gather [hbm4b:s9+s16], $0x40, s14, s16, $0xb8;
	[tilespmem:$0x1FB80] =	vst v63  }
0xa4: {  	_ = 	snop  }
0xa5: {  	[tilespmem:s29], [sflag:$0x7] =	stream.linear.gather [hbm4b:s11+s3], $0x80, $0x38;
	[tilespmem:$0x1FB80] =	vst v63  }
.LBB2_22:
0xa6: {  	_ =	sfence.sel $0x180000  }
0xa7: {  	[bflag:$0x0] =	sbarrier.arrive $0xFFFF  }
0xa8: {  	_ =	strace $0x9000004D  }
0xa9: {  	s0 =	stileid.u32;
	[bflag:$0x2] =	sbarrier.arrive $0xFFFF  }
0xaa: {  	p0 =	sne.s32 s0, $0x0;
	s0 =	rddreg [dreg:$0x3]  }
0xab: {  	s0 =	sadd.s32 @!p0 $0x100000, s0  }
0xac: {  	[sflag:s0] =	ssyncadd.tile.s32 @!p0 $0x1;
	_ =	shalt  }
.Lfunc_end2:
_tile_overlayer_lowered:
.L_overlay_start_2:
0xad: {  	(tag) =	ssettag $0x2  }
0xae: {  	s0 =	rddreg [dreg:$0x0];
	s2 =	stileid.u32  }
0xaf: {  	s1 =	rddreg [dreg:$0x1];
	p0 =	sne.s32 s2, $0x0  }
0xb0: {  	s3 =	rddreg [dreg:$0x2];
	[bflag:$0x3] =	sbarrier.arrive $0xFFFF;
	s2 =	simm.s32 @!p0 $0x1C08  }
0xb1: {  	[timem:s3], [sflag:s2] =	dma.local @!p0 [hbm:s0], s1  }
0xb2: {  	s0 =	simm.s32 @!p0 $0x8  }
0xb3: {  	_ =	swait.ge @!p0 [sflag:s0], s1  }
0xb4: {  	s1 =	ssub.s32 @!p0 $0x0, s1;
	[sflag:s0] =	ssyncset.done @!p0 $0x0  }
0xb5: {  	[sflag:s0] =	ssyncadd.s32 @!p0 s1  }
0xb6: {  	[bflag:$0x3] =	sbarrier.arrive $0xFFFF  }
0xb7: {  	_ =	shalt  }

// kernel: kernel.18.cloned.1.call-start
scs
__scs_entry_jumppad:
0x0: {  	(pc) =	sbr.rel $0x88, $3  }
0x1: {  	(tag) =	ssettag $0x0;
	lr =	simm.s32 $0x1  }
0x2: {  	[smem:$0x3F99] =	sst lr;
	_ =	strace $0xD0000000  }
0x3: {  	_ = 	snop  }
0x4: {  	_ = 	snop  }
0x5: {  	_ = 	snop  }
0x6: {  	_ = 	snop  }
0x7: {  	_ = 	snop  }
__scs_overlays_trampoline_lowered:
0x8: {  	[smem:$0x3FA8] =	sst s0  }
0x9: {  	[smem:$0x3FA9] =	sst s1  }
0xa: {  	[smem:$0x3FAA] =	sst s2  }
0xb: {  	[smem:$0x3FAB] =	sst s3  }
0xc: {  	[smem:$0x3FAC] =	sst s4  }
0xd: {  	[smem:$0x3FAD] =	sst s5  }
0xe: {  	[smem:$0x3FAE] =	sst s6  }
0xf: {  	[smem:$0x3FAF] =	sst s7  }
0x10: {  	[smem:$0x3FB0] =	sst s8  }
0x11: {  	[smem:$0x3FB1] =	sst s9;
	s0 =	simm.s32 @!p0 $0x0  }
0x12: {  	s1 =	sld [smem:$0x3F97];
	s0 =	simm.s32 @p0 $0x1  }
0x13: {  	[smem:$0x3FB2] =	sst s0;
	s0 =	simm.s32 @!p1 $0x0  }
0x14: {  	s2 =	sld [smem:$0x3F96];
	s0 =	simm.s32 @p1 $0x1  }
0x15: {  	[smem:$0x3FB3] =	sst s0;
	s0 =	simm.s32 @!p2 $0x0  }
0x16: {  	s3 =	sld [smem:$0x3FDB];
	s0 =	simm.s32 @p2 $0x1  }
0x17: {  	s4 =	simm.s32 $0x1BF5;
	[smem:$0x3FB5] =	sst s0  }
0x18: {  	s0 =	sld [smem:$0x3F98];
	_ =	swait.ge [sflag:s4], $0x0  }
0x19: {  	s7 =	sld [smem:$0x3F99]  }
0x1a: {  	s8 =	sadd.s32 $0xFFFFE003, lr  }
0x1b: {  	s9 =	sadd.s32 $0xFFFFFEF7, lr;
	s5 =	simm.s32 $0xFFFFFFFF;
	p2 =	slt.u32 s8, $0xFFFFF086  }
0x1c: {  	p1 =	slt.u32 s9, $0xF7A;
	s5 =	simm.s32 @!p2 $0x0  }
0x1d: {  	s5 =	simm.s32 @p1 $0x1;
	p0 =	seq.s32 s7, s2  }
0x1e: {  	s7 =	smul.u32 @!p0 $0xF7A, s2;
	p2 =	seq.s32 @!p0 s5, $0x0  }
0x1f: {  	s9 =	smul.u32 $0xF7A, s1;
	s8 =	simm.s32 @!p0 $0x1BF5;
	p2 =	por !p2, p0  }
0x20: {  	[sflag:s8] =	ssyncset.s32 @!p0 $0xFFFFF086;
	s6 =	sadd.s32 @!p0 s3, s7;
	s7 =	simm.s32 @!p0 $0x108  }
0x21: {  	s3 =	sadd.s32 s3, s9;
	s6 =	sadd.s32 @!p0 $0x88, s6;
	s7 =	simm.s32 @p2 $0x1082  }
0x22: {  	[simem:s7], [sflag:s8] =	dma.local @!p0 [hbm:s6], $0xF7A  }
0x23: {  	s9 =	sor.u32 $0xD0000000, s2;
	s6 =	simm.s32 $0x108;
	_ =	swait.ge @!p0 [sflag:s8], $0x0  }
0x24: {  	s3 =	sadd.s32 $0x88, s3;
	s6 =	simm.s32 @!p1 $0x1082;
	[sflag:s4] =	ssyncset.s32 $0xFFFFF086  }
0x25: {  	[simem:s6], [sflag:s4] =	dma.local [hbm:s3], $0xF7A  }
0x26: {  	[smem:$0x3F99] =	sst s1;
	(tag) =	ssettag s2;
	_ =	strace s9  }
0x27: {  	s1 =	sld [smem:$0x3FA9]  }
0x28: {  	s2 =	sld [smem:$0x3FAA]  }
0x29: {  	s4 =	sld [smem:$0x3FAC]  }
0x2a: {  	p0 =	seq.s32 s5, $0x0;
	s5 =	sld [smem:$0x3FAD]  }
0x2b: {  	s6 =	sld [smem:$0x3FAE]  }
0x2c: {  	s7 =	sld [smem:$0x3FAF]  }
0x2d: {  	s3 =	simm.s32 $0x108;
	s8 =	sld [smem:$0x3FB0]  }
0x2e: {  	s3 =	simm.s32 @!p0 $0x1082;
	s9 =	sld [smem:$0x3FB1]  }
0x2f: {  	lr =	sadd.s32 s0, s3;
	s0 =	sld [smem:$0x3FA8]  }
0x30: {  	s3 =	sld [smem:$0x3FAB]  }
0x31: {  	[smem:$0x3FB4] =	sst s10  }
0x32: {  	s10 =	sld [smem:$0x3FB2];
	_ =	sdelay $0x3  }
0x33: {  	p0 =	seq.s32 s10, $0x1;
	s10 =	sld [smem:$0x3FB4];
	_ =	sdelay $0x3  }
0x34: {  	[smem:$0x3FB4] =	sst s10  }
0x35: {  	s10 =	sld [smem:$0x3FB3];
	_ =	sdelay $0x3  }
0x36: {  	p1 =	seq.s32 s10, $0x1;
	s10 =	sld [smem:$0x3FB4];
	_ =	sdelay $0x3  }
0x37: {  	[smem:$0x3FB4] =	sst s10  }
0x38: {  	s10 =	sld [smem:$0x3FB5]  }
0x39: {  	_ = 	snop;
	(pc) =	sbr.ind lr, $3  }
0x3a: {  	_ = 	snop  }
0x3b: {  	_ = 	snop  }
0x3c: {  	p2 =	seq.s32 s10, $0x1;
	s10 =	sld [smem:$0x3FB4]  }
0x3d: {  	_ =	shalt  }
0x3e: {  	_ =	shalt  }
0x3f: {  	_ =	shalt  }
0x40: {  	_ =	shalt  }
0x41: {  	_ =	shalt  }
0x42: {  	_ =	shalt  }
0x43: {  	_ =	shalt  }
0x44: {  	_ =	shalt  }
0x45: {  	_ =	shalt  }
0x46: {  	_ =	shalt  }
0x47: {  	_ =	shalt  }
0x48: {  	_ =	shalt  }
0x49: {  	_ =	shalt  }
0x4a: {  	_ =	shalt  }
0x4b: {  	_ =	shalt  }
0x4c: {  	_ =	shalt  }
0x4d: {  	_ =	shalt  }
0x4e: {  	_ =	shalt  }
0x4f: {  	_ =	shalt  }
0x50: {  	_ =	shalt  }
0x51: {  	_ =	shalt  }
0x52: {  	_ =	shalt  }
0x53: {  	_ =	shalt  }
0x54: {  	_ =	shalt  }
0x55: {  	_ =	shalt  }
0x56: {  	_ =	shalt  }
0x57: {  	_ =	shalt  }
0x58: {  	_ =	shalt  }
0x59: {  	_ =	shalt  }
0x5a: {  	_ =	shalt  }
0x5b: {  	_ =	shalt  }
0x5c: {  	_ =	shalt  }
0x5d: {  	_ =	shalt  }
0x5e: {  	_ =	shalt  }
0x5f: {  	_ =	shalt  }
0x60: {  	_ =	shalt  }
0x61: {  	_ =	shalt  }
0x62: {  	_ =	shalt  }
0x63: {  	_ =	shalt  }
0x64: {  	_ =	shalt  }
0x65: {  	_ =	shalt  }
0x66: {  	_ =	shalt  }
0x67: {  	_ =	shalt  }
0x68: {  	_ =	shalt  }
0x69: {  	_ =	shalt  }
0x6a: {  	_ =	shalt  }
0x6b: {  	_ =	shalt  }
0x6c: {  	_ =	shalt  }
0x6d: {  	_ =	shalt  }
0x6e: {  	_ =	shalt  }
0x6f: {  	_ =	shalt  }
0x70: {  	_ =	shalt  }
0x71: {  	_ =	shalt  }
0x72: {  	_ =	shalt  }
0x73: {  	_ =	shalt  }
0x74: {  	_ =	shalt  }
0x75: {  	_ =	shalt  }
0x76: {  	_ =	shalt  }
0x77: {  	_ =	shalt  }
0x78: {  	_ =	shalt  }
0x79: {  	_ =	shalt  }
0x7a: {  	_ =	shalt  }
0x7b: {  	_ =	shalt  }
0x7c: {  	_ =	shalt  }
0x7d: {  	_ =	shalt  }
0x7e: {  	_ =	shalt  }
0x7f: {  	_ =	shalt  }
0x80: {  	_ =	shalt  }
0x81: {  	_ =	shalt  }
0x82: {  	_ =	shalt  }
0x83: {  	_ =	shalt  }
0x84: {  	_ =	shalt  }
0x85: {  	_ =	shalt  }
0x86: {  	_ =	shalt  }
0x87: {  	_ =	shalt  }
.Lfunc_end0:
.L_simem_size_0:
called_computation.3_lowered:
.L_overlay_start_0:
0x88: {  	s2 =	sld [smem:$0x3FD9]  }
0x89: {  	s3 =	sld [smem:$0x3FFE];
	_ =	sdelay $0x1  }
0x8a: {  	s1 =	srdreg.scid  }
0x8b: {  	s0 =	sand.u32 $0x1, s1  }
0x8c: {  	s17 =	sshll.u32 s0, $0xA;
	s2 =	sadd.s32 s3, s2  }
0x8d: {  	s2 =	sadd.s32 s2, s17  }
0x8e: {  	[smem:$0x3FC0] =	sst s2  }
0x8f: {  	_ = 	snop  }
0x90: {  	s2 =	sld [smem:$0x3FD0];
	(tm) =	ssettm $0x1  }
0x91: {  	s18 =	sld [smem:$0x3FFB];
	_ =	sdelay $0x3  }
0x92: {  	_ =	strace s18  }
0x93: {  	s3 =	sld [smem:$0x3FFC];
	_ =	sdelay $0x3  }
0x94: {  	_ =	strace s3  }
0x95: {  	s3 =	sld [smem:$0x3FFD];
	_ =	sdelay $0x3  }
0x96: {  	_ =	strace s3  }
0x97: {  	_ =	strace $0x8FFFFFFF  }
0x98: {  	s19 =	sld [smem:$0x3FDB];
	_ =	sdelay $0x1  }
0x99: {  	s4 =	simm.s32 $_scs_section_size  }
0x9a: {  	s5 =	simm.s32 $_size__tile_overlayer_lowered;
	s6 =	simm.s32 $_tile_overlayer_lowered  }
0x9b: {  	s22 =	simm.s32 $0x1BFF;
	s21 =	sshll.u32 s6, $0x1;
	s3 =	sadd.s32 s4, s19  }
0x9c: {  	s7 =	simm.s32 $0x0;
	s20 =	sshll.u32 s5, $0x1;
	s5 =	sadd.s32 s21, s3  }
0x9d: {  	[timem:s7], [sflag:s22] =	dma.local [hbm:s5], s20  }
0x9e: {  	_ =	swait.ge [sflag:s22], s20  }
0x9f: {  	s4 =	ssub.s32 $0x0, s20;
	[sflag:s22] =	ssyncset.done $0x0  }
0xa0: {  	[sflag:s22] =	ssyncadd.s32 s4;
	_ =	sdelay $0x1  }
0xa1: {  	s23 =	simm.s32 $0x1B8B  }
0xa2: {  	_ =	swait.ge [sflag:s23], $0x1  }
0xa3: {  	[sflag:s23] =	ssyncset.done $0x0  }
0xa4: {  	s25 =	simm.s32 $0x1B8E;
	s24 =	sld [smem:$0x3FFE];
	[sflag:s23] =	ssyncadd.s32 $0xFFFFFFFF  }
0xa5: {  	s26 =	simm.s32 $execute0_lowered;
	[smem:$0x3FD2] =	sst s25  }
0xa6: {  	s5 =	sshll.u32 s26, $0x1;
	_ =	strace $0x8000004F;
	[dreg:$0x1] =	wrdreg $0xFFFFFFFF  }
0xa7: {  	s28 =	simm.s32 $_size_execute0_lowered;
	s3 =	sadd.s32 s3, s5;
	[dreg:$0x0] =	wrdreg $0x0  }
0xa8: {  	s5 =	sshll.u32 s28, $0x1;
	[dreg:$0x2] =	wrdreg s3  }
0xa9: {  	[dreg:$0x3] =	wrdreg s5  }
0xaa: {  	[dreg:$0x4] =	wrdreg $0xC0  }
0xab: {  	_ =	task [dreg:s7], $0x5FFFF  }
0xac: {  	[dreg:$0x1] =	wrdreg $0xFFFFFFFF  }
0xad: {  	[dreg:$0x0] =	wrdreg $0x60  }
0xae: {  	[dreg:$0x2] =	wrdreg s2  }
0xaf: {  	[dreg:$0x3] =	wrdreg s24  }
0xb0: {  	[dreg:$0x4] =	wrdreg $0x0  }
0xb1: {  	[dreg:$0x5] =	wrdreg $0x9  }
0xb2: {  	_ =	task.clear_ibuf [dreg:s7], $0x6FFFF;
	_ =	strace $0x9000004F  }
0xb3: {  	s29 =	simm.s32 $0x9;
	_ =	strace $0x80000051  }
0xb4: {  	_ =	swait.ge [sflag:s29], $0x1  }
0xb5: {  	[sflag:s29] =	ssyncadd.s32 $0xFFFFFFFF  }
0xb6: {  	_ =	strace $0x90000051  }
0xb7: {  	_ =	sfence  }
0xb8: {  	s30 =	sld [smem:$0x0];
	_ =	sdelay $0x2  }
0xb9: {  	s31 =	sshll.u32 s1, $0xD;
	s1 =	sshrl.u32 s1, $0x2  }
0xba: {  	s3 =	sand.u32 $0x4000, s31;
	s1 =	sadd.s32 s1, s30  }
0xbb: {  	s0 =	sor.u32 s3, s0;
	s1 =	sshll.u32 s1, $0x11  }
0xbc: {  	s0 =	sor.u32 s1, s0  }
0xbd: {  	s0 =	sadd.s32 $0x8F2B, s0  }
0xbe: {  	[sflag:s0] =	ssyncadd.remote.s32 $0x1  }
0xbf: {  	_ =	sfence.sel $0xFFFF  }
0xc0: {  	[dreg:$0x0] =	wrdreg $0xFFFFFFFF;
	(pc) =	sbr.abs _section_cstart, $3  }
0xc1: {  	[dreg:$0x1] =	wrdreg $0xFFFFFFFF  }
0xc2: {  	_ =	task.clear_ibuf [dreg:s7], $0x2FFFF;
	_ =	strace $0x9FFFFFFF  }
0xc3: {  	(tm) =	ssettm $0x7FFFFFFF  }
tec
execute0_lowered:
.L_overlay_start_1:
0x0: {  	(tag) =	ssettag $0x1  }
0x1: {  	s0 =	rddreg [dreg:$0x0]  }
0x2: {  	s1 =	rddreg [dreg:$0x1]  }
0x3: {  	s2 =	rddreg [dreg:$0x2];
	s3 =	simm.s32 $0x0;
	s9 =	stileid.u32  }
0x4: {  	s4 =	srdreg.scid;
	s13 =	simm.s32 $0x1FA00;
	s14 =	simm.s32 $0x1FA80  }
0x5: {  	s15 =	simm.s32 $0x5;
	s16 =	simm.s32 $0x40;
	s17 =	simm.s32 $0x1DA00  }
0x6: {  	s18 =	simm.s32 $0x7;
	s19 =	simm.s32 $0x2;
	s20 =	simm.s32 $0x1FB40  }
0x7: {  	s28 =	simm.s32 $0x1FAC0;
	s29 =	simm.s32 $0x1FB00;
	s30 =	simm.s32 $0x1FA40  }
0x8: {  	s31 =	simm.s32 $0x6;
	[smem:$0x7FF] =	sst s3;
	s5 =	sshll.u32 s9, $0x4  }
0x9: {  	s4 =	sand.u32 $0x1, s4;
	s8 =	sadd.s32 $0x1FA00, s1;
	s10 =	smul.u32 $0x1DA00, s9  }
0xa: {  	_ =	strace $0x80000050;
	s6 =	sadd.s32 s5, s1;
	s21 =	smul.u32 $0x3B400, s4  }
0xb: {  	s7 =	ssub.s32 $0x2, s4;
	[dreg:$0x4] =	wrdreg s8;
	s5 =	sshll.u32 s9, $0x6  }
0xc: {  	s4 =	sshll.u32 s4, $0x3;
	s22 =	sshrl.u32 s7, $0x1;
	s12 =	sadd.s32 s10, s2  }
0xd: {  	s23 =	sor.u32 $0x1C07, s5;
	s24 =	sadd.s32 $0xC000, s6;
	s8 =	sadd.s32 $0xC100, s6  }
0xe: {  	s9 =	sadd.s32 s0, s4;
	s26 =	sshrl.u32 s10, $0x3;
	s0 =	simm.s32 $0x0  }
.Ltmp0:
0xf: {  	s1 =	sadd.s32 s21, s1;
	[dreg:$0x5] =	wrdreg s23;
	(pc) =	sbr.rel .LBB2_1-.Ltmp0, $4  }
0x10: {  	s11 =	ssub.s32 s7, s22;
	[dreg:$0x6] =	wrdreg s24;
	s12 =	sshrl.u32 s12, $0x3  }
0x11: {  	s21 =	simm.s32 $0x1EA00;
	s22 =	simm.s32 $0x3;
	s23 =	simm.s32 $0x1  }
0x12: {  	s25 =	sadd.s32 $0x23600, s1;
	s10 =	smax.u32 s11, $0x1;
	s1 =	sadd.s32 $0xC200, s6  }
0x13: {  	s24 =	sadd.s32 s26, s25;
	s25 =	simm.s32 $0x4;
	s26 =	simm.s32 $0x8  }
.LBB2_20:
0x14: {  	_ =	swait.ge [sflag:s25], $0x1000  }
0x15: {  	[sflag:s25] =	ssyncset.done $0x0  }
0x16: {  	[sflag:s25] =	ssyncadd.s32 $0xFFFFF000  }
.LBB2_21:
0x17: {  	_ =	swait.ge [sflag:s22], $0x1000  }
0x18: {  	s0 =	sadd.s32 $0x1, s0;
	[sflag:s22] =	ssyncset.done $0x0  }
0x19: {  	p0 =	sne.s32 s0, s10;
	[sflag:s22] =	ssyncadd.s32 $0xFFFFF000  }
.Ltmp1:
0x1a: {  	s4 =	sor.u32 $0x1C08, s5;
	[bflag:$0x0] =	sbarrier.arrive $0xFFFF;
	(pc) =	sbr.rel @!p0 .LBB2_22-.Ltmp1, $4  }
0x1b: {  	[hbm:s24], [sflag:s4] =	dma.local [spmem:s12], $0x3B40  }
0x1c: {  	_ =	swait.ge [sflag:s26], $0x3B40  }
0x1d: {  	[sflag:s26] =	ssyncset.done $0x0  }
0x1e: {  	[sflag:s26] =	ssyncadd.s32 $0xFFFFC4C0  }
.LBB2_1:
0x1f: {  	s4 =	rddreg [dreg:$0x4]  }
0x20: {  	s6 =	rddreg [dreg:$0x5]  }
0x21: {  	[spmem:s12], [sflag:s6] =	dma.local [hbm:s4], $0x3B40  }
0x22: {  	s4 =	rddreg [dreg:$0x6]  }
0x23: {  	[tilespmem:s13], [sflag:$0x5] =	stream.linear.gather [hbm4b:s4+s3], $0x80, $0x38;
	[tilespmem:$0x1FB80] =	vst v63  }
0x24: {  	_ = 	snop  }
0x25: {  	[tilespmem:s14], [sflag:$0x6] =	stream.linear.gather [hbm4b:s8+s3], $0x80, $0x38;
	[tilespmem:$0x1FB80] =	vst v63  }
0x26: {  	_ =	swait.ge [sflag:s15], $0x80  }
0x27: {  	[sflag:s15] =	ssyncset.done $0x0  }
0x28: {  	[sflag:s15] =	ssyncadd.s32 $0xFFFFFF80  }
0x29: {  	[tilespmem:s17], [sflag:$0x1] =	stream.indirect.gather [hbm4b:s9+s16], $0x40, s13, s16, $0xb8;
	[tilespmem:$0x1FB80] =	vst v63  }
.Ltmp2:
0x2a: {  	_ =	swait.ge [sflag:s18], $0x3B40;
	(pc) =	sbr.rel .LBB2_2-.Ltmp2, $4  }
0x2b: {  	[sflag:s18] =	ssyncset.done $0x0  }
0x2c: {  	[sflag:s18] =	ssyncadd.s32 $0xFFFFC4C0  }
0x2d: {  	[bflag:$0x0] =	sbarrier.arrive $0xFFFF  }
0x2e: {  	s11 =	smov.u32 s1;
	s4 =	simm.s32 $0x0  }
.LBB2_14:
0x2f: {  	_ =	swait.ge [sflag:s19], $0x1000  }
0x30: {  	[sflag:s19] =	ssyncset.done $0x0  }
0x31: {  	[sflag:s19] =	ssyncadd.s32 $0xFFFFF000  }
0x32: {  	[spmem:s2] =	stream.indirect.scatter.add.f32 [tilespmem:s21], [sflag:$0x4], $0x40, s28, s16, $0xb8;
	[tilespmem:$0x1FB80] =	vst v63  }
0x33: {  	_ =	swait.ge [sflag:s18], $0x80  }
0x34: {  	[sflag:s18] =	ssyncset.done $0x0  }
0x35: {  	[sflag:s18] =	ssyncadd.s32 $0xFFFFFF80  }
0x36: {  	_ =	swait.ge [sflag:s22], $0x1000  }
0x37: {  	[sflag:s22] =	ssyncset.done $0x0  }
0x38: {  	p0 =	sgt.u32 s4, $0x136;
	[sflag:s22] =	ssyncadd.s32 $0xFFFFF000  }
0x39: {  	[tilespmem:s17], [sflag:$0x1] =	stream.indirect.gather [hbm4b:s9+s16], $0x40, s29, s16, $0xb8;
	[tilespmem:$0x1FB80] =	vst v63  }
0x3a: {  	s6 =	simm.s32 @!p0 $0x0;
	s7 =	simm.s32 @!p0 $0x1FA00  }
0x3b: {  	[tilespmem:s7], [sflag:$0x5] =	stream.linear.gather @!p0 [hbm4b:s11+s6], $0x80, $0x38;
	[tilespmem:$0x1FB80] =	vst v63  }
.LBB2_19:
0x3c: {  	s4 =	sadd.s32 $0x1, s4  }
0x3d: {  	p0 =	seq.s32 s4, $0x139  }
.Ltmp3:
0x3e: {  	_ = 	snop;
	(pc) =	sbr.rel @p0 .LBB2_21-.Ltmp3, $2  }
0x3f: {  	_ =	sdelay $0x2  }
0x40: {  	s11 =	sadd.s32 $0x100, s11  }
.LBB2_2:
0x41: {  	s6 =	smul.u32 $0xAAAB, s4;
	_ =	sdelay $0x1  }
0x42: {  	s6 =	sshrl.u32 s6, $0x11  }
0x43: {  	s6 =	smul.u32 $0x3, s6;
	_ =	sdelay $0x1  }
0x44: {  	s6 =	ssub.s32 s4, s6  }
0x45: {  	s6 =	sand.u32 $0xFFFF, s6  }
0x46: {  	p1 =	seq.s32 s6, $0x2  }
.Ltmp4:
0x47: {  	_ = 	snop;
	(pc) =	sbr.rel @p1 .LBB2_15-.Ltmp4, $3  }
0x48: {  	_ =	sdelay $0x1  }
0x49: {  	s7 =	sand.u32 $0x1, s4  }
0x4a: {  	p0 =	seq.s32 s7, $0x1  }
0x4b: {  	p1 =	seq.s32 s6, $0x1  }
.Ltmp5:
0x4c: {  	_ = 	snop;
	(pc) =	sbr.rel @!p1 .LBB2_4-.Ltmp5, $1  }
0x4d: {  	_ =	sdelay $0x3  }
.Ltmp6:
0x4e: {  	(pc) =	sbr.rel @p0 .LBB2_14-.Ltmp6, $1  }
0x4f: {  	_ =	sdelay $0x3  }
0x50: {  	p0 =	seq.s32 s4, $0x138  }
.Ltmp7:
0x51: {  	_ = 	snop;
	(pc) =	sbr.rel @p0 .LBB2_20-.Ltmp7, $4  }
0x52: {  	_ =	swait.ge [sflag:s23], $0x1000  }
0x53: {  	[sflag:s23] =	ssyncset.done $0x0  }
0x54: {  	[sflag:s23] =	ssyncadd.s32 $0xFFFFF000  }
0x55: {  	[spmem:s2] =	stream.indirect.scatter.add.f32 [tilespmem:s17], [sflag:$0x3], $0x40, s28, s16, $0xb8;
	[tilespmem:$0x1FB80] =	vst v63  }
0x56: {  	_ =	swait.ge [sflag:s18], $0x80  }
0x57: {  	[sflag:s18] =	ssyncset.done $0x0  }
0x58: {  	[sflag:s18] =	ssyncadd.s32 $0xFFFFFF80  }
0x59: {  	_ =	swait.ge [sflag:s25], $0x1000  }
.Ltmp8:
0x5a: {  	[sflag:s25] =	ssyncset.done $0x0;
	(pc) =	sbr.rel .LBB2_19-.Ltmp8, $4  }
0x5b: {  	p0 =	sgt.u32 s4, $0x136;
	[sflag:s25] =	ssyncadd.s32 $0xFFFFF000  }
0x5c: {  	[tilespmem:s21], [sflag:$0x2] =	stream.indirect.gather [hbm4b:s9+s16], $0x40, s29, s16, $0xb8;
	[tilespmem:$0x1FB80] =	vst v63  }
0x5d: {  	s6 =	simm.s32 @!p0 $0x0;
	s7 =	simm.s32 @!p0 $0x1FA00  }
0x5e: {  	[tilespmem:s7], [sflag:$0x5] =	stream.linear.gather @!p0 [hbm4b:s11+s6], $0x80, $0x38;
	[tilespmem:$0x1FB80] =	vst v63  }
.LBB2_15:
.Ltmp9:
0x5f: {  	(pc) =	sbr.rel @!p0 .LBB2_16-.Ltmp9, $1  }
0x60: {  	_ =	sdelay $0x3  }
0x61: {  	_ =	swait.ge [sflag:s19], $0x1000  }
0x62: {  	[sflag:s19] =	ssyncset.done $0x0  }
0x63: {  	[sflag:s19] =	ssyncadd.s32 $0xFFFFF000  }
0x64: {  	[spmem:s2] =	stream.indirect.scatter.add.f32 [tilespmem:s21], [sflag:$0x4], $0x40, s20, s16, $0xb8;
	[tilespmem:$0x1FB80] =	vst v63  }
0x65: {  	_ =	swait.ge [sflag:s15], $0x80  }
0x66: {  	[sflag:s15] =	ssyncset.done $0x0  }
0x67: {  	[sflag:s15] =	ssyncadd.s32 $0xFFFFFF80  }
0x68: {  	_ =	swait.ge [sflag:s22], $0x1000  }
.Ltmp10:
0x69: {  	[sflag:s22] =	ssyncset.done $0x0;
	(pc) =	sbr.rel .LBB2_19-.Ltmp10, $4  }
0x6a: {  	p0 =	sgt.u32 s4, $0x136;
	[sflag:s22] =	ssyncadd.s32 $0xFFFFF000  }
0x6b: {  	[tilespmem:s17], [sflag:$0x1] =	stream.indirect.gather [hbm4b:s9+s16], $0x40, s13, s16, $0xb8;
	[tilespmem:$0x1FB80] =	vst v63  }
0x6c: {  	s6 =	simm.s32 @!p0 $0x0;
	s7 =	simm.s32 @!p0 $0x1FA80  }
0x6d: {  	[tilespmem:s7], [sflag:$0x6] =	stream.linear.gather @!p0 [hbm4b:s11+s6], $0x80, $0x38;
	[tilespmem:$0x1FB80] =	vst v63  }
.LBB2_4:
.Ltmp11:
0x6e: {  	(pc) =	sbr.rel @!p0 .LBB2_5-.Ltmp11, $1  }
0x6f: {  	_ =	sdelay $0x3  }
0x70: {  	_ =	swait.ge [sflag:s19], $0x1000  }
0x71: {  	[sflag:s19] =	ssyncset.done $0x0  }
0x72: {  	[sflag:s19] =	ssyncadd.s32 $0xFFFFF000  }
0x73: {  	[spmem:s2] =	stream.indirect.scatter.add.f32 [tilespmem:s21], [sflag:$0x4], $0x40, s30, s16, $0xb8;
	[tilespmem:$0x1FB80] =	vst v63  }
0x74: {  	_ =	swait.ge [sflag:s31], $0x80  }
0x75: {  	[sflag:s31] =	ssyncset.done $0x0  }
0x76: {  	[sflag:s31] =	ssyncadd.s32 $0xFFFFFF80  }
0x77: {  	_ =	swait.ge [sflag:s22], $0x1000  }
.Ltmp12:
0x78: {  	[sflag:s22] =	ssyncset.done $0x0;
	(pc) =	sbr.rel .LBB2_19-.Ltmp12, $4  }
0x79: {  	p0 =	sgt.u32 s4, $0x136;
	[sflag:s22] =	ssyncadd.s32 $0xFFFFF000  }
0x7a: {  	[tilespmem:s17], [sflag:$0x1] =	stream.indirect.gather [hbm4b:s9+s16], $0x40, s14, s16, $0xb8;
	[tilespmem:$0x1FB80] =	vst v63  }
0x7b: {  	s6 =	simm.s32 @!p0 $0x0;
	s7 =	simm.s32 @!p0 $0x1FB00  }
0x7c: {  	[tilespmem:s7], [sflag:$0x7] =	stream.linear.gather @!p0 [hbm4b:s11+s6], $0x80, $0x38;
	[tilespmem:$0x1FB80] =	vst v63  }
.LBB2_16:
0x7d: {  	p0 =	seq.s32 s4, $0x138  }
.Ltmp13:
0x7e: {  	_ = 	snop;
	(pc) =	sbr.rel @p0 .LBB2_20-.Ltmp13, $4  }
0x7f: {  	_ =	swait.ge [sflag:s23], $0x1000  }
0x80: {  	[sflag:s23] =	ssyncset.done $0x0  }
0x81: {  	[sflag:s23] =	ssyncadd.s32 $0xFFFFF000  }
0x82: {  	[spmem:s2] =	stream.indirect.scatter.add.f32 [tilespmem:s17], [sflag:$0x3], $0x40, s20, s16, $0xb8;
	[tilespmem:$0x1FB80] =	vst v63  }
0x83: {  	_ =	swait.ge [sflag:s15], $0x80  }
0x84: {  	[sflag:s15] =	ssyncset.done $0x0  }
0x85: {  	[sflag:s15] =	ssyncadd.s32 $0xFFFFFF80  }
0x86: {  	_ =	swait.ge [sflag:s25], $0x1000  }
.Ltmp14:
0x87: {  	[sflag:s25] =	ssyncset.done $0x0;
	(pc) =	sbr.rel .LBB2_19-.Ltmp14, $4  }
0x88: {  	p0 =	sgt.u32 s4, $0x136;
	[sflag:s25] =	ssyncadd.s32 $0xFFFFF000  }
0x89: {  	[tilespmem:s21], [sflag:$0x2] =	stream.indirect.gather [hbm4b:s9+s16], $0x40, s13, s16, $0xb8;
	[tilespmem:$0x1FB80] =	vst v63  }
0x8a: {  	s6 =	simm.s32 @!p0 $0x0;
	s7 =	simm.s32 @!p0 $0x1FA80  }
0x8b: {  	[tilespmem:s7], [sflag:$0x6] =	stream.linear.gather @!p0 [hbm4b:s11+s6], $0x80, $0x38;
	[tilespmem:$0x1FB80] =	vst v63  }
.LBB2_5:
0x8c: {  	p0 =	seq.s32 s4, $0x138  }
.Ltmp15:
0x8d: {  	_ = 	snop;
	(pc) =	sbr.rel @p0 .LBB2_20-.Ltmp15, $4  }
0x8e: {  	_ =	swait.ge [sflag:s23], $0x1000  }
0x8f: {  	[sflag:s23] =	ssyncset.done $0x0  }
0x90: {  	[sflag:s23] =	ssyncadd.s32 $0xFFFFF000  }
0x91: {  	[spmem:s2] =	stream.indirect.scatter.add.f32 [tilespmem:s17], [sflag:$0x3], $0x40, s30, s16, $0xb8;
	[tilespmem:$0x1FB80] =	vst v63  }
0x92: {  	p0 =	sne.s32 s4, $0x0  }
.Ltmp16:
0x93: {  	_ = 	snop;
	(pc) =	sbr.rel @!p0 .LBB2_7-.Ltmp16, $4  }
0x94: {  	_ = 	snop  }
0x95: {  	_ =	swait.ge [sflag:s31], $0x80  }
0x96: {  	[sflag:s31] =	ssyncset.done $0x0  }
0x97: {  	[sflag:s31] =	ssyncadd.s32 $0xFFFFFF80  }
0x98: {  	p0 =	sgt.u32 s4, $0x136  }
.Ltmp17:
0x99: {  	_ = 	snop;
	(pc) =	sbr.rel @p0 .LBB2_19-.Ltmp17, $4  }
0x9a: {  	_ =	swait.ge [sflag:s25], $0x1000  }
0x9b: {  	[sflag:s25] =	ssyncset.done $0x0  }
0x9c: {  	[sflag:s25] =	ssyncadd.s32 $0xFFFFF000  }
0x9d: {  	[tilespmem:s21], [sflag:$0x2] =	stream.indirect.gather [hbm4b:s9+s16], $0x40, s14, s16, $0xb8;
	[tilespmem:$0x1FB80] =	vst v63  }
.Ltmp18:
0x9e: {  	(pc) =	sbr.rel .LBB2_19-.Ltmp18, $2  }
0x9f: {  	_ =	sdelay $0x2  }
0xa0: {  	[tilespmem:s29], [sflag:$0x7] =	stream.linear.gather [hbm4b:s11+s3], $0x80, $0x38;
	[tilespmem:$0x1FB80] =	vst v63  }
.LBB2_7:
.Ltmp19:
0xa1: {  	(pc) =	sbr.rel .LBB2_19-.Ltmp19, $4  }
0xa2: {  	_ = 	snop  }
0xa3: {  	[tilespmem:s21], [sflag:$0x2] =	stream.indirect.gather [hbm4b:s9+s16], $0x40, s14, s16, $0xb8;
	[tilespmem:$0x1FB80] =	vst v63  }
0xa4: {  	_ = 	snop  }
0xa5: {  	[tilespmem:s29], [sflag:$0x7] =	stream.linear.gather [hbm4b:s11+s3], $0x80, $0x38;
	[tilespmem:$0x1FB80] =	vst v63  }
.LBB2_22:
0xa6: {  	_ =	sfence.sel $0x180000  }
0xa7: {  	[bflag:$0x0] =	sbarrier.arrive $0xFFFF  }
0xa8: {  	_ =	strace $0x90000050  }
0xa9: {  	s0 =	stileid.u32;
	[bflag:$0x2] =	sbarrier.arrive $0xFFFF  }
0xaa: {  	p0 =	sne.s32 s0, $0x0;
	s0 =	rddreg [dreg:$0x3]  }
0xab: {  	s0 =	sadd.s32 @!p0 $0x100000, s0  }
0xac: {  	[sflag:s0] =	ssyncadd.tile.s32 @!p0 $0x1;
	_ =	shalt  }
.Lfunc_end2:
_tile_overlayer_lowered:
.L_overlay_start_2:
0xad: {  	(tag) =	ssettag $0x2  }
0xae: {  	s0 =	rddreg [dreg:$0x0];
	s2 =	stileid.u32  }
0xaf: {  	s1 =	rddreg [dreg:$0x1];
	p0 =	sne.s32 s2, $0x0  }
0xb0: {  	s3 =	rddreg [dreg:$0x2];
	[bflag:$0x3] =	sbarrier.arrive $0xFFFF;
	s2 =	simm.s32 @!p0 $0x1C08  }
0xb1: {  	[timem:s3], [sflag:s2] =	dma.local @!p0 [hbm:s0], s1  }
0xb2: {  	s0 =	simm.s32 @!p0 $0x8  }
0xb3: {  	_ =	swait.ge @!p0 [sflag:s0], s1  }
0xb4: {  	s1 =	ssub.s32 @!p0 $0x0, s1;
	[sflag:s0] =	ssyncset.done @!p0 $0x0  }
0xb5: {  	[sflag:s0] =	ssyncadd.s32 @!p0 s1  }
0xb6: {  	[bflag:$0x3] =	sbarrier.arrive $0xFFFF  }
0xb7: {  	_ =	shalt  }

// kernel: kernel.9.cloned.1.call-start
scs
__scs_entry_jumppad:
0x0: {  	(pc) =	sbr.rel $0x88, $3  }
0x1: {  	(tag) =	ssettag $0x0;
	lr =	simm.s32 $0x1  }
0x2: {  	[smem:$0x3F99] =	sst lr;
	_ =	strace $0xD0000000  }
0x3: {  	_ = 	snop  }
0x4: {  	_ = 	snop  }
0x5: {  	_ = 	snop  }
0x6: {  	_ = 	snop  }
0x7: {  	_ = 	snop  }
__scs_overlays_trampoline_lowered:
0x8: {  	[smem:$0x3FA8] =	sst s0  }
0x9: {  	[smem:$0x3FA9] =	sst s1  }
0xa: {  	[smem:$0x3FAA] =	sst s2  }
0xb: {  	[smem:$0x3FAB] =	sst s3  }
0xc: {  	[smem:$0x3FAC] =	sst s4  }
0xd: {  	[smem:$0x3FAD] =	sst s5  }
0xe: {  	[smem:$0x3FAE] =	sst s6  }
0xf: {  	[smem:$0x3FAF] =	sst s7  }
0x10: {  	[smem:$0x3FB0] =	sst s8  }
0x11: {  	[smem:$0x3FB1] =	sst s9;
	s0 =	simm.s32 @!p0 $0x0  }
0x12: {  	s1 =	sld [smem:$0x3F97];
	s0 =	simm.s32 @p0 $0x1  }
0x13: {  	[smem:$0x3FB2] =	sst s0;
	s0 =	simm.s32 @!p1 $0x0  }
0x14: {  	s2 =	sld [smem:$0x3F96];
	s0 =	simm.s32 @p1 $0x1  }
0x15: {  	[smem:$0x3FB3] =	sst s0;
	s0 =	simm.s32 @!p2 $0x0  }
0x16: {  	s3 =	sld [smem:$0x3FDB];
	s0 =	simm.s32 @p2 $0x1  }
0x17: {  	s4 =	simm.s32 $0x1BF5;
	[smem:$0x3FB5] =	sst s0  }
0x18: {  	s0 =	sld [smem:$0x3F98];
	_ =	swait.ge [sflag:s4], $0x0  }
0x19: {  	s7 =	sld [smem:$0x3F99]  }
0x1a: {  	s8 =	sadd.s32 $0xFFFFE003, lr  }
0x1b: {  	s9 =	sadd.s32 $0xFFFFFEF7, lr;
	s5 =	simm.s32 $0xFFFFFFFF;
	p2 =	slt.u32 s8, $0xFFFFF086  }
0x1c: {  	p1 =	slt.u32 s9, $0xF7A;
	s5 =	simm.s32 @!p2 $0x0  }
0x1d: {  	s5 =	simm.s32 @p1 $0x1;
	p0 =	seq.s32 s7, s2  }
0x1e: {  	s7 =	smul.u32 @!p0 $0xF7A, s2;
	p2 =	seq.s32 @!p0 s5, $0x0  }
0x1f: {  	s9 =	smul.u32 $0xF7A, s1;
	s8 =	simm.s32 @!p0 $0x1BF5;
	p2 =	por !p2, p0  }
0x20: {  	[sflag:s8] =	ssyncset.s32 @!p0 $0xFFFFF086;
	s6 =	sadd.s32 @!p0 s3, s7;
	s7 =	simm.s32 @!p0 $0x108  }
0x21: {  	s3 =	sadd.s32 s3, s9;
	s6 =	sadd.s32 @!p0 $0x88, s6;
	s7 =	simm.s32 @p2 $0x1082  }
0x22: {  	[simem:s7], [sflag:s8] =	dma.local @!p0 [hbm:s6], $0xF7A  }
0x23: {  	s9 =	sor.u32 $0xD0000000, s2;
	s6 =	simm.s32 $0x108;
	_ =	swait.ge @!p0 [sflag:s8], $0x0  }
0x24: {  	s3 =	sadd.s32 $0x88, s3;
	s6 =	simm.s32 @!p1 $0x1082;
	[sflag:s4] =	ssyncset.s32 $0xFFFFF086  }
0x25: {  	[simem:s6], [sflag:s4] =	dma.local [hbm:s3], $0xF7A  }
0x26: {  	[smem:$0x3F99] =	sst s1;
	(tag) =	ssettag s2;
	_ =	strace s9  }
0x27: {  	s1 =	sld [smem:$0x3FA9]  }
0x28: {  	s2 =	sld [smem:$0x3FAA]  }
0x29: {  	s4 =	sld [smem:$0x3FAC]  }
0x2a: {  	p0 =	seq.s32 s5, $0x0;
	s5 =	sld [smem:$0x3FAD]  }
0x2b: {  	s6 =	sld [smem:$0x3FAE]  }
0x2c: {  	s7 =	sld [smem:$0x3FAF]  }
0x2d: {  	s3 =	simm.s32 $0x108;
	s8 =	sld [smem:$0x3FB0]  }
0x2e: {  	s3 =	simm.s32 @!p0 $0x1082;
	s9 =	sld [smem:$0x3FB1]  }
0x2f: {  	lr =	sadd.s32 s0, s3;
	s0 =	sld [smem:$0x3FA8]  }
0x30: {  	s3 =	sld [smem:$0x3FAB]  }
0x31: {  	[smem:$0x3FB4] =	sst s10  }
0x32: {  	s10 =	sld [smem:$0x3FB2];
	_ =	sdelay $0x3  }
0x33: {  	p0 =	seq.s32 s10, $0x1;
	s10 =	sld [smem:$0x3FB4];
	_ =	sdelay $0x3  }
0x34: {  	[smem:$0x3FB4] =	sst s10  }
0x35: {  	s10 =	sld [smem:$0x3FB3];
	_ =	sdelay $0x3  }
0x36: {  	p1 =	seq.s32 s10, $0x1;
	s10 =	sld [smem:$0x3FB4];
	_ =	sdelay $0x3  }
0x37: {  	[smem:$0x3FB4] =	sst s10  }
0x38: {  	s10 =	sld [smem:$0x3FB5]  }
0x39: {  	_ = 	snop;
	(pc) =	sbr.ind lr, $3  }
0x3a: {  	_ = 	snop  }
0x3b: {  	_ = 	snop  }
0x3c: {  	p2 =	seq.s32 s10, $0x1;
	s10 =	sld [smem:$0x3FB4]  }
0x3d: {  	_ =	shalt  }
0x3e: {  	_ =	shalt  }
0x3f: {  	_ =	shalt  }
0x40: {  	_ =	shalt  }
0x41: {  	_ =	shalt  }
0x42: {  	_ =	shalt  }
0x43: {  	_ =	shalt  }
0x44: {  	_ =	shalt  }
0x45: {  	_ =	shalt  }
0x46: {  	_ =	shalt  }
0x47: {  	_ =	shalt  }
0x48: {  	_ =	shalt  }
0x49: {  	_ =	shalt  }
0x4a: {  	_ =	shalt  }
0x4b: {  	_ =	shalt  }
0x4c: {  	_ =	shalt  }
0x4d: {  	_ =	shalt  }
0x4e: {  	_ =	shalt  }
0x4f: {  	_ =	shalt  }
0x50: {  	_ =	shalt  }
0x51: {  	_ =	shalt  }
0x52: {  	_ =	shalt  }
0x53: {  	_ =	shalt  }
0x54: {  	_ =	shalt  }
0x55: {  	_ =	shalt  }
0x56: {  	_ =	shalt  }
0x57: {  	_ =	shalt  }
0x58: {  	_ =	shalt  }
0x59: {  	_ =	shalt  }
0x5a: {  	_ =	shalt  }
0x5b: {  	_ =	shalt  }
0x5c: {  	_ =	shalt  }
0x5d: {  	_ =	shalt  }
0x5e: {  	_ =	shalt  }
0x5f: {  	_ =	shalt  }
0x60: {  	_ =	shalt  }
0x61: {  	_ =	shalt  }
0x62: {  	_ =	shalt  }
0x63: {  	_ =	shalt  }
0x64: {  	_ =	shalt  }
0x65: {  	_ =	shalt  }
0x66: {  	_ =	shalt  }
0x67: {  	_ =	shalt  }
0x68: {  	_ =	shalt  }
0x69: {  	_ =	shalt  }
0x6a: {  	_ =	shalt  }
0x6b: {  	_ =	shalt  }
0x6c: {  	_ =	shalt  }
0x6d: {  	_ =	shalt  }
0x6e: {  	_ =	shalt  }
0x6f: {  	_ =	shalt  }
0x70: {  	_ =	shalt  }
0x71: {  	_ =	shalt  }
0x72: {  	_ =	shalt  }
0x73: {  	_ =	shalt  }
0x74: {  	_ =	shalt  }
0x75: {  	_ =	shalt  }
0x76: {  	_ =	shalt  }
0x77: {  	_ =	shalt  }
0x78: {  	_ =	shalt  }
0x79: {  	_ =	shalt  }
0x7a: {  	_ =	shalt  }
0x7b: {  	_ =	shalt  }
0x7c: {  	_ =	shalt  }
0x7d: {  	_ =	shalt  }
0x7e: {  	_ =	shalt  }
0x7f: {  	_ =	shalt  }
0x80: {  	_ =	shalt  }
0x81: {  	_ =	shalt  }
0x82: {  	_ =	shalt  }
0x83: {  	_ =	shalt  }
0x84: {  	_ =	shalt  }
0x85: {  	_ =	shalt  }
0x86: {  	_ =	shalt  }
0x87: {  	_ =	shalt  }
.Lfunc_end0:
.L_simem_size_0:
called_computation_lowered:
.L_overlay_start_0:
0x88: {  	s2 =	sld [smem:$0x3FD9]  }
0x89: {  	s3 =	sld [smem:$0x3FFE];
	_ =	sdelay $0x1  }
0x8a: {  	s1 =	srdreg.scid  }
0x8b: {  	s0 =	sand.u32 $0x1, s1  }
0x8c: {  	s17 =	sshll.u32 s0, $0xA;
	s2 =	sadd.s32 s3, s2  }
0x8d: {  	s2 =	sadd.s32 s2, s17  }
0x8e: {  	[smem:$0x3FC0] =	sst s2  }
0x8f: {  	_ = 	snop  }
0x90: {  	s18 =	sld [smem:$0x3FD0];
	(tm) =	ssettm $0x1  }
0x91: {  	s19 =	sld [smem:$0x3FFB];
	_ =	sdelay $0x3  }
0x92: {  	_ =	strace s19  }
0x93: {  	s2 =	sld [smem:$0x3FFC];
	_ =	sdelay $0x3  }
0x94: {  	_ =	strace s2  }
0x95: {  	s2 =	sld [smem:$0x3FFD];
	_ =	sdelay $0x3  }
0x96: {  	_ =	strace s2  }
0x97: {  	_ =	strace $0x8FFFFFFF  }
0x98: {  	s20 =	sld [smem:$0x3FDB];
	_ =	sdelay $0x1  }
0x99: {  	s4 =	simm.s32 $_scs_section_size  }
0x9a: {  	s5 =	simm.s32 $_size__tile_overlayer_lowered;
	s6 =	simm.s32 $_tile_overlayer_lowered  }
0x9b: {  	s7 =	simm.s32 $0x1BFF;
	s21 =	sshll.u32 s6, $0x1;
	s4 =	sadd.s32 s4, s20  }
0x9c: {  	s22 =	simm.s32 $0x0;
	s5 =	sshll.u32 s5, $0x1;
	s6 =	sadd.s32 s21, s4  }
0x9d: {  	[timem:s22], [sflag:s7] =	dma.local [hbm:s6], s5  }
0x9e: {  	_ =	swait.ge [sflag:s7], s5  }
0x9f: {  	s5 =	ssub.s32 $0x0, s5;
	[sflag:s7] =	ssyncset.done $0x0  }
0xa0: {  	[sflag:s7] =	ssyncadd.s32 s5;
	_ =	sdelay $0x1  }
0xa1: {  	s23 =	simm.s32 $0x1B8B  }
0xa2: {  	_ =	swait.ge [sflag:s23], $0x1  }
0xa3: {  	[sflag:s23] =	ssyncset.done $0x0  }
0xa4: {  	[sflag:s23] =	ssyncadd.s32 $0xFFFFFFFF  }
0xa5: {  	s5 =	sld [smem:$0x0]  }
0xa6: {  	s6 =	sand.u32 $0xFFFFFFFE, s1  }
0xa7: {  	p0 =	sne.s32 s1, s6  }
0xa8: {  	s6 =	sshll.u32 @p0 s6, $0xE  }
0xa9: {  	s6 =	sadd.s32 @p0 $0x11B8D, s6;
	s7 =	sshll.u32 @p0 s5, $0x11  }
0xaa: {  	s6 =	sor.u32 @p0 s7, s6  }
0xab: {  	[sflag:s6] =	ssyncadd.remote.s32 @p0 $0x1;
	_ =	sdelay $0x1  }
0xac: {  	s6 =	simm.s32 @p0 $0x1B8D  }
0xad: {  	_ =	swait.eq @p0 [sflag:s6], $0x1  }
0xae: {  	[sflag:s6] =	ssyncadd.s32 @p0 $0xFFFFFFFF  }
0xaf: {  	s7 =	sshll.u32 @!p0 s1, $0xE  }
0xb0: {  	s7 =	sor.u32 @!p0 $0x4000, s7;
	s6 =	simm.s32 @!p0 $0x1B8D  }
0xb1: {  	s5 =	sshll.u32 @!p0 s5, $0x11;
	s7 =	sadd.s32 @!p0 $0x11B8D, s7;
	_ =	swait.eq @!p0 [sflag:s6], $0x1  }
0xb2: {  	s5 =	sor.u32 @!p0 s5, s7;
	[sflag:s6] =	ssyncadd.s32 @!p0 $0xFFFFFFFF  }
0xb3: {  	s25 =	simm.s32 $0x1B8E;
	s24 =	sld [smem:$0x3FFE];
	[sflag:s5] =	ssyncadd.remote.s32 @!p0 $0x1  }
0xb4: {  	s26 =	simm.s32 $execute0_lowered;
	[smem:$0x3FD2] =	sst s25  }
0xb5: {  	s6 =	sshll.u32 s26, $0x1;
	_ =	strace $0x80000049;
	[dreg:$0x1] =	wrdreg $0xFFFFFFFF  }
0xb6: {  	s28 =	simm.s32 $_size_execute0_lowered;
	s4 =	sadd.s32 s4, s6;
	[dreg:$0x0] =	wrdreg $0x0  }
0xb7: {  	s6 =	sshll.u32 s28, $0x1;
	[dreg:$0x2] =	wrdreg s4  }
0xb8: {  	[dreg:$0x3] =	wrdreg s6  }
0xb9: {  	[dreg:$0x4] =	wrdreg $0xC0  }
0xba: {  	_ =	task [dreg:s22], $0x5FFFF  }
0xbb: {  	[dreg:$0x1] =	wrdreg $0xFFFFFFFF  }
0xbc: {  	[dreg:$0x0] =	wrdreg $0x60  }
0xbd: {  	[dreg:$0x2] =	wrdreg s24  }
0xbe: {  	[dreg:$0x3] =	wrdreg s18  }
0xbf: {  	[dreg:$0x4] =	wrdreg $0x0  }
0xc0: {  	[dreg:$0x5] =	wrdreg $0x9  }
0xc1: {  	_ =	task.clear_ibuf [dreg:s22], $0x6FFFF;
	_ =	strace $0x90000049  }
0xc2: {  	s29 =	simm.s32 $0x9;
	_ =	strace $0x8000004B  }
0xc3: {  	_ =	swait.ge [sflag:s29], $0x1  }
0xc4: {  	[sflag:s29] =	ssyncadd.s32 $0xFFFFFFFF  }
0xc5: {  	_ =	strace $0x9000004B  }
0xc6: {  	_ =	sfence  }
0xc7: {  	s30 =	sld [smem:$0x0];
	_ =	sdelay $0x2  }
0xc8: {  	s31 =	sshll.u32 s1, $0xD;
	s1 =	sshrl.u32 s1, $0x2  }
0xc9: {  	s4 =	sand.u32 $0x4000, s31;
	s1 =	sadd.s32 s1, s30  }
0xca: {  	s0 =	sor.u32 s4, s0;
	s1 =	sshll.u32 s1, $0x11  }
0xcb: {  	s0 =	sor.u32 s1, s0  }
0xcc: {  	s0 =	sadd.s32 $0x8F2B, s0  }
0xcd: {  	[sflag:s0] =	ssyncadd.remote.s32 $0x1  }
0xce: {  	_ =	sfence.sel $0xFFFF  }
0xcf: {  	[dreg:$0x0] =	wrdreg $0xFFFFFFFF;
	(pc) =	sbr.abs _section_cstart, $3  }
0xd0: {  	[dreg:$0x1] =	wrdreg $0xFFFFFFFF  }
0xd1: {  	_ =	task.clear_ibuf [dreg:s22], $0x2FFFF;
	_ =	strace $0x9FFFFFFF  }
0xd2: {  	(tm) =	ssettm $0x7FFFFFFF  }
0xd3: {  	_ =	shalt  }
tec
execute0_lowered:
.L_overlay_start_1:
0x0: {  	(tag) =	ssettag $0x1  }
0x1: {  	s5 =	rddreg [dreg:$0x0]  }
0x2: {  	s10 =	rddreg [dreg:$0x1]  }
0x3: {  	s1 =	rddreg [dreg:$0x2]  }
0x4: {  	s0 =	rddreg [dreg:$0x3];
	s2 =	simm.s32 $0x0  }
0x5: {  	s3 =	srdreg.scid;
	[smem:$0x7FF] =	sst s2  }
0x6: {  	s11 =	sadd.s32 $0x2200, s5;
	s12 =	sand.u32 $0x1, s3;
	s4 =	sadd.s32 $0x9AE00, s5  }
0x7: {  	s3 =	stileid.u32;
	s5 =	sadd.s32 $0x99E00, s5;
	_ =	strace $0x8000004A  }
0x8: {  	s6 =	ssub.s32 $0x2, s12;
	s8 =	sshll.u32 s12, $0x4;
	s13 =	smul.u32 $0x7680, s3  }
0x9: {  	s29 =	sshll.u32 s3, $0x6;
	s17 =	smul.u32 $0xED00, s12;
	s12 =	sshll.u32 s12, $0x8  }
0xa: {  	s31 =	sshll.u32 s3, $0x4;
	s7 =	sshrl.u32 s6, $0x1;
	s15 =	sor.u32 s3, s8  }
0xb: {  	s14 =	ssub.s32 s6, s7;
	s16 =	sadd.s32 s13, s1;
	s30 =	sshll.u32 s15, $0x4  }
0xc: {  	s6 =	sor.u32 $0x1C03, s29;
	s9 =	ssub.s32 $0x9C4, s15;
	s18 =	sadd.s32 s10, s17  }
0xd: {  	s19 =	sshrl.u32 s13, $0x3;
	s17 =	simm.s32 $0x7700;
	s7 =	sadd.s32 s11, s30  }
0xe: {  	s11 =	sadd.s32 s12, s11;
	s10 =	smax.u32 s14, $0x1;
	s12 =	sor.u32 $0x40, s15  }
0xf: {  	s13 =	sshrl.u32 s16, $0x3;
	s14 =	simm.s32 $0x3;
	s15 =	simm.s32 $0x7780  }
0x10: {  	s16 =	simm.s32 $0x7680;
	s18 =	sadd.s32 s19, s18;
	s11 =	sadd.s32 s31, s11  }
0x11: {  	s19 =	simm.s32 $0x0;
	s8 =	sadd.s32 $0x200, s7;
	s11 =	sadd.s32 $0x400, s11  }
.LBB2_1:
0x12: {  	[spmem:s13], [sflag:s6] =	dma.local [hbm:s5], $0xED0  }
0x13: {  	_ =	swait.ge [sflag:s14], $0xED0  }
0x14: {  	[sflag:s14] =	ssyncset.done $0x0  }
0x15: {  	p2 =	sle.u32 s9, $0x0;
	[sflag:s14] =	ssyncadd.s32 $0xFFFFF130  }
0x16: {  	[tilespmem:s15], [sflag:$0x3] =	stream.linear.gather [hbm4b:s4+s2], $0x800, $0x38;
	[tilespmem:$0x7F80] =	vst v63  }
0x17: {  	s20 =	sand.u32 @!p2 $0x1, s2;
	_ =	swait.ge [sflag:s14], $0x800  }
0x18: {  	p0 =	seq.s32 @!p2 s20, $0x1;
	[sflag:s14] =	ssyncset.done $0x0  }
0x19: {  	p3 =	por !p0, p2;
	[sflag:s14] =	ssyncadd.s32 $0xFFFFF800  }
0x1a: {  	[tilespmem:s16], [sflag:$0x1] =	stream.linear.gather [hbm4b:s7+s2], $0x80, $0x38;
	[tilespmem:$0x7F80] =	vst v63  }
0x1b: {  	s21 =	sadd.s32 @!p2 $0x0, s12;
	s20 =	simm.s32 @!p3 $0x2  }
0x1c: {  	[tilespmem:s17], [sflag:$0x2] =	stream.linear.gather [hbm4b:s8+s2], $0x80, $0x38;
	[tilespmem:$0x7F80] =	vst v63  }
0x1d: {  	p1 =	sgt.u32 @!p3 s21, $0x9C3;
	s22 =	simm.s32 @!p3 $0x7780;
	[bflag:$0x0] =	sbarrier.arrive $0xFFFF  }
0x1e: {  	s23 =	simm.s32 @!p3 $0x80;
	s24 =	simm.s32 @!p3 $0x7700;
	_ =	swait.ge @!p3 [sflag:s20], $0x80  }
0x1f: {  	s25 =	simm.s32 @!p3 $0x3;
	p1 =	por @!p2 p1, !p0;
	[sflag:s20] =	ssyncset.done @!p3 $0x0  }
0x20: {  	p4 =	por p1, p2;
	p1 =	por p0, p2;
	[sflag:s20] =	ssyncadd.s32 @!p3 $0xFFFFFF80  }
0x21: {  	[spmem:s1] =	stream.indirect.scatter.add.f32 @!p3 [tilespmem:s22], [sflag:$0x3], $0x10, s24, s23, $0xb8;
	[tilespmem:$0x7F80] =	vst v63  }
0x22: {  	s20 =	simm.s32 $0x1;
	s22 =	simm.s32 @!p4 $0x7700;
	_ =	swait.ge @!p3 [sflag:s25], $0x800  }
0x23: {  	s23 =	simm.s32 @!p4 $0x0;
	s24 =	simm.s32 @!p1 $0x1;
	[sflag:s25] =	ssyncset.done @!p3 $0x0  }
0x24: {  	[sflag:s25] =	ssyncadd.s32 @!p3 $0xFFFFF800;
	p3 =	sgt.u32 @!p1 s21, $0x9C3;
	s25 =	simm.s32 @!p1 $0x3  }
0x25: {  	[tilespmem:s22], [sflag:$0x2] =	stream.linear.gather @!p4 [hbm4b:s11+s23], $0x80, $0x38;
	[tilespmem:$0x7F80] =	vst v63  }
0x26: {  	s21 =	simm.s32 @!p1 $0x7780;
	s22 =	simm.s32 $0x2;
	_ =	swait.ge @!p1 [sflag:s24], $0x80  }
0x27: {  	s23 =	simm.s32 @!p1 $0x80;
	p3 =	por @!p2 p3, p0;
	[sflag:s24] =	ssyncset.done @!p1 $0x0  }
0x28: {  	p0 =	sle.u32 s9, $0x20;
	[sflag:s24] =	ssyncadd.s32 @!p1 $0xFFFFFF80;
	s24 =	simm.s32 @!p1 $0x7680  }
0x29: {  	[spmem:s1] =	stream.indirect.scatter.add.f32 @!p1 [tilespmem:s21], [sflag:$0x3], $0x10, s24, s23, $0xb8;
	[tilespmem:$0x7F80] =	vst v63  }
0x2a: {  	p4 =	por p3, p2;
	s23 =	simm.s32 $0x20;
	_ =	swait.ge @!p1 [sflag:s25], $0x800  }
0x2b: {  	s21 =	smov.u32 s11;
	s24 =	smov.u32 s11;
	[sflag:s25] =	ssyncset.done @!p1 $0x0  }
.LBB2_2:
0x2c: {  	s26 =	sand.u32 @!p0 $0x1, s20  }
0x2d: {  	s21 =	sadd.s32 $0x200, s21;
	s20 =	smov.u32 s22;
	s22 =	sadd.s32 $0x1, s22  }
0x2e: {  	p2 =	sne.s32 s22, $0x4F;
	p3 =	seq.s32 @!p0 s26, $0x1;
	s26 =	simm.s32 @!p4 $0x7680  }
0x2f: {  	s28 =	sadd.s32 @!p0 s23, s12;
	s29 =	simm.s32 @!p4 $0x0;
	p5 =	por !p3, p0  }
0x30: {  	p6 =	sgt.u32 @!p5 s28, $0x9C3;
	s30 =	simm.s32 @!p5 $0x2;
	[sflag:s25] =	ssyncadd.s32 @!p1 $0xFFFFF800  }
0x31: {  	[tilespmem:s26], [sflag:$0x1] =	stream.linear.gather @!p4 [hbm4b:s24+s29], $0x80, $0x38;
	[tilespmem:$0x7F80] =	vst v63  }
0x32: {  	s24 =	simm.s32 @!p5 $0x7780;
	p1 =	por @!p0 p6, !p3;
	_ =	swait.ge @!p5 [sflag:s30], $0x80  }
0x33: {  	s25 =	simm.s32 @!p5 $0x80;
	s26 =	simm.s32 @!p5 $0x7700;
	[sflag:s30] =	ssyncset.done @!p5 $0x0  }
0x34: {  	s29 =	simm.s32 @!p5 $0x3;
	p4 =	por p1, p0;
	[sflag:s30] =	ssyncadd.s32 @!p5 $0xFFFFFF80  }
0x35: {  	[spmem:s1] =	stream.indirect.scatter.add.f32 @!p5 [tilespmem:s24], [sflag:$0x3], $0x10, s26, s25, $0xb8;
	[tilespmem:$0x7F80] =	vst v63  }
0x36: {  	s24 =	smov.u32 s21;
	_ =	swait.ge @!p5 [sflag:s29], $0x800  }
0x37: {  	p1 =	por p3, p0;
	s25 =	simm.s32 @!p4 $0x7700;
	[sflag:s29] =	ssyncset.done @!p5 $0x0  }
0x38: {  	s26 =	simm.s32 @!p4 $0x0;
	[sflag:s29] =	ssyncadd.s32 @!p5 $0xFFFFF800;
	s29 =	simm.s32 @!p1 $0x1  }
0x39: {  	[tilespmem:s25], [sflag:$0x2] =	stream.linear.gather @!p4 [hbm4b:s21+s26], $0x80, $0x38;
	[tilespmem:$0x7F80] =	vst v63  }
0x3a: {  	p4 =	sgt.u32 @!p1 s28, $0x9C3;
	s25 =	simm.s32 @!p1 $0x3;
	_ =	swait.ge @!p1 [sflag:s29], $0x80  }
.Ltmp0:
0x3b: {  	s26 =	simm.s32 @!p1 $0x7780;
	[sflag:s29] =	ssyncset.done @!p1 $0x0;
	(pc) =	sbr.rel @p2 .LBB2_2-.Ltmp0, $4  }
0x3c: {  	s28 =	simm.s32 @!p1 $0x80;
	[sflag:s29] =	ssyncadd.s32 @!p1 $0xFFFFFF80;
	s29 =	simm.s32 @!p1 $0x7680  }
0x3d: {  	[spmem:s1] =	stream.indirect.scatter.add.f32 @!p1 [tilespmem:s26], [sflag:$0x3], $0x10, s29, s28, $0xb8;
	[tilespmem:$0x7F80] =	vst v63  }
0x3e: {  	s23 =	sadd.s32 $0x20, s23;
	p3 =	por @!p0 p4, p3;
	_ =	swait.ge @!p1 [sflag:s25], $0x800  }
0x3f: {  	p4 =	por p3, p0;
	p0 =	sge.u32 s23, s9;
	[sflag:s25] =	ssyncset.done @!p1 $0x0  }
0x40: {  	s20 =	sand.u32 @!p0 $0x1, s20  }
0x41: {  	s22 =	sadd.s32 @!p0 s23, s12;
	s23 =	simm.s32 @!p4 $0x0;
	p2 =	seq.s32 @!p0 s20, $0x1  }
0x42: {  	[sflag:s25] =	ssyncadd.s32 @!p1 $0xFFFFF800;
	s20 =	simm.s32 @!p4 $0x7680;
	p3 =	por !p2, p0  }
0x43: {  	[tilespmem:s20], [sflag:$0x1] =	stream.linear.gather @!p4 [hbm4b:s24+s23], $0x80, $0x38;
	[tilespmem:$0x7F80] =	vst v63  }
0x44: {  	s26 =	simm.s32 @!p3 $0x2  }
0x45: {  	p1 =	sgt.u32 @!p3 s22, $0x9C3;
	s20 =	simm.s32 @!p3 $0x7780;
	_ =	swait.ge @!p3 [sflag:s26], $0x80  }
0x46: {  	s23 =	simm.s32 @!p3 $0x80;
	s24 =	simm.s32 @!p3 $0x7700;
	[sflag:s26] =	ssyncset.done @!p3 $0x0  }
0x47: {  	s25 =	simm.s32 @!p3 $0x3;
	p1 =	por @!p0 p1, !p2;
	[sflag:s26] =	ssyncadd.s32 @!p3 $0xFFFFFF80  }
0x48: {  	[spmem:s1] =	stream.indirect.scatter.add.f32 @!p3 [tilespmem:s20], [sflag:$0x3], $0x10, s24, s23, $0xb8;
	[tilespmem:$0x7F80] =	vst v63  }
0x49: {  	p4 =	por p1, p0;
	p1 =	por p2, p0;
	_ =	swait.ge @!p3 [sflag:s25], $0x800  }
0x4a: {  	s20 =	sadd.s32 $0x200, s21;
	s21 =	simm.s32 @!p4 $0x7700;
	[sflag:s25] =	ssyncset.done @!p3 $0x0  }
0x4b: {  	s23 =	simm.s32 @!p4 $0x0;
	s24 =	simm.s32 @!p1 $0x1;
	[sflag:s25] =	ssyncadd.s32 @!p3 $0xFFFFF800  }
0x4c: {  	[tilespmem:s21], [sflag:$0x2] =	stream.linear.gather @!p4 [hbm4b:s20+s23], $0x80, $0x38;
	[tilespmem:$0x7F80] =	vst v63  }
0x4d: {  	p3 =	sgt.u32 @!p1 s22, $0x9C3;
	_ =	swait.ge @!p1 [sflag:s24], $0x80  }
0x4e: {  	s22 =	simm.s32 @!p1 $0x7780;
	s21 =	simm.s32 @!p1 $0x3;
	[sflag:s24] =	ssyncset.done @!p1 $0x0  }
0x4f: {  	s23 =	simm.s32 @!p1 $0x80;
	[sflag:s24] =	ssyncadd.s32 @!p1 $0xFFFFFF80;
	s24 =	simm.s32 @!p1 $0x7680  }
0x50: {  	[spmem:s1] =	stream.indirect.scatter.add.f32 @!p1 [tilespmem:s22], [sflag:$0x3], $0x10, s24, s23, $0xb8;
	[tilespmem:$0x7F80] =	vst v63  }
0x51: {  	p2 =	por @!p0 p3, p2;
	_ =	swait.ge @!p1 [sflag:s21], $0x800  }
0x52: {  	s19 =	sadd.s32 $0x1, s19;
	p0 =	por p2, p0;
	[sflag:s21] =	ssyncset.done @!p1 $0x0  }
0x53: {  	s22 =	simm.s32 @!p0 $0x7680;
	s23 =	simm.s32 @!p0 $0x0;
	[sflag:s21] =	ssyncadd.s32 @!p1 $0xFFFFF800  }
0x54: {  	[tilespmem:s22], [sflag:$0x1] =	stream.linear.gather @!p0 [hbm4b:s20+s23], $0x80, $0x38;
	[tilespmem:$0x7F80] =	vst v63  }
0x55: {  	p0 =	sne.s32 s19, s10  }
.Ltmp1:
0x56: {  	[bflag:$0x0] =	sbarrier.arrive $0xFFFF;
	(pc) =	sbr.rel @p0 .LBB2_1-.Ltmp1, $4  }
0x57: {  	[hbm:s18], [sflag:s6] =	dma.local [spmem:s13], $0xED0  }
0x58: {  	_ =	swait.ge [sflag:s14], $0xED0  }
0x59: {  	[sflag:s14] =	ssyncset.done $0x0  }
0x5a: {  	[sflag:s14] =	ssyncadd.s32 $0xFFFFF130  }
0x5b: {  	_ =	sfence.sel $0x180000  }
0x5c: {  	[bflag:$0x0] =	sbarrier.arrive $0xFFFF  }
0x5d: {  	p0 =	sne.s32 s3, $0x0;
	_ =	strace $0x9000004A  }
0x5e: {  	s0 =	sadd.s32 @!p0 $0x100000, s0;
	[bflag:$0x2] =	sbarrier.arrive $0xFFFF  }
0x5f: {  	[sflag:s0] =	ssyncadd.tile.s32 @!p0 $0x1;
	_ =	shalt  }
.Lfunc_end2:
_tile_overlayer_lowered:
.L_overlay_start_2:
0x60: {  	(tag) =	ssettag $0x2  }
0x61: {  	s0 =	rddreg [dreg:$0x0];
	s2 =	stileid.u32  }
0x62: {  	s1 =	rddreg [dreg:$0x1];
	p0 =	sne.s32 s2, $0x0  }
0x63: {  	s3 =	rddreg [dreg:$0x2];
	[bflag:$0x3] =	sbarrier.arrive $0xFFFF;
	s2 =	simm.s32 @!p0 $0x1C03  }
0x64: {  	[timem:s3], [sflag:s2] =	dma.local @!p0 [hbm:s0], s1  }
0x65: {  	s0 =	simm.s32 @!p0 $0x3  }
0x66: {  	_ =	swait.ge @!p0 [sflag:s0], s1  }
0x67: {  	s1 =	ssub.s32 @!p0 $0x0, s1;
	[sflag:s0] =	ssyncset.done @!p0 $0x0  }
0x68: {  	[sflag:s0] =	ssyncadd.s32 @!p0 s1  }
0x69: {  	[bflag:$0x3] =	sbarrier.arrive $0xFFFF  }
0x6a: {  	_ =	shalt  }

</sc_bundles>
